<compile_context>
chip_gen: v7x
topology: tpu7x:2x2x1
jax: 0.10.2.dev20260603
libtpu: 0.0.44.dev20260713+nightly
codegen_flags: <defaults>
</compile_context>

<pallas_src>
import functools

import numpy as np

import jax
import jax.numpy as jnp
from jax import lax
from jax.experimental import pallas as pl
from jax.experimental.pallas import tpu as pltpu
from jax.experimental.pallas import tpu_sc as plsc

NC, NS, L = 2, 16, 16
NW = NC * NS

N_NODES = 10000
N_EDGES = 320000
D_FEAT = 128
D_OUT = 128

EPW = N_EDGES // NW
CH = 80
NCH = EPW // CH
RPS = 624
TAIL = N_NODES - NS * RPS
ZR = 78
NB = 10
BLK = N_NODES // NB

_mesh = plsc.VectorSubcoreMesh(core_axis_name="c", subcore_axis_name="s")
_sc_params = pltpu.CompilerParams(
    needs_layout_passes=False, use_tc_tiling_on_sc=False)


@functools.partial(
    pl.kernel,
    out_type=(
        jax.ShapeDtypeStruct((NB, NW, BLK), jnp.float32),
        jax.ShapeDtypeStruct((NB, NW, BLK), jnp.float32),
    ),
    mesh=_mesh,
    scratch_types=[
        pltpu.VMEM((EPW,), jnp.int32),
        pltpu.VMEM((EPW,), jnp.int32),
        pltpu.VMEM((EPW,), jnp.float32),
        pltpu.VMEM((N_NODES,), jnp.float32),
        pltpu.VMEM((N_NODES,), jnp.float32),
    ],
    compiler_params=pltpu.CompilerParams(
        needs_layout_passes=False, use_tc_tiling_on_sc=False),
)
def _deg_kernel(recv_hbm, send_hbm, w_hbm, histr_hbm, hists_hbm,
                ridx_v, sidx_v, w_v, hr, hs):
    c = lax.axis_index("c")
    s = lax.axis_index("s")
    wid = c * NS + s
    base = wid * EPW
    pltpu.sync_copy(recv_hbm.at[pl.ds(base, EPW)], ridx_v)
    pltpu.sync_copy(send_hbm.at[pl.ds(base, EPW)], sidx_v)
    pltpu.sync_copy(w_hbm.at[pl.ds(base, EPW)], w_v)

    zero = jnp.zeros((L,), jnp.float32)

    @pl.loop(0, N_NODES // L)
    def _zero(i):
        hr[pl.ds(i * L, L)] = zero
        hs[pl.ds(i * L, L)] = zero

    @pl.loop(0, EPW // L)
    def _acc(i):
        sl = pl.ds(i * L, L)
        wv = w_v[sl]
        plsc.addupdate_scatter(hr, [ridx_v[sl]], wv)
        plsc.addupdate_scatter(hs, [sidx_v[sl]], wv)

    for i in range(NB):
        pltpu.sync_copy(hr.at[pl.ds(i * BLK, BLK)], histr_hbm.at[i, wid])
        pltpu.sync_copy(hs.at[pl.ds(i * BLK, BLK)], hists_hbm.at[i, wid])


def _norm_body(hr_ref, hs_ref, x_ref, xs_ref, invr_ref):
    deg_r = jnp.sum(hr_ref[0], axis=0)
    safe_r = jnp.where(deg_r > 0, deg_r, 1.0)
    invr_ref[...] = jnp.where(deg_r > 0, lax.rsqrt(safe_r), 0.0)[None, None, :]
    deg_s = jnp.sum(hs_ref[0], axis=0)
    safe_s = jnp.where(deg_s > 0, deg_s, 1.0)
    inv_s = jnp.where(deg_s > 0, lax.rsqrt(safe_s), 0.0)
    xs_ref[...] = (x_ref[...] * inv_s[:, None]).astype(jnp.bfloat16)


def _k1b(histr, hists, x):
    return pl.pallas_call(
        _norm_body,
        grid=(NB,),
        in_specs=[
            pl.BlockSpec((1, NW, BLK), lambda i: (i, 0, 0)),
            pl.BlockSpec((1, NW, BLK), lambda i: (i, 0, 0)),
            pl.BlockSpec((BLK, D_FEAT), lambda i: (i, 0)),
        ],
        out_specs=(
            pl.BlockSpec((BLK, D_FEAT), lambda i: (i, 0)),
            pl.BlockSpec((1, 1, BLK), lambda i: (i, 0, 0)),
        ),
        out_shape=(
            jax.ShapeDtypeStruct((N_NODES, D_FEAT), jnp.bfloat16),
            jax.ShapeDtypeStruct((NB, 1, BLK), jnp.float32),
        ),
    )(histr, hists, x)


def _buf_set():
    return [
        pltpu.VMEM((CH,), jnp.int32),
        pltpu.VMEM((1, CH), jnp.int32),
        pltpu.VMEM((1, CH), jnp.int32),
        pltpu.VMEM((CH,), jnp.float32),
        pltpu.VMEM((CH, D_FEAT), jnp.bfloat16),
        pltpu.VMEM((CH, D_FEAT), jnp.float32),
        pltpu.SemaphoreType.DMA,
        pltpu.SemaphoreType.DMA,
        pltpu.SemaphoreType.DMA,
    ]


@functools.partial(
    pl.kernel,
    out_type=jax.ShapeDtypeStruct((NC, N_NODES, D_FEAT), jnp.float32),
    mesh=_mesh,
    scratch_types=[
        *_buf_set(), *_buf_set(), *_buf_set(),
        pltpu.VMEM_SHARED((N_NODES, D_FEAT), jnp.float32),
    ],
    compiler_params=_sc_params,
)
def _edge_kernel(xs_hbm, send_hbm, recv_hbm, w_hbm, p_hbm, *bufs):
    S = (bufs[0:9], bufs[9:18], bufs[18:27])
    acc = bufs[27]
    c = lax.axis_index("c")
    s = lax.axis_index("s")
    wid = c * NS + s

    zero = jnp.zeros((L,), jnp.float32)
    rows0 = S[0][5]

    @pl.loop(0, ZR)
    def _zb(i):
        for cc in range(D_FEAT // L):
            rows0[i, pl.ds(cc * L, L)] = zero

    rbase = s * RPS

    @pl.loop(0, RPS // ZR)
    def _za(i):
        pltpu.sync_copy(rows0.at[pl.ds(0, ZR)],
                        acc.at[pl.ds(rbase + i * ZR, ZR)])

    @pl.when(s == 0)
    def _za_tail():
        pltpu.sync_copy(rows0.at[pl.ds(0, TAIL)],
                        acc.at[pl.ds(NS * RPS, TAIL)])

    plsc.subcore_barrier()

    ebase = wid * EPW

    def issue_copies(n, bset):
        sidx, ridx, _, cf = bset[0:4]
        isem = bset[7]
        base = ebase + n * CH
        pltpu.async_copy(send_hbm.at[pl.ds(base, CH)], sidx, isem)
        pltpu.async_copy(recv_hbm.at[pl.ds(base, CH)], ridx.at[0], isem)
        pltpu.async_copy(w_hbm.at[pl.ds(base, CH)], cf, isem)

    def wait_copies(bset):
        sidx, ridx, _, cf = bset[0:4]
        isem = bset[7]
        pltpu.make_async_copy(send_hbm.at[pl.ds(0, CH)], sidx, isem).wait()
        pltpu.make_async_copy(recv_hbm.at[pl.ds(0, CH)], ridx.at[0],
                              isem).wait()
        pltpu.make_async_copy(w_hbm.at[pl.ds(0, CH)], cf, isem).wait()

    def issue_gather(bset):
        sidx, rows_bf, gsem = bset[0], bset[4], bset[6]
        pltpu.async_copy(xs_hbm.at[sidx], rows_bf, gsem)

    def wait_gather(bset):
        sidx, rows_bf, gsem = bset[0], bset[4], bset[6]
        pltpu.make_async_copy(xs_hbm.at[sidx], rows_bf, gsem).wait()

    def scale_and_scatter(bset):
        _, ridx, ridc, cf, rows_bf, rows, _, _, ssem = bset
        wait_gather(bset)

        @plsc.parallel_loop(0, CH, 1, unroll=16)
        def _scale(j):
            wspl = plsc.load_gather(cf, [jnp.zeros((L,), jnp.int32) + j])
            for cc in range(D_FEAT // (2 * L)):
                ab = rows_bf[j, pl.ds(cc * 2 * L, 2 * L)]
                a, b = plsc.unpack(ab, format=plsc.PackFormat.INTERLEAVED)
                rows[j, pl.ds(cc * 2 * L, L)] = a * wspl
                rows[j, pl.ds(cc * 2 * L + L, L)] = b * wspl

        for k in range(CH // L):
            sl = pl.ds(k * L, L)
            ridc[0, sl] = ridx[0, sl]
        pltpu.async_copy(rows, acc.at[ridc.at[0]], ssem, add=True)

    def wait_scatter(bset):
        ridc, rows, ssem = bset[2], bset[5], bset[8]
        pltpu.make_async_copy(rows, acc.at[ridc.at[0]], ssem).wait()

    def process(n, A, B, C):
        @pl.when(n + 1 < NCH)
        def _nxt():
            wait_copies(B)

        wait_scatter(B)

        @pl.when(n + 1 < NCH)
        def _nxt2():
            issue_gather(B)

        @pl.when(n + 2 < NCH)
        def _pre():
            issue_copies(n + 2, C)

        scale_and_scatter(A)

    issue_copies(0, S[0])
    wait_copies(S[0])
    issue_gather(S[0])
    issue_copies(1, S[1])
    wait_copies(S[1])
    issue_gather(S[1])
    issue_copies(2, S[2])
    scale_and_scatter(S[0])
    wait_copies(S[2])
    issue_gather(S[2])
    issue_copies(3, S[0])
    scale_and_scatter(S[1])

    @pl.loop(0, (NCH - 2) // 3)
    def _triple(j):
        n = j * 3 + 2
        process(n, S[2], S[0], S[1])
        process(n + 1, S[0], S[1], S[2])
        process(n + 2, S[1], S[2], S[0])

    wait_scatter(S[0])
    wait_scatter(S[1])

    plsc.subcore_barrier()
    pltpu.sync_copy(acc.at[pl.ds(rbase, RPS)], p_hbm.at[c, pl.ds(rbase, RPS)])

    @pl.when(s == 0)
    def _out_tail():
        pltpu.sync_copy(acc.at[pl.ds(NS * RPS, TAIL)],
                        p_hbm.at[c, pl.ds(NS * RPS, TAIL)])


def _mm_body(p_ref, iv_ref, w_ref, b_ref, o_ref):
    iv = iv_ref[0, 0]
    pooled = (p_ref[0] + p_ref[1]) * iv[:, None]
    o_ref[...] = (
        jnp.dot(pooled, w_ref[...], preferred_element_type=jnp.float32)
        + b_ref[...]
    )


def _k4(P, invr3, W, b2):
    return pl.pallas_call(
        _mm_body,
        grid=(NB,),
        in_specs=[
            pl.BlockSpec((NC, BLK, D_FEAT), lambda i: (0, i, 0)),
            pl.BlockSpec((1, 1, BLK), lambda i: (i, 0, 0)),
            pl.BlockSpec((D_FEAT, D_OUT), lambda i: (0, 0)),
            pl.BlockSpec((1, D_OUT), lambda i: (0, 0)),
        ],
        out_specs=pl.BlockSpec((BLK, D_OUT), lambda i: (i, 0)),
        out_shape=jax.ShapeDtypeStruct((N_NODES, D_OUT), jnp.float32),
    )(P, invr3, W, b2)


_PERM = np.asarray(
    [v for c in range(D_FEAT // 32)
     for v in ([c * 32 + 2 * i for i in range(16)]
               + [c * 32 + 2 * i + 1 for i in range(16)])],
    dtype=np.int32)


def kernel(x, edge_index, edge_weights, W, b):
    recv = edge_index[0]
    send = edge_index[1]
    histr, hists = _deg_kernel(recv, send, edge_weights)
    xs, invr3 = _k1b(histr, hists, x)
    P = _edge_kernel(xs, send, recv, edge_weights)
    out = _k4(P, invr3, W[_PERM, :], b.reshape(1, D_OUT))
    return out

# --- scband reference (transcript-rebuilt; emitter-appended) ---
"""Pipeline reference for scband-gcnlayer-24223615549679 (READ-ONLY COPY).

The authoritative reference and input builder live on the scoring server;
editing this copy changes nothing except your own understanding.
"""

import jax, jax.numpy as jnp
import numpy as np

N_NODES = 10000
N_EDGES = 320000
D_FEAT = 128
D_OUT = 128


def setup_inputs(seed: int = 0) -> dict:
    key = jax.random.key(seed)
    k1, k2, k3, k4 = jax.random.split(key, 4)
    x = jax.random.normal(k1, (N_NODES, D_FEAT), dtype=jnp.float32)
    edge_index = jax.random.randint(k2, (2, N_EDGES), 0, N_NODES, dtype=jnp.int32)
    edge_weights = jax.random.uniform(k3, (N_EDGES,), dtype=jnp.float32)
    # GCN dense kernel (last layer of depth=2 stack: units=output_size=128, activation=None)
    W = jax.random.normal(k4, (D_FEAT, D_OUT), dtype=jnp.float32) / np.sqrt(D_FEAT)
    b = jnp.zeros((D_OUT,), dtype=jnp.float32)
    return {"x": x, "edge_index": edge_index, "edge_weights": edge_weights, "W": W, "b": b}


def reference(x, edge_index, edge_weights, W, b):
    # GCNHomGraphUpdate(units=128, receiver_tag=SOURCE,
    #                   edge_weight_feature_name='weights',
    #                   degree_normalization='in_out', activation=None)
    # receiver_tag=SOURCE: messages flow from target (sender) to source (receiver).
    receiver = edge_index[0]
    sender = edge_index[1]

    # Weighted degrees for 'in_out' symmetric normalization.
    deg_r = jax.ops.segment_sum(edge_weights, receiver, num_segments=N_NODES)
    deg_s = jax.ops.segment_sum(edge_weights, sender, num_segments=N_NODES)
    deg_r_safe = jnp.where(deg_r > 0, deg_r, 1.0)
    deg_s_safe = jnp.where(deg_s > 0, deg_s, 1.0)
    inv_sqrt_r = jnp.where(deg_r > 0, jax.lax.rsqrt(deg_r_safe), 0.0)
    inv_sqrt_s = jnp.where(deg_s > 0, jax.lax.rsqrt(deg_s_safe), 0.0)

    # Per-edge coefficient: w_e * deg_recv^{-1/2} * deg_send^{-1/2}
    coef = edge_weights * jnp.take(inv_sqrt_r, receiver) * jnp.take(inv_sqrt_s, sender)

    # Gather sender node states, scale, scatter-add (sum pool) to receivers.
    msg = jnp.take(x, sender, axis=0) * coef[:, None]
    pooled = jax.ops.segment_sum(msg, receiver, num_segments=N_NODES)

    # Dense transform; last layer (layer_number == depth-1) has no activation, no dropout.
    out = pooled @ W + b
    return out

if __name__ == "__main__":
    import jax
    _d = setup_inputs()
    print(jax.jit(kernel)(*tuple(_d.values())))

</pallas_src>

<mosaic_0001>
#map = affine_map<(d0, d1) -> (0, 0)>
#map1 = affine_map<(d0, d1) -> (0)>
#map2 = affine_map<(d0, d1) -> (0, 0, 0)>
module attributes {stable_mosaic.version = 14 : i64} {
  func.func @_edge_kernel(%arg0: i32, %arg1: i32, %arg2: memref<10000x128xbf16, #tpu.memory_space<hbm>>, %arg3: memref<320000xi32, #tpu.memory_space<hbm>>, %arg4: memref<320000xi32, #tpu.memory_space<hbm>>, %arg5: memref<320000xf32, #tpu.memory_space<hbm>>, %arg6: memref<2x10000x128xf32, #tpu.memory_space<hbm>>, %arg7: memref<80xi32, #tpu.memory_space<vmem>>, %arg8: memref<1x80xi32, #tpu.memory_space<vmem>>, %arg9: memref<1x80xi32, #tpu.memory_space<vmem>>, %arg10: memref<80xf32, #tpu.memory_space<vmem>>, %arg11: memref<80x128xbf16, #tpu.memory_space<vmem>>, %arg12: memref<80x128xf32, #tpu.memory_space<vmem>>, %arg13: memref<!tpu.dma_semaphore, #tpu.memory_space<semaphore_mem>>, %arg14: memref<!tpu.dma_semaphore, #tpu.memory_space<semaphore_mem>>, %arg15: memref<!tpu.dma_semaphore, #tpu.memory_space<semaphore_mem>>, %arg16: memref<80xi32, #tpu.memory_space<vmem>>, %arg17: memref<1x80xi32, #tpu.memory_space<vmem>>, %arg18: memref<1x80xi32, #tpu.memory_space<vmem>>, %arg19: memref<80xf32, #tpu.memory_space<vmem>>, %arg20: memref<80x128xbf16, #tpu.memory_space<vmem>>, %arg21: memref<80x128xf32, #tpu.memory_space<vmem>>, %arg22: memref<!tpu.dma_semaphore, #tpu.memory_space<semaphore_mem>>, %arg23: memref<!tpu.dma_semaphore, #tpu.memory_space<semaphore_mem>>, %arg24: memref<!tpu.dma_semaphore, #tpu.memory_space<semaphore_mem>>, %arg25: memref<80xi32, #tpu.memory_space<vmem>>, %arg26: memref<1x80xi32, #tpu.memory_space<vmem>>, %arg27: memref<1x80xi32, #tpu.memory_space<vmem>>, %arg28: memref<80xf32, #tpu.memory_space<vmem>>, %arg29: memref<80x128xbf16, #tpu.memory_space<vmem>>, %arg30: memref<80x128xf32, #tpu.memory_space<vmem>>, %arg31: memref<!tpu.dma_semaphore, #tpu.memory_space<semaphore_mem>>, %arg32: memref<!tpu.dma_semaphore, #tpu.memory_space<semaphore_mem>>, %arg33: memref<!tpu.dma_semaphore, #tpu.memory_space<semaphore_mem>>, %arg34: memref<10000x128xf32, #tpu.memory_space<vmem_shared>>) attributes {dimension_semantics = [#tpu.dimension_semantics<core_parallel>, #tpu.dimension_semantics<subcore_parallel>], iteration_bounds = array<i64: 2, 16>, scalar_prefetch = 0 : i64, scratch_operands = 28 : i64, tpu.core_type = #tpu.core_type<sc_vector_subcore>, window_params = [{transform_indices = #map}, {transform_indices = #map1}, {transform_indices = #map1}, {transform_indices = #map1}, {transform_indices = #map2}]} {
    %mul3A = arith.constant 16 : i32
    %mul3A_0 = arith.muli %arg0, %mul3A : i32
    %add3A = arith.addi %mul3A_0, %arg1 : i32
    %broadcast_in_dim3A = arith.constant 0.000000e+00 : f32
    %broadcast_in_dim3A_1 = vector.broadcast %broadcast_in_dim3A : f32 to vector<16xf32>
    %scan3A = arith.constant 0 : i32
    %scan3A_2 = arith.constant 78 : i32
    %scan3A_3 = arith.addi %scan3A, %scan3A_2 : i32
    %scan3A_4 = arith.constant 1 : i32
    scf.for %scan3A_269 = %scan3A to %scan3A_3 step %scan3A_4  : i32 {
      %mul3A_270 = arith.constant 1 : i32
      %mul3A_271 = arith.muli %scan3A_269, %mul3A_270 : i32
      %add3A_272 = arith.constant 0 : i32
      %add3A_273 = arith.addi %add3A_272, %mul3A_271 : i32
      %swap3A_274 = arith.index_cast %add3A_273 : i32 to index
      %swap3A_275 = arith.constant 0 : index
      %swap3A_276 = tpu.vector_load %arg12[%swap3A_274, %swap3A_275] {strides = array<i32>} : memref<80x128xf32, #tpu.memory_space<vmem>>, vector<16xf32>,
      tpu.vector_store %arg12[%swap3A_274, %swap3A_275], %broadcast_in_dim3A_1 {strides = array<i32>} : memref<80x128xf32, #tpu.memory_space<vmem>>, vector<16xf32>,
      %swap3A_277 = arith.index_cast %add3A_273 : i32 to index
      %swap3A_278 = arith.constant 16 : index
      %swap3A_279 = tpu.vector_load %arg12[%swap3A_277, %swap3A_278] {strides = array<i32>} : memref<80x128xf32, #tpu.memory_space<vmem>>, vector<16xf32>,
      tpu.vector_store %arg12[%swap3A_277, %swap3A_278], %broadcast_in_dim3A_1 {strides = array<i32>} : memref<80x128xf32, #tpu.memory_space<vmem>>, vector<16xf32>,
      %swap3A_280 = arith.index_cast %add3A_273 : i32 to index
      %swap3A_281 = arith.constant 32 : index
      %swap3A_282 = tpu.vector_load %arg12[%swap3A_280, %swap3A_281] {strides = array<i32>} : memref<80x128xf32, #tpu.memory_space<vmem>>, vector<16xf32>,
      tpu.vector_store %arg12[%swap3A_280, %swap3A_281], %broadcast_in_dim3A_1 {strides = array<i32>} : memref<80x128xf32, #tpu.memory_space<vmem>>, vector<16xf32>,
      %swap3A_283 = arith.index_cast %add3A_273 : i32 to index
      %swap3A_284 = arith.constant 48 : index
      %swap3A_285 = tpu.vector_load %arg12[%swap3A_283, %swap3A_284] {strides = array<i32>} : memref<80x128xf32, #tpu.memory_space<vmem>>, vector<16xf32>,
      tpu.vector_store %arg12[%swap3A_283, %swap3A_284], %broadcast_in_dim3A_1 {strides = array<i32>} : memref<80x128xf32, #tpu.memory_space<vmem>>, vector<16xf32>,
      %swap3A_286 = arith.index_cast %add3A_273 : i32 to index
      %swap3A_287 = arith.constant 64 : index
      %swap3A_288 = tpu.vector_load %arg12[%swap3A_286, %swap3A_287] {strides = array<i32>} : memref<80x128xf32, #tpu.memory_space<vmem>>, vector<16xf32>,
      tpu.vector_store %arg12[%swap3A_286, %swap3A_287], %broadcast_in_dim3A_1 {strides = array<i32>} : memref<80x128xf32, #tpu.memory_space<vmem>>, vector<16xf32>,
      %swap3A_289 = arith.index_cast %add3A_273 : i32 to index
      %swap3A_290 = arith.constant 80 : index
      %swap3A_291 = tpu.vector_load %arg12[%swap3A_289, %swap3A_290] {strides = array<i32>} : memref<80x128xf32, #tpu.memory_space<vmem>>, vector<16xf32>,
      tpu.vector_store %arg12[%swap3A_289, %swap3A_290], %broadcast_in_dim3A_1 {strides = array<i32>} : memref<80x128xf32, #tpu.memory_space<vmem>>, vector<16xf32>,
      %swap3A_292 = arith.index_cast %add3A_273 : i32 to index
      %swap3A_293 = arith.constant 96 : index
      %swap3A_294 = tpu.vector_load %arg12[%swap3A_292, %swap3A_293] {strides = array<i32>} : memref<80x128xf32, #tpu.memory_space<vmem>>, vector<16xf32>,
      tpu.vector_store %arg12[%swap3A_292, %swap3A_293], %broadcast_in_dim3A_1 {strides = array<i32>} : memref<80x128xf32, #tpu.memory_space<vmem>>, vector<16xf32>,
      %swap3A_295 = arith.index_cast %add3A_273 : i32 to index
      %swap3A_296 = arith.constant 112 : index
      %swap3A_297 = tpu.vector_load %arg12[%swap3A_295, %swap3A_296] {strides = array<i32>} : memref<80x128xf32, #tpu.memory_space<vmem>>, vector<16xf32>,
      tpu.vector_store %arg12[%swap3A_295, %swap3A_296], %broadcast_in_dim3A_1 {strides = array<i32>} : memref<80x128xf32, #tpu.memory_space<vmem>>, vector<16xf32>,
    }
    %scan3A_5 = arith.constant 78 : i32
    %mul3A_6 = arith.constant 624 : i32
    %mul3A_7 = arith.muli %arg1, %mul3A_6 : i32
    %scan3A_8 = arith.constant 0 : i32
    %scan3A_9 = arith.constant 8 : i32
    %scan3A_10 = arith.addi %scan3A_8, %scan3A_9 : i32
    %scan3A_11 = arith.constant 1 : i32
    scf.for %scan3A_269 = %scan3A_8 to %scan3A_10 step %scan3A_11  : i32 {
      %mul3A_270 = arith.constant 1 : i32
      %mul3A_271 = arith.muli %scan3A_269, %mul3A_270 : i32
      %add3A_272 = arith.constant 0 : i32
      %add3A_273 = arith.addi %add3A_272, %mul3A_271 : i32
      %mul3A_274 = arith.constant 78 : i32
      %mul3A_275 = arith.muli %add3A_273, %mul3A_274 : i32
      %add3A_276 = arith.addi %mul3A_7, %mul3A_275 : i32
      "tpu.region"() ({
        %run_scoped3A = tpu.sem_alloc : memref<!tpu.dma_semaphore, #tpu.memory_space<semaphore_mem>>
        %dma_start3A_277 = arith.constant 0 : i32
        %dma_start3A_278 = arith.constant 0 : i32
        %dma_start3A_279 = tpu.memref_slice %arg12[%dma_start3A_277, %dma_start3A_278] : memref<80x128xf32, #tpu.memory_space<vmem>> -> memref<78x128xf32, #tpu.memory_space<vmem>>
        %dma_start3A_280 = arith.constant 0 : i32
        %dma_start3A_281 = tpu.memref_slice %arg34[%add3A_276, %dma_start3A_280] : memref<10000x128xf32, #tpu.memory_space<vmem_shared>> -> memref<78x128xf32, #tpu.memory_space<vmem_shared>>
        %dma_start3A_282 = arith.constant 0 : i32
        %dma_start3A_283 = tpu.memref_slice %arg34[%add3A_276, %dma_start3A_282] : memref<10000x128xf32, #tpu.memory_space<vmem_shared>> -> memref<78x128xf32, #tpu.memory_space<vmem_shared>>
        %dma_start3A_284 = arith.constant 0 : i32
        %dma_start3A_285 = arith.constant 0 : i32
        %dma_start3A_286 = tpu.memref_slice %arg12[%dma_start3A_284, %dma_start3A_285] : memref<80x128xf32, #tpu.memory_space<vmem>> -> memref<78x128xf32, #tpu.memory_space<vmem>>
        tpu.enqueue_dma source(%dma_start3A_286 : memref<78x128xf32, #tpu.memory_space<vmem>>) target(%dma_start3A_283 : memref<78x128xf32, #tpu.memory_space<vmem_shared>>) target_semaphore(%run_scoped3A : memref<!tpu.dma_semaphore, #tpu.memory_space<semaphore_mem>>)
        %dma_wait3A_287 = arith.constant 0 : i32
        %dma_wait3A_288 = arith.constant 0 : i32
        %dma_wait3A_289 = tpu.memref_slice %arg12[%dma_wait3A_287, %dma_wait3A_288] : memref<80x128xf32, #tpu.memory_space<vmem>> -> memref<78x128xf32, #tpu.memory_space<vmem>>
        %dma_wait3A_290 = arith.constant 0 : i32
        %dma_wait3A_291 = tpu.memref_slice %arg34[%add3A_276, %dma_wait3A_290] : memref<10000x128xf32, #tpu.memory_space<vmem_shared>> -> memref<78x128xf32, #tpu.memory_space<vmem_shared>>
        %dma_wait3A_292 = arith.constant 0 : i32
        %dma_wait3A_293 = tpu.memref_slice %arg34[%add3A_276, %dma_wait3A_292] : memref<10000x128xf32, #tpu.memory_space<vmem_shared>> -> memref<78x128xf32, #tpu.memory_space<vmem_shared>>
        %dma_wait3A_294 = arith.constant 0 : i32
        %dma_wait3A_295 = arith.constant 0 : i32
        %dma_wait3A_296 = tpu.memref_slice %arg12[%dma_wait3A_294, %dma_wait3A_295] : memref<80x128xf32, #tpu.memory_space<vmem>> -> memref<78x128xf32, #tpu.memory_space<vmem>>
        tpu.wait_dma2 semaphore(%run_scoped3A : memref<!tpu.dma_semaphore, #tpu.memory_space<semaphore_mem>>) src(%dma_wait3A_296 : memref<78x128xf32, #tpu.memory_space<vmem>>) dst(%dma_wait3A_293 : memref<78x128xf32, #tpu.memory_space<vmem_shared>>)
        tpu.yield
      }) : () -> ()
    }
    %scan3A_12 = arith.constant 8 : i32
    %eq3A = arith.constant 0 : i32
    %eq3A_13 = arith.cmpi eq, %arg1, %eq3A : i32
    %convert_element_type3A = arith.extui %eq3A_13 : i1 to i32
    %cond3A = arith.constant 0 : i32
    %cond3A_14 = arith.cmpi ne, %convert_element_type3A, %cond3A : i32
    scf.if %cond3A_14 {
      "tpu.region"() ({
        %run_scoped3A = tpu.sem_alloc : memref<!tpu.dma_semaphore, #tpu.memory_space<semaphore_mem>>
        %dma_start3A_269 = arith.constant 0 : i32
        %dma_start3A_270 = arith.constant 0 : i32
        %dma_start3A_271 = tpu.memref_slice %arg12[%dma_start3A_269, %dma_start3A_270] : memref<80x128xf32, #tpu.memory_space<vmem>> -> memref<16x128xf32, #tpu.memory_space<vmem>>
        %dma_start3A_272 = arith.constant 9984 : i32
        %dma_start3A_273 = arith.constant 0 : i32
        %dma_start3A_274 = tpu.memref_slice %arg34[%dma_start3A_272, %dma_start3A_273] : memref<10000x128xf32, #tpu.memory_space<vmem_shared>> -> memref<16x128xf32, #tpu.memory_space<vmem_shared>>
        %dma_start3A_275 = arith.constant 9984 : i32
        %dma_start3A_276 = arith.constant 0 : i32
        %dma_start3A_277 = tpu.memref_slice %arg34[%dma_start3A_275, %dma_start3A_276] : memref<10000x128xf32, #tpu.memory_space<vmem_shared>> -> memref<16x128xf32, #tpu.memory_space<vmem_shared>>
        %dma_start3A_278 = arith.constant 0 : i32
        %dma_start3A_279 = arith.constant 0 : i32
        %dma_start3A_280 = tpu.memref_slice %arg12[%dma_start3A_278, %dma_start3A_279] : memref<80x128xf32, #tpu.memory_space<vmem>> -> memref<16x128xf32, #tpu.memory_space<vmem>>
        tpu.enqueue_dma source(%dma_start3A_280 : memref<16x128xf32, #tpu.memory_space<vmem>>) target(%dma_start3A_277 : memref<16x128xf32, #tpu.memory_space<vmem_shared>>) target_semaphore(%run_scoped3A : memref<!tpu.dma_semaphore, #tpu.memory_space<semaphore_mem>>)
        %dma_wait3A_281 = arith.constant 0 : i32
        %dma_wait3A_282 = arith.constant 0 : i32
        %dma_wait3A_283 = tpu.memref_slice %arg12[%dma_wait3A_281, %dma_wait3A_282] : memref<80x128xf32, #tpu.memory_space<vmem>> -> memref<16x128xf32, #tpu.memory_space<vmem>>
        %dma_wait3A_284 = arith.constant 9984 : i32
        %dma_wait3A_285 = arith.constant 0 : i32
        %dma_wait3A_286 = tpu.memref_slice %arg34[%dma_wait3A_284, %dma_wait3A_285] : memref<10000x128xf32, #tpu.memory_space<vmem_shared>> -> memref<16x128xf32, #tpu.memory_space<vmem_shared>>
        %dma_wait3A_287 = arith.constant 9984 : i32
        %dma_wait3A_288 = arith.constant 0 : i32
        %dma_wait3A_289 = tpu.memref_slice %arg34[%dma_wait3A_287, %dma_wait3A_288] : memref<10000x128xf32, #tpu.memory_space<vmem_shared>> -> memref<16x128xf32, #tpu.memory_space<vmem_shared>>
        %dma_wait3A_290 = arith.constant 0 : i32
        %dma_wait3A_291 = arith.constant 0 : i32
        %dma_wait3A_292 = tpu.memref_slice %arg12[%dma_wait3A_290, %dma_wait3A_291] : memref<80x128xf32, #tpu.memory_space<vmem>> -> memref<16x128xf32, #tpu.memory_space<vmem>>
        tpu.wait_dma2 semaphore(%run_scoped3A : memref<!tpu.dma_semaphore, #tpu.memory_space<semaphore_mem>>) src(%dma_wait3A_292 : memref<16x128xf32, #tpu.memory_space<vmem>>) dst(%dma_wait3A_289 : memref<16x128xf32, #tpu.memory_space<vmem_shared>>)
        tpu.yield
      }) : () -> ()
    } else {
    }
    %barrier3A = arith.constant 0 : index
    tpu.barrier barrier_id(%barrier3A)
    %mul3A_15 = arith.constant 10000 : i32
    %mul3A_16 = arith.muli %add3A, %mul3A_15 : i32
    %add3A_17 = arith.constant 0 : i32
    %add3A_18 = arith.addi %mul3A_16, %add3A_17 : i32
    %dma_start3A = tpu.memref_slice %arg3[%add3A_18] : memref<320000xi32, #tpu.memory_space<hbm>> -> memref<80xi32, #tpu.memory_space<hbm>>
    %dma_start3A_19 = tpu.memref_slice %arg3[%add3A_18] : memref<320000xi32, #tpu.memory_space<hbm>> -> memref<80xi32, #tpu.memory_space<hbm>>
    tpu.enqueue_dma source(%dma_start3A_19 : memref<80xi32, #tpu.memory_space<hbm>>) target(%arg7 : memref<80xi32, #tpu.memory_space<vmem>>) target_semaphore(%arg14 : memref<!tpu.dma_semaphore, #tpu.memory_space<semaphore_mem>>)
    %dma_start3A_20 = arith.constant 0 : i32
    %dma_start3A_21 = arith.constant 0 : i32
    %dma_start3A_22 = tpu.memref_slice %arg8[%dma_start3A_20, %dma_start3A_21] : memref<1x80xi32, #tpu.memory_space<vmem>> -> memref<1x80xi32, #tpu.memory_space<vmem>>
    %dma_start3A_23 = tpu.memref_squeeze %dma_start3A_22 : memref<1x80xi32, #tpu.memory_space<vmem>> -> memref<80xi32, #tpu.memory_space<vmem>>
    %dma_start3A_24 = tpu.memref_slice %arg4[%add3A_18] : memref<320000xi32, #tpu.memory_space<hbm>> -> memref<80xi32, #tpu.memory_space<hbm>>
    %dma_start3A_25 = arith.constant 0 : i32
    %dma_start3A_26 = tpu.memref_slice %arg8[%dma_start3A_20, %dma_start3A_25] : memref<1x80xi32, #tpu.memory_space<vmem>> -> memref<1x80xi32, #tpu.memory_space<vmem>>
    %dma_start3A_27 = tpu.memref_squeeze %dma_start3A_26 : memref<1x80xi32, #tpu.memory_space<vmem>> -> memref<80xi32, #tpu.memory_space<vmem>>
    %dma_start3A_28 = tpu.memref_slice %arg4[%add3A_18] : memref<320000xi32, #tpu.memory_space<hbm>> -> memref<80xi32, #tpu.memory_space<hbm>>
    tpu.enqueue_dma source(%dma_start3A_28 : memref<80xi32, #tpu.memory_space<hbm>>) target(%dma_start3A_27 : memref<80xi32, #tpu.memory_space<vmem>>) target_semaphore(%arg14 : memref<!tpu.dma_semaphore, #tpu.memory_space<semaphore_mem>>)
    %dma_start3A_29 = tpu.memref_slice %arg5[%add3A_18] : memref<320000xf32, #tpu.memory_space<hbm>> -> memref<80xf32, #tpu.memory_space<hbm>>
    %dma_start3A_30 = tpu.memref_slice %arg5[%add3A_18] : memref<320000xf32, #tpu.memory_space<hbm>> -> memref<80xf32, #tpu.memory_space<hbm>>
    tpu.enqueue_dma source(%dma_start3A_30 : memref<80xf32, #tpu.memory_space<hbm>>) target(%arg10 : memref<80xf32, #tpu.memory_space<vmem>>) target_semaphore(%arg14 : memref<!tpu.dma_semaphore, #tpu.memory_space<semaphore_mem>>)
    %dma_wait3A = arith.constant 0 : i32
    %dma_wait3A_31 = tpu.memref_slice %arg3[%dma_wait3A] : memref<320000xi32, #tpu.memory_space<hbm>> -> memref<80xi32, #tpu.memory_space<hbm>>
    %dma_wait3A_32 = arith.constant 0 : i32
    %dma_wait3A_33 = tpu.memref_slice %arg3[%dma_wait3A_32] : memref<320000xi32, #tpu.memory_space<hbm>> -> memref<80xi32, #tpu.memory_space<hbm>>
    tpu.wait_dma2 semaphore(%arg14 : memref<!tpu.dma_semaphore, #tpu.memory_space<semaphore_mem>>) src(%dma_wait3A_33 : memref<80xi32, #tpu.memory_space<hbm>>) dst(%arg7 : memref<80xi32, #tpu.memory_space<vmem>>)
    %dma_wait3A_34 = arith.constant 0 : i32
    %dma_wait3A_35 = arith.constant 0 : i32
    %dma_wait3A_36 = tpu.memref_slice %arg8[%dma_wait3A_34, %dma_wait3A_35] : memref<1x80xi32, #tpu.memory_space<vmem>> -> memref<1x80xi32, #tpu.memory_space<vmem>>
    %dma_wait3A_37 = tpu.memref_squeeze %dma_wait3A_36 : memref<1x80xi32, #tpu.memory_space<vmem>> -> memref<80xi32, #tpu.memory_space<vmem>>
    %dma_wait3A_38 = arith.constant 0 : i32
    %dma_wait3A_39 = tpu.memref_slice %arg4[%dma_wait3A_38] : memref<320000xi32, #tpu.memory_space<hbm>> -> memref<80xi32, #tpu.memory_space<hbm>>
    %dma_wait3A_40 = arith.constant 0 : i32
    %dma_wait3A_41 = tpu.memref_slice %arg8[%dma_wait3A_34, %dma_wait3A_40] : memref<1x80xi32, #tpu.memory_space<vmem>> -> memref<1x80xi32, #tpu.memory_space<vmem>>
    %dma_wait3A_42 = tpu.memref_squeeze %dma_wait3A_41 : memref<1x80xi32, #tpu.memory_space<vmem>> -> memref<80xi32, #tpu.memory_space<vmem>>
    %dma_wait3A_43 = arith.constant 0 : i32
    %dma_wait3A_44 = tpu.memref_slice %arg4[%dma_wait3A_43] : memref<320000xi32, #tpu.memory_space<hbm>> -> memref<80xi32, #tpu.memory_space<hbm>>
    tpu.wait_dma2 semaphore(%arg14 : memref<!tpu.dma_semaphore, #tpu.memory_space<semaphore_mem>>) src(%dma_wait3A_44 : memref<80xi32, #tpu.memory_space<hbm>>) dst(%dma_wait3A_42 : memref<80xi32, #tpu.memory_space<vmem>>)
    %dma_wait3A_45 = arith.constant 0 : i32
    %dma_wait3A_46 = tpu.memref_slice %arg5[%dma_wait3A_45] : memref<320000xf32, #tpu.memory_space<hbm>> -> memref<80xf32, #tpu.memory_space<hbm>>
    %dma_wait3A_47 = arith.constant 0 : i32
    %dma_wait3A_48 = tpu.memref_slice %arg5[%dma_wait3A_47] : memref<320000xf32, #tpu.memory_space<hbm>> -> memref<80xf32, #tpu.memory_space<hbm>>
    tpu.wait_dma2 semaphore(%arg14 : memref<!tpu.dma_semaphore, #tpu.memory_space<semaphore_mem>>) src(%dma_wait3A_48 : memref<80xf32, #tpu.memory_space<hbm>>) dst(%arg10 : memref<80xf32, #tpu.memory_space<vmem>>)
    %dma_start3A_49 = arith.constant 0 : i32
    %dma_start3A_50 = arith.constant 0 : i32
    %dma_start3A_51 = tpu.memref_slice %arg2[%dma_start3A_49, %dma_start3A_50] : memref<10000x128xbf16, #tpu.memory_space<hbm>> -> memref<10000x128xbf16, #tpu.memory_space<hbm>>
    tpu.enqueue_indirect_dma source(%dma_start3A_51 : memref<10000x128xbf16, #tpu.memory_space<hbm>>) target(%arg11 : memref<80x128xbf16, #tpu.memory_space<vmem>>) offsets(%arg7 : memref<80xi32, #tpu.memory_space<vmem>>) semaphore(%arg13 : memref<!tpu.dma_semaphore, #tpu.memory_space<semaphore_mem>>)
    %add3A_52 = arith.constant 80 : i32
    %add3A_53 = arith.addi %mul3A_16, %add3A_52 : i32
    %dma_start3A_54 = tpu.memref_slice %arg3[%add3A_53] : memref<320000xi32, #tpu.memory_space<hbm>> -> memref<80xi32, #tpu.memory_space<hbm>>
    %dma_start3A_55 = tpu.memref_slice %arg3[%add3A_53] : memref<320000xi32, #tpu.memory_space<hbm>> -> memref<80xi32, #tpu.memory_space<hbm>>
    tpu.enqueue_dma source(%dma_start3A_55 : memref<80xi32, #tpu.memory_space<hbm>>) target(%arg16 : memref<80xi32, #tpu.memory_space<vmem>>) target_semaphore(%arg23 : memref<!tpu.dma_semaphore, #tpu.memory_space<semaphore_mem>>)
    %dma_start3A_56 = arith.constant 0 : i32
    %dma_start3A_57 = arith.constant 0 : i32
    %dma_start3A_58 = tpu.memref_slice %arg17[%dma_start3A_56, %dma_start3A_57] : memref<1x80xi32, #tpu.memory_space<vmem>> -> memref<1x80xi32, #tpu.memory_space<vmem>>
    %dma_start3A_59 = tpu.memref_squeeze %dma_start3A_58 : memref<1x80xi32, #tpu.memory_space<vmem>> -> memref<80xi32, #tpu.memory_space<vmem>>
    %dma_start3A_60 = tpu.memref_slice %arg4[%add3A_53] : memref<320000xi32, #tpu.memory_space<hbm>> -> memref<80xi32, #tpu.memory_space<hbm>>
    %dma_start3A_61 = arith.constant 0 : i32
    %dma_start3A_62 = tpu.memref_slice %arg17[%dma_start3A_56, %dma_start3A_61] : memref<1x80xi32, #tpu.memory_space<vmem>> -> memref<1x80xi32, #tpu.memory_space<vmem>>
    %dma_start3A_63 = tpu.memref_squeeze %dma_start3A_62 : memref<1x80xi32, #tpu.memory_space<vmem>> -> memref<80xi32, #tpu.memory_space<vmem>>
    %dma_start3A_64 = tpu.memref_slice %arg4[%add3A_53] : memref<320000xi32, #tpu.memory_space<hbm>> -> memref<80xi32, #tpu.memory_space<hbm>>
    tpu.enqueue_dma source(%dma_start3A_64 : memref<80xi32, #tpu.memory_space<hbm>>) target(%dma_start3A_63 : memref<80xi32, #tpu.memory_space<vmem>>) target_semaphore(%arg23 : memref<!tpu.dma_semaphore, #tpu.memory_space<semaphore_mem>>)
    %dma_start3A_65 = tpu.memref_slice %arg5[%add3A_53] : memref<320000xf32, #tpu.memory_space<hbm>> -> memref<80xf32, #tpu.memory_space<hbm>>
    %dma_start3A_66 = tpu.memref_slice %arg5[%add3A_53] : memref<320000xf32, #tpu.memory_space<hbm>> -> memref<80xf32, #tpu.memory_space<hbm>>
    tpu.enqueue_dma source(%dma_start3A_66 : memref<80xf32, #tpu.memory_space<hbm>>) target(%arg19 : memref<80xf32, #tpu.memory_space<vmem>>) target_semaphore(%arg23 : memref<!tpu.dma_semaphore, #tpu.memory_space<semaphore_mem>>)
    %dma_wait3A_67 = arith.constant 0 : i32
    %dma_wait3A_68 = tpu.memref_slice %arg3[%dma_wait3A_67] : memref<320000xi32, #tpu.memory_space<hbm>> -> memref<80xi32, #tpu.memory_space<hbm>>
    %dma_wait3A_69 = arith.constant 0 : i32
    %dma_wait3A_70 = tpu.memref_slice %arg3[%dma_wait3A_69] : memref<320000xi32, #tpu.memory_space<hbm>> -> memref<80xi32, #tpu.memory_space<hbm>>
    tpu.wait_dma2 semaphore(%arg23 : memref<!tpu.dma_semaphore, #tpu.memory_space<semaphore_mem>>) src(%dma_wait3A_70 : memref<80xi32, #tpu.memory_space<hbm>>) dst(%arg16 : memref<80xi32, #tpu.memory_space<vmem>>)
    %dma_wait3A_71 = arith.constant 0 : i32
    %dma_wait3A_72 = arith.constant 0 : i32
    %dma_wait3A_73 = tpu.memref_slice %arg17[%dma_wait3A_71, %dma_wait3A_72] : memref<1x80xi32, #tpu.memory_space<vmem>> -> memref<1x80xi32, #tpu.memory_space<vmem>>
    %dma_wait3A_74 = tpu.memref_squeeze %dma_wait3A_73 : memref<1x80xi32, #tpu.memory_space<vmem>> -> memref<80xi32, #tpu.memory_space<vmem>>
    %dma_wait3A_75 = arith.constant 0 : i32
    %dma_wait3A_76 = tpu.memref_slice %arg4[%dma_wait3A_75] : memref<320000xi32, #tpu.memory_space<hbm>> -> memref<80xi32, #tpu.memory_space<hbm>>
    %dma_wait3A_77 = arith.constant 0 : i32
    %dma_wait3A_78 = tpu.memref_slice %arg17[%dma_wait3A_71, %dma_wait3A_77] : memref<1x80xi32, #tpu.memory_space<vmem>> -> memref<1x80xi32, #tpu.memory_space<vmem>>
    %dma_wait3A_79 = tpu.memref_squeeze %dma_wait3A_78 : memref<1x80xi32, #tpu.memory_space<vmem>> -> memref<80xi32, #tpu.memory_space<vmem>>
    %dma_wait3A_80 = arith.constant 0 : i32
    %dma_wait3A_81 = tpu.memref_slice %arg4[%dma_wait3A_80] : memref<320000xi32, #tpu.memory_space<hbm>> -> memref<80xi32, #tpu.memory_space<hbm>>
    tpu.wait_dma2 semaphore(%arg23 : memref<!tpu.dma_semaphore, #tpu.memory_space<semaphore_mem>>) src(%dma_wait3A_81 : memref<80xi32, #tpu.memory_space<hbm>>) dst(%dma_wait3A_79 : memref<80xi32, #tpu.memory_space<vmem>>)
    %dma_wait3A_82 = arith.constant 0 : i32
    %dma_wait3A_83 = tpu.memref_slice %arg5[%dma_wait3A_82] : memref<320000xf32, #tpu.memory_space<hbm>> -> memref<80xf32, #tpu.memory_space<hbm>>
    %dma_wait3A_84 = arith.constant 0 : i32
    %dma_wait3A_85 = tpu.memref_slice %arg5[%dma_wait3A_84] : memref<320000xf32, #tpu.memory_space<hbm>> -> memref<80xf32, #tpu.memory_space<hbm>>
    tpu.wait_dma2 semaphore(%arg23 : memref<!tpu.dma_semaphore, #tpu.memory_space<semaphore_mem>>) src(%dma_wait3A_85 : memref<80xf32, #tpu.memory_space<hbm>>) dst(%arg19 : memref<80xf32, #tpu.memory_space<vmem>>)
    %dma_start3A_86 = arith.constant 0 : i32
    %dma_start3A_87 = arith.constant 0 : i32
    %dma_start3A_88 = tpu.memref_slice %arg2[%dma_start3A_86, %dma_start3A_87] : memref<10000x128xbf16, #tpu.memory_space<hbm>> -> memref<10000x128xbf16, #tpu.memory_space<hbm>>
    tpu.enqueue_indirect_dma source(%dma_start3A_88 : memref<10000x128xbf16, #tpu.memory_space<hbm>>) target(%arg20 : memref<80x128xbf16, #tpu.memory_space<vmem>>) offsets(%arg16 : memref<80xi32, #tpu.memory_space<vmem>>) semaphore(%arg22 : memref<!tpu.dma_semaphore, #tpu.memory_space<semaphore_mem>>)
    %add3A_89 = arith.constant 160 : i32
    %add3A_90 = arith.addi %mul3A_16, %add3A_89 : i32
    %dma_start3A_91 = tpu.memref_slice %arg3[%add3A_90] : memref<320000xi32, #tpu.memory_space<hbm>> -> memref<80xi32, #tpu.memory_space<hbm>>
    %dma_start3A_92 = tpu.memref_slice %arg3[%add3A_90] : memref<320000xi32, #tpu.memory_space<hbm>> -> memref<80xi32, #tpu.memory_space<hbm>>
    tpu.enqueue_dma source(%dma_start3A_92 : memref<80xi32, #tpu.memory_space<hbm>>) target(%arg25 : memref<80xi32, #tpu.memory_space<vmem>>) target_semaphore(%arg32 : memref<!tpu.dma_semaphore, #tpu.memory_space<semaphore_mem>>)
    %dma_start3A_93 = arith.constant 0 : i32
    %dma_start3A_94 = arith.constant 0 : i32
    %dma_start3A_95 = tpu.memref_slice %arg26[%dma_start3A_93, %dma_start3A_94] : memref<1x80xi32, #tpu.memory_space<vmem>> -> memref<1x80xi32, #tpu.memory_space<vmem>>
    %dma_start3A_96 = tpu.memref_squeeze %dma_start3A_95 : memref<1x80xi32, #tpu.memory_space<vmem>> -> memref<80xi32, #tpu.memory_space<vmem>>
    %dma_start3A_97 = tpu.memref_slice %arg4[%add3A_90] : memref<320000xi32, #tpu.memory_space<hbm>> -> memref<80xi32, #tpu.memory_space<hbm>>
    %dma_start3A_98 = arith.constant 0 : i32
    %dma_start3A_99 = tpu.memref_slice %arg26[%dma_start3A_93, %dma_start3A_98] : memref<1x80xi32, #tpu.memory_space<vmem>> -> memref<1x80xi32, #tpu.memory_space<vmem>>
    %dma_start3A_100 = tpu.memref_squeeze %dma_start3A_99 : memref<1x80xi32, #tpu.memory_space<vmem>> -> memref<80xi32, #tpu.memory_space<vmem>>
    %dma_start3A_101 = tpu.memref_slice %arg4[%add3A_90] : memref<320000xi32, #tpu.memory_space<hbm>> -> memref<80xi32, #tpu.memory_space<hbm>>
    tpu.enqueue_dma source(%dma_start3A_101 : memref<80xi32, #tpu.memory_space<hbm>>) target(%dma_start3A_100 : memref<80xi32, #tpu.memory_space<vmem>>) target_semaphore(%arg32 : memref<!tpu.dma_semaphore, #tpu.memory_space<semaphore_mem>>)
    %dma_start3A_102 = tpu.memref_slice %arg5[%add3A_90] : memref<320000xf32, #tpu.memory_space<hbm>> -> memref<80xf32, #tpu.memory_space<hbm>>
    %dma_start3A_103 = tpu.memref_slice %arg5[%add3A_90] : memref<320000xf32, #tpu.memory_space<hbm>> -> memref<80xf32, #tpu.memory_space<hbm>>
    tpu.enqueue_dma source(%dma_start3A_103 : memref<80xf32, #tpu.memory_space<hbm>>) target(%arg28 : memref<80xf32, #tpu.memory_space<vmem>>) target_semaphore(%arg32 : memref<!tpu.dma_semaphore, #tpu.memory_space<semaphore_mem>>)
    %dma_wait3A_104 = arith.constant 0 : i32
    %dma_wait3A_105 = arith.constant 0 : i32
    %dma_wait3A_106 = tpu.memref_slice %arg2[%dma_wait3A_104, %dma_wait3A_105] : memref<10000x128xbf16, #tpu.memory_space<hbm>> -> memref<10000x128xbf16, #tpu.memory_space<hbm>>
    tpu.wait_indirect_dma semaphore(%arg13 : memref<!tpu.dma_semaphore, #tpu.memory_space<semaphore_mem>>) src(%dma_wait3A_106 : memref<10000x128xbf16, #tpu.memory_space<hbm>>) dst(%arg11 : memref<80x128xbf16, #tpu.memory_space<vmem>>)
    %parallel_loop3A = arith.constant 0 : i32
    %parallel_loop3A_107 = arith.constant 80 : i32
    %parallel_loop3A_108 = arith.constant 1 : i32
    scf.for %parallel_loop3A_269 = %parallel_loop3A to %parallel_loop3A_107 step %parallel_loop3A_108  : i32 {
      %parallel_loop3A_270 = arith.constant 0 : i32
      %parallel_loop3A_271 = vector.broadcast %parallel_loop3A_270 : i32 to vector<16xi32>
      %parallel_loop3A_272 = vector.broadcast %parallel_loop3A_269 : i32 to vector<16xi32>
      %parallel_loop3A_273 = arith.addi %parallel_loop3A_271, %parallel_loop3A_272 : vector<16xi32>
      %parallel_loop3A_274 = tpu.vector_load_idx %arg10[%parallel_loop3A_273] : memref<80xf32, #tpu.memory_space<vmem>>[vector<16xi32>], vector<16xf32>,
      %parallel_loop3A_275 = arith.index_cast %parallel_loop3A_269 : i32 to index
      %parallel_loop3A_276 = arith.constant 0 : index
      %parallel_loop3A_277 = tpu.vector_load %arg11[%parallel_loop3A_275, %parallel_loop3A_276] {strides = array<i32>} : memref<80x128xbf16, #tpu.memory_space<vmem>>, vector<32xbf16>,
      %parallel_loop3A_278 = tpu.unpack_subelements %parallel_loop3A_277, 0 {pack_format = #tpu.pack_format<interleaved>} : vector<32xbf16> -> vector<16xf32>
      %parallel_loop3A_279 = tpu.unpack_subelements %parallel_loop3A_277, 1 {pack_format = #tpu.pack_format<interleaved>} : vector<32xbf16> -> vector<16xf32>
      %parallel_loop3A_280 = arith.mulf %parallel_loop3A_278, %parallel_loop3A_274 : vector<16xf32>
      %parallel_loop3A_281 = arith.index_cast %parallel_loop3A_269 : i32 to index
      %parallel_loop3A_282 = arith.constant 0 : index
      %parallel_loop3A_283 = tpu.vector_load %arg12[%parallel_loop3A_281, %parallel_loop3A_282] {strides = array<i32>} : memref<80x128xf32, #tpu.memory_space<vmem>>, vector<16xf32>,
      tpu.vector_store %arg12[%parallel_loop3A_281, %parallel_loop3A_282], %parallel_loop3A_280 {strides = array<i32>} : memref<80x128xf32, #tpu.memory_space<vmem>>, vector<16xf32>,
      %parallel_loop3A_284 = arith.mulf %parallel_loop3A_279, %parallel_loop3A_274 : vector<16xf32>
      %parallel_loop3A_285 = arith.index_cast %parallel_loop3A_269 : i32 to index
      %parallel_loop3A_286 = arith.constant 16 : index
      %parallel_loop3A_287 = tpu.vector_load %arg12[%parallel_loop3A_285, %parallel_loop3A_286] {strides = array<i32>} : memref<80x128xf32, #tpu.memory_space<vmem>>, vector<16xf32>,
      tpu.vector_store %arg12[%parallel_loop3A_285, %parallel_loop3A_286], %parallel_loop3A_284 {strides = array<i32>} : memref<80x128xf32, #tpu.memory_space<vmem>>, vector<16xf32>,
      %parallel_loop3A_288 = arith.index_cast %parallel_loop3A_269 : i32 to index
      %parallel_loop3A_289 = arith.constant 32 : index
      %parallel_loop3A_290 = tpu.vector_load %arg11[%parallel_loop3A_288, %parallel_loop3A_289] {strides = array<i32>} : memref<80x128xbf16, #tpu.memory_space<vmem>>, vector<32xbf16>,
      %parallel_loop3A_291 = tpu.unpack_subelements %parallel_loop3A_290, 0 {pack_format = #tpu.pack_format<interleaved>} : vector<32xbf16> -> vector<16xf32>
      %parallel_loop3A_292 = tpu.unpack_subelements %parallel_loop3A_290, 1 {pack_format = #tpu.pack_format<interleaved>} : vector<32xbf16> -> vector<16xf32>
      %parallel_loop3A_293 = arith.mulf %parallel_loop3A_291, %parallel_loop3A_274 : vector<16xf32>
      %parallel_loop3A_294 = arith.index_cast %parallel_loop3A_269 : i32 to index
      %parallel_loop3A_295 = arith.constant 32 : index
      %parallel_loop3A_296 = tpu.vector_load %arg12[%parallel_loop3A_294, %parallel_loop3A_295] {strides = array<i32>} : memref<80x128xf32, #tpu.memory_space<vmem>>, vector<16xf32>,
      tpu.vector_store %arg12[%parallel_loop3A_294, %parallel_loop3A_295], %parallel_loop3A_293 {strides = array<i32>} : memref<80x128xf32, #tpu.memory_space<vmem>>, vector<16xf32>,
      %parallel_loop3A_297 = arith.mulf %parallel_loop3A_292, %parallel_loop3A_274 : vector<16xf32>
      %parallel_loop3A_298 = arith.index_cast %parallel_loop3A_269 : i32 to index
      %parallel_loop3A_299 = arith.constant 48 : index
      %parallel_loop3A_300 = tpu.vector_load %arg12[%parallel_loop3A_298, %parallel_loop3A_299] {strides = array<i32>} : memref<80x128xf32, #tpu.memory_space<vmem>>, vector<16xf32>,
      tpu.vector_store %arg12[%parallel_loop3A_298, %parallel_loop3A_299], %parallel_loop3A_297 {strides = array<i32>} : memref<80x128xf32, #tpu.memory_space<vmem>>, vector<16xf32>,
      %parallel_loop3A_301 = arith.index_cast %parallel_loop3A_269 : i32 to index
      %parallel_loop3A_302 = arith.constant 64 : index
      %parallel_loop3A_303 = tpu.vector_load %arg11[%parallel_loop3A_301, %parallel_loop3A_302] {strides = array<i32>} : memref<80x128xbf16, #tpu.memory_space<vmem>>, vector<32xbf16>,
      %parallel_loop3A_304 = tpu.unpack_subelements %parallel_loop3A_303, 0 {pack_format = #tpu.pack_format<interleaved>} : vector<32xbf16> -> vector<16xf32>
      %parallel_loop3A_305 = tpu.unpack_subelements %parallel_loop3A_303, 1 {pack_format = #tpu.pack_format<interleaved>} : vector<32xbf16> -> vector<16xf32>
      %parallel_loop3A_306 = arith.mulf %parallel_loop3A_304, %parallel_loop3A_274 : vector<16xf32>
      %parallel_loop3A_307 = arith.index_cast %parallel_loop3A_269 : i32 to index
      %parallel_loop3A_308 = arith.constant 64 : index
      %parallel_loop3A_309 = tpu.vector_load %arg12[%parallel_loop3A_307, %parallel_loop3A_308] {strides = array<i32>} : memref<80x128xf32, #tpu.memory_space<vmem>>, vector<16xf32>,
      tpu.vector_store %arg12[%parallel_loop3A_307, %parallel_loop3A_308], %parallel_loop3A_306 {strides = array<i32>} : memref<80x128xf32, #tpu.memory_space<vmem>>, vector<16xf32>,
      %parallel_loop3A_310 = arith.mulf %parallel_loop3A_305, %parallel_loop3A_274 : vector<16xf32>
      %parallel_loop3A_311 = arith.index_cast %parallel_loop3A_269 : i32 to index
      %parallel_loop3A_312 = arith.constant 80 : index
      %parallel_loop3A_313 = tpu.vector_load %arg12[%parallel_loop3A_311, %parallel_loop3A_312] {strides = array<i32>} : memref<80x128xf32, #tpu.memory_space<vmem>>, vector<16xf32>,
      tpu.vector_store %arg12[%parallel_loop3A_311, %parallel_loop3A_312], %parallel_loop3A_310 {strides = array<i32>} : memref<80x128xf32, #tpu.memory_space<vmem>>, vector<16xf32>,
      %parallel_loop3A_314 = arith.index_cast %parallel_loop3A_269 : i32 to index
      %parallel_loop3A_315 = arith.constant 96 : index
      %parallel_loop3A_316 = tpu.vector_load %arg11[%parallel_loop3A_314, %parallel_loop3A_315] {strides = array<i32>} : memref<80x128xbf16, #tpu.memory_space<vmem>>, vector<32xbf16>,
      %parallel_loop3A_317 = tpu.unpack_subelements %parallel_loop3A_316, 0 {pack_format = #tpu.pack_format<interleaved>} : vector<32xbf16> -> vector<16xf32>
      %parallel_loop3A_318 = tpu.unpack_subelements %parallel_loop3A_316, 1 {pack_format = #tpu.pack_format<interleaved>} : vector<32xbf16> -> vector<16xf32>
      %parallel_loop3A_319 = arith.mulf %parallel_loop3A_317, %parallel_loop3A_274 : vector<16xf32>
      %parallel_loop3A_320 = arith.index_cast %parallel_loop3A_269 : i32 to index
      %parallel_loop3A_321 = arith.constant 96 : index
      %parallel_loop3A_322 = tpu.vector_load %arg12[%parallel_loop3A_320, %parallel_loop3A_321] {strides = array<i32>} : memref<80x128xf32, #tpu.memory_space<vmem>>, vector<16xf32>,
      tpu.vector_store %arg12[%parallel_loop3A_320, %parallel_loop3A_321], %parallel_loop3A_319 {strides = array<i32>} : memref<80x128xf32, #tpu.memory_space<vmem>>, vector<16xf32>,
      %parallel_loop3A_323 = arith.mulf %parallel_loop3A_318, %parallel_loop3A_274 : vector<16xf32>
      %parallel_loop3A_324 = arith.index_cast %parallel_loop3A_269 : i32 to index
      %parallel_loop3A_325 = arith.constant 112 : index
      %parallel_loop3A_326 = tpu.vector_load %arg12[%parallel_loop3A_324, %parallel_loop3A_325] {strides = array<i32>} : memref<80x128xf32, #tpu.memory_space<vmem>>, vector<16xf32>,
      tpu.vector_store %arg12[%parallel_loop3A_324, %parallel_loop3A_325], %parallel_loop3A_323 {strides = array<i32>} : memref<80x128xf32, #tpu.memory_space<vmem>>, vector<16xf32>,
    } {sc.loop_unroll_factor = 16 : i64, sc.parallel_access}
    %get3A = arith.constant 0 : i32
    %get3A_109 = arith.index_cast %get3A : i32 to index
    %get3A_110 = arith.constant 0 : index
    %get3A_111 = tpu.vector_load %arg8[%get3A_109, %get3A_110] {strides = array<i32>} : memref<1x80xi32, #tpu.memory_space<vmem>>, vector<16xi32>,
    %swap3A = arith.constant 0 : i32
    %swap3A_112 = arith.index_cast %swap3A : i32 to index
    %swap3A_113 = arith.constant 0 : index
    %swap3A_114 = tpu.vector_load %arg9[%swap3A_112, %swap3A_113] {strides = array<i32>} : memref<1x80xi32, #tpu.memory_space<vmem>>, vector<16xi32>,
    tpu.vector_store %arg9[%swap3A_112, %swap3A_113], %get3A_111 {strides = array<i32>} : memref<1x80xi32, #tpu.memory_space<vmem>>, vector<16xi32>,
    %get3A_115 = arith.constant 0 : i32
    %get3A_116 = arith.index_cast %get3A_115 : i32 to index
    %get3A_117 = arith.constant 16 : index
    %get3A_118 = tpu.vector_load %arg8[%get3A_116, %get3A_117] {strides = array<i32>} : memref<1x80xi32, #tpu.memory_space<vmem>>, vector<16xi32>,
    %swap3A_119 = arith.constant 0 : i32
    %swap3A_120 = arith.index_cast %swap3A_119 : i32 to index
    %swap3A_121 = arith.constant 16 : index
    %swap3A_122 = tpu.vector_load %arg9[%swap3A_120, %swap3A_121] {strides = array<i32>} : memref<1x80xi32, #tpu.memory_space<vmem>>, vector<16xi32>,
    tpu.vector_store %arg9[%swap3A_120, %swap3A_121], %get3A_118 {strides = array<i32>} : memref<1x80xi32, #tpu.memory_space<vmem>>, vector<16xi32>,
    %get3A_123 = arith.constant 0 : i32
    %get3A_124 = arith.index_cast %get3A_123 : i32 to index
    %get3A_125 = arith.constant 32 : index
    %get3A_126 = tpu.vector_load %arg8[%get3A_124, %get3A_125] {strides = array<i32>} : memref<1x80xi32, #tpu.memory_space<vmem>>, vector<16xi32>,
    %swap3A_127 = arith.constant 0 : i32
    %swap3A_128 = arith.index_cast %swap3A_127 : i32 to index
    %swap3A_129 = arith.constant 32 : index
    %swap3A_130 = tpu.vector_load %arg9[%swap3A_128, %swap3A_129] {strides = array<i32>} : memref<1x80xi32, #tpu.memory_space<vmem>>, vector<16xi32>,
    tpu.vector_store %arg9[%swap3A_128, %swap3A_129], %get3A_126 {strides = array<i32>} : memref<1x80xi32, #tpu.memory_space<vmem>>, vector<16xi32>,
    %get3A_131 = arith.constant 0 : i32
    %get3A_132 = arith.index_cast %get3A_131 : i32 to index
    %get3A_133 = arith.constant 48 : index
    %get3A_134 = tpu.vector_load %arg8[%get3A_132, %get3A_133] {strides = array<i32>} : memref<1x80xi32, #tpu.memory_space<vmem>>, vector<16xi32>,
    %swap3A_135 = arith.constant 0 : i32
    %swap3A_136 = arith.index_cast %swap3A_135 : i32 to index
    %swap3A_137 = arith.constant 48 : index
    %swap3A_138 = tpu.vector_load %arg9[%swap3A_136, %swap3A_137] {strides = array<i32>} : memref<1x80xi32, #tpu.memory_space<vmem>>, vector<16xi32>,
    tpu.vector_store %arg9[%swap3A_136, %swap3A_137], %get3A_134 {strides = array<i32>} : memref<1x80xi32, #tpu.memory_space<vmem>>, vector<16xi32>,
    %get3A_139 = arith.constant 0 : i32
    %get3A_140 = arith.index_cast %get3A_139 : i32 to index
    %get3A_141 = arith.constant 64 : index
    %get3A_142 = tpu.vector_load %arg8[%get3A_140, %get3A_141] {strides = array<i32>} : memref<1x80xi32, #tpu.memory_space<vmem>>, vector<16xi32>,
    %swap3A_143 = arith.constant 0 : i32
    %swap3A_144 = arith.index_cast %swap3A_143 : i32 to index
    %swap3A_145 = arith.constant 64 : index
    %swap3A_146 = tpu.vector_load %arg9[%swap3A_144, %swap3A_145] {strides = array<i32>} : memref<1x80xi32, #tpu.memory_space<vmem>>, vector<16xi32>,
    tpu.vector_store %arg9[%swap3A_144, %swap3A_145], %get3A_142 {strides = array<i32>} : memref<1x80xi32, #tpu.memory_space<vmem>>, vector<16xi32>,
    %dma_start3A_147 = arith.constant 0 : i32
    %dma_start3A_148 = arith.constant 0 : i32
    %dma_start3A_149 = tpu.memref_slice %arg9[%dma_start3A_147, %dma_start3A_148] : memref<1x80xi32, #tpu.memory_space<vmem>> -> memref<1x80xi32, #tpu.memory_space<vmem>>
    %dma_start3A_150 = tpu.memref_squeeze %dma_start3A_149 : memref<1x80xi32, #tpu.memory_space<vmem>> -> memref<80xi32, #tpu.memory_space<vmem>>
    %dma_start3A_151 = arith.constant 0 : i32
    %dma_start3A_152 = arith.constant 0 : i32
    %dma_start3A_153 = tpu.memref_slice %arg34[%dma_start3A_151, %dma_start3A_152] : memref<10000x128xf32, #tpu.memory_space<vmem_shared>> -> memref<10000x128xf32, #tpu.memory_space<vmem_shared>>
    tpu.enqueue_indirect_dma source(%arg12 : memref<80x128xf32, #tpu.memory_space<vmem>>) target(%dma_start3A_153 : memref<10000x128xf32, #tpu.memory_space<vmem_shared>>) offsets(%dma_start3A_150 : memref<80xi32, #tpu.memory_space<vmem>>) semaphore(%arg15 : memref<!tpu.dma_semaphore, #tpu.memory_space<semaphore_mem>>) {add = true}
    %dma_wait3A_154 = arith.constant 0 : i32
    %dma_wait3A_155 = tpu.memref_slice %arg3[%dma_wait3A_154] : memref<320000xi32, #tpu.memory_space<hbm>> -> memref<80xi32, #tpu.memory_space<hbm>>
    %dma_wait3A_156 = arith.constant 0 : i32
    %dma_wait3A_157 = tpu.memref_slice %arg3[%dma_wait3A_156] : memref<320000xi32, #tpu.memory_space<hbm>> -> memref<80xi32, #tpu.memory_space<hbm>>
    tpu.wait_dma2 semaphore(%arg32 : memref<!tpu.dma_semaphore, #tpu.memory_space<semaphore_mem>>) src(%dma_wait3A_157 : memref<80xi32, #tpu.memory_space<hbm>>) dst(%arg25 : memref<80xi32, #tpu.memory_space<vmem>>)
    %dma_wait3A_158 = arith.constant 0 : i32
    %dma_wait3A_159 = arith.constant 0 : i32
    %dma_wait3A_160 = tpu.memref_slice %arg26[%dma_wait3A_158, %dma_wait3A_159] : memref<1x80xi32, #tpu.memory_space<vmem>> -> memref<1x80xi32, #tpu.memory_space<vmem>>
    %dma_wait3A_161 = tpu.memref_squeeze %dma_wait3A_160 : memref<1x80xi32, #tpu.memory_space<vmem>> -> memref<80xi32, #tpu.memory_space<vmem>>
    %dma_wait3A_162 = arith.constant 0 : i32
    %dma_wait3A_163 = tpu.memref_slice %arg4[%dma_wait3A_162] : memref<320000xi32, #tpu.memory_space<hbm>> -> memref<80xi32, #tpu.memory_space<hbm>>
    %dma_wait3A_164 = arith.constant 0 : i32
    %dma_wait3A_165 = tpu.memref_slice %arg26[%dma_wait3A_158, %dma_wait3A_164] : memref<1x80xi32, #tpu.memory_space<vmem>> -> memref<1x80xi32, #tpu.memory_space<vmem>>
    %dma_wait3A_166 = tpu.memref_squeeze %dma_wait3A_165 : memref<1x80xi32, #tpu.memory_space<vmem>> -> memref<80xi32, #tpu.memory_space<vmem>>
    %dma_wait3A_167 = arith.constant 0 : i32
    %dma_wait3A_168 = tpu.memref_slice %arg4[%dma_wait3A_167] : memref<320000xi32, #tpu.memory_space<hbm>> -> memref<80xi32, #tpu.memory_space<hbm>>
    tpu.wait_dma2 semaphore(%arg32 : memref<!tpu.dma_semaphore, #tpu.memory_space<semaphore_mem>>) src(%dma_wait3A_168 : memref<80xi32, #tpu.memory_space<hbm>>) dst(%dma_wait3A_166 : memref<80xi32, #tpu.memory_space<vmem>>)
    %dma_wait3A_169 = arith.constant 0 : i32
    %dma_wait3A_170 = tpu.memref_slice %arg5[%dma_wait3A_169] : memref<320000xf32, #tpu.memory_space<hbm>> -> memref<80xf32, #tpu.memory_space<hbm>>
    %dma_wait3A_171 = arith.constant 0 : i32
    %dma_wait3A_172 = tpu.memref_slice %arg5[%dma_wait3A_171] : memref<320000xf32, #tpu.memory_space<hbm>> -> memref<80xf32, #tpu.memory_space<hbm>>
    tpu.wait_dma2 semaphore(%arg32 : memref<!tpu.dma_semaphore, #tpu.memory_space<semaphore_mem>>) src(%dma_wait3A_172 : memref<80xf32, #tpu.memory_space<hbm>>) dst(%arg28 : memref<80xf32, #tpu.memory_space<vmem>>)
    %dma_start3A_173 = arith.constant 0 : i32
    %dma_start3A_174 = arith.constant 0 : i32
    %dma_start3A_175 = tpu.memref_slice %arg2[%dma_start3A_173, %dma_start3A_174] : memref<10000x128xbf16, #tpu.memory_space<hbm>> -> memref<10000x128xbf16, #tpu.memory_space<hbm>>
    tpu.enqueue_indirect_dma source(%dma_start3A_175 : memref<10000x128xbf16, #tpu.memory_space<hbm>>) target(%arg29 : memref<80x128xbf16, #tpu.memory_space<vmem>>) offsets(%arg25 : memref<80xi32, #tpu.memory_space<vmem>>) semaphore(%arg31 : memref<!tpu.dma_semaphore, #tpu.memory_space<semaphore_mem>>)
    %add3A_176 = arith.constant 240 : i32
    %add3A_177 = arith.addi %mul3A_16, %add3A_176 : i32
    %dma_start3A_178 = tpu.memref_slice %arg3[%add3A_177] : memref<320000xi32, #tpu.memory_space<hbm>> -> memref<80xi32, #tpu.memory_space<hbm>>
    %dma_start3A_179 = tpu.memref_slice %arg3[%add3A_177] : memref<320000xi32, #tpu.memory_space<hbm>> -> memref<80xi32, #tpu.memory_space<hbm>>
    tpu.enqueue_dma source(%dma_start3A_179 : memref<80xi32, #tpu.memory_space<hbm>>) target(%arg7 : memref<80xi32, #tpu.memory_space<vmem>>) target_semaphore(%arg14 : memref<!tpu.dma_semaphore, #tpu.memory_space<semaphore_mem>>)
    %dma_start3A_180 = arith.constant 0 : i32
    %dma_start3A_181 = arith.constant 0 : i32
    %dma_start3A_182 = tpu.memref_slice %arg8[%dma_start3A_180, %dma_start3A_181] : memref<1x80xi32, #tpu.memory_space<vmem>> -> memref<1x80xi32, #tpu.memory_space<vmem>>
    %dma_start3A_183 = tpu.memref_squeeze %dma_start3A_182 : memref<1x80xi32, #tpu.memory_space<vmem>> -> memref<80xi32, #tpu.memory_space<vmem>>
    %dma_start3A_184 = tpu.memref_slice %arg4[%add3A_177] : memref<320000xi32, #tpu.memory_space<hbm>> -> memref<80xi32, #tpu.memory_space<hbm>>
    %dma_start3A_185 = arith.constant 0 : i32
    %dma_start3A_186 = tpu.memref_slice %arg8[%dma_start3A_180, %dma_start3A_185] : memref<1x80xi32, #tpu.memory_space<vmem>> -> memref<1x80xi32, #tpu.memory_space<vmem>>
    %dma_start3A_187 = tpu.memref_squeeze %dma_start3A_186 : memref<1x80xi32, #tpu.memory_space<vmem>> -> memref<80xi32, #tpu.memory_space<vmem>>
    %dma_start3A_188 = tpu.memref_slice %arg4[%add3A_177] : memref<320000xi32, #tpu.memory_space<hbm>> -> memref<80xi32, #tpu.memory_space<hbm>>
    tpu.enqueue_dma source(%dma_start3A_188 : memref<80xi32, #tpu.memory_space<hbm>>) target(%dma_start3A_187 : memref<80xi32, #tpu.memory_space<vmem>>) target_semaphore(%arg14 : memref<!tpu.dma_semaphore, #tpu.memory_space<semaphore_mem>>)
    %dma_start3A_189 = tpu.memref_slice %arg5[%add3A_177] : memref<320000xf32, #tpu.memory_space<hbm>> -> memref<80xf32, #tpu.memory_space<hbm>>
    %dma_start3A_190 = tpu.memref_slice %arg5[%add3A_177] : memref<320000xf32, #tpu.memory_space<hbm>> -> memref<80xf32, #tpu.memory_space<hbm>>
    tpu.enqueue_dma source(%dma_start3A_190 : memref<80xf32, #tpu.memory_space<hbm>>) target(%arg10 : memref<80xf32, #tpu.memory_space<vmem>>) target_semaphore(%arg14 : memref<!tpu.dma_semaphore, #tpu.memory_space<semaphore_mem>>)
    %dma_wait3A_191 = arith.constant 0 : i32
    %dma_wait3A_192 = arith.constant 0 : i32
    %dma_wait3A_193 = tpu.memref_slice %arg2[%dma_wait3A_191, %dma_wait3A_192] : memref<10000x128xbf16, #tpu.memory_space<hbm>> -> memref<10000x128xbf16, #tpu.memory_space<hbm>>
    tpu.wait_indirect_dma semaphore(%arg22 : memref<!tpu.dma_semaphore, #tpu.memory_space<semaphore_mem>>) src(%dma_wait3A_193 : memref<10000x128xbf16, #tpu.memory_space<hbm>>) dst(%arg20 : memref<80x128xbf16, #tpu.memory_space<vmem>>)
    %parallel_loop3A_194 = arith.constant 0 : i32
    %parallel_loop3A_195 = arith.constant 80 : i32
    %parallel_loop3A_196 = arith.constant 1 : i32
    scf.for %parallel_loop3A_269 = %parallel_loop3A_194 to %parallel_loop3A_195 step %parallel_loop3A_196  : i32 {
      %parallel_loop3A_270 = arith.constant 0 : i32
      %parallel_loop3A_271 = vector.broadcast %parallel_loop3A_270 : i32 to vector<16xi32>
      %parallel_loop3A_272 = vector.broadcast %parallel_loop3A_269 : i32 to vector<16xi32>
      %parallel_loop3A_273 = arith.addi %parallel_loop3A_271, %parallel_loop3A_272 : vector<16xi32>
      %parallel_loop3A_274 = tpu.vector_load_idx %arg19[%parallel_loop3A_273] : memref<80xf32, #tpu.memory_space<vmem>>[vector<16xi32>], vector<16xf32>,
      %parallel_loop3A_275 = arith.index_cast %parallel_loop3A_269 : i32 to index
      %parallel_loop3A_276 = arith.constant 0 : index
      %parallel_loop3A_277 = tpu.vector_load %arg20[%parallel_loop3A_275, %parallel_loop3A_276] {strides = array<i32>} : memref<80x128xbf16, #tpu.memory_space<vmem>>, vector<32xbf16>,
      %parallel_loop3A_278 = tpu.unpack_subelements %parallel_loop3A_277, 0 {pack_format = #tpu.pack_format<interleaved>} : vector<32xbf16> -> vector<16xf32>
      %parallel_loop3A_279 = tpu.unpack_subelements %parallel_loop3A_277, 1 {pack_format = #tpu.pack_format<interleaved>} : vector<32xbf16> -> vector<16xf32>
      %parallel_loop3A_280 = arith.mulf %parallel_loop3A_278, %parallel_loop3A_274 : vector<16xf32>
      %parallel_loop3A_281 = arith.index_cast %parallel_loop3A_269 : i32 to index
      %parallel_loop3A_282 = arith.constant 0 : index
      %parallel_loop3A_283 = tpu.vector_load %arg21[%parallel_loop3A_281, %parallel_loop3A_282] {strides = array<i32>} : memref<80x128xf32, #tpu.memory_space<vmem>>, vector<16xf32>,
      tpu.vector_store %arg21[%parallel_loop3A_281, %parallel_loop3A_282], %parallel_loop3A_280 {strides = array<i32>} : memref<80x128xf32, #tpu.memory_space<vmem>>, vector<16xf32>,
      %parallel_loop3A_284 = arith.mulf %parallel_loop3A_279, %parallel_loop3A_274 : vector<16xf32>
      %parallel_loop3A_285 = arith.index_cast %parallel_loop3A_269 : i32 to index
      %parallel_loop3A_286 = arith.constant 16 : index
      %parallel_loop3A_287 = tpu.vector_load %arg21[%parallel_loop3A_285, %parallel_loop3A_286] {strides = array<i32>} : memref<80x128xf32, #tpu.memory_space<vmem>>, vector<16xf32>,
      tpu.vector_store %arg21[%parallel_loop3A_285, %parallel_loop3A_286], %parallel_loop3A_284 {strides = array<i32>} : memref<80x128xf32, #tpu.memory_space<vmem>>, vector<16xf32>,
      %parallel_loop3A_288 = arith.index_cast %parallel_loop3A_269 : i32 to index
      %parallel_loop3A_289 = arith.constant 32 : index
      %parallel_loop3A_290 = tpu.vector_load %arg20[%parallel_loop3A_288, %parallel_loop3A_289] {strides = array<i32>} : memref<80x128xbf16, #tpu.memory_space<vmem>>, vector<32xbf16>,
      %parallel_loop3A_291 = tpu.unpack_subelements %parallel_loop3A_290, 0 {pack_format = #tpu.pack_format<interleaved>} : vector<32xbf16> -> vector<16xf32>
      %parallel_loop3A_292 = tpu.unpack_subelements %parallel_loop3A_290, 1 {pack_format = #tpu.pack_format<interleaved>} : vector<32xbf16> -> vector<16xf32>
      %parallel_loop3A_293 = arith.mulf %parallel_loop3A_291, %parallel_loop3A_274 : vector<16xf32>
      %parallel_loop3A_294 = arith.index_cast %parallel_loop3A_269 : i32 to index
      %parallel_loop3A_295 = arith.constant 32 : index
      %parallel_loop3A_296 = tpu.vector_load %arg21[%parallel_loop3A_294, %parallel_loop3A_295] {strides = array<i32>} : memref<80x128xf32, #tpu.memory_space<vmem>>, vector<16xf32>,
      tpu.vector_store %arg21[%parallel_loop3A_294, %parallel_loop3A_295], %parallel_loop3A_293 {strides = array<i32>} : memref<80x128xf32, #tpu.memory_space<vmem>>, vector<16xf32>,
      %parallel_loop3A_297 = arith.mulf %parallel_loop3A_292, %parallel_loop3A_274 : vector<16xf32>
      %parallel_loop3A_298 = arith.index_cast %parallel_loop3A_269 : i32 to index
      %parallel_loop3A_299 = arith.constant 48 : index
      %parallel_loop3A_300 = tpu.vector_load %arg21[%parallel_loop3A_298, %parallel_loop3A_299] {strides = array<i32>} : memref<80x128xf32, #tpu.memory_space<vmem>>, vector<16xf32>,
      tpu.vector_store %arg21[%parallel_loop3A_298, %parallel_loop3A_299], %parallel_loop3A_297 {strides = array<i32>} : memref<80x128xf32, #tpu.memory_space<vmem>>, vector<16xf32>,
      %parallel_loop3A_301 = arith.index_cast %parallel_loop3A_269 : i32 to index
      %parallel_loop3A_302 = arith.constant 64 : index
      %parallel_loop3A_303 = tpu.vector_load %arg20[%parallel_loop3A_301, %parallel_loop3A_302] {strides = array<i32>} : memref<80x128xbf16, #tpu.memory_space<vmem>>, vector<32xbf16>,
      %parallel_loop3A_304 = tpu.unpack_subelements %parallel_loop3A_303, 0 {pack_format = #tpu.pack_format<interleaved>} : vector<32xbf16> -> vector<16xf32>
      %parallel_loop3A_305 = tpu.unpack_subelements %parallel_loop3A_303, 1 {pack_format = #tpu.pack_format<interleaved>} : vector<32xbf16> -> vector<16xf32>
      %parallel_loop3A_306 = arith.mulf %parallel_loop3A_304, %parallel_loop3A_274 : vector<16xf32>
      %parallel_loop3A_307 = arith.index_cast %parallel_loop3A_269 : i32 to index
      %parallel_loop3A_308 = arith.constant 64 : index
      %parallel_loop3A_309 = tpu.vector_load %arg21[%parallel_loop3A_307, %parallel_loop3A_308] {strides = array<i32>} : memref<80x128xf32, #tpu.memory_space<vmem>>, vector<16xf32>,
      tpu.vector_store %arg21[%parallel_loop3A_307, %parallel_loop3A_308], %parallel_loop3A_306 {strides = array<i32>} : memref<80x128xf32, #tpu.memory_space<vmem>>, vector<16xf32>,
      %parallel_loop3A_310 = arith.mulf %parallel_loop3A_305, %parallel_loop3A_274 : vector<16xf32>
      %parallel_loop3A_311 = arith.index_cast %parallel_loop3A_269 : i32 to index
      %parallel_loop3A_312 = arith.constant 80 : index
      %parallel_loop3A_313 = tpu.vector_load %arg21[%parallel_loop3A_311, %parallel_loop3A_312] {strides = array<i32>} : memref<80x128xf32, #tpu.memory_space<vmem>>, vector<16xf32>,
      tpu.vector_store %arg21[%parallel_loop3A_311, %parallel_loop3A_312], %parallel_loop3A_310 {strides = array<i32>} : memref<80x128xf32, #tpu.memory_space<vmem>>, vector<16xf32>,
      %parallel_loop3A_314 = arith.index_cast %parallel_loop3A_269 : i32 to index
      %parallel_loop3A_315 = arith.constant 96 : index
      %parallel_loop3A_316 = tpu.vector_load %arg20[%parallel_loop3A_314, %parallel_loop3A_315] {strides = array<i32>} : memref<80x128xbf16, #tpu.memory_space<vmem>>, vector<32xbf16>,
      %parallel_loop3A_317 = tpu.unpack_subelements %parallel_loop3A_316, 0 {pack_format = #tpu.pack_format<interleaved>} : vector<32xbf16> -> vector<16xf32>
      %parallel_loop3A_318 = tpu.unpack_subelements %parallel_loop3A_316, 1 {pack_format = #tpu.pack_format<interleaved>} : vector<32xbf16> -> vector<16xf32>
      %parallel_loop3A_319 = arith.mulf %parallel_loop3A_317, %parallel_loop3A_274 : vector<16xf32>
      %parallel_loop3A_320 = arith.index_cast %parallel_loop3A_269 : i32 to index
      %parallel_loop3A_321 = arith.constant 96 : index
      %parallel_loop3A_322 = tpu.vector_load %arg21[%parallel_loop3A_320, %parallel_loop3A_321] {strides = array<i32>} : memref<80x128xf32, #tpu.memory_space<vmem>>, vector<16xf32>,
      tpu.vector_store %arg21[%parallel_loop3A_320, %parallel_loop3A_321], %parallel_loop3A_319 {strides = array<i32>} : memref<80x128xf32, #tpu.memory_space<vmem>>, vector<16xf32>,
      %parallel_loop3A_323 = arith.mulf %parallel_loop3A_318, %parallel_loop3A_274 : vector<16xf32>
      %parallel_loop3A_324 = arith.index_cast %parallel_loop3A_269 : i32 to index
      %parallel_loop3A_325 = arith.constant 112 : index
      %parallel_loop3A_326 = tpu.vector_load %arg21[%parallel_loop3A_324, %parallel_loop3A_325] {strides = array<i32>} : memref<80x128xf32, #tpu.memory_space<vmem>>, vector<16xf32>,
      tpu.vector_store %arg21[%parallel_loop3A_324, %parallel_loop3A_325], %parallel_loop3A_323 {strides = array<i32>} : memref<80x128xf32, #tpu.memory_space<vmem>>, vector<16xf32>,
    } {sc.loop_unroll_factor = 16 : i64, sc.parallel_access}
    %get3A_197 = arith.constant 0 : i32
    %get3A_198 = arith.index_cast %get3A_197 : i32 to index
    %get3A_199 = arith.constant 0 : index
    %get3A_200 = tpu.vector_load %arg17[%get3A_198, %get3A_199] {strides = array<i32>} : memref<1x80xi32, #tpu.memory_space<vmem>>, vector<16xi32>,
    %swap3A_201 = arith.constant 0 : i32
    %swap3A_202 = arith.index_cast %swap3A_201 : i32 to index
    %swap3A_203 = arith.constant 0 : index
    %swap3A_204 = tpu.vector_load %arg18[%swap3A_202, %swap3A_203] {strides = array<i32>} : memref<1x80xi32, #tpu.memory_space<vmem>>, vector<16xi32>,
    tpu.vector_store %arg18[%swap3A_202, %swap3A_203], %get3A_200 {strides = array<i32>} : memref<1x80xi32, #tpu.memory_space<vmem>>, vector<16xi32>,
    %get3A_205 = arith.constant 0 : i32
    %get3A_206 = arith.index_cast %get3A_205 : i32 to index
    %get3A_207 = arith.constant 16 : index
    %get3A_208 = tpu.vector_load %arg17[%get3A_206, %get3A_207] {strides = array<i32>} : memref<1x80xi32, #tpu.memory_space<vmem>>, vector<16xi32>,
    %swap3A_209 = arith.constant 0 : i32
    %swap3A_210 = arith.index_cast %swap3A_209 : i32 to index
    %swap3A_211 = arith.constant 16 : index
    %swap3A_212 = tpu.vector_load %arg18[%swap3A_210, %swap3A_211] {strides = array<i32>} : memref<1x80xi32, #tpu.memory_space<vmem>>, vector<16xi32>,
    tpu.vector_store %arg18[%swap3A_210, %swap3A_211], %get3A_208 {strides = array<i32>} : memref<1x80xi32, #tpu.memory_space<vmem>>, vector<16xi32>,
    %get3A_213 = arith.constant 0 : i32
    %get3A_214 = arith.index_cast %get3A_213 : i32 to index
    %get3A_215 = arith.constant 32 : index
    %get3A_216 = tpu.vector_load %arg17[%get3A_214, %get3A_215] {strides = array<i32>} : memref<1x80xi32, #tpu.memory_space<vmem>>, vector<16xi32>,
    %swap3A_217 = arith.constant 0 : i32
    %swap3A_218 = arith.index_cast %swap3A_217 : i32 to index
    %swap3A_219 = arith.constant 32 : index
    %swap3A_220 = tpu.vector_load %arg18[%swap3A_218, %swap3A_219] {strides = array<i32>} : memref<1x80xi32, #tpu.memory_space<vmem>>, vector<16xi32>,
    tpu.vector_store %arg18[%swap3A_218, %swap3A_219], %get3A_216 {strides = array<i32>} : memref<1x80xi32, #tpu.memory_space<vmem>>, vector<16xi32>,
    %get3A_221 = arith.constant 0 : i32
    %get3A_222 = arith.index_cast %get3A_221 : i32 to index
    %get3A_223 = arith.constant 48 : index
    %get3A_224 = tpu.vector_load %arg17[%get3A_222, %get3A_223] {strides = array<i32>} : memref<1x80xi32, #tpu.memory_space<vmem>>, vector<16xi32>,
    %swap3A_225 = arith.constant 0 : i32
    %swap3A_226 = arith.index_cast %swap3A_225 : i32 to index
    %swap3A_227 = arith.constant 48 : index
    %swap3A_228 = tpu.vector_load %arg18[%swap3A_226, %swap3A_227] {strides = array<i32>} : memref<1x80xi32, #tpu.memory_space<vmem>>, vector<16xi32>,
    tpu.vector_store %arg18[%swap3A_226, %swap3A_227], %get3A_224 {strides = array<i32>} : memref<1x80xi32, #tpu.memory_space<vmem>>, vector<16xi32>,
    %get3A_229 = arith.constant 0 : i32
    %get3A_230 = arith.index_cast %get3A_229 : i32 to index
    %get3A_231 = arith.constant 64 : index
    %get3A_232 = tpu.vector_load %arg17[%get3A_230, %get3A_231] {strides = array<i32>} : memref<1x80xi32, #tpu.memory_space<vmem>>, vector<16xi32>,
    %swap3A_233 = arith.constant 0 : i32
    %swap3A_234 = arith.index_cast %swap3A_233 : i32 to index
    %swap3A_235 = arith.constant 64 : index
    %swap3A_236 = tpu.vector_load %arg18[%swap3A_234, %swap3A_235] {strides = array<i32>} : memref<1x80xi32, #tpu.memory_space<vmem>>, vector<16xi32>,
    tpu.vector_store %arg18[%swap3A_234, %swap3A_235], %get3A_232 {strides = array<i32>} : memref<1x80xi32, #tpu.memory_space<vmem>>, vector<16xi32>,
    %dma_start3A_237 = arith.constant 0 : i32
    %dma_start3A_238 = arith.constant 0 : i32
    %dma_start3A_239 = tpu.memref_slice %arg18[%dma_start3A_237, %dma_start3A_238] : memref<1x80xi32, #tpu.memory_space<vmem>> -> memref<1x80xi32, #tpu.memory_space<vmem>>
    %dma_start3A_240 = tpu.memref_squeeze %dma_start3A_239 : memref<1x80xi32, #tpu.memory_space<vmem>> -> memref<80xi32, #tpu.memory_space<vmem>>
    %dma_start3A_241 = arith.constant 0 : i32
    %dma_start3A_242 = arith.constant 0 : i32
    %dma_start3A_243 = tpu.memref_slice %arg34[%dma_start3A_241, %dma_start3A_242] : memref<10000x128xf32, #tpu.memory_space<vmem_shared>> -> memref<10000x128xf32, #tpu.memory_space<vmem_shared>>
    tpu.enqueue_indirect_dma source(%arg21 : memref<80x128xf32, #tpu.memory_space<vmem>>) target(%dma_start3A_243 : memref<10000x128xf32, #tpu.memory_space<vmem_shared>>) offsets(%dma_start3A_240 : memref<80xi32, #tpu.memory_space<vmem>>) semaphore(%arg24 : memref<!tpu.dma_semaphore, #tpu.memory_space<semaphore_mem>>) {add = true}
    %scan3A_244 = arith.constant 0 : i32
    %scan3A_245 = arith.constant 41 : i32
    %scan3A_246 = arith.addi %scan3A_244, %scan3A_245 : i32
    %scan3A_247 = arith.constant 1 : i32
    scf.for %scan3A_269 = %scan3A_244 to %scan3A_246 step %scan3A_247  : i32 {
      %mul3A_270 = arith.constant 1 : i32
      %mul3A_271 = arith.muli %scan3A_269, %mul3A_270 : i32
      %add3A_272 = arith.constant 0 : i32
      %add3A_273 = arith.addi %add3A_272, %mul3A_271 : i32
      %mul3A_274 = arith.constant 3 : i32
      %mul3A_275 = arith.muli %add3A_273, %mul3A_274 : i32
      %add3A_276 = arith.constant 2 : i32
      %add3A_277 = arith.addi %mul3A_275, %add3A_276 : i32
      %add3A_278 = arith.constant 1 : i32
      %add3A_279 = arith.addi %add3A_277, %add3A_278 : i32
      %lt3A = arith.constant 125 : i32
      %lt3A_280 = arith.cmpi slt, %add3A_279, %lt3A : i32
      %convert_element_type3A_281 = arith.extui %lt3A_280 : i1 to i32
      %cond3A_282 = arith.constant 0 : i32
      %cond3A_283 = arith.cmpi ne, %convert_element_type3A_281, %cond3A_282 : i32
      scf.if %cond3A_283 {
        %dma_wait3A_524 = arith.constant 0 : i32
        %dma_wait3A_525 = tpu.memref_slice %arg3[%dma_wait3A_524] : memref<320000xi32, #tpu.memory_space<hbm>> -> memref<80xi32, #tpu.memory_space<hbm>>
        %dma_wait3A_526 = arith.constant 0 : i32
        %dma_wait3A_527 = tpu.memref_slice %arg3[%dma_wait3A_526] : memref<320000xi32, #tpu.memory_space<hbm>> -> memref<80xi32, #tpu.memory_space<hbm>>
        tpu.wait_dma2 semaphore(%arg14 : memref<!tpu.dma_semaphore, #tpu.memory_space<semaphore_mem>>) src(%dma_wait3A_527 : memref<80xi32, #tpu.memory_space<hbm>>) dst(%arg7 : memref<80xi32, #tpu.memory_space<vmem>>)
        %dma_wait3A_528 = arith.constant 0 : i32
        %dma_wait3A_529 = arith.constant 0 : i32
        %dma_wait3A_530 = tpu.memref_slice %arg8[%dma_wait3A_528, %dma_wait3A_529] : memref<1x80xi32, #tpu.memory_space<vmem>> -> memref<1x80xi32, #tpu.memory_space<vmem>>
        %dma_wait3A_531 = tpu.memref_squeeze %dma_wait3A_530 : memref<1x80xi32, #tpu.memory_space<vmem>> -> memref<80xi32, #tpu.memory_space<vmem>>
        %dma_wait3A_532 = arith.constant 0 : i32
        %dma_wait3A_533 = tpu.memref_slice %arg4[%dma_wait3A_532] : memref<320000xi32, #tpu.memory_space<hbm>> -> memref<80xi32, #tpu.memory_space<hbm>>
        %dma_wait3A_534 = arith.constant 0 : i32
        %dma_wait3A_535 = tpu.memref_slice %arg8[%dma_wait3A_528, %dma_wait3A_534] : memref<1x80xi32, #tpu.memory_space<vmem>> -> memref<1x80xi32, #tpu.memory_space<vmem>>
        %dma_wait3A_536 = tpu.memref_squeeze %dma_wait3A_535 : memref<1x80xi32, #tpu.memory_space<vmem>> -> memref<80xi32, #tpu.memory_space<vmem>>
        %dma_wait3A_537 = arith.constant 0 : i32
        %dma_wait3A_538 = tpu.memref_slice %arg4[%dma_wait3A_537] : memref<320000xi32, #tpu.memory_space<hbm>> -> memref<80xi32, #tpu.memory_space<hbm>>
        tpu.wait_dma2 semaphore(%arg14 : memref<!tpu.dma_semaphore, #tpu.memory_space<semaphore_mem>>) src(%dma_wait3A_538 : memref<80xi32, #tpu.memory_space<hbm>>) dst(%dma_wait3A_536 : memref<80xi32, #tpu.memory_space<vmem>>)
        %dma_wait3A_539 = arith.constant 0 : i32
        %dma_wait3A_540 = tpu.memref_slice %arg5[%dma_wait3A_539] : memref<320000xf32, #tpu.memory_space<hbm>> -> memref<80xf32, #tpu.memory_space<hbm>>
        %dma_wait3A_541 = arith.constant 0 : i32
        %dma_wait3A_542 = tpu.memref_slice %arg5[%dma_wait3A_541] : memref<320000xf32, #tpu.memory_space<hbm>> -> memref<80xf32, #tpu.memory_space<hbm>>
        tpu.wait_dma2 semaphore(%arg14 : memref<!tpu.dma_semaphore, #tpu.memory_space<semaphore_mem>>) src(%dma_wait3A_542 : memref<80xf32, #tpu.memory_space<hbm>>) dst(%arg10 : memref<80xf32, #tpu.memory_space<vmem>>)
      } else {
      }
      %dma_wait3A_284 = arith.constant 0 : i32
      %dma_wait3A_285 = arith.constant 0 : i32
      %dma_wait3A_286 = tpu.memref_slice %arg9[%dma_wait3A_284, %dma_wait3A_285] : memref<1x80xi32, #tpu.memory_space<vmem>> -> memref<1x80xi32, #tpu.memory_space<vmem>>
      %dma_wait3A_287 = tpu.memref_squeeze %dma_wait3A_286 : memref<1x80xi32, #tpu.memory_space<vmem>> -> memref<80xi32, #tpu.memory_space<vmem>>
      %dma_wait3A_288 = arith.constant 0 : i32
      %dma_wait3A_289 = arith.constant 0 : i32
      %dma_wait3A_290 = tpu.memref_slice %arg34[%dma_wait3A_288, %dma_wait3A_289] : memref<10000x128xf32, #tpu.memory_space<vmem_shared>> -> memref<10000x128xf32, #tpu.memory_space<vmem_shared>>
      tpu.wait_indirect_dma semaphore(%arg15 : memref<!tpu.dma_semaphore, #tpu.memory_space<semaphore_mem>>) src(%arg12 : memref<80x128xf32, #tpu.memory_space<vmem>>) dst(%dma_wait3A_290 : memref<10000x128xf32, #tpu.memory_space<vmem_shared>>)
      %add3A_291 = arith.constant 1 : i32
      %add3A_292 = arith.addi %add3A_277, %add3A_291 : i32
      %lt3A_293 = arith.constant 125 : i32
      %lt3A_294 = arith.cmpi slt, %add3A_292, %lt3A_293 : i32
      %convert_element_type3A_295 = arith.extui %lt3A_294 : i1 to i32
      %cond3A_296 = arith.constant 0 : i32
      %cond3A_297 = arith.cmpi ne, %convert_element_type3A_295, %cond3A_296 : i32
      scf.if %cond3A_297 {
        %dma_start3A_524 = arith.constant 0 : i32
        %dma_start3A_525 = arith.constant 0 : i32
        %dma_start3A_526 = tpu.memref_slice %arg2[%dma_start3A_524, %dma_start3A_525] : memref<10000x128xbf16, #tpu.memory_space<hbm>> -> memref<10000x128xbf16, #tpu.memory_space<hbm>>
        tpu.enqueue_indirect_dma source(%dma_start3A_526 : memref<10000x128xbf16, #tpu.memory_space<hbm>>) target(%arg11 : memref<80x128xbf16, #tpu.memory_space<vmem>>) offsets(%arg7 : memref<80xi32, #tpu.memory_space<vmem>>) semaphore(%arg13 : memref<!tpu.dma_semaphore, #tpu.memory_space<semaphore_mem>>)
      } else {
      }
      %add3A_298 = arith.constant 2 : i32
      %add3A_299 = arith.addi %add3A_277, %add3A_298 : i32
      %lt3A_300 = arith.constant 125 : i32
      %lt3A_301 = arith.cmpi slt, %add3A_299, %lt3A_300 : i32
      %convert_element_type3A_302 = arith.extui %lt3A_301 : i1 to i32
      %cond3A_303 = arith.constant 0 : i32
      %cond3A_304 = arith.cmpi ne, %convert_element_type3A_302, %cond3A_303 : i32
      scf.if %cond3A_304 {
        %add3A_524 = arith.constant 2 : i32
        %add3A_525 = arith.addi %add3A_277, %add3A_524 : i32
        %mul3A_526 = arith.constant 80 : i32
        %mul3A_527 = arith.muli %add3A_525, %mul3A_526 : i32
        %add3A_528 = arith.addi %mul3A_16, %mul3A_527 : i32
        %dma_start3A_529 = tpu.memref_slice %arg3[%add3A_528] : memref<320000xi32, #tpu.memory_space<hbm>> -> memref<80xi32, #tpu.memory_space<hbm>>
        %dma_start3A_530 = tpu.memref_slice %arg3[%add3A_528] : memref<320000xi32, #tpu.memory_space<hbm>> -> memref<80xi32, #tpu.memory_space<hbm>>
        tpu.enqueue_dma source(%dma_start3A_530 : memref<80xi32, #tpu.memory_space<hbm>>) target(%arg16 : memref<80xi32, #tpu.memory_space<vmem>>) target_semaphore(%arg23 : memref<!tpu.dma_semaphore, #tpu.memory_space<semaphore_mem>>)
        %dma_start3A_531 = arith.constant 0 : i32
        %dma_start3A_532 = arith.constant 0 : i32
        %dma_start3A_533 = tpu.memref_slice %arg17[%dma_start3A_531, %dma_start3A_532] : memref<1x80xi32, #tpu.memory_space<vmem>> -> memref<1x80xi32, #tpu.memory_space<vmem>>
        %dma_start3A_534 = tpu.memref_squeeze %dma_start3A_533 : memref<1x80xi32, #tpu.memory_space<vmem>> -> memref<80xi32, #tpu.memory_space<vmem>>
        %dma_start3A_535 = tpu.memref_slice %arg4[%add3A_528] : memref<320000xi32, #tpu.memory_space<hbm>> -> memref<80xi32, #tpu.memory_space<hbm>>
        %dma_start3A_536 = arith.constant 0 : i32
        %dma_start3A_537 = tpu.memref_slice %arg17[%dma_start3A_531, %dma_start3A_536] : memref<1x80xi32, #tpu.memory_space<vmem>> -> memref<1x80xi32, #tpu.memory_space<vmem>>
        %dma_start3A_538 = tpu.memref_squeeze %dma_start3A_537 : memref<1x80xi32, #tpu.memory_space<vmem>> -> memref<80xi32, #tpu.memory_space<vmem>>
        %dma_start3A_539 = tpu.memref_slice %arg4[%add3A_528] : memref<320000xi32, #tpu.memory_space<hbm>> -> memref<80xi32, #tpu.memory_space<hbm>>
        tpu.enqueue_dma source(%dma_start3A_539 : memref<80xi32, #tpu.memory_space<hbm>>) target(%dma_start3A_538 : memref<80xi32, #tpu.memory_space<vmem>>) target_semaphore(%arg23 : memref<!tpu.dma_semaphore, #tpu.memory_space<semaphore_mem>>)
        %dma_start3A_540 = tpu.memref_slice %arg5[%add3A_528] : memref<320000xf32, #tpu.memory_space<hbm>> -> memref<80xf32, #tpu.memory_space<hbm>>
        %dma_start3A_541 = tpu.memref_slice %arg5[%add3A_528] : memref<320000xf32, #tpu.memory_space<hbm>> -> memref<80xf32, #tpu.memory_space<hbm>>
        tpu.enqueue_dma source(%dma_start3A_541 : memref<80xf32, #tpu.memory_space<hbm>>) target(%arg19 : memref<80xf32, #tpu.memory_space<vmem>>) target_semaphore(%arg23 : memref<!tpu.dma_semaphore, #tpu.memory_space<semaphore_mem>>)
      } else {
      }
      %dma_wait3A_305 = arith.constant 0 : i32
      %dma_wait3A_306 = arith.constant 0 : i32
      %dma_wait3A_307 = tpu.memref_slice %arg2[%dma_wait3A_305, %dma_wait3A_306] : memref<10000x128xbf16, #tpu.memory_space<hbm>> -> memref<10000x128xbf16, #tpu.memory_space<hbm>>
      tpu.wait_indirect_dma semaphore(%arg31 : memref<!tpu.dma_semaphore, #tpu.memory_space<semaphore_mem>>) src(%dma_wait3A_307 : memref<10000x128xbf16, #tpu.memory_space<hbm>>) dst(%arg29 : memref<80x128xbf16, #tpu.memory_space<vmem>>)
      %parallel_loop3A_308 = arith.constant 0 : i32
      %parallel_loop3A_309 = arith.constant 80 : i32
      %parallel_loop3A_310 = arith.constant 1 : i32
      scf.for %parallel_loop3A_524 = %parallel_loop3A_308 to %parallel_loop3A_309 step %parallel_loop3A_310  : i32 {
        %parallel_loop3A_525 = arith.constant 0 : i32
        %parallel_loop3A_526 = vector.broadcast %parallel_loop3A_525 : i32 to vector<16xi32>
        %parallel_loop3A_527 = vector.broadcast %parallel_loop3A_524 : i32 to vector<16xi32>
        %parallel_loop3A_528 = arith.addi %parallel_loop3A_526, %parallel_loop3A_527 : vector<16xi32>
        %parallel_loop3A_529 = tpu.vector_load_idx %arg28[%parallel_loop3A_528] : memref<80xf32, #tpu.memory_space<vmem>>[vector<16xi32>], vector<16xf32>,
        %parallel_loop3A_530 = arith.index_cast %parallel_loop3A_524 : i32 to index
        %parallel_loop3A_531 = arith.constant 0 : index
        %parallel_loop3A_532 = tpu.vector_load %arg29[%parallel_loop3A_530, %parallel_loop3A_531] {strides = array<i32>} : memref<80x128xbf16, #tpu.memory_space<vmem>>, vector<32xbf16>,
        %parallel_loop3A_533 = tpu.unpack_subelements %parallel_loop3A_532, 0 {pack_format = #tpu.pack_format<interleaved>} : vector<32xbf16> -> vector<16xf32>
        %parallel_loop3A_534 = tpu.unpack_subelements %parallel_loop3A_532, 1 {pack_format = #tpu.pack_format<interleaved>} : vector<32xbf16> -> vector<16xf32>
        %parallel_loop3A_535 = arith.mulf %parallel_loop3A_533, %parallel_loop3A_529 : vector<16xf32>
        %parallel_loop3A_536 = arith.index_cast %parallel_loop3A_524 : i32 to index
        %parallel_loop3A_537 = arith.constant 0 : index
        %parallel_loop3A_538 = tpu.vector_load %arg30[%parallel_loop3A_536, %parallel_loop3A_537] {strides = array<i32>} : memref<80x128xf32, #tpu.memory_space<vmem>>, vector<16xf32>,
        tpu.vector_store %arg30[%parallel_loop3A_536, %parallel_loop3A_537], %parallel_loop3A_535 {strides = array<i32>} : memref<80x128xf32, #tpu.memory_space<vmem>>, vector<16xf32>,
        %parallel_loop3A_539 = arith.mulf %parallel_loop3A_534, %parallel_loop3A_529 : vector<16xf32>
        %parallel_loop3A_540 = arith.index_cast %parallel_loop3A_524 : i32 to index
        %parallel_loop3A_541 = arith.constant 16 : index
        %parallel_loop3A_542 = tpu.vector_load %arg30[%parallel_loop3A_540, %parallel_loop3A_541] {strides = array<i32>} : memref<80x128xf32, #tpu.memory_space<vmem>>, vector<16xf32>,
        tpu.vector_store %arg30[%parallel_loop3A_540, %parallel_loop3A_541], %parallel_loop3A_539 {strides = array<i32>} : memref<80x128xf32, #tpu.memory_space<vmem>>, vector<16xf32>,
        %parallel_loop3A_543 = arith.index_cast %parallel_loop3A_524 : i32 to index
        %parallel_loop3A_544 = arith.constant 32 : index
        %parallel_loop3A_545 = tpu.vector_load %arg29[%parallel_loop3A_543, %parallel_loop3A_544] {strides = array<i32>} : memref<80x128xbf16, #tpu.memory_space<vmem>>, vector<32xbf16>,
        %parallel_loop3A_546 = tpu.unpack_subelements %parallel_loop3A_545, 0 {pack_format = #tpu.pack_format<interleaved>} : vector<32xbf16> -> vector<16xf32>
        %parallel_loop3A_547 = tpu.unpack_subelements %parallel_loop3A_545, 1 {pack_format = #tpu.pack_format<interleaved>} : vector<32xbf16> -> vector<16xf32>
        %parallel_loop3A_548 = arith.mulf %parallel_loop3A_546, %parallel_loop3A_529 : vector<16xf32>
        %parallel_loop3A_549 = arith.index_cast %parallel_loop3A_524 : i32 to index
        %parallel_loop3A_550 = arith.constant 32 : index
        %parallel_loop3A_551 = tpu.vector_load %arg30[%parallel_loop3A_549, %parallel_loop3A_550] {strides = array<i32>} : memref<80x128xf32, #tpu.memory_space<vmem>>, vector<16xf32>,
        tpu.vector_store %arg30[%parallel_loop3A_549, %parallel_loop3A_550], %parallel_loop3A_548 {strides = array<i32>} : memref<80x128xf32, #tpu.memory_space<vmem>>, vector<16xf32>,
        %parallel_loop3A_552 = arith.mulf %parallel_loop3A_547, %parallel_loop3A_529 : vector<16xf32>
        %parallel_loop3A_553 = arith.index_cast %parallel_loop3A_524 : i32 to index
        %parallel_loop3A_554 = arith.constant 48 : index
        %parallel_loop3A_555 = tpu.vector_load %arg30[%parallel_loop3A_553, %parallel_loop3A_554] {strides = array<i32>} : memref<80x128xf32, #tpu.memory_space<vmem>>, vector<16xf32>,
        tpu.vector_store %arg30[%parallel_loop3A_553, %parallel_loop3A_554], %parallel_loop3A_552 {strides = array<i32>} : memref<80x128xf32, #tpu.memory_space<vmem>>, vector<16xf32>,
        %parallel_loop3A_556 = arith.index_cast %parallel_loop3A_524 : i32 to index
        %parallel_loop3A_557 = arith.constant 64 : index
        %parallel_loop3A_558 = tpu.vector_load %arg29[%parallel_loop3A_556, %parallel_loop3A_557] {strides = array<i32>} : memref<80x128xbf16, #tpu.memory_space<vmem>>, vector<32xbf16>,
        %parallel_loop3A_559 = tpu.unpack_subelements %parallel_loop3A_558, 0 {pack_format = #tpu.pack_format<interleaved>} : vector<32xbf16> -> vector<16xf32>
        %parallel_loop3A_560 = tpu.unpack_subelements %parallel_loop3A_558, 1 {pack_format = #tpu.pack_format<interleaved>} : vector<32xbf16> -> vector<16xf32>
        %parallel_loop3A_561 = arith.mulf %parallel_loop3A_559, %parallel_loop3A_529 : vector<16xf32>
        %parallel_loop3A_562 = arith.index_cast %parallel_loop3A_524 : i32 to index
        %parallel_loop3A_563 = arith.constant 64 : index
        %parallel_loop3A_564 = tpu.vector_load %arg30[%parallel_loop3A_562, %parallel_loop3A_563] {strides = array<i32>} : memref<80x128xf32, #tpu.memory_space<vmem>>, vector<16xf32>,
        tpu.vector_store %arg30[%parallel_loop3A_562, %parallel_loop3A_563], %parallel_loop3A_561 {strides = array<i32>} : memref<80x128xf32, #tpu.memory_space<vmem>>, vector<16xf32>,
        %parallel_loop3A_565 = arith.mulf %parallel_loop3A_560, %parallel_loop3A_529 : vector<16xf32>
        %parallel_loop3A_566 = arith.index_cast %parallel_loop3A_524 : i32 to index
        %parallel_loop3A_567 = arith.constant 80 : index
        %parallel_loop3A_568 = tpu.vector_load %arg30[%parallel_loop3A_566, %parallel_loop3A_567] {strides = array<i32>} : memref<80x128xf32, #tpu.memory_space<vmem>>, vector<16xf32>,
        tpu.vector_store %arg30[%parallel_loop3A_566, %parallel_loop3A_567], %parallel_loop3A_565 {strides = array<i32>} : memref<80x128xf32, #tpu.memory_space<vmem>>, vector<16xf32>,
        %parallel_loop3A_569 = arith.index_cast %parallel_loop3A_524 : i32 to index
        %parallel_loop3A_570 = arith.constant 96 : index
        %parallel_loop3A_571 = tpu.vector_load %arg29[%parallel_loop3A_569, %parallel_loop3A_570] {strides = array<i32>} : memref<80x128xbf16, #tpu.memory_space<vmem>>, vector<32xbf16>,
        %parallel_loop3A_572 = tpu.unpack_subelements %parallel_loop3A_571, 0 {pack_format = #tpu.pack_format<interleaved>} : vector<32xbf16> -> vector<16xf32>
        %parallel_loop3A_573 = tpu.unpack_subelements %parallel_loop3A_571, 1 {pack_format = #tpu.pack_format<interleaved>} : vector<32xbf16> -> vector<16xf32>
        %parallel_loop3A_574 = arith.mulf %parallel_loop3A_572, %parallel_loop3A_529 : vector<16xf32>
        %parallel_loop3A_575 = arith.index_cast %parallel_loop3A_524 : i32 to index
        %parallel_loop3A_576 = arith.constant 96 : index
        %parallel_loop3A_577 = tpu.vector_load %arg30[%parallel_loop3A_575, %parallel_loop3A_576] {strides = array<i32>} : memref<80x128xf32, #tpu.memory_space<vmem>>, vector<16xf32>,
        tpu.vector_store %arg30[%parallel_loop3A_575, %parallel_loop3A_576], %parallel_loop3A_574 {strides = array<i32>} : memref<80x128xf32, #tpu.memory_space<vmem>>, vector<16xf32>,
        %parallel_loop3A_578 = arith.mulf %parallel_loop3A_573, %parallel_loop3A_529 : vector<16xf32>
        %parallel_loop3A_579 = arith.index_cast %parallel_loop3A_524 : i32 to index
        %parallel_loop3A_580 = arith.constant 112 : index
        %parallel_loop3A_581 = tpu.vector_load %arg30[%parallel_loop3A_579, %parallel_loop3A_580] {strides = array<i32>} : memref<80x128xf32, #tpu.memory_space<vmem>>, vector<16xf32>,
        tpu.vector_store %arg30[%parallel_loop3A_579, %parallel_loop3A_580], %parallel_loop3A_578 {strides = array<i32>} : memref<80x128xf32, #tpu.memory_space<vmem>>, vector<16xf32>,
      } {sc.loop_unroll_factor = 16 : i64, sc.parallel_access}
      %get3A_311 = arith.constant 0 : i32
      %get3A_312 = arith.index_cast %get3A_311 : i32 to index
      %get3A_313 = arith.constant 0 : index
      %get3A_314 = tpu.vector_load %arg26[%get3A_312, %get3A_313] {strides = array<i32>} : memref<1x80xi32, #tpu.memory_space<vmem>>, vector<16xi32>,
      %swap3A_315 = arith.constant 0 : i32
      %swap3A_316 = arith.index_cast %swap3A_315 : i32 to index
      %swap3A_317 = arith.constant 0 : index
      %swap3A_318 = tpu.vector_load %arg27[%swap3A_316, %swap3A_317] {strides = array<i32>} : memref<1x80xi32, #tpu.memory_space<vmem>>, vector<16xi32>,
      tpu.vector_store %arg27[%swap3A_316, %swap3A_317], %get3A_314 {strides = array<i32>} : memref<1x80xi32, #tpu.memory_space<vmem>>, vector<16xi32>,
      %get3A_319 = arith.constant 0 : i32
      %get3A_320 = arith.index_cast %get3A_319 : i32 to index
      %get3A_321 = arith.constant 16 : index
      %get3A_322 = tpu.vector_load %arg26[%get3A_320, %get3A_321] {strides = array<i32>} : memref<1x80xi32, #tpu.memory_space<vmem>>, vector<16xi32>,
      %swap3A_323 = arith.constant 0 : i32
      %swap3A_324 = arith.index_cast %swap3A_323 : i32 to index
      %swap3A_325 = arith.constant 16 : index
      %swap3A_326 = tpu.vector_load %arg27[%swap3A_324, %swap3A_325] {strides = array<i32>} : memref<1x80xi32, #tpu.memory_space<vmem>>, vector<16xi32>,
      tpu.vector_store %arg27[%swap3A_324, %swap3A_325], %get3A_322 {strides = array<i32>} : memref<1x80xi32, #tpu.memory_space<vmem>>, vector<16xi32>,
      %get3A_327 = arith.constant 0 : i32
      %get3A_328 = arith.index_cast %get3A_327 : i32 to index
      %get3A_329 = arith.constant 32 : index
      %get3A_330 = tpu.vector_load %arg26[%get3A_328, %get3A_329] {strides = array<i32>} : memref<1x80xi32, #tpu.memory_space<vmem>>, vector<16xi32>,
      %swap3A_331 = arith.constant 0 : i32
      %swap3A_332 = arith.index_cast %swap3A_331 : i32 to index
      %swap3A_333 = arith.constant 32 : index
      %swap3A_334 = tpu.vector_load %arg27[%swap3A_332, %swap3A_333] {strides = array<i32>} : memref<1x80xi32, #tpu.memory_space<vmem>>, vector<16xi32>,
      tpu.vector_store %arg27[%swap3A_332, %swap3A_333], %get3A_330 {strides = array<i32>} : memref<1x80xi32, #tpu.memory_space<vmem>>, vector<16xi32>,
      %get3A_335 = arith.constant 0 : i32
      %get3A_336 = arith.index_cast %get3A_335 : i32 to index
      %get3A_337 = arith.constant 48 : index
      %get3A_338 = tpu.vector_load %arg26[%get3A_336, %get3A_337] {strides = array<i32>} : memref<1x80xi32, #tpu.memory_space<vmem>>, vector<16xi32>,
      %swap3A_339 = arith.constant 0 : i32
      %swap3A_340 = arith.index_cast %swap3A_339 : i32 to index
      %swap3A_341 = arith.constant 48 : index
      %swap3A_342 = tpu.vector_load %arg27[%swap3A_340, %swap3A_341] {strides = array<i32>} : memref<1x80xi32, #tpu.memory_space<vmem>>, vector<16xi32>,
      tpu.vector_store %arg27[%swap3A_340, %swap3A_341], %get3A_338 {strides = array<i32>} : memref<1x80xi32, #tpu.memory_space<vmem>>, vector<16xi32>,
      %get3A_343 = arith.constant 0 : i32
      %get3A_344 = arith.index_cast %get3A_343 : i32 to index
      %get3A_345 = arith.constant 64 : index
      %get3A_346 = tpu.vector_load %arg26[%get3A_344, %get3A_345] {strides = array<i32>} : memref<1x80xi32, #tpu.memory_space<vmem>>, vector<16xi32>,
      %swap3A_347 = arith.constant 0 : i32
      %swap3A_348 = arith.index_cast %swap3A_347 : i32 to index
      %swap3A_349 = arith.constant 64 : index
      %swap3A_350 = tpu.vector_load %arg27[%swap3A_348, %swap3A_349] {strides = array<i32>} : memref<1x80xi32, #tpu.memory_space<vmem>>, vector<16xi32>,
      tpu.vector_store %arg27[%swap3A_348, %swap3A_349], %get3A_346 {strides = array<i32>} : memref<1x80xi32, #tpu.memory_space<vmem>>, vector<16xi32>,
      %dma_start3A_351 = arith.constant 0 : i32
      %dma_start3A_352 = arith.constant 0 : i32
      %dma_start3A_353 = tpu.memref_slice %arg27[%dma_start3A_351, %dma_start3A_352] : memref<1x80xi32, #tpu.memory_space<vmem>> -> memref<1x80xi32, #tpu.memory_space<vmem>>
      %dma_start3A_354 = tpu.memref_squeeze %dma_start3A_353 : memref<1x80xi32, #tpu.memory_space<vmem>> -> memref<80xi32, #tpu.memory_space<vmem>>
      %dma_start3A_355 = arith.constant 0 : i32
      %dma_start3A_356 = arith.constant 0 : i32
      %dma_start3A_357 = tpu.memref_slice %arg34[%dma_start3A_355, %dma_start3A_356] : memref<10000x128xf32, #tpu.memory_space<vmem_shared>> -> memref<10000x128xf32, #tpu.memory_space<vmem_shared>>
      tpu.enqueue_indirect_dma source(%arg30 : memref<80x128xf32, #tpu.memory_space<vmem>>) target(%dma_start3A_357 : memref<10000x128xf32, #tpu.memory_space<vmem_shared>>) offsets(%dma_start3A_354 : memref<80xi32, #tpu.memory_space<vmem>>) semaphore(%arg33 : memref<!tpu.dma_semaphore, #tpu.memory_space<semaphore_mem>>) {add = true}
      %add3A_358 = arith.constant 1 : i32
      %add3A_359 = arith.addi %add3A_277, %add3A_358 : i32
      %add3A_360 = arith.constant 1 : i32
      %add3A_361 = arith.addi %add3A_359, %add3A_360 : i32
      %lt3A_362 = arith.constant 125 : i32
      %lt3A_363 = arith.cmpi slt, %add3A_361, %lt3A_362 : i32
      %convert_element_type3A_364 = arith.extui %lt3A_363 : i1 to i32
      %cond3A_365 = arith.constant 0 : i32
      %cond3A_366 = arith.cmpi ne, %convert_element_type3A_364, %cond3A_365 : i32
      scf.if %cond3A_366 {
        %dma_wait3A_524 = arith.constant 0 : i32
        %dma_wait3A_525 = tpu.memref_slice %arg3[%dma_wait3A_524] : memref<320000xi32, #tpu.memory_space<hbm>> -> memref<80xi32, #tpu.memory_space<hbm>>
        %dma_wait3A_526 = arith.constant 0 : i32
        %dma_wait3A_527 = tpu.memref_slice %arg3[%dma_wait3A_526] : memref<320000xi32, #tpu.memory_space<hbm>> -> memref<80xi32, #tpu.memory_space<hbm>>
        tpu.wait_dma2 semaphore(%arg23 : memref<!tpu.dma_semaphore, #tpu.memory_space<semaphore_mem>>) src(%dma_wait3A_527 : memref<80xi32, #tpu.memory_space<hbm>>) dst(%arg16 : memref<80xi32, #tpu.memory_space<vmem>>)
        %dma_wait3A_528 = arith.constant 0 : i32
        %dma_wait3A_529 = arith.constant 0 : i32
        %dma_wait3A_530 = tpu.memref_slice %arg17[%dma_wait3A_528, %dma_wait3A_529] : memref<1x80xi32, #tpu.memory_space<vmem>> -> memref<1x80xi32, #tpu.memory_space<vmem>>
        %dma_wait3A_531 = tpu.memref_squeeze %dma_wait3A_530 : memref<1x80xi32, #tpu.memory_space<vmem>> -> memref<80xi32, #tpu.memory_space<vmem>>
        %dma_wait3A_532 = arith.constant 0 : i32
        %dma_wait3A_533 = tpu.memref_slice %arg4[%dma_wait3A_532] : memref<320000xi32, #tpu.memory_space<hbm>> -> memref<80xi32, #tpu.memory_space<hbm>>
        %dma_wait3A_534 = arith.constant 0 : i32
        %dma_wait3A_535 = tpu.memref_slice %arg17[%dma_wait3A_528, %dma_wait3A_534] : memref<1x80xi32, #tpu.memory_space<vmem>> -> memref<1x80xi32, #tpu.memory_space<vmem>>
        %dma_wait3A_536 = tpu.memref_squeeze %dma_wait3A_535 : memref<1x80xi32, #tpu.memory_space<vmem>> -> memref<80xi32, #tpu.memory_space<vmem>>
        %dma_wait3A_537 = arith.constant 0 : i32
        %dma_wait3A_538 = tpu.memref_slice %arg4[%dma_wait3A_537] : memref<320000xi32, #tpu.memory_space<hbm>> -> memref<80xi32, #tpu.memory_space<hbm>>
        tpu.wait_dma2 semaphore(%arg23 : memref<!tpu.dma_semaphore, #tpu.memory_space<semaphore_mem>>) src(%dma_wait3A_538 : memref<80xi32, #tpu.memory_space<hbm>>) dst(%dma_wait3A_536 : memref<80xi32, #tpu.memory_space<vmem>>)
        %dma_wait3A_539 = arith.constant 0 : i32
        %dma_wait3A_540 = tpu.memref_slice %arg5[%dma_wait3A_539] : memref<320000xf32, #tpu.memory_space<hbm>> -> memref<80xf32, #tpu.memory_space<hbm>>
        %dma_wait3A_541 = arith.constant 0 : i32
        %dma_wait3A_542 = tpu.memref_slice %arg5[%dma_wait3A_541] : memref<320000xf32, #tpu.memory_space<hbm>> -> memref<80xf32, #tpu.memory_space<hbm>>
        tpu.wait_dma2 semaphore(%arg23 : memref<!tpu.dma_semaphore, #tpu.memory_space<semaphore_mem>>) src(%dma_wait3A_542 : memref<80xf32, #tpu.memory_space<hbm>>) dst(%arg19 : memref<80xf32, #tpu.memory_space<vmem>>)
      } else {
      }
      %dma_wait3A_367 = arith.constant 0 : i32
      %dma_wait3A_368 = arith.constant 0 : i32
      %dma_wait3A_369 = tpu.memref_slice %arg18[%dma_wait3A_367, %dma_wait3A_368] : memref<1x80xi32, #tpu.memory_space<vmem>> -> memref<1x80xi32, #tpu.memory_space<vmem>>
      %dma_wait3A_370 = tpu.memref_squeeze %dma_wait3A_369 : memref<1x80xi32, #tpu.memory_space<vmem>> -> memref<80xi32, #tpu.memory_space<vmem>>
      %dma_wait3A_371 = arith.constant 0 : i32
      %dma_wait3A_372 = arith.constant 0 : i32
      %dma_wait3A_373 = tpu.memref_slice %arg34[%dma_wait3A_371, %dma_wait3A_372] : memref<10000x128xf32, #tpu.memory_space<vmem_shared>> -> memref<10000x128xf32, #tpu.memory_space<vmem_shared>>
      tpu.wait_indirect_dma semaphore(%arg24 : memref<!tpu.dma_semaphore, #tpu.memory_space<semaphore_mem>>) src(%arg21 : memref<80x128xf32, #tpu.memory_space<vmem>>) dst(%dma_wait3A_373 : memref<10000x128xf32, #tpu.memory_space<vmem_shared>>)
      %add3A_374 = arith.constant 1 : i32
      %add3A_375 = arith.addi %add3A_359, %add3A_374 : i32
      %lt3A_376 = arith.constant 125 : i32
      %lt3A_377 = arith.cmpi slt, %add3A_375, %lt3A_376 : i32
      %convert_element_type3A_378 = arith.extui %lt3A_377 : i1 to i32
      %cond3A_379 = arith.constant 0 : i32
      %cond3A_380 = arith.cmpi ne, %convert_element_type3A_378, %cond3A_379 : i32
      scf.if %cond3A_380 {
        %dma_start3A_524 = arith.constant 0 : i32
        %dma_start3A_525 = arith.constant 0 : i32
        %dma_start3A_526 = tpu.memref_slice %arg2[%dma_start3A_524, %dma_start3A_525] : memref<10000x128xbf16, #tpu.memory_space<hbm>> -> memref<10000x128xbf16, #tpu.memory_space<hbm>>
        tpu.enqueue_indirect_dma source(%dma_start3A_526 : memref<10000x128xbf16, #tpu.memory_space<hbm>>) target(%arg20 : memref<80x128xbf16, #tpu.memory_space<vmem>>) offsets(%arg16 : memref<80xi32, #tpu.memory_space<vmem>>) semaphore(%arg22 : memref<!tpu.dma_semaphore, #tpu.memory_space<semaphore_mem>>)
      } else {
      }
      %add3A_381 = arith.constant 2 : i32
      %add3A_382 = arith.addi %add3A_359, %add3A_381 : i32
      %lt3A_383 = arith.constant 125 : i32
      %lt3A_384 = arith.cmpi slt, %add3A_382, %lt3A_383 : i32
      %convert_element_type3A_385 = arith.extui %lt3A_384 : i1 to i32
      %cond3A_386 = arith.constant 0 : i32
      %cond3A_387 = arith.cmpi ne, %convert_element_type3A_385, %cond3A_386 : i32
      scf.if %cond3A_387 {
        %add3A_524 = arith.constant 2 : i32
        %add3A_525 = arith.addi %add3A_359, %add3A_524 : i32
        %mul3A_526 = arith.constant 80 : i32
        %mul3A_527 = arith.muli %add3A_525, %mul3A_526 : i32
        %add3A_528 = arith.addi %mul3A_16, %mul3A_527 : i32
        %dma_start3A_529 = tpu.memref_slice %arg3[%add3A_528] : memref<320000xi32, #tpu.memory_space<hbm>> -> memref<80xi32, #tpu.memory_space<hbm>>
        %dma_start3A_530 = tpu.memref_slice %arg3[%add3A_528] : memref<320000xi32, #tpu.memory_space<hbm>> -> memref<80xi32, #tpu.memory_space<hbm>>
        tpu.enqueue_dma source(%dma_start3A_530 : memref<80xi32, #tpu.memory_space<hbm>>) target(%arg25 : memref<80xi32, #tpu.memory_space<vmem>>) target_semaphore(%arg32 : memref<!tpu.dma_semaphore, #tpu.memory_space<semaphore_mem>>)
        %dma_start3A_531 = arith.constant 0 : i32
        %dma_start3A_532 = arith.constant 0 : i32
        %dma_start3A_533 = tpu.memref_slice %arg26[%dma_start3A_531, %dma_start3A_532] : memref<1x80xi32, #tpu.memory_space<vmem>> -> memref<1x80xi32, #tpu.memory_space<vmem>>
        %dma_start3A_534 = tpu.memref_squeeze %dma_start3A_533 : memref<1x80xi32, #tpu.memory_space<vmem>> -> memref<80xi32, #tpu.memory_space<vmem>>
        %dma_start3A_535 = tpu.memref_slice %arg4[%add3A_528] : memref<320000xi32, #tpu.memory_space<hbm>> -> memref<80xi32, #tpu.memory_space<hbm>>
        %dma_start3A_536 = arith.constant 0 : i32
        %dma_start3A_537 = tpu.memref_slice %arg26[%dma_start3A_531, %dma_start3A_536] : memref<1x80xi32, #tpu.memory_space<vmem>> -> memref<1x80xi32, #tpu.memory_space<vmem>>
        %dma_start3A_538 = tpu.memref_squeeze %dma_start3A_537 : memref<1x80xi32, #tpu.memory_space<vmem>> -> memref<80xi32, #tpu.memory_space<vmem>>
        %dma_start3A_539 = tpu.memref_slice %arg4[%add3A_528] : memref<320000xi32, #tpu.memory_space<hbm>> -> memref<80xi32, #tpu.memory_space<hbm>>
        tpu.enqueue_dma source(%dma_start3A_539 : memref<80xi32, #tpu.memory_space<hbm>>) target(%dma_start3A_538 : memref<80xi32, #tpu.memory_space<vmem>>) target_semaphore(%arg32 : memref<!tpu.dma_semaphore, #tpu.memory_space<semaphore_mem>>)
        %dma_start3A_540 = tpu.memref_slice %arg5[%add3A_528] : memref<320000xf32, #tpu.memory_space<hbm>> -> memref<80xf32, #tpu.memory_space<hbm>>
        %dma_start3A_541 = tpu.memref_slice %arg5[%add3A_528] : memref<320000xf32, #tpu.memory_space<hbm>> -> memref<80xf32, #tpu.memory_space<hbm>>
        tpu.enqueue_dma source(%dma_start3A_541 : memref<80xf32, #tpu.memory_space<hbm>>) target(%arg28 : memref<80xf32, #tpu.memory_space<vmem>>) target_semaphore(%arg32 : memref<!tpu.dma_semaphore, #tpu.memory_space<semaphore_mem>>)
      } else {
      }
      %dma_wait3A_388 = arith.constant 0 : i32
      %dma_wait3A_389 = arith.constant 0 : i32
      %dma_wait3A_390 = tpu.memref_slice %arg2[%dma_wait3A_388, %dma_wait3A_389] : memref<10000x128xbf16, #tpu.memory_space<hbm>> -> memref<10000x128xbf16, #tpu.memory_space<hbm>>
      tpu.wait_indirect_dma semaphore(%arg13 : memref<!tpu.dma_semaphore, #tpu.memory_space<semaphore_mem>>) src(%dma_wait3A_390 : memref<10000x128xbf16, #tpu.memory_space<hbm>>) dst(%arg11 : memref<80x128xbf16, #tpu.memory_space<vmem>>)
      %parallel_loop3A_391 = arith.constant 0 : i32
      %parallel_loop3A_392 = arith.constant 80 : i32
      %parallel_loop3A_393 = arith.constant 1 : i32
      scf.for %parallel_loop3A_524 = %parallel_loop3A_391 to %parallel_loop3A_392 step %parallel_loop3A_393  : i32 {
        %parallel_loop3A_525 = arith.constant 0 : i32
        %parallel_loop3A_526 = vector.broadcast %parallel_loop3A_525 : i32 to vector<16xi32>
        %parallel_loop3A_527 = vector.broadcast %parallel_loop3A_524 : i32 to vector<16xi32>
        %parallel_loop3A_528 = arith.addi %parallel_loop3A_526, %parallel_loop3A_527 : vector<16xi32>
        %parallel_loop3A_529 = tpu.vector_load_idx %arg10[%parallel_loop3A_528] : memref<80xf32, #tpu.memory_space<vmem>>[vector<16xi32>], vector<16xf32>,
        %parallel_loop3A_530 = arith.index_cast %parallel_loop3A_524 : i32 to index
        %parallel_loop3A_531 = arith.constant 0 : index
        %parallel_loop3A_532 = tpu.vector_load %arg11[%parallel_loop3A_530, %parallel_loop3A_531] {strides = array<i32>} : memref<80x128xbf16, #tpu.memory_space<vmem>>, vector<32xbf16>,
        %parallel_loop3A_533 = tpu.unpack_subelements %parallel_loop3A_532, 0 {pack_format = #tpu.pack_format<interleaved>} : vector<32xbf16> -> vector<16xf32>
        %parallel_loop3A_534 = tpu.unpack_subelements %parallel_loop3A_532, 1 {pack_format = #tpu.pack_format<interleaved>} : vector<32xbf16> -> vector<16xf32>
        %parallel_loop3A_535 = arith.mulf %parallel_loop3A_533, %parallel_loop3A_529 : vector<16xf32>
        %parallel_loop3A_536 = arith.index_cast %parallel_loop3A_524 : i32 to index
        %parallel_loop3A_537 = arith.constant 0 : index
        %parallel_loop3A_538 = tpu.vector_load %arg12[%parallel_loop3A_536, %parallel_loop3A_537] {strides = array<i32>} : memref<80x128xf32, #tpu.memory_space<vmem>>, vector<16xf32>,
        tpu.vector_store %arg12[%parallel_loop3A_536, %parallel_loop3A_537], %parallel_loop3A_535 {strides = array<i32>} : memref<80x128xf32, #tpu.memory_space<vmem>>, vector<16xf32>,
        %parallel_loop3A_539 = arith.mulf %parallel_loop3A_534, %parallel_loop3A_529 : vector<16xf32>
        %parallel_loop3A_540 = arith.index_cast %parallel_loop3A_524 : i32 to index
        %parallel_loop3A_541 = arith.constant 16 : index
        %parallel_loop3A_542 = tpu.vector_load %arg12[%parallel_loop3A_540, %parallel_loop3A_541] {strides = array<i32>} : memref<80x128xf32, #tpu.memory_space<vmem>>, vector<16xf32>,
        tpu.vector_store %arg12[%parallel_loop3A_540, %parallel_loop3A_541], %parallel_loop3A_539 {strides = array<i32>} : memref<80x128xf32, #tpu.memory_space<vmem>>, vector<16xf32>,
        %parallel_loop3A_543 = arith.index_cast %parallel_loop3A_524 : i32 to index
        %parallel_loop3A_544 = arith.constant 32 : index
        %parallel_loop3A_545 = tpu.vector_load %arg11[%parallel_loop3A_543, %parallel_loop3A_544] {strides = array<i32>} : memref<80x128xbf16, #tpu.memory_space<vmem>>, vector<32xbf16>,
        %parallel_loop3A_546 = tpu.unpack_subelements %parallel_loop3A_545, 0 {pack_format = #tpu.pack_format<interleaved>} : vector<32xbf16> -> vector<16xf32>
        %parallel_loop3A_547 = tpu.unpack_subelements %parallel_loop3A_545, 1 {pack_format = #tpu.pack_format<interleaved>} : vector<32xbf16> -> vector<16xf32>
        %parallel_loop3A_548 = arith.mulf %parallel_loop3A_546, %parallel_loop3A_529 : vector<16xf32>
        %parallel_loop3A_549 = arith.index_cast %parallel_loop3A_524 : i32 to index
        %parallel_loop3A_550 = arith.constant 32 : index
        %parallel_loop3A_551 = tpu.vector_load %arg12[%parallel_loop3A_549, %parallel_loop3A_550] {strides = array<i32>} : memref<80x128xf32, #tpu.memory_space<vmem>>, vector<16xf32>,
        tpu.vector_store %arg12[%parallel_loop3A_549, %parallel_loop3A_550], %parallel_loop3A_548 {strides = array<i32>} : memref<80x128xf32, #tpu.memory_space<vmem>>, vector<16xf32>,
        %parallel_loop3A_552 = arith.mulf %parallel_loop3A_547, %parallel_loop3A_529 : vector<16xf32>
        %parallel_loop3A_553 = arith.index_cast %parallel_loop3A_524 : i32 to index
        %parallel_loop3A_554 = arith.constant 48 : index
        %parallel_loop3A_555 = tpu.vector_load %arg12[%parallel_loop3A_553, %parallel_loop3A_554] {strides = array<i32>} : memref<80x128xf32, #tpu.memory_space<vmem>>, vector<16xf32>,
        tpu.vector_store %arg12[%parallel_loop3A_553, %parallel_loop3A_554], %parallel_loop3A_552 {strides = array<i32>} : memref<80x128xf32, #tpu.memory_space<vmem>>, vector<16xf32>,
        %parallel_loop3A_556 = arith.index_cast %parallel_loop3A_524 : i32 to index
        %parallel_loop3A_557 = arith.constant 64 : index
        %parallel_loop3A_558 = tpu.vector_load %arg11[%parallel_loop3A_556, %parallel_loop3A_557] {strides = array<i32>} : memref<80x128xbf16, #tpu.memory_space<vmem>>, vector<32xbf16>,
        %parallel_loop3A_559 = tpu.unpack_subelements %parallel_loop3A_558, 0 {pack_format = #tpu.pack_format<interleaved>} : vector<32xbf16> -> vector<16xf32>
        %parallel_loop3A_560 = tpu.unpack_subelements %parallel_loop3A_558, 1 {pack_format = #tpu.pack_format<interleaved>} : vector<32xbf16> -> vector<16xf32>
        %parallel_loop3A_561 = arith.mulf %parallel_loop3A_559, %parallel_loop3A_529 : vector<16xf32>
        %parallel_loop3A_562 = arith.index_cast %parallel_loop3A_524 : i32 to index
        %parallel_loop3A_563 = arith.constant 64 : index
        %parallel_loop3A_564 = tpu.vector_load %arg12[%parallel_loop3A_562, %parallel_loop3A_563] {strides = array<i32>} : memref<80x128xf32, #tpu.memory_space<vmem>>, vector<16xf32>,
        tpu.vector_store %arg12[%parallel_loop3A_562, %parallel_loop3A_563], %parallel_loop3A_561 {strides = array<i32>} : memref<80x128xf32, #tpu.memory_space<vmem>>, vector<16xf32>,
        %parallel_loop3A_565 = arith.mulf %parallel_loop3A_560, %parallel_loop3A_529 : vector<16xf32>
        %parallel_loop3A_566 = arith.index_cast %parallel_loop3A_524 : i32 to index
        %parallel_loop3A_567 = arith.constant 80 : index
        %parallel_loop3A_568 = tpu.vector_load %arg12[%parallel_loop3A_566, %parallel_loop3A_567] {strides = array<i32>} : memref<80x128xf32, #tpu.memory_space<vmem>>, vector<16xf32>,
        tpu.vector_store %arg12[%parallel_loop3A_566, %parallel_loop3A_567], %parallel_loop3A_565 {strides = array<i32>} : memref<80x128xf32, #tpu.memory_space<vmem>>, vector<16xf32>,
        %parallel_loop3A_569 = arith.index_cast %parallel_loop3A_524 : i32 to index
        %parallel_loop3A_570 = arith.constant 96 : index
        %parallel_loop3A_571 = tpu.vector_load %arg11[%parallel_loop3A_569, %parallel_loop3A_570] {strides = array<i32>} : memref<80x128xbf16, #tpu.memory_space<vmem>>, vector<32xbf16>,
        %parallel_loop3A_572 = tpu.unpack_subelements %parallel_loop3A_571, 0 {pack_format = #tpu.pack_format<interleaved>} : vector<32xbf16> -> vector<16xf32>
        %parallel_loop3A_573 = tpu.unpack_subelements %parallel_loop3A_571, 1 {pack_format = #tpu.pack_format<interleaved>} : vector<32xbf16> -> vector<16xf32>
        %parallel_loop3A_574 = arith.mulf %parallel_loop3A_572, %parallel_loop3A_529 : vector<16xf32>
        %parallel_loop3A_575 = arith.index_cast %parallel_loop3A_524 : i32 to index
        %parallel_loop3A_576 = arith.constant 96 : index
        %parallel_loop3A_577 = tpu.vector_load %arg12[%parallel_loop3A_575, %parallel_loop3A_576] {strides = array<i32>} : memref<80x128xf32, #tpu.memory_space<vmem>>, vector<16xf32>,
        tpu.vector_store %arg12[%parallel_loop3A_575, %parallel_loop3A_576], %parallel_loop3A_574 {strides = array<i32>} : memref<80x128xf32, #tpu.memory_space<vmem>>, vector<16xf32>,
        %parallel_loop3A_578 = arith.mulf %parallel_loop3A_573, %parallel_loop3A_529 : vector<16xf32>
        %parallel_loop3A_579 = arith.index_cast %parallel_loop3A_524 : i32 to index
        %parallel_loop3A_580 = arith.constant 112 : index
        %parallel_loop3A_581 = tpu.vector_load %arg12[%parallel_loop3A_579, %parallel_loop3A_580] {strides = array<i32>} : memref<80x128xf32, #tpu.memory_space<vmem>>, vector<16xf32>,
        tpu.vector_store %arg12[%parallel_loop3A_579, %parallel_loop3A_580], %parallel_loop3A_578 {strides = array<i32>} : memref<80x128xf32, #tpu.memory_space<vmem>>, vector<16xf32>,
      } {sc.loop_unroll_factor = 16 : i64, sc.parallel_access}
      %get3A_394 = arith.constant 0 : i32
      %get3A_395 = arith.index_cast %get3A_394 : i32 to index
      %get3A_396 = arith.constant 0 : index
      %get3A_397 = tpu.vector_load %arg8[%get3A_395, %get3A_396] {strides = array<i32>} : memref<1x80xi32, #tpu.memory_space<vmem>>, vector<16xi32>,
      %swap3A_398 = arith.constant 0 : i32
      %swap3A_399 = arith.index_cast %swap3A_398 : i32 to index
      %swap3A_400 = arith.constant 0 : index
      %swap3A_401 = tpu.vector_load %arg9[%swap3A_399, %swap3A_400] {strides = array<i32>} : memref<1x80xi32, #tpu.memory_space<vmem>>, vector<16xi32>,
      tpu.vector_store %arg9[%swap3A_399, %swap3A_400], %get3A_397 {strides = array<i32>} : memref<1x80xi32, #tpu.memory_space<vmem>>, vector<16xi32>,
      %get3A_402 = arith.constant 0 : i32
      %get3A_403 = arith.index_cast %get3A_402 : i32 to index
      %get3A_404 = arith.constant 16 : index
      %get3A_405 = tpu.vector_load %arg8[%get3A_403, %get3A_404] {strides = array<i32>} : memref<1x80xi32, #tpu.memory_space<vmem>>, vector<16xi32>,
      %swap3A_406 = arith.constant 0 : i32
      %swap3A_407 = arith.index_cast %swap3A_406 : i32 to index
      %swap3A_408 = arith.constant 16 : index
      %swap3A_409 = tpu.vector_load %arg9[%swap3A_407, %swap3A_408] {strides = array<i32>} : memref<1x80xi32, #tpu.memory_space<vmem>>, vector<16xi32>,
      tpu.vector_store %arg9[%swap3A_407, %swap3A_408], %get3A_405 {strides = array<i32>} : memref<1x80xi32, #tpu.memory_space<vmem>>, vector<16xi32>,
      %get3A_410 = arith.constant 0 : i32
      %get3A_411 = arith.index_cast %get3A_410 : i32 to index
      %get3A_412 = arith.constant 32 : index
      %get3A_413 = tpu.vector_load %arg8[%get3A_411, %get3A_412] {strides = array<i32>} : memref<1x80xi32, #tpu.memory_space<vmem>>, vector<16xi32>,
      %swap3A_414 = arith.constant 0 : i32
      %swap3A_415 = arith.index_cast %swap3A_414 : i32 to index
      %swap3A_416 = arith.constant 32 : index
      %swap3A_417 = tpu.vector_load %arg9[%swap3A_415, %swap3A_416] {strides = array<i32>} : memref<1x80xi32, #tpu.memory_space<vmem>>, vector<16xi32>,
      tpu.vector_store %arg9[%swap3A_415, %swap3A_416], %get3A_413 {strides = array<i32>} : memref<1x80xi32, #tpu.memory_space<vmem>>, vector<16xi32>,
      %get3A_418 = arith.constant 0 : i32
      %get3A_419 = arith.index_cast %get3A_418 : i32 to index
      %get3A_420 = arith.constant 48 : index
      %get3A_421 = tpu.vector_load %arg8[%get3A_419, %get3A_420] {strides = array<i32>} : memref<1x80xi32, #tpu.memory_space<vmem>>, vector<16xi32>,
      %swap3A_422 = arith.constant 0 : i32
      %swap3A_423 = arith.index_cast %swap3A_422 : i32 to index
      %swap3A_424 = arith.constant 48 : index
      %swap3A_425 = tpu.vector_load %arg9[%swap3A_423, %swap3A_424] {strides = array<i32>} : memref<1x80xi32, #tpu.memory_space<vmem>>, vector<16xi32>,
      tpu.vector_store %arg9[%swap3A_423, %swap3A_424], %get3A_421 {strides = array<i32>} : memref<1x80xi32, #tpu.memory_space<vmem>>, vector<16xi32>,
      %get3A_426 = arith.constant 0 : i32
      %get3A_427 = arith.index_cast %get3A_426 : i32 to index
      %get3A_428 = arith.constant 64 : index
      %get3A_429 = tpu.vector_load %arg8[%get3A_427, %get3A_428] {strides = array<i32>} : memref<1x80xi32, #tpu.memory_space<vmem>>, vector<16xi32>,
      %swap3A_430 = arith.constant 0 : i32
      %swap3A_431 = arith.index_cast %swap3A_430 : i32 to index
      %swap3A_432 = arith.constant 64 : index
      %swap3A_433 = tpu.vector_load %arg9[%swap3A_431, %swap3A_432] {strides = array<i32>} : memref<1x80xi32, #tpu.memory_space<vmem>>, vector<16xi32>,
      tpu.vector_store %arg9[%swap3A_431, %swap3A_432], %get3A_429 {strides = array<i32>} : memref<1x80xi32, #tpu.memory_space<vmem>>, vector<16xi32>,
      %dma_start3A_434 = arith.constant 0 : i32
      %dma_start3A_435 = arith.constant 0 : i32
      %dma_start3A_436 = tpu.memref_slice %arg9[%dma_start3A_434, %dma_start3A_435] : memref<1x80xi32, #tpu.memory_space<vmem>> -> memref<1x80xi32, #tpu.memory_space<vmem>>
      %dma_start3A_437 = tpu.memref_squeeze %dma_start3A_436 : memref<1x80xi32, #tpu.memory_space<vmem>> -> memref<80xi32, #tpu.memory_space<vmem>>
      %dma_start3A_438 = arith.constant 0 : i32
      %dma_start3A_439 = arith.constant 0 : i32
      %dma_start3A_440 = tpu.memref_slice %arg34[%dma_start3A_438, %dma_start3A_439] : memref<10000x128xf32, #tpu.memory_space<vmem_shared>> -> memref<10000x128xf32, #tpu.memory_space<vmem_shared>>
      tpu.enqueue_indirect_dma source(%arg12 : memref<80x128xf32, #tpu.memory_space<vmem>>) target(%dma_start3A_440 : memref<10000x128xf32, #tpu.memory_space<vmem_shared>>) offsets(%dma_start3A_437 : memref<80xi32, #tpu.memory_space<vmem>>) semaphore(%arg15 : memref<!tpu.dma_semaphore, #tpu.memory_space<semaphore_mem>>) {add = true}
      %add3A_441 = arith.constant 2 : i32
      %add3A_442 = arith.addi %add3A_277, %add3A_441 : i32
      %add3A_443 = arith.constant 1 : i32
      %add3A_444 = arith.addi %add3A_442, %add3A_443 : i32
      %lt3A_445 = arith.constant 125 : i32
      %lt3A_446 = arith.cmpi slt, %add3A_444, %lt3A_445 : i32
      %convert_element_type3A_447 = arith.extui %lt3A_446 : i1 to i32
      %cond3A_448 = arith.constant 0 : i32
      %cond3A_449 = arith.cmpi ne, %convert_element_type3A_447, %cond3A_448 : i32
      scf.if %cond3A_449 {
        %dma_wait3A_524 = arith.constant 0 : i32
        %dma_wait3A_525 = tpu.memref_slice %arg3[%dma_wait3A_524] : memref<320000xi32, #tpu.memory_space<hbm>> -> memref<80xi32, #tpu.memory_space<hbm>>
        %dma_wait3A_526 = arith.constant 0 : i32
        %dma_wait3A_527 = tpu.memref_slice %arg3[%dma_wait3A_526] : memref<320000xi32, #tpu.memory_space<hbm>> -> memref<80xi32, #tpu.memory_space<hbm>>
        tpu.wait_dma2 semaphore(%arg32 : memref<!tpu.dma_semaphore, #tpu.memory_space<semaphore_mem>>) src(%dma_wait3A_527 : memref<80xi32, #tpu.memory_space<hbm>>) dst(%arg25 : memref<80xi32, #tpu.memory_space<vmem>>)
        %dma_wait3A_528 = arith.constant 0 : i32
        %dma_wait3A_529 = arith.constant 0 : i32
        %dma_wait3A_530 = tpu.memref_slice %arg26[%dma_wait3A_528, %dma_wait3A_529] : memref<1x80xi32, #tpu.memory_space<vmem>> -> memref<1x80xi32, #tpu.memory_space<vmem>>
        %dma_wait3A_531 = tpu.memref_squeeze %dma_wait3A_530 : memref<1x80xi32, #tpu.memory_space<vmem>> -> memref<80xi32, #tpu.memory_space<vmem>>
        %dma_wait3A_532 = arith.constant 0 : i32
        %dma_wait3A_533 = tpu.memref_slice %arg4[%dma_wait3A_532] : memref<320000xi32, #tpu.memory_space<hbm>> -> memref<80xi32, #tpu.memory_space<hbm>>
        %dma_wait3A_534 = arith.constant 0 : i32
        %dma_wait3A_535 = tpu.memref_slice %arg26[%dma_wait3A_528, %dma_wait3A_534] : memref<1x80xi32, #tpu.memory_space<vmem>> -> memref<1x80xi32, #tpu.memory_space<vmem>>
        %dma_wait3A_536 = tpu.memref_squeeze %dma_wait3A_535 : memref<1x80xi32, #tpu.memory_space<vmem>> -> memref<80xi32, #tpu.memory_space<vmem>>
        %dma_wait3A_537 = arith.constant 0 : i32
        %dma_wait3A_538 = tpu.memref_slice %arg4[%dma_wait3A_537] : memref<320000xi32, #tpu.memory_space<hbm>> -> memref<80xi32, #tpu.memory_space<hbm>>
        tpu.wait_dma2 semaphore(%arg32 : memref<!tpu.dma_semaphore, #tpu.memory_space<semaphore_mem>>) src(%dma_wait3A_538 : memref<80xi32, #tpu.memory_space<hbm>>) dst(%dma_wait3A_536 : memref<80xi32, #tpu.memory_space<vmem>>)
        %dma_wait3A_539 = arith.constant 0 : i32
        %dma_wait3A_540 = tpu.memref_slice %arg5[%dma_wait3A_539] : memref<320000xf32, #tpu.memory_space<hbm>> -> memref<80xf32, #tpu.memory_space<hbm>>
        %dma_wait3A_541 = arith.constant 0 : i32
        %dma_wait3A_542 = tpu.memref_slice %arg5[%dma_wait3A_541] : memref<320000xf32, #tpu.memory_space<hbm>> -> memref<80xf32, #tpu.memory_space<hbm>>
        tpu.wait_dma2 semaphore(%arg32 : memref<!tpu.dma_semaphore, #tpu.memory_space<semaphore_mem>>) src(%dma_wait3A_542 : memref<80xf32, #tpu.memory_space<hbm>>) dst(%arg28 : memref<80xf32, #tpu.memory_space<vmem>>)
      } else {
      }
      %dma_wait3A_450 = arith.constant 0 : i32
      %dma_wait3A_451 = arith.constant 0 : i32
      %dma_wait3A_452 = tpu.memref_slice %arg27[%dma_wait3A_450, %dma_wait3A_451] : memref<1x80xi32, #tpu.memory_space<vmem>> -> memref<1x80xi32, #tpu.memory_space<vmem>>
      %dma_wait3A_453 = tpu.memref_squeeze %dma_wait3A_452 : memref<1x80xi32, #tpu.memory_space<vmem>> -> memref<80xi32, #tpu.memory_space<vmem>>
      %dma_wait3A_454 = arith.constant 0 : i32
      %dma_wait3A_455 = arith.constant 0 : i32
      %dma_wait3A_456 = tpu.memref_slice %arg34[%dma_wait3A_454, %dma_wait3A_455] : memref<10000x128xf32, #tpu.memory_space<vmem_shared>> -> memref<10000x128xf32, #tpu.memory_space<vmem_shared>>
      tpu.wait_indirect_dma semaphore(%arg33 : memref<!tpu.dma_semaphore, #tpu.memory_space<semaphore_mem>>) src(%arg30 : memref<80x128xf32, #tpu.memory_space<vmem>>) dst(%dma_wait3A_456 : memref<10000x128xf32, #tpu.memory_space<vmem_shared>>)
      %add3A_457 = arith.constant 1 : i32
      %add3A_458 = arith.addi %add3A_442, %add3A_457 : i32
      %lt3A_459 = arith.constant 125 : i32
      %lt3A_460 = arith.cmpi slt, %add3A_458, %lt3A_459 : i32
      %convert_element_type3A_461 = arith.extui %lt3A_460 : i1 to i32
      %cond3A_462 = arith.constant 0 : i32
      %cond3A_463 = arith.cmpi ne, %convert_element_type3A_461, %cond3A_462 : i32
      scf.if %cond3A_463 {
        %dma_start3A_524 = arith.constant 0 : i32
        %dma_start3A_525 = arith.constant 0 : i32
        %dma_start3A_526 = tpu.memref_slice %arg2[%dma_start3A_524, %dma_start3A_525] : memref<10000x128xbf16, #tpu.memory_space<hbm>> -> memref<10000x128xbf16, #tpu.memory_space<hbm>>
        tpu.enqueue_indirect_dma source(%dma_start3A_526 : memref<10000x128xbf16, #tpu.memory_space<hbm>>) target(%arg29 : memref<80x128xbf16, #tpu.memory_space<vmem>>) offsets(%arg25 : memref<80xi32, #tpu.memory_space<vmem>>) semaphore(%arg31 : memref<!tpu.dma_semaphore, #tpu.memory_space<semaphore_mem>>)
      } else {
      }
      %add3A_464 = arith.constant 2 : i32
      %add3A_465 = arith.addi %add3A_442, %add3A_464 : i32
      %lt3A_466 = arith.constant 125 : i32
      %lt3A_467 = arith.cmpi slt, %add3A_465, %lt3A_466 : i32
      %convert_element_type3A_468 = arith.extui %lt3A_467 : i1 to i32
      %cond3A_469 = arith.constant 0 : i32
      %cond3A_470 = arith.cmpi ne, %convert_element_type3A_468, %cond3A_469 : i32
      scf.if %cond3A_470 {
        %add3A_524 = arith.constant 2 : i32
        %add3A_525 = arith.addi %add3A_442, %add3A_524 : i32
        %mul3A_526 = arith.constant 80 : i32
        %mul3A_527 = arith.muli %add3A_525, %mul3A_526 : i32
        %add3A_528 = arith.addi %mul3A_16, %mul3A_527 : i32
        %dma_start3A_529 = tpu.memref_slice %arg3[%add3A_528] : memref<320000xi32, #tpu.memory_space<hbm>> -> memref<80xi32, #tpu.memory_space<hbm>>
        %dma_start3A_530 = tpu.memref_slice %arg3[%add3A_528] : memref<320000xi32, #tpu.memory_space<hbm>> -> memref<80xi32, #tpu.memory_space<hbm>>
        tpu.enqueue_dma source(%dma_start3A_530 : memref<80xi32, #tpu.memory_space<hbm>>) target(%arg7 : memref<80xi32, #tpu.memory_space<vmem>>) target_semaphore(%arg14 : memref<!tpu.dma_semaphore, #tpu.memory_space<semaphore_mem>>)
        %dma_start3A_531 = arith.constant 0 : i32
        %dma_start3A_532 = arith.constant 0 : i32
        %dma_start3A_533 = tpu.memref_slice %arg8[%dma_start3A_531, %dma_start3A_532] : memref<1x80xi32, #tpu.memory_space<vmem>> -> memref<1x80xi32, #tpu.memory_space<vmem>>
        %dma_start3A_534 = tpu.memref_squeeze %dma_start3A_533 : memref<1x80xi32, #tpu.memory_space<vmem>> -> memref<80xi32, #tpu.memory_space<vmem>>
        %dma_start3A_535 = tpu.memref_slice %arg4[%add3A_528] : memref<320000xi32, #tpu.memory_space<hbm>> -> memref<80xi32, #tpu.memory_space<hbm>>
        %dma_start3A_536 = arith.constant 0 : i32
        %dma_start3A_537 = tpu.memref_slice %arg8[%dma_start3A_531, %dma_start3A_536] : memref<1x80xi32, #tpu.memory_space<vmem>> -> memref<1x80xi32, #tpu.memory_space<vmem>>
        %dma_start3A_538 = tpu.memref_squeeze %dma_start3A_537 : memref<1x80xi32, #tpu.memory_space<vmem>> -> memref<80xi32, #tpu.memory_space<vmem>>
        %dma_start3A_539 = tpu.memref_slice %arg4[%add3A_528] : memref<320000xi32, #tpu.memory_space<hbm>> -> memref<80xi32, #tpu.memory_space<hbm>>
        tpu.enqueue_dma source(%dma_start3A_539 : memref<80xi32, #tpu.memory_space<hbm>>) target(%dma_start3A_538 : memref<80xi32, #tpu.memory_space<vmem>>) target_semaphore(%arg14 : memref<!tpu.dma_semaphore, #tpu.memory_space<semaphore_mem>>)
        %dma_start3A_540 = tpu.memref_slice %arg5[%add3A_528] : memref<320000xf32, #tpu.memory_space<hbm>> -> memref<80xf32, #tpu.memory_space<hbm>>
        %dma_start3A_541 = tpu.memref_slice %arg5[%add3A_528] : memref<320000xf32, #tpu.memory_space<hbm>> -> memref<80xf32, #tpu.memory_space<hbm>>
        tpu.enqueue_dma source(%dma_start3A_541 : memref<80xf32, #tpu.memory_space<hbm>>) target(%arg10 : memref<80xf32, #tpu.memory_space<vmem>>) target_semaphore(%arg14 : memref<!tpu.dma_semaphore, #tpu.memory_space<semaphore_mem>>)
      } else {
      }
      %dma_wait3A_471 = arith.constant 0 : i32
      %dma_wait3A_472 = arith.constant 0 : i32
      %dma_wait3A_473 = tpu.memref_slice %arg2[%dma_wait3A_471, %dma_wait3A_472] : memref<10000x128xbf16, #tpu.memory_space<hbm>> -> memref<10000x128xbf16, #tpu.memory_space<hbm>>
      tpu.wait_indirect_dma semaphore(%arg22 : memref<!tpu.dma_semaphore, #tpu.memory_space<semaphore_mem>>) src(%dma_wait3A_473 : memref<10000x128xbf16, #tpu.memory_space<hbm>>) dst(%arg20 : memref<80x128xbf16, #tpu.memory_space<vmem>>)
      %parallel_loop3A_474 = arith.constant 0 : i32
      %parallel_loop3A_475 = arith.constant 80 : i32
      %parallel_loop3A_476 = arith.constant 1 : i32
      scf.for %parallel_loop3A_524 = %parallel_loop3A_474 to %parallel_loop3A_475 step %parallel_loop3A_476  : i32 {
        %parallel_loop3A_525 = arith.constant 0 : i32
        %parallel_loop3A_526 = vector.broadcast %parallel_loop3A_525 : i32 to vector<16xi32>
        %parallel_loop3A_527 = vector.broadcast %parallel_loop3A_524 : i32 to vector<16xi32>
        %parallel_loop3A_528 = arith.addi %parallel_loop3A_526, %parallel_loop3A_527 : vector<16xi32>
        %parallel_loop3A_529 = tpu.vector_load_idx %arg19[%parallel_loop3A_528] : memref<80xf32, #tpu.memory_space<vmem>>[vector<16xi32>], vector<16xf32>,
        %parallel_loop3A_530 = arith.index_cast %parallel_loop3A_524 : i32 to index
        %parallel_loop3A_531 = arith.constant 0 : index
        %parallel_loop3A_532 = tpu.vector_load %arg20[%parallel_loop3A_530, %parallel_loop3A_531] {strides = array<i32>} : memref<80x128xbf16, #tpu.memory_space<vmem>>, vector<32xbf16>,
        %parallel_loop3A_533 = tpu.unpack_subelements %parallel_loop3A_532, 0 {pack_format = #tpu.pack_format<interleaved>} : vector<32xbf16> -> vector<16xf32>
        %parallel_loop3A_534 = tpu.unpack_subelements %parallel_loop3A_532, 1 {pack_format = #tpu.pack_format<interleaved>} : vector<32xbf16> -> vector<16xf32>
        %parallel_loop3A_535 = arith.mulf %parallel_loop3A_533, %parallel_loop3A_529 : vector<16xf32>
        %parallel_loop3A_536 = arith.index_cast %parallel_loop3A_524 : i32 to index
        %parallel_loop3A_537 = arith.constant 0 : index
        %parallel_loop3A_538 = tpu.vector_load %arg21[%parallel_loop3A_536, %parallel_loop3A_537] {strides = array<i32>} : memref<80x128xf32, #tpu.memory_space<vmem>>, vector<16xf32>,
        tpu.vector_store %arg21[%parallel_loop3A_536, %parallel_loop3A_537], %parallel_loop3A_535 {strides = array<i32>} : memref<80x128xf32, #tpu.memory_space<vmem>>, vector<16xf32>,
        %parallel_loop3A_539 = arith.mulf %parallel_loop3A_534, %parallel_loop3A_529 : vector<16xf32>
        %parallel_loop3A_540 = arith.index_cast %parallel_loop3A_524 : i32 to index
        %parallel_loop3A_541 = arith.constant 16 : index
        %parallel_loop3A_542 = tpu.vector_load %arg21[%parallel_loop3A_540, %parallel_loop3A_541] {strides = array<i32>} : memref<80x128xf32, #tpu.memory_space<vmem>>, vector<16xf32>,
        tpu.vector_store %arg21[%parallel_loop3A_540, %parallel_loop3A_541], %parallel_loop3A_539 {strides = array<i32>} : memref<80x128xf32, #tpu.memory_space<vmem>>, vector<16xf32>,
        %parallel_loop3A_543 = arith.index_cast %parallel_loop3A_524 : i32 to index
        %parallel_loop3A_544 = arith.constant 32 : index
        %parallel_loop3A_545 = tpu.vector_load %arg20[%parallel_loop3A_543, %parallel_loop3A_544] {strides = array<i32>} : memref<80x128xbf16, #tpu.memory_space<vmem>>, vector<32xbf16>,
        %parallel_loop3A_546 = tpu.unpack_subelements %parallel_loop3A_545, 0 {pack_format = #tpu.pack_format<interleaved>} : vector<32xbf16> -> vector<16xf32>
        %parallel_loop3A_547 = tpu.unpack_subelements %parallel_loop3A_545, 1 {pack_format = #tpu.pack_format<interleaved>} : vector<32xbf16> -> vector<16xf32>
        %parallel_loop3A_548 = arith.mulf %parallel_loop3A_546, %parallel_loop3A_529 : vector<16xf32>
        %parallel_loop3A_549 = arith.index_cast %parallel_loop3A_524 : i32 to index
        %parallel_loop3A_550 = arith.constant 32 : index
        %parallel_loop3A_551 = tpu.vector_load %arg21[%parallel_loop3A_549, %parallel_loop3A_550] {strides = array<i32>} : memref<80x128xf32, #tpu.memory_space<vmem>>, vector<16xf32>,
        tpu.vector_store %arg21[%parallel_loop3A_549, %parallel_loop3A_550], %parallel_loop3A_548 {strides = array<i32>} : memref<80x128xf32, #tpu.memory_space<vmem>>, vector<16xf32>,
        %parallel_loop3A_552 = arith.mulf %parallel_loop3A_547, %parallel_loop3A_529 : vector<16xf32>
        %parallel_loop3A_553 = arith.index_cast %parallel_loop3A_524 : i32 to index
        %parallel_loop3A_554 = arith.constant 48 : index
        %parallel_loop3A_555 = tpu.vector_load %arg21[%parallel_loop3A_553, %parallel_loop3A_554] {strides = array<i32>} : memref<80x128xf32, #tpu.memory_space<vmem>>, vector<16xf32>,
        tpu.vector_store %arg21[%parallel_loop3A_553, %parallel_loop3A_554], %parallel_loop3A_552 {strides = array<i32>} : memref<80x128xf32, #tpu.memory_space<vmem>>, vector<16xf32>,
        %parallel_loop3A_556 = arith.index_cast %parallel_loop3A_524 : i32 to index
        %parallel_loop3A_557 = arith.constant 64 : index
        %parallel_loop3A_558 = tpu.vector_load %arg20[%parallel_loop3A_556, %parallel_loop3A_557] {strides = array<i32>} : memref<80x128xbf16, #tpu.memory_space<vmem>>, vector<32xbf16>,
        %parallel_loop3A_559 = tpu.unpack_subelements %parallel_loop3A_558, 0 {pack_format = #tpu.pack_format<interleaved>} : vector<32xbf16> -> vector<16xf32>
        %parallel_loop3A_560 = tpu.unpack_subelements %parallel_loop3A_558, 1 {pack_format = #tpu.pack_format<interleaved>} : vector<32xbf16> -> vector<16xf32>
        %parallel_loop3A_561 = arith.mulf %parallel_loop3A_559, %parallel_loop3A_529 : vector<16xf32>
        %parallel_loop3A_562 = arith.index_cast %parallel_loop3A_524 : i32 to index
        %parallel_loop3A_563 = arith.constant 64 : index
        %parallel_loop3A_564 = tpu.vector_load %arg21[%parallel_loop3A_562, %parallel_loop3A_563] {strides = array<i32>} : memref<80x128xf32, #tpu.memory_space<vmem>>, vector<16xf32>,
        tpu.vector_store %arg21[%parallel_loop3A_562, %parallel_loop3A_563], %parallel_loop3A_561 {strides = array<i32>} : memref<80x128xf32, #tpu.memory_space<vmem>>, vector<16xf32>,
        %parallel_loop3A_565 = arith.mulf %parallel_loop3A_560, %parallel_loop3A_529 : vector<16xf32>
        %parallel_loop3A_566 = arith.index_cast %parallel_loop3A_524 : i32 to index
        %parallel_loop3A_567 = arith.constant 80 : index
        %parallel_loop3A_568 = tpu.vector_load %arg21[%parallel_loop3A_566, %parallel_loop3A_567] {strides = array<i32>} : memref<80x128xf32, #tpu.memory_space<vmem>>, vector<16xf32>,
        tpu.vector_store %arg21[%parallel_loop3A_566, %parallel_loop3A_567], %parallel_loop3A_565 {strides = array<i32>} : memref<80x128xf32, #tpu.memory_space<vmem>>, vector<16xf32>,
        %parallel_loop3A_569 = arith.index_cast %parallel_loop3A_524 : i32 to index
        %parallel_loop3A_570 = arith.constant 96 : index
        %parallel_loop3A_571 = tpu.vector_load %arg20[%parallel_loop3A_569, %parallel_loop3A_570] {strides = array<i32>} : memref<80x128xbf16, #tpu.memory_space<vmem>>, vector<32xbf16>,
        %parallel_loop3A_572 = tpu.unpack_subelements %parallel_loop3A_571, 0 {pack_format = #tpu.pack_format<interleaved>} : vector<32xbf16> -> vector<16xf32>
        %parallel_loop3A_573 = tpu.unpack_subelements %parallel_loop3A_571, 1 {pack_format = #tpu.pack_format<interleaved>} : vector<32xbf16> -> vector<16xf32>
        %parallel_loop3A_574 = arith.mulf %parallel_loop3A_572, %parallel_loop3A_529 : vector<16xf32>
        %parallel_loop3A_575 = arith.index_cast %parallel_loop3A_524 : i32 to index
        %parallel_loop3A_576 = arith.constant 96 : index
        %parallel_loop3A_577 = tpu.vector_load %arg21[%parallel_loop3A_575, %parallel_loop3A_576] {strides = array<i32>} : memref<80x128xf32, #tpu.memory_space<vmem>>, vector<16xf32>,
        tpu.vector_store %arg21[%parallel_loop3A_575, %parallel_loop3A_576], %parallel_loop3A_574 {strides = array<i32>} : memref<80x128xf32, #tpu.memory_space<vmem>>, vector<16xf32>,
        %parallel_loop3A_578 = arith.mulf %parallel_loop3A_573, %parallel_loop3A_529 : vector<16xf32>
        %parallel_loop3A_579 = arith.index_cast %parallel_loop3A_524 : i32 to index
        %parallel_loop3A_580 = arith.constant 112 : index
        %parallel_loop3A_581 = tpu.vector_load %arg21[%parallel_loop3A_579, %parallel_loop3A_580] {strides = array<i32>} : memref<80x128xf32, #tpu.memory_space<vmem>>, vector<16xf32>,
        tpu.vector_store %arg21[%parallel_loop3A_579, %parallel_loop3A_580], %parallel_loop3A_578 {strides = array<i32>} : memref<80x128xf32, #tpu.memory_space<vmem>>, vector<16xf32>,
      } {sc.loop_unroll_factor = 16 : i64, sc.parallel_access}
      %get3A_477 = arith.constant 0 : i32
      %get3A_478 = arith.index_cast %get3A_477 : i32 to index
      %get3A_479 = arith.constant 0 : index
      %get3A_480 = tpu.vector_load %arg17[%get3A_478, %get3A_479] {strides = array<i32>} : memref<1x80xi32, #tpu.memory_space<vmem>>, vector<16xi32>,
      %swap3A_481 = arith.constant 0 : i32
      %swap3A_482 = arith.index_cast %swap3A_481 : i32 to index
      %swap3A_483 = arith.constant 0 : index
      %swap3A_484 = tpu.vector_load %arg18[%swap3A_482, %swap3A_483] {strides = array<i32>} : memref<1x80xi32, #tpu.memory_space<vmem>>, vector<16xi32>,
      tpu.vector_store %arg18[%swap3A_482, %swap3A_483], %get3A_480 {strides = array<i32>} : memref<1x80xi32, #tpu.memory_space<vmem>>, vector<16xi32>,
      %get3A_485 = arith.constant 0 : i32
      %get3A_486 = arith.index_cast %get3A_485 : i32 to index
      %get3A_487 = arith.constant 16 : index
      %get3A_488 = tpu.vector_load %arg17[%get3A_486, %get3A_487] {strides = array<i32>} : memref<1x80xi32, #tpu.memory_space<vmem>>, vector<16xi32>,
      %swap3A_489 = arith.constant 0 : i32
      %swap3A_490 = arith.index_cast %swap3A_489 : i32 to index
      %swap3A_491 = arith.constant 16 : index
      %swap3A_492 = tpu.vector_load %arg18[%swap3A_490, %swap3A_491] {strides = array<i32>} : memref<1x80xi32, #tpu.memory_space<vmem>>, vector<16xi32>,
      tpu.vector_store %arg18[%swap3A_490, %swap3A_491], %get3A_488 {strides = array<i32>} : memref<1x80xi32, #tpu.memory_space<vmem>>, vector<16xi32>,
      %get3A_493 = arith.constant 0 : i32
      %get3A_494 = arith.index_cast %get3A_493 : i32 to index
      %get3A_495 = arith.constant 32 : index
      %get3A_496 = tpu.vector_load %arg17[%get3A_494, %get3A_495] {strides = array<i32>} : memref<1x80xi32, #tpu.memory_space<vmem>>, vector<16xi32>,
      %swap3A_497 = arith.constant 0 : i32
      %swap3A_498 = arith.index_cast %swap3A_497 : i32 to index
      %swap3A_499 = arith.constant 32 : index
      %swap3A_500 = tpu.vector_load %arg18[%swap3A_498, %swap3A_499] {strides = array<i32>} : memref<1x80xi32, #tpu.memory_space<vmem>>, vector<16xi32>,
      tpu.vector_store %arg18[%swap3A_498, %swap3A_499], %get3A_496 {strides = array<i32>} : memref<1x80xi32, #tpu.memory_space<vmem>>, vector<16xi32>,
      %get3A_501 = arith.constant 0 : i32
      %get3A_502 = arith.index_cast %get3A_501 : i32 to index
      %get3A_503 = arith.constant 48 : index
      %get3A_504 = tpu.vector_load %arg17[%get3A_502, %get3A_503] {strides = array<i32>} : memref<1x80xi32, #tpu.memory_space<vmem>>, vector<16xi32>,
      %swap3A_505 = arith.constant 0 : i32
      %swap3A_506 = arith.index_cast %swap3A_505 : i32 to index
      %swap3A_507 = arith.constant 48 : index
      %swap3A_508 = tpu.vector_load %arg18[%swap3A_506, %swap3A_507] {strides = array<i32>} : memref<1x80xi32, #tpu.memory_space<vmem>>, vector<16xi32>,
      tpu.vector_store %arg18[%swap3A_506, %swap3A_507], %get3A_504 {strides = array<i32>} : memref<1x80xi32, #tpu.memory_space<vmem>>, vector<16xi32>,
      %get3A_509 = arith.constant 0 : i32
      %get3A_510 = arith.index_cast %get3A_509 : i32 to index
      %get3A_511 = arith.constant 64 : index
      %get3A_512 = tpu.vector_load %arg17[%get3A_510, %get3A_511] {strides = array<i32>} : memref<1x80xi32, #tpu.memory_space<vmem>>, vector<16xi32>,
      %swap3A_513 = arith.constant 0 : i32
      %swap3A_514 = arith.index_cast %swap3A_513 : i32 to index
      %swap3A_515 = arith.constant 64 : index
      %swap3A_516 = tpu.vector_load %arg18[%swap3A_514, %swap3A_515] {strides = array<i32>} : memref<1x80xi32, #tpu.memory_space<vmem>>, vector<16xi32>,
      tpu.vector_store %arg18[%swap3A_514, %swap3A_515], %get3A_512 {strides = array<i32>} : memref<1x80xi32, #tpu.memory_space<vmem>>, vector<16xi32>,
      %dma_start3A_517 = arith.constant 0 : i32
      %dma_start3A_518 = arith.constant 0 : i32
      %dma_start3A_519 = tpu.memref_slice %arg18[%dma_start3A_517, %dma_start3A_518] : memref<1x80xi32, #tpu.memory_space<vmem>> -> memref<1x80xi32, #tpu.memory_space<vmem>>
      %dma_start3A_520 = tpu.memref_squeeze %dma_start3A_519 : memref<1x80xi32, #tpu.memory_space<vmem>> -> memref<80xi32, #tpu.memory_space<vmem>>
      %dma_start3A_521 = arith.constant 0 : i32
      %dma_start3A_522 = arith.constant 0 : i32
      %dma_start3A_523 = tpu.memref_slice %arg34[%dma_start3A_521, %dma_start3A_522] : memref<10000x128xf32, #tpu.memory_space<vmem_shared>> -> memref<10000x128xf32, #tpu.memory_space<vmem_shared>>
      tpu.enqueue_indirect_dma source(%arg21 : memref<80x128xf32, #tpu.memory_space<vmem>>) target(%dma_start3A_523 : memref<10000x128xf32, #tpu.memory_space<vmem_shared>>) offsets(%dma_start3A_520 : memref<80xi32, #tpu.memory_space<vmem>>) semaphore(%arg24 : memref<!tpu.dma_semaphore, #tpu.memory_space<semaphore_mem>>) {add = true}
    }
    %scan3A_248 = arith.constant 41 : i32
    %dma_wait3A_249 = arith.constant 0 : i32
    %dma_wait3A_250 = arith.constant 0 : i32
    %dma_wait3A_251 = tpu.memref_slice %arg9[%dma_wait3A_249, %dma_wait3A_250] : memref<1x80xi32, #tpu.memory_space<vmem>> -> memref<1x80xi32, #tpu.memory_space<vmem>>
    %dma_wait3A_252 = tpu.memref_squeeze %dma_wait3A_251 : memref<1x80xi32, #tpu.memory_space<vmem>> -> memref<80xi32, #tpu.memory_space<vmem>>
    %dma_wait3A_253 = arith.constant 0 : i32
    %dma_wait3A_254 = arith.constant 0 : i32
    %dma_wait3A_255 = tpu.memref_slice %arg34[%dma_wait3A_253, %dma_wait3A_254] : memref<10000x128xf32, #tpu.memory_space<vmem_shared>> -> memref<10000x128xf32, #tpu.memory_space<vmem_shared>>
    tpu.wait_indirect_dma semaphore(%arg15 : memref<!tpu.dma_semaphore, #tpu.memory_space<semaphore_mem>>) src(%arg12 : memref<80x128xf32, #tpu.memory_space<vmem>>) dst(%dma_wait3A_255 : memref<10000x128xf32, #tpu.memory_space<vmem_shared>>)
    %dma_wait3A_256 = arith.constant 0 : i32
    %dma_wait3A_257 = arith.constant 0 : i32
    %dma_wait3A_258 = tpu.memref_slice %arg18[%dma_wait3A_256, %dma_wait3A_257] : memref<1x80xi32, #tpu.memory_space<vmem>> -> memref<1x80xi32, #tpu.memory_space<vmem>>
    %dma_wait3A_259 = tpu.memref_squeeze %dma_wait3A_258 : memref<1x80xi32, #tpu.memory_space<vmem>> -> memref<80xi32, #tpu.memory_space<vmem>>
    %dma_wait3A_260 = arith.constant 0 : i32
    %dma_wait3A_261 = arith.constant 0 : i32
    %dma_wait3A_262 = tpu.memref_slice %arg34[%dma_wait3A_260, %dma_wait3A_261] : memref<10000x128xf32, #tpu.memory_space<vmem_shared>> -> memref<10000x128xf32, #tpu.memory_space<vmem_shared>>
    tpu.wait_indirect_dma semaphore(%arg24 : memref<!tpu.dma_semaphore, #tpu.memory_space<semaphore_mem>>) src(%arg21 : memref<80x128xf32, #tpu.memory_space<vmem>>) dst(%dma_wait3A_262 : memref<10000x128xf32, #tpu.memory_space<vmem_shared>>)
    %barrier3A_263 = arith.constant 0 : index
    tpu.barrier barrier_id(%barrier3A_263)
    "tpu.region"() ({
      %run_scoped3A = tpu.sem_alloc : memref<!tpu.dma_semaphore, #tpu.memory_space<semaphore_mem>>
      %dma_start3A_269 = arith.constant 0 : i32
      %dma_start3A_270 = tpu.memref_slice %arg6[%arg0, %mul3A_7, %dma_start3A_269] : memref<2x10000x128xf32, #tpu.memory_space<hbm>> -> memref<1x624x128xf32, #tpu.memory_space<hbm>>
      %dma_start3A_271 = tpu.memref_squeeze %dma_start3A_270 : memref<1x624x128xf32, #tpu.memory_space<hbm>> -> memref<624x128xf32, #tpu.memory_space<hbm>>
      %dma_start3A_272 = arith.constant 0 : i32
      %dma_start3A_273 = tpu.memref_slice %arg34[%mul3A_7, %dma_start3A_272] : memref<10000x128xf32, #tpu.memory_space<vmem_shared>> -> memref<624x128xf32, #tpu.memory_space<vmem_shared>>
      tpu.enqueue_dma source(%dma_start3A_273 : memref<624x128xf32, #tpu.memory_space<vmem_shared>>) target(%dma_start3A_271 : memref<624x128xf32, #tpu.memory_space<hbm>>) target_semaphore(%run_scoped3A : memref<!tpu.dma_semaphore, #tpu.memory_space<semaphore_mem>>)
      %dma_wait3A_274 = arith.constant 0 : i32
      %dma_wait3A_275 = tpu.memref_slice %arg6[%arg0, %mul3A_7, %dma_wait3A_274] : memref<2x10000x128xf32, #tpu.memory_space<hbm>> -> memref<1x624x128xf32, #tpu.memory_space<hbm>>
      %dma_wait3A_276 = tpu.memref_squeeze %dma_wait3A_275 : memref<1x624x128xf32, #tpu.memory_space<hbm>> -> memref<624x128xf32, #tpu.memory_space<hbm>>
      %dma_wait3A_277 = arith.constant 0 : i32
      %dma_wait3A_278 = tpu.memref_slice %arg34[%mul3A_7, %dma_wait3A_277] : memref<10000x128xf32, #tpu.memory_space<vmem_shared>> -> memref<624x128xf32, #tpu.memory_space<vmem_shared>>
      tpu.wait_dma2 semaphore(%run_scoped3A : memref<!tpu.dma_semaphore, #tpu.memory_space<semaphore_mem>>) src(%dma_wait3A_278 : memref<624x128xf32, #tpu.memory_space<vmem_shared>>) dst(%dma_wait3A_276 : memref<624x128xf32, #tpu.memory_space<hbm>>)
      tpu.yield
    }) : () -> ()
    %eq3A_264 = arith.constant 0 : i32
    %eq3A_265 = arith.cmpi eq, %arg1, %eq3A_264 : i32
    %convert_element_type3A_266 = arith.extui %eq3A_265 : i1 to i32
    %cond3A_267 = arith.constant 0 : i32
    %cond3A_268 = arith.cmpi ne, %convert_element_type3A_266, %cond3A_267 : i32
    scf.if %cond3A_268 {
      "tpu.region"() ({
        %run_scoped3A = tpu.sem_alloc : memref<!tpu.dma_semaphore, #tpu.memory_space<semaphore_mem>>
        %dma_start3A_269 = arith.constant 9984 : i32
        %dma_start3A_270 = arith.constant 0 : i32
        %dma_start3A_271 = tpu.memref_slice %arg6[%arg0, %dma_start3A_269, %dma_start3A_270] : memref<2x10000x128xf32, #tpu.memory_space<hbm>> -> memref<1x16x128xf32, #tpu.memory_space<hbm>>
        %dma_start3A_272 = tpu.memref_squeeze %dma_start3A_271 : memref<1x16x128xf32, #tpu.memory_space<hbm>> -> memref<16x128xf32, #tpu.memory_space<hbm>>
        %dma_start3A_273 = arith.constant 9984 : i32
        %dma_start3A_274 = arith.constant 0 : i32
        %dma_start3A_275 = tpu.memref_slice %arg34[%dma_start3A_273, %dma_start3A_274] : memref<10000x128xf32, #tpu.memory_space<vmem_shared>> -> memref<16x128xf32, #tpu.memory_space<vmem_shared>>
        tpu.enqueue_dma source(%dma_start3A_275 : memref<16x128xf32, #tpu.memory_space<vmem_shared>>) target(%dma_start3A_272 : memref<16x128xf32, #tpu.memory_space<hbm>>) target_semaphore(%run_scoped3A : memref<!tpu.dma_semaphore, #tpu.memory_space<semaphore_mem>>)
        %dma_wait3A_276 = arith.constant 9984 : i32
        %dma_wait3A_277 = arith.constant 0 : i32
        %dma_wait3A_278 = tpu.memref_slice %arg6[%arg0, %dma_wait3A_276, %dma_wait3A_277] : memref<2x10000x128xf32, #tpu.memory_space<hbm>> -> memref<1x16x128xf32, #tpu.memory_space<hbm>>
        %dma_wait3A_279 = tpu.memref_squeeze %dma_wait3A_278 : memref<1x16x128xf32, #tpu.memory_space<hbm>> -> memref<16x128xf32, #tpu.memory_space<hbm>>
        %dma_wait3A_280 = arith.constant 9984 : i32
        %dma_wait3A_281 = arith.constant 0 : i32
        %dma_wait3A_282 = tpu.memref_slice %arg34[%dma_wait3A_280, %dma_wait3A_281] : memref<10000x128xf32, #tpu.memory_space<vmem_shared>> -> memref<16x128xf32, #tpu.memory_space<vmem_shared>>
        tpu.wait_dma2 semaphore(%run_scoped3A : memref<!tpu.dma_semaphore, #tpu.memory_space<semaphore_mem>>) src(%dma_wait3A_282 : memref<16x128xf32, #tpu.memory_space<vmem_shared>>) dst(%dma_wait3A_279 : memref<16x128xf32, #tpu.memory_space<hbm>>)
        tpu.yield
      }) : () -> ()
    } else {
    }
    return
  }
}

#map = affine_map<(d0, d1) -> (0)>
#map1 = affine_map<(d0, d1) -> (0, 0, 0)>
module attributes {stable_mosaic.version = 14 : i64} {
  func.func @_deg_kernel(%arg0: i32, %arg1: i32, %arg2: memref<320000xi32, #tpu.memory_space<hbm>>, %arg3: memref<320000xi32, #tpu.memory_space<hbm>>, %arg4: memref<320000xf32, #tpu.memory_space<hbm>>, %arg5: memref<10x32x1000xf32, #tpu.memory_space<hbm>>, %arg6: memref<10x32x1000xf32, #tpu.memory_space<hbm>>, %arg7: memref<10000xi32, #tpu.memory_space<vmem>>, %arg8: memref<10000xi32, #tpu.memory_space<vmem>>, %arg9: memref<10000xf32, #tpu.memory_space<vmem>>, %arg10: memref<10000xf32, #tpu.memory_space<vmem>>, %arg11: memref<10000xf32, #tpu.memory_space<vmem>>) attributes {dimension_semantics = [#tpu.dimension_semantics<core_parallel>, #tpu.dimension_semantics<subcore_parallel>], iteration_bounds = array<i64: 2, 16>, scalar_prefetch = 0 : i64, scratch_operands = 5 : i64, tpu.core_type = #tpu.core_type<sc_vector_subcore>, window_params = [{transform_indices = #map}, {transform_indices = #map}, {transform_indices = #map}, {transform_indices = #map1}, {transform_indices = #map1}]} {
    %mul3A = arith.constant 16 : i32
    %mul3A_0 = arith.muli %arg0, %mul3A : i32
    %add3A = arith.addi %mul3A_0, %arg1 : i32
    %mul3A_1 = arith.constant 10000 : i32
    %mul3A_2 = arith.muli %add3A, %mul3A_1 : i32
    "tpu.region"() ({
      %run_scoped3A_32 = tpu.sem_alloc : memref<!tpu.dma_semaphore, #tpu.memory_space<semaphore_mem>>
      %dma_start3A = tpu.memref_slice %arg2[%mul3A_2] : memref<320000xi32, #tpu.memory_space<hbm>> -> memref<10000xi32, #tpu.memory_space<hbm>>
      %dma_start3A_33 = tpu.memref_slice %arg2[%mul3A_2] : memref<320000xi32, #tpu.memory_space<hbm>> -> memref<10000xi32, #tpu.memory_space<hbm>>
      tpu.enqueue_dma source(%dma_start3A_33 : memref<10000xi32, #tpu.memory_space<hbm>>) target(%arg7 : memref<10000xi32, #tpu.memory_space<vmem>>) target_semaphore(%run_scoped3A_32 : memref<!tpu.dma_semaphore, #tpu.memory_space<semaphore_mem>>)
      %dma_wait3A = tpu.memref_slice %arg2[%mul3A_2] : memref<320000xi32, #tpu.memory_space<hbm>> -> memref<10000xi32, #tpu.memory_space<hbm>>
      %dma_wait3A_34 = tpu.memref_slice %arg2[%mul3A_2] : memref<320000xi32, #tpu.memory_space<hbm>> -> memref<10000xi32, #tpu.memory_space<hbm>>
      tpu.wait_dma2 semaphore(%run_scoped3A_32 : memref<!tpu.dma_semaphore, #tpu.memory_space<semaphore_mem>>) src(%dma_wait3A_34 : memref<10000xi32, #tpu.memory_space<hbm>>) dst(%arg7 : memref<10000xi32, #tpu.memory_space<vmem>>)
      tpu.yield
    }) : () -> ()
    "tpu.region"() ({
      %run_scoped3A_32 = tpu.sem_alloc : memref<!tpu.dma_semaphore, #tpu.memory_space<semaphore_mem>>
      %dma_start3A = tpu.memref_slice %arg3[%mul3A_2] : memref<320000xi32, #tpu.memory_space<hbm>> -> memref<10000xi32, #tpu.memory_space<hbm>>
      %dma_start3A_33 = tpu.memref_slice %arg3[%mul3A_2] : memref<320000xi32, #tpu.memory_space<hbm>> -> memref<10000xi32, #tpu.memory_space<hbm>>
      tpu.enqueue_dma source(%dma_start3A_33 : memref<10000xi32, #tpu.memory_space<hbm>>) target(%arg8 : memref<10000xi32, #tpu.memory_space<vmem>>) target_semaphore(%run_scoped3A_32 : memref<!tpu.dma_semaphore, #tpu.memory_space<semaphore_mem>>)
      %dma_wait3A = tpu.memref_slice %arg3[%mul3A_2] : memref<320000xi32, #tpu.memory_space<hbm>> -> memref<10000xi32, #tpu.memory_space<hbm>>
      %dma_wait3A_34 = tpu.memref_slice %arg3[%mul3A_2] : memref<320000xi32, #tpu.memory_space<hbm>> -> memref<10000xi32, #tpu.memory_space<hbm>>
      tpu.wait_dma2 semaphore(%run_scoped3A_32 : memref<!tpu.dma_semaphore, #tpu.memory_space<semaphore_mem>>) src(%dma_wait3A_34 : memref<10000xi32, #tpu.memory_space<hbm>>) dst(%arg8 : memref<10000xi32, #tpu.memory_space<vmem>>)
      tpu.yield
    }) : () -> ()
    "tpu.region"() ({
      %run_scoped3A_32 = tpu.sem_alloc : memref<!tpu.dma_semaphore, #tpu.memory_space<semaphore_mem>>
      %dma_start3A = tpu.memref_slice %arg4[%mul3A_2] : memref<320000xf32, #tpu.memory_space<hbm>> -> memref<10000xf32, #tpu.memory_space<hbm>>
      %dma_start3A_33 = tpu.memref_slice %arg4[%mul3A_2] : memref<320000xf32, #tpu.memory_space<hbm>> -> memref<10000xf32, #tpu.memory_space<hbm>>
      tpu.enqueue_dma source(%dma_start3A_33 : memref<10000xf32, #tpu.memory_space<hbm>>) target(%arg9 : memref<10000xf32, #tpu.memory_space<vmem>>) target_semaphore(%run_scoped3A_32 : memref<!tpu.dma_semaphore, #tpu.memory_space<semaphore_mem>>)
      %dma_wait3A = tpu.memref_slice %arg4[%mul3A_2] : memref<320000xf32, #tpu.memory_space<hbm>> -> memref<10000xf32, #tpu.memory_space<hbm>>
      %dma_wait3A_34 = tpu.memref_slice %arg4[%mul3A_2] : memref<320000xf32, #tpu.memory_space<hbm>> -> memref<10000xf32, #tpu.memory_space<hbm>>
      tpu.wait_dma2 semaphore(%run_scoped3A_32 : memref<!tpu.dma_semaphore, #tpu.memory_space<semaphore_mem>>) src(%dma_wait3A_34 : memref<10000xf32, #tpu.memory_space<hbm>>) dst(%arg9 : memref<10000xf32, #tpu.memory_space<vmem>>)
      tpu.yield
    }) : () -> ()
    %broadcast_in_dim3A = arith.constant 0.000000e+00 : f32
    %broadcast_in_dim3A_3 = vector.broadcast %broadcast_in_dim3A : f32 to vector<16xf32>
    %scan3A = arith.constant 0 : i32
    %scan3A_4 = arith.constant 625 : i32
    %scan3A_5 = arith.addi %scan3A, %scan3A_4 : i32
    %scan3A_6 = arith.constant 1 : i32
    scf.for %scan3A_32 = %scan3A to %scan3A_5 step %scan3A_6  : i32 {
      %mul3A_33 = arith.constant 1 : i32
      %mul3A_34 = arith.muli %scan3A_32, %mul3A_33 : i32
      %add3A_35 = arith.constant 0 : i32
      %add3A_36 = arith.addi %add3A_35, %mul3A_34 : i32
      %mul3A_37 = arith.constant 16 : i32
      %mul3A_38 = arith.muli %add3A_36, %mul3A_37 : i32
      %swap3A = arith.index_cast %mul3A_38 : i32 to index
      %swap3A_39 = tpu.vector_load %arg10[%swap3A] {strides = array<i32>} : memref<10000xf32, #tpu.memory_space<vmem>>, vector<16xf32>,
      tpu.vector_store %arg10[%swap3A], %broadcast_in_dim3A_3 {strides = array<i32>} : memref<10000xf32, #tpu.memory_space<vmem>>, vector<16xf32>,
      %mul3A_40 = arith.constant 16 : i32
      %mul3A_41 = arith.muli %add3A_36, %mul3A_40 : i32
      %swap3A_42 = arith.index_cast %mul3A_41 : i32 to index
      %swap3A_43 = tpu.vector_load %arg11[%swap3A_42] {strides = array<i32>} : memref<10000xf32, #tpu.memory_space<vmem>>, vector<16xf32>,
      tpu.vector_store %arg11[%swap3A_42], %broadcast_in_dim3A_3 {strides = array<i32>} : memref<10000xf32, #tpu.memory_space<vmem>>, vector<16xf32>,
    }
    %scan3A_7 = arith.constant 625 : i32
    %scan3A_8 = arith.constant 0 : i32
    %scan3A_9 = arith.constant 625 : i32
    %scan3A_10 = arith.addi %scan3A_8, %scan3A_9 : i32
    %scan3A_11 = arith.constant 1 : i32
    scf.for %scan3A_32 = %scan3A_8 to %scan3A_10 step %scan3A_11  : i32 {
      %mul3A_33 = arith.constant 1 : i32
      %mul3A_34 = arith.muli %scan3A_32, %mul3A_33 : i32
      %add3A_35 = arith.constant 0 : i32
      %add3A_36 = arith.addi %add3A_35, %mul3A_34 : i32
      %mul3A_37 = arith.constant 16 : i32
      %mul3A_38 = arith.muli %add3A_36, %mul3A_37 : i32
      %get3A = arith.index_cast %mul3A_38 : i32 to index
      %get3A_39 = tpu.vector_load %arg9[%get3A] {strides = array<i32>} : memref<10000xf32, #tpu.memory_space<vmem>>, vector<16xf32>,
      %get3A_40 = arith.index_cast %mul3A_38 : i32 to index
      %get3A_41 = tpu.vector_load %arg7[%get3A_40] {strides = array<i32>} : memref<10000xi32, #tpu.memory_space<vmem>>, vector<16xi32>,
      tpu.vector_store_idx %arg10[%get3A_41], %get3A_39 {add = true} : memref<10000xf32, #tpu.memory_space<vmem>>[vector<16xi32>], vector<16xf32>,
      %get3A_42 = arith.index_cast %mul3A_38 : i32 to index
      %get3A_43 = tpu.vector_load %arg8[%get3A_42] {strides = array<i32>} : memref<10000xi32, #tpu.memory_space<vmem>>, vector<16xi32>,
      tpu.vector_store_idx %arg11[%get3A_43], %get3A_39 {add = true} : memref<10000xf32, #tpu.memory_space<vmem>>[vector<16xi32>], vector<16xf32>,
    }
    %scan3A_12 = arith.constant 625 : i32
    %run_scoped3A = arith.constant 0 : i32
    "tpu.region"() ({
      %run_scoped3A_32 = tpu.sem_alloc : memref<!tpu.dma_semaphore, #tpu.memory_space<semaphore_mem>>
      %dma_start3A = arith.constant 0 : i32
      %dma_start3A_33 = tpu.memref_slice %arg10[%dma_start3A] : memref<10000xf32, #tpu.memory_space<vmem>> -> memref<1000xf32, #tpu.memory_space<vmem>>
      %dma_start3A_34 = arith.constant 0 : i32
      %dma_start3A_35 = tpu.memref_slice %arg5[%run_scoped3A, %add3A, %dma_start3A_34] : memref<10x32x1000xf32, #tpu.memory_space<hbm>> -> memref<1x1x1000xf32, #tpu.memory_space<hbm>>
      %dma_start3A_36 = tpu.memref_squeeze %dma_start3A_35 : memref<1x1x1000xf32, #tpu.memory_space<hbm>> -> memref<1000xf32, #tpu.memory_space<hbm>>
      %dma_start3A_37 = arith.constant 0 : i32
      %dma_start3A_38 = tpu.memref_slice %arg5[%run_scoped3A, %add3A, %dma_start3A_37] : memref<10x32x1000xf32, #tpu.memory_space<hbm>> -> memref<1x1x1000xf32, #tpu.memory_space<hbm>>
      %dma_start3A_39 = tpu.memref_squeeze %dma_start3A_38 : memref<1x1x1000xf32, #tpu.memory_space<hbm>> -> memref<1000xf32, #tpu.memory_space<hbm>>
      %dma_start3A_40 = arith.constant 0 : i32
      %dma_start3A_41 = tpu.memref_slice %arg10[%dma_start3A_40] : memref<10000xf32, #tpu.memory_space<vmem>> -> memref<1000xf32, #tpu.memory_space<vmem>>
      tpu.enqueue_dma source(%dma_start3A_41 : memref<1000xf32, #tpu.memory_space<vmem>>) target(%dma_start3A_39 : memref<1000xf32, #tpu.memory_space<hbm>>) target_semaphore(%run_scoped3A_32 : memref<!tpu.dma_semaphore, #tpu.memory_space<semaphore_mem>>)
      %dma_wait3A = arith.constant 0 : i32
      %dma_wait3A_42 = tpu.memref_slice %arg10[%dma_wait3A] : memref<10000xf32, #tpu.memory_space<vmem>> -> memref<1000xf32, #tpu.memory_space<vmem>>
      %dma_wait3A_43 = arith.constant 0 : i32
      %dma_wait3A_44 = tpu.memref_slice %arg5[%run_scoped3A, %add3A, %dma_wait3A_43] : memref<10x32x1000xf32, #tpu.memory_space<hbm>> -> memref<1x1x1000xf32, #tpu.memory_space<hbm>>
      %dma_wait3A_45 = tpu.memref_squeeze %dma_wait3A_44 : memref<1x1x1000xf32, #tpu.memory_space<hbm>> -> memref<1000xf32, #tpu.memory_space<hbm>>
      %dma_wait3A_46 = arith.constant 0 : i32
      %dma_wait3A_47 = tpu.memref_slice %arg5[%run_scoped3A, %add3A, %dma_wait3A_46] : memref<10x32x1000xf32, #tpu.memory_space<hbm>> -> memref<1x1x1000xf32, #tpu.memory_space<hbm>>
      %dma_wait3A_48 = tpu.memref_squeeze %dma_wait3A_47 : memref<1x1x1000xf32, #tpu.memory_space<hbm>> -> memref<1000xf32, #tpu.memory_space<hbm>>
      %dma_wait3A_49 = arith.constant 0 : i32
      %dma_wait3A_50 = tpu.memref_slice %arg10[%dma_wait3A_49] : memref<10000xf32, #tpu.memory_space<vmem>> -> memref<1000xf32, #tpu.memory_space<vmem>>
      tpu.wait_dma2 semaphore(%run_scoped3A_32 : memref<!tpu.dma_semaphore, #tpu.memory_space<semaphore_mem>>) src(%dma_wait3A_50 : memref<1000xf32, #tpu.memory_space<vmem>>) dst(%dma_wait3A_48 : memref<1000xf32, #tpu.memory_space<hbm>>)
      tpu.yield
    }) : () -> ()
    %run_scoped3A_13 = arith.constant 0 : i32
    "tpu.region"() ({
      %run_scoped3A_32 = tpu.sem_alloc : memref<!tpu.dma_semaphore, #tpu.memory_space<semaphore_mem>>
      %dma_start3A = arith.constant 0 : i32
      %dma_start3A_33 = tpu.memref_slice %arg11[%dma_start3A] : memref<10000xf32, #tpu.memory_space<vmem>> -> memref<1000xf32, #tpu.memory_space<vmem>>
      %dma_start3A_34 = arith.constant 0 : i32
      %dma_start3A_35 = tpu.memref_slice %arg6[%run_scoped3A_13, %add3A, %dma_start3A_34] : memref<10x32x1000xf32, #tpu.memory_space<hbm>> -> memref<1x1x1000xf32, #tpu.memory_space<hbm>>
      %dma_start3A_36 = tpu.memref_squeeze %dma_start3A_35 : memref<1x1x1000xf32, #tpu.memory_space<hbm>> -> memref<1000xf32, #tpu.memory_space<hbm>>
      %dma_start3A_37 = arith.constant 0 : i32
      %dma_start3A_38 = tpu.memref_slice %arg6[%run_scoped3A_13, %add3A, %dma_start3A_37] : memref<10x32x1000xf32, #tpu.memory_space<hbm>> -> memref<1x1x1000xf32, #tpu.memory_space<hbm>>
      %dma_start3A_39 = tpu.memref_squeeze %dma_start3A_38 : memref<1x1x1000xf32, #tpu.memory_space<hbm>> -> memref<1000xf32, #tpu.memory_space<hbm>>
      %dma_start3A_40 = arith.constant 0 : i32
      %dma_start3A_41 = tpu.memref_slice %arg11[%dma_start3A_40] : memref<10000xf32, #tpu.memory_space<vmem>> -> memref<1000xf32, #tpu.memory_space<vmem>>
      tpu.enqueue_dma source(%dma_start3A_41 : memref<1000xf32, #tpu.memory_space<vmem>>) target(%dma_start3A_39 : memref<1000xf32, #tpu.memory_space<hbm>>) target_semaphore(%run_scoped3A_32 : memref<!tpu.dma_semaphore, #tpu.memory_space<semaphore_mem>>)
      %dma_wait3A = arith.constant 0 : i32
      %dma_wait3A_42 = tpu.memref_slice %arg11[%dma_wait3A] : memref<10000xf32, #tpu.memory_space<vmem>> -> memref<1000xf32, #tpu.memory_space<vmem>>
      %dma_wait3A_43 = arith.constant 0 : i32
      %dma_wait3A_44 = tpu.memref_slice %arg6[%run_scoped3A_13, %add3A, %dma_wait3A_43] : memref<10x32x1000xf32, #tpu.memory_space<hbm>> -> memref<1x1x1000xf32, #tpu.memory_space<hbm>>
      %dma_wait3A_45 = tpu.memref_squeeze %dma_wait3A_44 : memref<1x1x1000xf32, #tpu.memory_space<hbm>> -> memref<1000xf32, #tpu.memory_space<hbm>>
      %dma_wait3A_46 = arith.constant 0 : i32
      %dma_wait3A_47 = tpu.memref_slice %arg6[%run_scoped3A_13, %add3A, %dma_wait3A_46] : memref<10x32x1000xf32, #tpu.memory_space<hbm>> -> memref<1x1x1000xf32, #tpu.memory_space<hbm>>
      %dma_wait3A_48 = tpu.memref_squeeze %dma_wait3A_47 : memref<1x1x1000xf32, #tpu.memory_space<hbm>> -> memref<1000xf32, #tpu.memory_space<hbm>>
      %dma_wait3A_49 = arith.constant 0 : i32
      %dma_wait3A_50 = tpu.memref_slice %arg11[%dma_wait3A_49] : memref<10000xf32, #tpu.memory_space<vmem>> -> memref<1000xf32, #tpu.memory_space<vmem>>
      tpu.wait_dma2 semaphore(%run_scoped3A_32 : memref<!tpu.dma_semaphore, #tpu.memory_space<semaphore_mem>>) src(%dma_wait3A_50 : memref<1000xf32, #tpu.memory_space<vmem>>) dst(%dma_wait3A_48 : memref<1000xf32, #tpu.memory_space<hbm>>)
      tpu.yield
    }) : () -> ()
    %run_scoped3A_14 = arith.constant 1 : i32
    "tpu.region"() ({
      %run_scoped3A_32 = tpu.sem_alloc : memref<!tpu.dma_semaphore, #tpu.memory_space<semaphore_mem>>
      %dma_start3A = arith.constant 1000 : i32
      %dma_start3A_33 = tpu.memref_slice %arg10[%dma_start3A] : memref<10000xf32, #tpu.memory_space<vmem>> -> memref<1000xf32, #tpu.memory_space<vmem>>
      %dma_start3A_34 = arith.constant 0 : i32
      %dma_start3A_35 = tpu.memref_slice %arg5[%run_scoped3A_14, %add3A, %dma_start3A_34] : memref<10x32x1000xf32, #tpu.memory_space<hbm>> -> memref<1x1x1000xf32, #tpu.memory_space<hbm>>
      %dma_start3A_36 = tpu.memref_squeeze %dma_start3A_35 : memref<1x1x1000xf32, #tpu.memory_space<hbm>> -> memref<1000xf32, #tpu.memory_space<hbm>>
      %dma_start3A_37 = arith.constant 0 : i32
      %dma_start3A_38 = tpu.memref_slice %arg5[%run_scoped3A_14, %add3A, %dma_start3A_37] : memref<10x32x1000xf32, #tpu.memory_space<hbm>> -> memref<1x1x1000xf32, #tpu.memory_space<hbm>>
      %dma_start3A_39 = tpu.memref_squeeze %dma_start3A_38 : memref<1x1x1000xf32, #tpu.memory_space<hbm>> -> memref<1000xf32, #tpu.memory_space<hbm>>
      %dma_start3A_40 = arith.constant 1000 : i32
      %dma_start3A_41 = tpu.memref_slice %arg10[%dma_start3A_40] : memref<10000xf32, #tpu.memory_space<vmem>> -> memref<1000xf32, #tpu.memory_space<vmem>>
      tpu.enqueue_dma source(%dma_start3A_41 : memref<1000xf32, #tpu.memory_space<vmem>>) target(%dma_start3A_39 : memref<1000xf32, #tpu.memory_space<hbm>>) target_semaphore(%run_scoped3A_32 : memref<!tpu.dma_semaphore, #tpu.memory_space<semaphore_mem>>)
      %dma_wait3A = arith.constant 1000 : i32
      %dma_wait3A_42 = tpu.memref_slice %arg10[%dma_wait3A] : memref<10000xf32, #tpu.memory_space<vmem>> -> memref<1000xf32, #tpu.memory_space<vmem>>
      %dma_wait3A_43 = arith.constant 0 : i32
      %dma_wait3A_44 = tpu.memref_slice %arg5[%run_scoped3A_14, %add3A, %dma_wait3A_43] : memref<10x32x1000xf32, #tpu.memory_space<hbm>> -> memref<1x1x1000xf32, #tpu.memory_space<hbm>>
      %dma_wait3A_45 = tpu.memref_squeeze %dma_wait3A_44 : memref<1x1x1000xf32, #tpu.memory_space<hbm>> -> memref<1000xf32, #tpu.memory_space<hbm>>
      %dma_wait3A_46 = arith.constant 0 : i32
      %dma_wait3A_47 = tpu.memref_slice %arg5[%run_scoped3A_14, %add3A, %dma_wait3A_46] : memref<10x32x1000xf32, #tpu.memory_space<hbm>> -> memref<1x1x1000xf32, #tpu.memory_space<hbm>>
      %dma_wait3A_48 = tpu.memref_squeeze %dma_wait3A_47 : memref<1x1x1000xf32, #tpu.memory_space<hbm>> -> memref<1000xf32, #tpu.memory_space<hbm>>
      %dma_wait3A_49 = arith.constant 1000 : i32
      %dma_wait3A_50 = tpu.memref_slice %arg10[%dma_wait3A_49] : memref<10000xf32, #tpu.memory_space<vmem>> -> memref<1000xf32, #tpu.memory_space<vmem>>
      tpu.wait_dma2 semaphore(%run_scoped3A_32 : memref<!tpu.dma_semaphore, #tpu.memory_space<semaphore_mem>>) src(%dma_wait3A_50 : memref<1000xf32, #tpu.memory_space<vmem>>) dst(%dma_wait3A_48 : memref<1000xf32, #tpu.memory_space<hbm>>)
      tpu.yield
    }) : () -> ()
    %run_scoped3A_15 = arith.constant 1 : i32
    "tpu.region"() ({
      %run_scoped3A_32 = tpu.sem_alloc : memref<!tpu.dma_semaphore, #tpu.memory_space<semaphore_mem>>
      %dma_start3A = arith.constant 1000 : i32
      %dma_start3A_33 = tpu.memref_slice %arg11[%dma_start3A] : memref<10000xf32, #tpu.memory_space<vmem>> -> memref<1000xf32, #tpu.memory_space<vmem>>
      %dma_start3A_34 = arith.constant 0 : i32
      %dma_start3A_35 = tpu.memref_slice %arg6[%run_scoped3A_15, %add3A, %dma_start3A_34] : memref<10x32x1000xf32, #tpu.memory_space<hbm>> -> memref<1x1x1000xf32, #tpu.memory_space<hbm>>
      %dma_start3A_36 = tpu.memref_squeeze %dma_start3A_35 : memref<1x1x1000xf32, #tpu.memory_space<hbm>> -> memref<1000xf32, #tpu.memory_space<hbm>>
      %dma_start3A_37 = arith.constant 0 : i32
      %dma_start3A_38 = tpu.memref_slice %arg6[%run_scoped3A_15, %add3A, %dma_start3A_37] : memref<10x32x1000xf32, #tpu.memory_space<hbm>> -> memref<1x1x1000xf32, #tpu.memory_space<hbm>>
      %dma_start3A_39 = tpu.memref_squeeze %dma_start3A_38 : memref<1x1x1000xf32, #tpu.memory_space<hbm>> -> memref<1000xf32, #tpu.memory_space<hbm>>
      %dma_start3A_40 = arith.constant 1000 : i32
      %dma_start3A_41 = tpu.memref_slice %arg11[%dma_start3A_40] : memref<10000xf32, #tpu.memory_space<vmem>> -> memref<1000xf32, #tpu.memory_space<vmem>>
      tpu.enqueue_dma source(%dma_start3A_41 : memref<1000xf32, #tpu.memory_space<vmem>>) target(%dma_start3A_39 : memref<1000xf32, #tpu.memory_space<hbm>>) target_semaphore(%run_scoped3A_32 : memref<!tpu.dma_semaphore, #tpu.memory_space<semaphore_mem>>)
      %dma_wait3A = arith.constant 1000 : i32
      %dma_wait3A_42 = tpu.memref_slice %arg11[%dma_wait3A] : memref<10000xf32, #tpu.memory_space<vmem>> -> memref<1000xf32, #tpu.memory_space<vmem>>
      %dma_wait3A_43 = arith.constant 0 : i32
      %dma_wait3A_44 = tpu.memref_slice %arg6[%run_scoped3A_15, %add3A, %dma_wait3A_43] : memref<10x32x1000xf32, #tpu.memory_space<hbm>> -> memref<1x1x1000xf32, #tpu.memory_space<hbm>>
      %dma_wait3A_45 = tpu.memref_squeeze %dma_wait3A_44 : memref<1x1x1000xf32, #tpu.memory_space<hbm>> -> memref<1000xf32, #tpu.memory_space<hbm>>
      %dma_wait3A_46 = arith.constant 0 : i32
      %dma_wait3A_47 = tpu.memref_slice %arg6[%run_scoped3A_15, %add3A, %dma_wait3A_46] : memref<10x32x1000xf32, #tpu.memory_space<hbm>> -> memref<1x1x1000xf32, #tpu.memory_space<hbm>>
      %dma_wait3A_48 = tpu.memref_squeeze %dma_wait3A_47 : memref<1x1x1000xf32, #tpu.memory_space<hbm>> -> memref<1000xf32, #tpu.memory_space<hbm>>
      %dma_wait3A_49 = arith.constant 1000 : i32
      %dma_wait3A_50 = tpu.memref_slice %arg11[%dma_wait3A_49] : memref<10000xf32, #tpu.memory_space<vmem>> -> memref<1000xf32, #tpu.memory_space<vmem>>
      tpu.wait_dma2 semaphore(%run_scoped3A_32 : memref<!tpu.dma_semaphore, #tpu.memory_space<semaphore_mem>>) src(%dma_wait3A_50 : memref<1000xf32, #tpu.memory_space<vmem>>) dst(%dma_wait3A_48 : memref<1000xf32, #tpu.memory_space<hbm>>)
      tpu.yield
    }) : () -> ()
    %run_scoped3A_16 = arith.constant 2 : i32
    "tpu.region"() ({
      %run_scoped3A_32 = tpu.sem_alloc : memref<!tpu.dma_semaphore, #tpu.memory_space<semaphore_mem>>
      %dma_start3A = arith.constant 2000 : i32
      %dma_start3A_33 = tpu.memref_slice %arg10[%dma_start3A] : memref<10000xf32, #tpu.memory_space<vmem>> -> memref<1000xf32, #tpu.memory_space<vmem>>
      %dma_start3A_34 = arith.constant 0 : i32
      %dma_start3A_35 = tpu.memref_slice %arg5[%run_scoped3A_16, %add3A, %dma_start3A_34] : memref<10x32x1000xf32, #tpu.memory_space<hbm>> -> memref<1x1x1000xf32, #tpu.memory_space<hbm>>
      %dma_start3A_36 = tpu.memref_squeeze %dma_start3A_35 : memref<1x1x1000xf32, #tpu.memory_space<hbm>> -> memref<1000xf32, #tpu.memory_space<hbm>>
      %dma_start3A_37 = arith.constant 0 : i32
      %dma_start3A_38 = tpu.memref_slice %arg5[%run_scoped3A_16, %add3A, %dma_start3A_37] : memref<10x32x1000xf32, #tpu.memory_space<hbm>> -> memref<1x1x1000xf32, #tpu.memory_space<hbm>>
      %dma_start3A_39 = tpu.memref_squeeze %dma_start3A_38 : memref<1x1x1000xf32, #tpu.memory_space<hbm>> -> memref<1000xf32, #tpu.memory_space<hbm>>
      %dma_start3A_40 = arith.constant 2000 : i32
      %dma_start3A_41 = tpu.memref_slice %arg10[%dma_start3A_40] : memref<10000xf32, #tpu.memory_space<vmem>> -> memref<1000xf32, #tpu.memory_space<vmem>>
      tpu.enqueue_dma source(%dma_start3A_41 : memref<1000xf32, #tpu.memory_space<vmem>>) target(%dma_start3A_39 : memref<1000xf32, #tpu.memory_space<hbm>>) target_semaphore(%run_scoped3A_32 : memref<!tpu.dma_semaphore, #tpu.memory_space<semaphore_mem>>)
      %dma_wait3A = arith.constant 2000 : i32
      %dma_wait3A_42 = tpu.memref_slice %arg10[%dma_wait3A] : memref<10000xf32, #tpu.memory_space<vmem>> -> memref<1000xf32, #tpu.memory_space<vmem>>
      %dma_wait3A_43 = arith.constant 0 : i32
      %dma_wait3A_44 = tpu.memref_slice %arg5[%run_scoped3A_16, %add3A, %dma_wait3A_43] : memref<10x32x1000xf32, #tpu.memory_space<hbm>> -> memref<1x1x1000xf32, #tpu.memory_space<hbm>>
      %dma_wait3A_45 = tpu.memref_squeeze %dma_wait3A_44 : memref<1x1x1000xf32, #tpu.memory_space<hbm>> -> memref<1000xf32, #tpu.memory_space<hbm>>
      %dma_wait3A_46 = arith.constant 0 : i32
      %dma_wait3A_47 = tpu.memref_slice %arg5[%run_scoped3A_16, %add3A, %dma_wait3A_46] : memref<10x32x1000xf32, #tpu.memory_space<hbm>> -> memref<1x1x1000xf32, #tpu.memory_space<hbm>>
      %dma_wait3A_48 = tpu.memref_squeeze %dma_wait3A_47 : memref<1x1x1000xf32, #tpu.memory_space<hbm>> -> memref<1000xf32, #tpu.memory_space<hbm>>
      %dma_wait3A_49 = arith.constant 2000 : i32
      %dma_wait3A_50 = tpu.memref_slice %arg10[%dma_wait3A_49] : memref<10000xf32, #tpu.memory_space<vmem>> -> memref<1000xf32, #tpu.memory_space<vmem>>
      tpu.wait_dma2 semaphore(%run_scoped3A_32 : memref<!tpu.dma_semaphore, #tpu.memory_space<semaphore_mem>>) src(%dma_wait3A_50 : memref<1000xf32, #tpu.memory_space<vmem>>) dst(%dma_wait3A_48 : memref<1000xf32, #tpu.memory_space<hbm>>)
      tpu.yield
    }) : () -> ()
    %run_scoped3A_17 = arith.constant 2 : i32
    "tpu.region"() ({
      %run_scoped3A_32 = tpu.sem_alloc : memref<!tpu.dma_semaphore, #tpu.memory_space<semaphore_mem>>
      %dma_start3A = arith.constant 2000 : i32
      %dma_start3A_33 = tpu.memref_slice %arg11[%dma_start3A] : memref<10000xf32, #tpu.memory_space<vmem>> -> memref<1000xf32, #tpu.memory_space<vmem>>
      %dma_start3A_34 = arith.constant 0 : i32
      %dma_start3A_35 = tpu.memref_slice %arg6[%run_scoped3A_17, %add3A, %dma_start3A_34] : memref<10x32x1000xf32, #tpu.memory_space<hbm>> -> memref<1x1x1000xf32, #tpu.memory_space<hbm>>
      %dma_start3A_36 = tpu.memref_squeeze %dma_start3A_35 : memref<1x1x1000xf32, #tpu.memory_space<hbm>> -> memref<1000xf32, #tpu.memory_space<hbm>>
      %dma_start3A_37 = arith.constant 0 : i32
      %dma_start3A_38 = tpu.memref_slice %arg6[%run_scoped3A_17, %add3A, %dma_start3A_37] : memref<10x32x1000xf32, #tpu.memory_space<hbm>> -> memref<1x1x1000xf32, #tpu.memory_space<hbm>>
      %dma_start3A_39 = tpu.memref_squeeze %dma_start3A_38 : memref<1x1x1000xf32, #tpu.memory_space<hbm>> -> memref<1000xf32, #tpu.memory_space<hbm>>
      %dma_start3A_40 = arith.constant 2000 : i32
      %dma_start3A_41 = tpu.memref_slice %arg11[%dma_start3A_40] : memref<10000xf32, #tpu.memory_space<vmem>> -> memref<1000xf32, #tpu.memory_space<vmem>>
      tpu.enqueue_dma source(%dma_start3A_41 : memref<1000xf32, #tpu.memory_space<vmem>>) target(%dma_start3A_39 : memref<1000xf32, #tpu.memory_space<hbm>>) target_semaphore(%run_scoped3A_32 : memref<!tpu.dma_semaphore, #tpu.memory_space<semaphore_mem>>)
      %dma_wait3A = arith.constant 2000 : i32
      %dma_wait3A_42 = tpu.memref_slice %arg11[%dma_wait3A] : memref<10000xf32, #tpu.memory_space<vmem>> -> memref<1000xf32, #tpu.memory_space<vmem>>
      %dma_wait3A_43 = arith.constant 0 : i32
      %dma_wait3A_44 = tpu.memref_slice %arg6[%run_scoped3A_17, %add3A, %dma_wait3A_43] : memref<10x32x1000xf32, #tpu.memory_space<hbm>> -> memref<1x1x1000xf32, #tpu.memory_space<hbm>>
      %dma_wait3A_45 = tpu.memref_squeeze %dma_wait3A_44 : memref<1x1x1000xf32, #tpu.memory_space<hbm>> -> memref<1000xf32, #tpu.memory_space<hbm>>
      %dma_wait3A_46 = arith.constant 0 : i32
      %dma_wait3A_47 = tpu.memref_slice %arg6[%run_scoped3A_17, %add3A, %dma_wait3A_46] : memref<10x32x1000xf32, #tpu.memory_space<hbm>> -> memref<1x1x1000xf32, #tpu.memory_space<hbm>>
      %dma_wait3A_48 = tpu.memref_squeeze %dma_wait3A_47 : memref<1x1x1000xf32, #tpu.memory_space<hbm>> -> memref<1000xf32, #tpu.memory_space<hbm>>
      %dma_wait3A_49 = arith.constant 2000 : i32
      %dma_wait3A_50 = tpu.memref_slice %arg11[%dma_wait3A_49] : memref<10000xf32, #tpu.memory_space<vmem>> -> memref<1000xf32, #tpu.memory_space<vmem>>
      tpu.wait_dma2 semaphore(%run_scoped3A_32 : memref<!tpu.dma_semaphore, #tpu.memory_space<semaphore_mem>>) src(%dma_wait3A_50 : memref<1000xf32, #tpu.memory_space<vmem>>) dst(%dma_wait3A_48 : memref<1000xf32, #tpu.memory_space<hbm>>)
      tpu.yield
    }) : () -> ()
    %run_scoped3A_18 = arith.constant 3 : i32
    "tpu.region"() ({
      %run_scoped3A_32 = tpu.sem_alloc : memref<!tpu.dma_semaphore, #tpu.memory_space<semaphore_mem>>
      %dma_start3A = arith.constant 3000 : i32
      %dma_start3A_33 = tpu.memref_slice %arg10[%dma_start3A] : memref<10000xf32, #tpu.memory_space<vmem>> -> memref<1000xf32, #tpu.memory_space<vmem>>
      %dma_start3A_34 = arith.constant 0 : i32
      %dma_start3A_35 = tpu.memref_slice %arg5[%run_scoped3A_18, %add3A, %dma_start3A_34] : memref<10x32x1000xf32, #tpu.memory_space<hbm>> -> memref<1x1x1000xf32, #tpu.memory_space<hbm>>
      %dma_start3A_36 = tpu.memref_squeeze %dma_start3A_35 : memref<1x1x1000xf32, #tpu.memory_space<hbm>> -> memref<1000xf32, #tpu.memory_space<hbm>>
      %dma_start3A_37 = arith.constant 0 : i32
      %dma_start3A_38 = tpu.memref_slice %arg5[%run_scoped3A_18, %add3A, %dma_start3A_37] : memref<10x32x1000xf32, #tpu.memory_space<hbm>> -> memref<1x1x1000xf32, #tpu.memory_space<hbm>>
      %dma_start3A_39 = tpu.memref_squeeze %dma_start3A_38 : memref<1x1x1000xf32, #tpu.memory_space<hbm>> -> memref<1000xf32, #tpu.memory_space<hbm>>
      %dma_start3A_40 = arith.constant 3000 : i32
      %dma_start3A_41 = tpu.memref_slice %arg10[%dma_start3A_40] : memref<10000xf32, #tpu.memory_space<vmem>> -> memref<1000xf32, #tpu.memory_space<vmem>>
      tpu.enqueue_dma source(%dma_start3A_41 : memref<1000xf32, #tpu.memory_space<vmem>>) target(%dma_start3A_39 : memref<1000xf32, #tpu.memory_space<hbm>>) target_semaphore(%run_scoped3A_32 : memref<!tpu.dma_semaphore, #tpu.memory_space<semaphore_mem>>)
      %dma_wait3A = arith.constant 3000 : i32
      %dma_wait3A_42 = tpu.memref_slice %arg10[%dma_wait3A] : memref<10000xf32, #tpu.memory_space<vmem>> -> memref<1000xf32, #tpu.memory_space<vmem>>
      %dma_wait3A_43 = arith.constant 0 : i32
      %dma_wait3A_44 = tpu.memref_slice %arg5[%run_scoped3A_18, %add3A, %dma_wait3A_43] : memref<10x32x1000xf32, #tpu.memory_space<hbm>> -> memref<1x1x1000xf32, #tpu.memory_space<hbm>>
      %dma_wait3A_45 = tpu.memref_squeeze %dma_wait3A_44 : memref<1x1x1000xf32, #tpu.memory_space<hbm>> -> memref<1000xf32, #tpu.memory_space<hbm>>
      %dma_wait3A_46 = arith.constant 0 : i32
      %dma_wait3A_47 = tpu.memref_slice %arg5[%run_scoped3A_18, %add3A, %dma_wait3A_46] : memref<10x32x1000xf32, #tpu.memory_space<hbm>> -> memref<1x1x1000xf32, #tpu.memory_space<hbm>>
      %dma_wait3A_48 = tpu.memref_squeeze %dma_wait3A_47 : memref<1x1x1000xf32, #tpu.memory_space<hbm>> -> memref<1000xf32, #tpu.memory_space<hbm>>
      %dma_wait3A_49 = arith.constant 3000 : i32
      %dma_wait3A_50 = tpu.memref_slice %arg10[%dma_wait3A_49] : memref<10000xf32, #tpu.memory_space<vmem>> -> memref<1000xf32, #tpu.memory_space<vmem>>
      tpu.wait_dma2 semaphore(%run_scoped3A_32 : memref<!tpu.dma_semaphore, #tpu.memory_space<semaphore_mem>>) src(%dma_wait3A_50 : memref<1000xf32, #tpu.memory_space<vmem>>) dst(%dma_wait3A_48 : memref<1000xf32, #tpu.memory_space<hbm>>)
      tpu.yield
    }) : () -> ()
    %run_scoped3A_19 = arith.constant 3 : i32
    "tpu.region"() ({
      %run_scoped3A_32 = tpu.sem_alloc : memref<!tpu.dma_semaphore, #tpu.memory_space<semaphore_mem>>
      %dma_start3A = arith.constant 3000 : i32
      %dma_start3A_33 = tpu.memref_slice %arg11[%dma_start3A] : memref<10000xf32, #tpu.memory_space<vmem>> -> memref<1000xf32, #tpu.memory_space<vmem>>
      %dma_start3A_34 = arith.constant 0 : i32
      %dma_start3A_35 = tpu.memref_slice %arg6[%run_scoped3A_19, %add3A, %dma_start3A_34] : memref<10x32x1000xf32, #tpu.memory_space<hbm>> -> memref<1x1x1000xf32, #tpu.memory_space<hbm>>
      %dma_start3A_36 = tpu.memref_squeeze %dma_start3A_35 : memref<1x1x1000xf32, #tpu.memory_space<hbm>> -> memref<1000xf32, #tpu.memory_space<hbm>>
      %dma_start3A_37 = arith.constant 0 : i32
      %dma_start3A_38 = tpu.memref_slice %arg6[%run_scoped3A_19, %add3A, %dma_start3A_37] : memref<10x32x1000xf32, #tpu.memory_space<hbm>> -> memref<1x1x1000xf32, #tpu.memory_space<hbm>>
      %dma_start3A_39 = tpu.memref_squeeze %dma_start3A_38 : memref<1x1x1000xf32, #tpu.memory_space<hbm>> -> memref<1000xf32, #tpu.memory_space<hbm>>
      %dma_start3A_40 = arith.constant 3000 : i32
      %dma_start3A_41 = tpu.memref_slice %arg11[%dma_start3A_40] : memref<10000xf32, #tpu.memory_space<vmem>> -> memref<1000xf32, #tpu.memory_space<vmem>>
      tpu.enqueue_dma source(%dma_start3A_41 : memref<1000xf32, #tpu.memory_space<vmem>>) target(%dma_start3A_39 : memref<1000xf32, #tpu.memory_space<hbm>>) target_semaphore(%run_scoped3A_32 : memref<!tpu.dma_semaphore, #tpu.memory_space<semaphore_mem>>)
      %dma_wait3A = arith.constant 3000 : i32
      %dma_wait3A_42 = tpu.memref_slice %arg11[%dma_wait3A] : memref<10000xf32, #tpu.memory_space<vmem>> -> memref<1000xf32, #tpu.memory_space<vmem>>
      %dma_wait3A_43 = arith.constant 0 : i32
      %dma_wait3A_44 = tpu.memref_slice %arg6[%run_scoped3A_19, %add3A, %dma_wait3A_43] : memref<10x32x1000xf32, #tpu.memory_space<hbm>> -> memref<1x1x1000xf32, #tpu.memory_space<hbm>>
      %dma_wait3A_45 = tpu.memref_squeeze %dma_wait3A_44 : memref<1x1x1000xf32, #tpu.memory_space<hbm>> -> memref<1000xf32, #tpu.memory_space<hbm>>
      %dma_wait3A_46 = arith.constant 0 : i32
      %dma_wait3A_47 = tpu.memref_slice %arg6[%run_scoped3A_19, %add3A, %dma_wait3A_46] : memref<10x32x1000xf32, #tpu.memory_space<hbm>> -> memref<1x1x1000xf32, #tpu.memory_space<hbm>>
      %dma_wait3A_48 = tpu.memref_squeeze %dma_wait3A_47 : memref<1x1x1000xf32, #tpu.memory_space<hbm>> -> memref<1000xf32, #tpu.memory_space<hbm>>
      %dma_wait3A_49 = arith.constant 3000 : i32
      %dma_wait3A_50 = tpu.memref_slice %arg11[%dma_wait3A_49] : memref<10000xf32, #tpu.memory_space<vmem>> -> memref<1000xf32, #tpu.memory_space<vmem>>
      tpu.wait_dma2 semaphore(%run_scoped3A_32 : memref<!tpu.dma_semaphore, #tpu.memory_space<semaphore_mem>>) src(%dma_wait3A_50 : memref<1000xf32, #tpu.memory_space<vmem>>) dst(%dma_wait3A_48 : memref<1000xf32, #tpu.memory_space<hbm>>)
      tpu.yield
    }) : () -> ()
    %run_scoped3A_20 = arith.constant 4 : i32
    "tpu.region"() ({
      %run_scoped3A_32 = tpu.sem_alloc : memref<!tpu.dma_semaphore, #tpu.memory_space<semaphore_mem>>
      %dma_start3A = arith.constant 4000 : i32
      %dma_start3A_33 = tpu.memref_slice %arg10[%dma_start3A] : memref<10000xf32, #tpu.memory_space<vmem>> -> memref<1000xf32, #tpu.memory_space<vmem>>
      %dma_start3A_34 = arith.constant 0 : i32
      %dma_start3A_35 = tpu.memref_slice %arg5[%run_scoped3A_20, %add3A, %dma_start3A_34] : memref<10x32x1000xf32, #tpu.memory_space<hbm>> -> memref<1x1x1000xf32, #tpu.memory_space<hbm>>
      %dma_start3A_36 = tpu.memref_squeeze %dma_start3A_35 : memref<1x1x1000xf32, #tpu.memory_space<hbm>> -> memref<1000xf32, #tpu.memory_space<hbm>>
      %dma_start3A_37 = arith.constant 0 : i32
      %dma_start3A_38 = tpu.memref_slice %arg5[%run_scoped3A_20, %add3A, %dma_start3A_37] : memref<10x32x1000xf32, #tpu.memory_space<hbm>> -> memref<1x1x1000xf32, #tpu.memory_space<hbm>>
      %dma_start3A_39 = tpu.memref_squeeze %dma_start3A_38 : memref<1x1x1000xf32, #tpu.memory_space<hbm>> -> memref<1000xf32, #tpu.memory_space<hbm>>
      %dma_start3A_40 = arith.constant 4000 : i32
      %dma_start3A_41 = tpu.memref_slice %arg10[%dma_start3A_40] : memref<10000xf32, #tpu.memory_space<vmem>> -> memref<1000xf32, #tpu.memory_space<vmem>>
      tpu.enqueue_dma source(%dma_start3A_41 : memref<1000xf32, #tpu.memory_space<vmem>>) target(%dma_start3A_39 : memref<1000xf32, #tpu.memory_space<hbm>>) target_semaphore(%run_scoped3A_32 : memref<!tpu.dma_semaphore, #tpu.memory_space<semaphore_mem>>)
      %dma_wait3A = arith.constant 4000 : i32
      %dma_wait3A_42 = tpu.memref_slice %arg10[%dma_wait3A] : memref<10000xf32, #tpu.memory_space<vmem>> -> memref<1000xf32, #tpu.memory_space<vmem>>
      %dma_wait3A_43 = arith.constant 0 : i32
      %dma_wait3A_44 = tpu.memref_slice %arg5[%run_scoped3A_20, %add3A, %dma_wait3A_43] : memref<10x32x1000xf32, #tpu.memory_space<hbm>> -> memref<1x1x1000xf32, #tpu.memory_space<hbm>>
      %dma_wait3A_45 = tpu.memref_squeeze %dma_wait3A_44 : memref<1x1x1000xf32, #tpu.memory_space<hbm>> -> memref<1000xf32, #tpu.memory_space<hbm>>
      %dma_wait3A_46 = arith.constant 0 : i32
      %dma_wait3A_47 = tpu.memref_slice %arg5[%run_scoped3A_20, %add3A, %dma_wait3A_46] : memref<10x32x1000xf32, #tpu.memory_space<hbm>> -> memref<1x1x1000xf32, #tpu.memory_space<hbm>>
      %dma_wait3A_48 = tpu.memref_squeeze %dma_wait3A_47 : memref<1x1x1000xf32, #tpu.memory_space<hbm>> -> memref<1000xf32, #tpu.memory_space<hbm>>
      %dma_wait3A_49 = arith.constant 4000 : i32
      %dma_wait3A_50 = tpu.memref_slice %arg10[%dma_wait3A_49] : memref<10000xf32, #tpu.memory_space<vmem>> -> memref<1000xf32, #tpu.memory_space<vmem>>
      tpu.wait_dma2 semaphore(%run_scoped3A_32 : memref<!tpu.dma_semaphore, #tpu.memory_space<semaphore_mem>>) src(%dma_wait3A_50 : memref<1000xf32, #tpu.memory_space<vmem>>) dst(%dma_wait3A_48 : memref<1000xf32, #tpu.memory_space<hbm>>)
      tpu.yield
    }) : () -> ()
    %run_scoped3A_21 = arith.constant 4 : i32
    "tpu.region"() ({
      %run_scoped3A_32 = tpu.sem_alloc : memref<!tpu.dma_semaphore, #tpu.memory_space<semaphore_mem>>
      %dma_start3A = arith.constant 4000 : i32
      %dma_start3A_33 = tpu.memref_slice %arg11[%dma_start3A] : memref<10000xf32, #tpu.memory_space<vmem>> -> memref<1000xf32, #tpu.memory_space<vmem>>
      %dma_start3A_34 = arith.constant 0 : i32
      %dma_start3A_35 = tpu.memref_slice %arg6[%run_scoped3A_21, %add3A, %dma_start3A_34] : memref<10x32x1000xf32, #tpu.memory_space<hbm>> -> memref<1x1x1000xf32, #tpu.memory_space<hbm>>
      %dma_start3A_36 = tpu.memref_squeeze %dma_start3A_35 : memref<1x1x1000xf32, #tpu.memory_space<hbm>> -> memref<1000xf32, #tpu.memory_space<hbm>>
      %dma_start3A_37 = arith.constant 0 : i32
      %dma_start3A_38 = tpu.memref_slice %arg6[%run_scoped3A_21, %add3A, %dma_start3A_37] : memref<10x32x1000xf32, #tpu.memory_space<hbm>> -> memref<1x1x1000xf32, #tpu.memory_space<hbm>>
      %dma_start3A_39 = tpu.memref_squeeze %dma_start3A_38 : memref<1x1x1000xf32, #tpu.memory_space<hbm>> -> memref<1000xf32, #tpu.memory_space<hbm>>
      %dma_start3A_40 = arith.constant 4000 : i32
      %dma_start3A_41 = tpu.memref_slice %arg11[%dma_start3A_40] : memref<10000xf32, #tpu.memory_space<vmem>> -> memref<1000xf32, #tpu.memory_space<vmem>>
      tpu.enqueue_dma source(%dma_start3A_41 : memref<1000xf32, #tpu.memory_space<vmem>>) target(%dma_start3A_39 : memref<1000xf32, #tpu.memory_space<hbm>>) target_semaphore(%run_scoped3A_32 : memref<!tpu.dma_semaphore, #tpu.memory_space<semaphore_mem>>)
      %dma_wait3A = arith.constant 4000 : i32
      %dma_wait3A_42 = tpu.memref_slice %arg11[%dma_wait3A] : memref<10000xf32, #tpu.memory_space<vmem>> -> memref<1000xf32, #tpu.memory_space<vmem>>
      %dma_wait3A_43 = arith.constant 0 : i32
      %dma_wait3A_44 = tpu.memref_slice %arg6[%run_scoped3A_21, %add3A, %dma_wait3A_43] : memref<10x32x1000xf32, #tpu.memory_space<hbm>> -> memref<1x1x1000xf32, #tpu.memory_space<hbm>>
      %dma_wait3A_45 = tpu.memref_squeeze %dma_wait3A_44 : memref<1x1x1000xf32, #tpu.memory_space<hbm>> -> memref<1000xf32, #tpu.memory_space<hbm>>
      %dma_wait3A_46 = arith.constant 0 : i32
      %dma_wait3A_47 = tpu.memref_slice %arg6[%run_scoped3A_21, %add3A, %dma_wait3A_46] : memref<10x32x1000xf32, #tpu.memory_space<hbm>> -> memref<1x1x1000xf32, #tpu.memory_space<hbm>>
      %dma_wait3A_48 = tpu.memref_squeeze %dma_wait3A_47 : memref<1x1x1000xf32, #tpu.memory_space<hbm>> -> memref<1000xf32, #tpu.memory_space<hbm>>
      %dma_wait3A_49 = arith.constant 4000 : i32
      %dma_wait3A_50 = tpu.memref_slice %arg11[%dma_wait3A_49] : memref<10000xf32, #tpu.memory_space<vmem>> -> memref<1000xf32, #tpu.memory_space<vmem>>
      tpu.wait_dma2 semaphore(%run_scoped3A_32 : memref<!tpu.dma_semaphore, #tpu.memory_space<semaphore_mem>>) src(%dma_wait3A_50 : memref<1000xf32, #tpu.memory_space<vmem>>) dst(%dma_wait3A_48 : memref<1000xf32, #tpu.memory_space<hbm>>)
      tpu.yield
    }) : () -> ()
    %run_scoped3A_22 = arith.constant 5 : i32
    "tpu.region"() ({
      %run_scoped3A_32 = tpu.sem_alloc : memref<!tpu.dma_semaphore, #tpu.memory_space<semaphore_mem>>
      %dma_start3A = arith.constant 5000 : i32
      %dma_start3A_33 = tpu.memref_slice %arg10[%dma_start3A] : memref<10000xf32, #tpu.memory_space<vmem>> -> memref<1000xf32, #tpu.memory_space<vmem>>
      %dma_start3A_34 = arith.constant 0 : i32
      %dma_start3A_35 = tpu.memref_slice %arg5[%run_scoped3A_22, %add3A, %dma_start3A_34] : memref<10x32x1000xf32, #tpu.memory_space<hbm>> -> memref<1x1x1000xf32, #tpu.memory_space<hbm>>
      %dma_start3A_36 = tpu.memref_squeeze %dma_start3A_35 : memref<1x1x1000xf32, #tpu.memory_space<hbm>> -> memref<1000xf32, #tpu.memory_space<hbm>>
      %dma_start3A_37 = arith.constant 0 : i32
      %dma_start3A_38 = tpu.memref_slice %arg5[%run_scoped3A_22, %add3A, %dma_start3A_37] : memref<10x32x1000xf32, #tpu.memory_space<hbm>> -> memref<1x1x1000xf32, #tpu.memory_space<hbm>>
      %dma_start3A_39 = tpu.memref_squeeze %dma_start3A_38 : memref<1x1x1000xf32, #tpu.memory_space<hbm>> -> memref<1000xf32, #tpu.memory_space<hbm>>
      %dma_start3A_40 = arith.constant 5000 : i32
      %dma_start3A_41 = tpu.memref_slice %arg10[%dma_start3A_40] : memref<10000xf32, #tpu.memory_space<vmem>> -> memref<1000xf32, #tpu.memory_space<vmem>>
      tpu.enqueue_dma source(%dma_start3A_41 : memref<1000xf32, #tpu.memory_space<vmem>>) target(%dma_start3A_39 : memref<1000xf32, #tpu.memory_space<hbm>>) target_semaphore(%run_scoped3A_32 : memref<!tpu.dma_semaphore, #tpu.memory_space<semaphore_mem>>)
      %dma_wait3A = arith.constant 5000 : i32
      %dma_wait3A_42 = tpu.memref_slice %arg10[%dma_wait3A] : memref<10000xf32, #tpu.memory_space<vmem>> -> memref<1000xf32, #tpu.memory_space<vmem>>
      %dma_wait3A_43 = arith.constant 0 : i32
      %dma_wait3A_44 = tpu.memref_slice %arg5[%run_scoped3A_22, %add3A, %dma_wait3A_43] : memref<10x32x1000xf32, #tpu.memory_space<hbm>> -> memref<1x1x1000xf32, #tpu.memory_space<hbm>>
      %dma_wait3A_45 = tpu.memref_squeeze %dma_wait3A_44 : memref<1x1x1000xf32, #tpu.memory_space<hbm>> -> memref<1000xf32, #tpu.memory_space<hbm>>
      %dma_wait3A_46 = arith.constant 0 : i32
      %dma_wait3A_47 = tpu.memref_slice %arg5[%run_scoped3A_22, %add3A, %dma_wait3A_46] : memref<10x32x1000xf32, #tpu.memory_space<hbm>> -> memref<1x1x1000xf32, #tpu.memory_space<hbm>>
      %dma_wait3A_48 = tpu.memref_squeeze %dma_wait3A_47 : memref<1x1x1000xf32, #tpu.memory_space<hbm>> -> memref<1000xf32, #tpu.memory_space<hbm>>
      %dma_wait3A_49 = arith.constant 5000 : i32
      %dma_wait3A_50 = tpu.memref_slice %arg10[%dma_wait3A_49] : memref<10000xf32, #tpu.memory_space<vmem>> -> memref<1000xf32, #tpu.memory_space<vmem>>
      tpu.wait_dma2 semaphore(%run_scoped3A_32 : memref<!tpu.dma_semaphore, #tpu.memory_space<semaphore_mem>>) src(%dma_wait3A_50 : memref<1000xf32, #tpu.memory_space<vmem>>) dst(%dma_wait3A_48 : memref<1000xf32, #tpu.memory_space<hbm>>)
      tpu.yield
    }) : () -> ()
    %run_scoped3A_23 = arith.constant 5 : i32
    "tpu.region"() ({
      %run_scoped3A_32 = tpu.sem_alloc : memref<!tpu.dma_semaphore, #tpu.memory_space<semaphore_mem>>
      %dma_start3A = arith.constant 5000 : i32
      %dma_start3A_33 = tpu.memref_slice %arg11[%dma_start3A] : memref<10000xf32, #tpu.memory_space<vmem>> -> memref<1000xf32, #tpu.memory_space<vmem>>
      %dma_start3A_34 = arith.constant 0 : i32
      %dma_start3A_35 = tpu.memref_slice %arg6[%run_scoped3A_23, %add3A, %dma_start3A_34] : memref<10x32x1000xf32, #tpu.memory_space<hbm>> -> memref<1x1x1000xf32, #tpu.memory_space<hbm>>
      %dma_start3A_36 = tpu.memref_squeeze %dma_start3A_35 : memref<1x1x1000xf32, #tpu.memory_space<hbm>> -> memref<1000xf32, #tpu.memory_space<hbm>>
      %dma_start3A_37 = arith.constant 0 : i32
      %dma_start3A_38 = tpu.memref_slice %arg6[%run_scoped3A_23, %add3A, %dma_start3A_37] : memref<10x32x1000xf32, #tpu.memory_space<hbm>> -> memref<1x1x1000xf32, #tpu.memory_space<hbm>>
      %dma_start3A_39 = tpu.memref_squeeze %dma_start3A_38 : memref<1x1x1000xf32, #tpu.memory_space<hbm>> -> memref<1000xf32, #tpu.memory_space<hbm>>
      %dma_start3A_40 = arith.constant 5000 : i32
      %dma_start3A_41 = tpu.memref_slice %arg11[%dma_start3A_40] : memref<10000xf32, #tpu.memory_space<vmem>> -> memref<1000xf32, #tpu.memory_space<vmem>>
      tpu.enqueue_dma source(%dma_start3A_41 : memref<1000xf32, #tpu.memory_space<vmem>>) target(%dma_start3A_39 : memref<1000xf32, #tpu.memory_space<hbm>>) target_semaphore(%run_scoped3A_32 : memref<!tpu.dma_semaphore, #tpu.memory_space<semaphore_mem>>)
      %dma_wait3A = arith.constant 5000 : i32
      %dma_wait3A_42 = tpu.memref_slice %arg11[%dma_wait3A] : memref<10000xf32, #tpu.memory_space<vmem>> -> memref<1000xf32, #tpu.memory_space<vmem>>
      %dma_wait3A_43 = arith.constant 0 : i32
      %dma_wait3A_44 = tpu.memref_slice %arg6[%run_scoped3A_23, %add3A, %dma_wait3A_43] : memref<10x32x1000xf32, #tpu.memory_space<hbm>> -> memref<1x1x1000xf32, #tpu.memory_space<hbm>>
      %dma_wait3A_45 = tpu.memref_squeeze %dma_wait3A_44 : memref<1x1x1000xf32, #tpu.memory_space<hbm>> -> memref<1000xf32, #tpu.memory_space<hbm>>
      %dma_wait3A_46 = arith.constant 0 : i32
      %dma_wait3A_47 = tpu.memref_slice %arg6[%run_scoped3A_23, %add3A, %dma_wait3A_46] : memref<10x32x1000xf32, #tpu.memory_space<hbm>> -> memref<1x1x1000xf32, #tpu.memory_space<hbm>>
      %dma_wait3A_48 = tpu.memref_squeeze %dma_wait3A_47 : memref<1x1x1000xf32, #tpu.memory_space<hbm>> -> memref<1000xf32, #tpu.memory_space<hbm>>
      %dma_wait3A_49 = arith.constant 5000 : i32
      %dma_wait3A_50 = tpu.memref_slice %arg11[%dma_wait3A_49] : memref<10000xf32, #tpu.memory_space<vmem>> -> memref<1000xf32, #tpu.memory_space<vmem>>
      tpu.wait_dma2 semaphore(%run_scoped3A_32 : memref<!tpu.dma_semaphore, #tpu.memory_space<semaphore_mem>>) src(%dma_wait3A_50 : memref<1000xf32, #tpu.memory_space<vmem>>) dst(%dma_wait3A_48 : memref<1000xf32, #tpu.memory_space<hbm>>)
      tpu.yield
    }) : () -> ()
    %run_scoped3A_24 = arith.constant 6 : i32
    "tpu.region"() ({
      %run_scoped3A_32 = tpu.sem_alloc : memref<!tpu.dma_semaphore, #tpu.memory_space<semaphore_mem>>
      %dma_start3A = arith.constant 6000 : i32
      %dma_start3A_33 = tpu.memref_slice %arg10[%dma_start3A] : memref<10000xf32, #tpu.memory_space<vmem>> -> memref<1000xf32, #tpu.memory_space<vmem>>
      %dma_start3A_34 = arith.constant 0 : i32
      %dma_start3A_35 = tpu.memref_slice %arg5[%run_scoped3A_24, %add3A, %dma_start3A_34] : memref<10x32x1000xf32, #tpu.memory_space<hbm>> -> memref<1x1x1000xf32, #tpu.memory_space<hbm>>
      %dma_start3A_36 = tpu.memref_squeeze %dma_start3A_35 : memref<1x1x1000xf32, #tpu.memory_space<hbm>> -> memref<1000xf32, #tpu.memory_space<hbm>>
      %dma_start3A_37 = arith.constant 0 : i32
      %dma_start3A_38 = tpu.memref_slice %arg5[%run_scoped3A_24, %add3A, %dma_start3A_37] : memref<10x32x1000xf32, #tpu.memory_space<hbm>> -> memref<1x1x1000xf32, #tpu.memory_space<hbm>>
      %dma_start3A_39 = tpu.memref_squeeze %dma_start3A_38 : memref<1x1x1000xf32, #tpu.memory_space<hbm>> -> memref<1000xf32, #tpu.memory_space<hbm>>
      %dma_start3A_40 = arith.constant 6000 : i32
      %dma_start3A_41 = tpu.memref_slice %arg10[%dma_start3A_40] : memref<10000xf32, #tpu.memory_space<vmem>> -> memref<1000xf32, #tpu.memory_space<vmem>>
      tpu.enqueue_dma source(%dma_start3A_41 : memref<1000xf32, #tpu.memory_space<vmem>>) target(%dma_start3A_39 : memref<1000xf32, #tpu.memory_space<hbm>>) target_semaphore(%run_scoped3A_32 : memref<!tpu.dma_semaphore, #tpu.memory_space<semaphore_mem>>)
      %dma_wait3A = arith.constant 6000 : i32
      %dma_wait3A_42 = tpu.memref_slice %arg10[%dma_wait3A] : memref<10000xf32, #tpu.memory_space<vmem>> -> memref<1000xf32, #tpu.memory_space<vmem>>
      %dma_wait3A_43 = arith.constant 0 : i32
      %dma_wait3A_44 = tpu.memref_slice %arg5[%run_scoped3A_24, %add3A, %dma_wait3A_43] : memref<10x32x1000xf32, #tpu.memory_space<hbm>> -> memref<1x1x1000xf32, #tpu.memory_space<hbm>>
      %dma_wait3A_45 = tpu.memref_squeeze %dma_wait3A_44 : memref<1x1x1000xf32, #tpu.memory_space<hbm>> -> memref<1000xf32, #tpu.memory_space<hbm>>
      %dma_wait3A_46 = arith.constant 0 : i32
      %dma_wait3A_47 = tpu.memref_slice %arg5[%run_scoped3A_24, %add3A, %dma_wait3A_46] : memref<10x32x1000xf32, #tpu.memory_space<hbm>> -> memref<1x1x1000xf32, #tpu.memory_space<hbm>>
      %dma_wait3A_48 = tpu.memref_squeeze %dma_wait3A_47 : memref<1x1x1000xf32, #tpu.memory_space<hbm>> -> memref<1000xf32, #tpu.memory_space<hbm>>
      %dma_wait3A_49 = arith.constant 6000 : i32
      %dma_wait3A_50 = tpu.memref_slice %arg10[%dma_wait3A_49] : memref<10000xf32, #tpu.memory_space<vmem>> -> memref<1000xf32, #tpu.memory_space<vmem>>
      tpu.wait_dma2 semaphore(%run_scoped3A_32 : memref<!tpu.dma_semaphore, #tpu.memory_space<semaphore_mem>>) src(%dma_wait3A_50 : memref<1000xf32, #tpu.memory_space<vmem>>) dst(%dma_wait3A_48 : memref<1000xf32, #tpu.memory_space<hbm>>)
      tpu.yield
    }) : () -> ()
    %run_scoped3A_25 = arith.constant 6 : i32
    "tpu.region"() ({
      %run_scoped3A_32 = tpu.sem_alloc : memref<!tpu.dma_semaphore, #tpu.memory_space<semaphore_mem>>
      %dma_start3A = arith.constant 6000 : i32
      %dma_start3A_33 = tpu.memref_slice %arg11[%dma_start3A] : memref<10000xf32, #tpu.memory_space<vmem>> -> memref<1000xf32, #tpu.memory_space<vmem>>
      %dma_start3A_34 = arith.constant 0 : i32
      %dma_start3A_35 = tpu.memref_slice %arg6[%run_scoped3A_25, %add3A, %dma_start3A_34] : memref<10x32x1000xf32, #tpu.memory_space<hbm>> -> memref<1x1x1000xf32, #tpu.memory_space<hbm>>
      %dma_start3A_36 = tpu.memref_squeeze %dma_start3A_35 : memref<1x1x1000xf32, #tpu.memory_space<hbm>> -> memref<1000xf32, #tpu.memory_space<hbm>>
      %dma_start3A_37 = arith.constant 0 : i32
      %dma_start3A_38 = tpu.memref_slice %arg6[%run_scoped3A_25, %add3A, %dma_start3A_37] : memref<10x32x1000xf32, #tpu.memory_space<hbm>> -> memref<1x1x1000xf32, #tpu.memory_space<hbm>>
      %dma_start3A_39 = tpu.memref_squeeze %dma_start3A_38 : memref<1x1x1000xf32, #tpu.memory_space<hbm>> -> memref<1000xf32, #tpu.memory_space<hbm>>
      %dma_start3A_40 = arith.constant 6000 : i32
      %dma_start3A_41 = tpu.memref_slice %arg11[%dma_start3A_40] : memref<10000xf32, #tpu.memory_space<vmem>> -> memref<1000xf32, #tpu.memory_space<vmem>>
      tpu.enqueue_dma source(%dma_start3A_41 : memref<1000xf32, #tpu.memory_space<vmem>>) target(%dma_start3A_39 : memref<1000xf32, #tpu.memory_space<hbm>>) target_semaphore(%run_scoped3A_32 : memref<!tpu.dma_semaphore, #tpu.memory_space<semaphore_mem>>)
      %dma_wait3A = arith.constant 6000 : i32
      %dma_wait3A_42 = tpu.memref_slice %arg11[%dma_wait3A] : memref<10000xf32, #tpu.memory_space<vmem>> -> memref<1000xf32, #tpu.memory_space<vmem>>
      %dma_wait3A_43 = arith.constant 0 : i32
      %dma_wait3A_44 = tpu.memref_slice %arg6[%run_scoped3A_25, %add3A, %dma_wait3A_43] : memref<10x32x1000xf32, #tpu.memory_space<hbm>> -> memref<1x1x1000xf32, #tpu.memory_space<hbm>>
      %dma_wait3A_45 = tpu.memref_squeeze %dma_wait3A_44 : memref<1x1x1000xf32, #tpu.memory_space<hbm>> -> memref<1000xf32, #tpu.memory_space<hbm>>
      %dma_wait3A_46 = arith.constant 0 : i32
      %dma_wait3A_47 = tpu.memref_slice %arg6[%run_scoped3A_25, %add3A, %dma_wait3A_46] : memref<10x32x1000xf32, #tpu.memory_space<hbm>> -> memref<1x1x1000xf32, #tpu.memory_space<hbm>>
      %dma_wait3A_48 = tpu.memref_squeeze %dma_wait3A_47 : memref<1x1x1000xf32, #tpu.memory_space<hbm>> -> memref<1000xf32, #tpu.memory_space<hbm>>
      %dma_wait3A_49 = arith.constant 6000 : i32
      %dma_wait3A_50 = tpu.memref_slice %arg11[%dma_wait3A_49] : memref<10000xf32, #tpu.memory_space<vmem>> -> memref<1000xf32, #tpu.memory_space<vmem>>
      tpu.wait_dma2 semaphore(%run_scoped3A_32 : memref<!tpu.dma_semaphore, #tpu.memory_space<semaphore_mem>>) src(%dma_wait3A_50 : memref<1000xf32, #tpu.memory_space<vmem>>) dst(%dma_wait3A_48 : memref<1000xf32, #tpu.memory_space<hbm>>)
      tpu.yield
    }) : () -> ()
    %run_scoped3A_26 = arith.constant 7 : i32
    "tpu.region"() ({
      %run_scoped3A_32 = tpu.sem_alloc : memref<!tpu.dma_semaphore, #tpu.memory_space<semaphore_mem>>
      %dma_start3A = arith.constant 7000 : i32
      %dma_start3A_33 = tpu.memref_slice %arg10[%dma_start3A] : memref<10000xf32, #tpu.memory_space<vmem>> -> memref<1000xf32, #tpu.memory_space<vmem>>
      %dma_start3A_34 = arith.constant 0 : i32
      %dma_start3A_35 = tpu.memref_slice %arg5[%run_scoped3A_26, %add3A, %dma_start3A_34] : memref<10x32x1000xf32, #tpu.memory_space<hbm>> -> memref<1x1x1000xf32, #tpu.memory_space<hbm>>
      %dma_start3A_36 = tpu.memref_squeeze %dma_start3A_35 : memref<1x1x1000xf32, #tpu.memory_space<hbm>> -> memref<1000xf32, #tpu.memory_space<hbm>>
      %dma_start3A_37 = arith.constant 0 : i32
      %dma_start3A_38 = tpu.memref_slice %arg5[%run_scoped3A_26, %add3A, %dma_start3A_37] : memref<10x32x1000xf32, #tpu.memory_space<hbm>> -> memref<1x1x1000xf32, #tpu.memory_space<hbm>>
      %dma_start3A_39 = tpu.memref_squeeze %dma_start3A_38 : memref<1x1x1000xf32, #tpu.memory_space<hbm>> -> memref<1000xf32, #tpu.memory_space<hbm>>
      %dma_start3A_40 = arith.constant 7000 : i32
      %dma_start3A_41 = tpu.memref_slice %arg10[%dma_start3A_40] : memref<10000xf32, #tpu.memory_space<vmem>> -> memref<1000xf32, #tpu.memory_space<vmem>>
      tpu.enqueue_dma source(%dma_start3A_41 : memref<1000xf32, #tpu.memory_space<vmem>>) target(%dma_start3A_39 : memref<1000xf32, #tpu.memory_space<hbm>>) target_semaphore(%run_scoped3A_32 : memref<!tpu.dma_semaphore, #tpu.memory_space<semaphore_mem>>)
      %dma_wait3A = arith.constant 7000 : i32
      %dma_wait3A_42 = tpu.memref_slice %arg10[%dma_wait3A] : memref<10000xf32, #tpu.memory_space<vmem>> -> memref<1000xf32, #tpu.memory_space<vmem>>
      %dma_wait3A_43 = arith.constant 0 : i32
      %dma_wait3A_44 = tpu.memref_slice %arg5[%run_scoped3A_26, %add3A, %dma_wait3A_43] : memref<10x32x1000xf32, #tpu.memory_space<hbm>> -> memref<1x1x1000xf32, #tpu.memory_space<hbm>>
      %dma_wait3A_45 = tpu.memref_squeeze %dma_wait3A_44 : memref<1x1x1000xf32, #tpu.memory_space<hbm>> -> memref<1000xf32, #tpu.memory_space<hbm>>
      %dma_wait3A_46 = arith.constant 0 : i32
      %dma_wait3A_47 = tpu.memref_slice %arg5[%run_scoped3A_26, %add3A, %dma_wait3A_46] : memref<10x32x1000xf32, #tpu.memory_space<hbm>> -> memref<1x1x1000xf32, #tpu.memory_space<hbm>>
      %dma_wait3A_48 = tpu.memref_squeeze %dma_wait3A_47 : memref<1x1x1000xf32, #tpu.memory_space<hbm>> -> memref<1000xf32, #tpu.memory_space<hbm>>
      %dma_wait3A_49 = arith.constant 7000 : i32
      %dma_wait3A_50 = tpu.memref_slice %arg10[%dma_wait3A_49] : memref<10000xf32, #tpu.memory_space<vmem>> -> memref<1000xf32, #tpu.memory_space<vmem>>
      tpu.wait_dma2 semaphore(%run_scoped3A_32 : memref<!tpu.dma_semaphore, #tpu.memory_space<semaphore_mem>>) src(%dma_wait3A_50 : memref<1000xf32, #tpu.memory_space<vmem>>) dst(%dma_wait3A_48 : memref<1000xf32, #tpu.memory_space<hbm>>)
      tpu.yield
    }) : () -> ()
    %run_scoped3A_27 = arith.constant 7 : i32
    "tpu.region"() ({
      %run_scoped3A_32 = tpu.sem_alloc : memref<!tpu.dma_semaphore, #tpu.memory_space<semaphore_mem>>
      %dma_start3A = arith.constant 7000 : i32
      %dma_start3A_33 = tpu.memref_slice %arg11[%dma_start3A] : memref<10000xf32, #tpu.memory_space<vmem>> -> memref<1000xf32, #tpu.memory_space<vmem>>
      %dma_start3A_34 = arith.constant 0 : i32
      %dma_start3A_35 = tpu.memref_slice %arg6[%run_scoped3A_27, %add3A, %dma_start3A_34] : memref<10x32x1000xf32, #tpu.memory_space<hbm>> -> memref<1x1x1000xf32, #tpu.memory_space<hbm>>
      %dma_start3A_36 = tpu.memref_squeeze %dma_start3A_35 : memref<1x1x1000xf32, #tpu.memory_space<hbm>> -> memref<1000xf32, #tpu.memory_space<hbm>>
      %dma_start3A_37 = arith.constant 0 : i32
      %dma_start3A_38 = tpu.memref_slice %arg6[%run_scoped3A_27, %add3A, %dma_start3A_37] : memref<10x32x1000xf32, #tpu.memory_space<hbm>> -> memref<1x1x1000xf32, #tpu.memory_space<hbm>>
      %dma_start3A_39 = tpu.memref_squeeze %dma_start3A_38 : memref<1x1x1000xf32, #tpu.memory_space<hbm>> -> memref<1000xf32, #tpu.memory_space<hbm>>
      %dma_start3A_40 = arith.constant 7000 : i32
      %dma_start3A_41 = tpu.memref_slice %arg11[%dma_start3A_40] : memref<10000xf32, #tpu.memory_space<vmem>> -> memref<1000xf32, #tpu.memory_space<vmem>>
      tpu.enqueue_dma source(%dma_start3A_41 : memref<1000xf32, #tpu.memory_space<vmem>>) target(%dma_start3A_39 : memref<1000xf32, #tpu.memory_space<hbm>>) target_semaphore(%run_scoped3A_32 : memref<!tpu.dma_semaphore, #tpu.memory_space<semaphore_mem>>)
      %dma_wait3A = arith.constant 7000 : i32
      %dma_wait3A_42 = tpu.memref_slice %arg11[%dma_wait3A] : memref<10000xf32, #tpu.memory_space<vmem>> -> memref<1000xf32, #tpu.memory_space<vmem>>
      %dma_wait3A_43 = arith.constant 0 : i32
      %dma_wait3A_44 = tpu.memref_slice %arg6[%run_scoped3A_27, %add3A, %dma_wait3A_43] : memref<10x32x1000xf32, #tpu.memory_space<hbm>> -> memref<1x1x1000xf32, #tpu.memory_space<hbm>>
      %dma_wait3A_45 = tpu.memref_squeeze %dma_wait3A_44 : memref<1x1x1000xf32, #tpu.memory_space<hbm>> -> memref<1000xf32, #tpu.memory_space<hbm>>
      %dma_wait3A_46 = arith.constant 0 : i32
      %dma_wait3A_47 = tpu.memref_slice %arg6[%run_scoped3A_27, %add3A, %dma_wait3A_46] : memref<10x32x1000xf32, #tpu.memory_space<hbm>> -> memref<1x1x1000xf32, #tpu.memory_space<hbm>>
      %dma_wait3A_48 = tpu.memref_squeeze %dma_wait3A_47 : memref<1x1x1000xf32, #tpu.memory_space<hbm>> -> memref<1000xf32, #tpu.memory_space<hbm>>
      %dma_wait3A_49 = arith.constant 7000 : i32
      %dma_wait3A_50 = tpu.memref_slice %arg11[%dma_wait3A_49] : memref<10000xf32, #tpu.memory_space<vmem>> -> memref<1000xf32, #tpu.memory_space<vmem>>
      tpu.wait_dma2 semaphore(%run_scoped3A_32 : memref<!tpu.dma_semaphore, #tpu.memory_space<semaphore_mem>>) src(%dma_wait3A_50 : memref<1000xf32, #tpu.memory_space<vmem>>) dst(%dma_wait3A_48 : memref<1000xf32, #tpu.memory_space<hbm>>)
      tpu.yield
    }) : () -> ()
    %run_scoped3A_28 = arith.constant 8 : i32
    "tpu.region"() ({
      %run_scoped3A_32 = tpu.sem_alloc : memref<!tpu.dma_semaphore, #tpu.memory_space<semaphore_mem>>
      %dma_start3A = arith.constant 8000 : i32
      %dma_start3A_33 = tpu.memref_slice %arg10[%dma_start3A] : memref<10000xf32, #tpu.memory_space<vmem>> -> memref<1000xf32, #tpu.memory_space<vmem>>
      %dma_start3A_34 = arith.constant 0 : i32
      %dma_start3A_35 = tpu.memref_slice %arg5[%run_scoped3A_28, %add3A, %dma_start3A_34] : memref<10x32x1000xf32, #tpu.memory_space<hbm>> -> memref<1x1x1000xf32, #tpu.memory_space<hbm>>
      %dma_start3A_36 = tpu.memref_squeeze %dma_start3A_35 : memref<1x1x1000xf32, #tpu.memory_space<hbm>> -> memref<1000xf32, #tpu.memory_space<hbm>>
      %dma_start3A_37 = arith.constant 0 : i32
      %dma_start3A_38 = tpu.memref_slice %arg5[%run_scoped3A_28, %add3A, %dma_start3A_37] : memref<10x32x1000xf32, #tpu.memory_space<hbm>> -> memref<1x1x1000xf32, #tpu.memory_space<hbm>>
      %dma_start3A_39 = tpu.memref_squeeze %dma_start3A_38 : memref<1x1x1000xf32, #tpu.memory_space<hbm>> -> memref<1000xf32, #tpu.memory_space<hbm>>
      %dma_start3A_40 = arith.constant 8000 : i32
      %dma_start3A_41 = tpu.memref_slice %arg10[%dma_start3A_40] : memref<10000xf32, #tpu.memory_space<vmem>> -> memref<1000xf32, #tpu.memory_space<vmem>>
      tpu.enqueue_dma source(%dma_start3A_41 : memref<1000xf32, #tpu.memory_space<vmem>>) target(%dma_start3A_39 : memref<1000xf32, #tpu.memory_space<hbm>>) target_semaphore(%run_scoped3A_32 : memref<!tpu.dma_semaphore, #tpu.memory_space<semaphore_mem>>)
      %dma_wait3A = arith.constant 8000 : i32
      %dma_wait3A_42 = tpu.memref_slice %arg10[%dma_wait3A] : memref<10000xf32, #tpu.memory_space<vmem>> -> memref<1000xf32, #tpu.memory_space<vmem>>
      %dma_wait3A_43 = arith.constant 0 : i32
      %dma_wait3A_44 = tpu.memref_slice %arg5[%run_scoped3A_28, %add3A, %dma_wait3A_43] : memref<10x32x1000xf32, #tpu.memory_space<hbm>> -> memref<1x1x1000xf32, #tpu.memory_space<hbm>>
      %dma_wait3A_45 = tpu.memref_squeeze %dma_wait3A_44 : memref<1x1x1000xf32, #tpu.memory_space<hbm>> -> memref<1000xf32, #tpu.memory_space<hbm>>
      %dma_wait3A_46 = arith.constant 0 : i32
      %dma_wait3A_47 = tpu.memref_slice %arg5[%run_scoped3A_28, %add3A, %dma_wait3A_46] : memref<10x32x1000xf32, #tpu.memory_space<hbm>> -> memref<1x1x1000xf32, #tpu.memory_space<hbm>>
      %dma_wait3A_48 = tpu.memref_squeeze %dma_wait3A_47 : memref<1x1x1000xf32, #tpu.memory_space<hbm>> -> memref<1000xf32, #tpu.memory_space<hbm>>
      %dma_wait3A_49 = arith.constant 8000 : i32
      %dma_wait3A_50 = tpu.memref_slice %arg10[%dma_wait3A_49] : memref<10000xf32, #tpu.memory_space<vmem>> -> memref<1000xf32, #tpu.memory_space<vmem>>
      tpu.wait_dma2 semaphore(%run_scoped3A_32 : memref<!tpu.dma_semaphore, #tpu.memory_space<semaphore_mem>>) src(%dma_wait3A_50 : memref<1000xf32, #tpu.memory_space<vmem>>) dst(%dma_wait3A_48 : memref<1000xf32, #tpu.memory_space<hbm>>)
      tpu.yield
    }) : () -> ()
    %run_scoped3A_29 = arith.constant 8 : i32
    "tpu.region"() ({
      %run_scoped3A_32 = tpu.sem_alloc : memref<!tpu.dma_semaphore, #tpu.memory_space<semaphore_mem>>
      %dma_start3A = arith.constant 8000 : i32
      %dma_start3A_33 = tpu.memref_slice %arg11[%dma_start3A] : memref<10000xf32, #tpu.memory_space<vmem>> -> memref<1000xf32, #tpu.memory_space<vmem>>
      %dma_start3A_34 = arith.constant 0 : i32
      %dma_start3A_35 = tpu.memref_slice %arg6[%run_scoped3A_29, %add3A, %dma_start3A_34] : memref<10x32x1000xf32, #tpu.memory_space<hbm>> -> memref<1x1x1000xf32, #tpu.memory_space<hbm>>
      %dma_start3A_36 = tpu.memref_squeeze %dma_start3A_35 : memref<1x1x1000xf32, #tpu.memory_space<hbm>> -> memref<1000xf32, #tpu.memory_space<hbm>>
      %dma_start3A_37 = arith.constant 0 : i32
      %dma_start3A_38 = tpu.memref_slice %arg6[%run_scoped3A_29, %add3A, %dma_start3A_37] : memref<10x32x1000xf32, #tpu.memory_space<hbm>> -> memref<1x1x1000xf32, #tpu.memory_space<hbm>>
      %dma_start3A_39 = tpu.memref_squeeze %dma_start3A_38 : memref<1x1x1000xf32, #tpu.memory_space<hbm>> -> memref<1000xf32, #tpu.memory_space<hbm>>
      %dma_start3A_40 = arith.constant 8000 : i32
      %dma_start3A_41 = tpu.memref_slice %arg11[%dma_start3A_40] : memref<10000xf32, #tpu.memory_space<vmem>> -> memref<1000xf32, #tpu.memory_space<vmem>>
      tpu.enqueue_dma source(%dma_start3A_41 : memref<1000xf32, #tpu.memory_space<vmem>>) target(%dma_start3A_39 : memref<1000xf32, #tpu.memory_space<hbm>>) target_semaphore(%run_scoped3A_32 : memref<!tpu.dma_semaphore, #tpu.memory_space<semaphore_mem>>)
      %dma_wait3A = arith.constant 8000 : i32
      %dma_wait3A_42 = tpu.memref_slice %arg11[%dma_wait3A] : memref<10000xf32, #tpu.memory_space<vmem>> -> memref<1000xf32, #tpu.memory_space<vmem>>
      %dma_wait3A_43 = arith.constant 0 : i32
      %dma_wait3A_44 = tpu.memref_slice %arg6[%run_scoped3A_29, %add3A, %dma_wait3A_43] : memref<10x32x1000xf32, #tpu.memory_space<hbm>> -> memref<1x1x1000xf32, #tpu.memory_space<hbm>>
      %dma_wait3A_45 = tpu.memref_squeeze %dma_wait3A_44 : memref<1x1x1000xf32, #tpu.memory_space<hbm>> -> memref<1000xf32, #tpu.memory_space<hbm>>
      %dma_wait3A_46 = arith.constant 0 : i32
      %dma_wait3A_47 = tpu.memref_slice %arg6[%run_scoped3A_29, %add3A, %dma_wait3A_46] : memref<10x32x1000xf32, #tpu.memory_space<hbm>> -> memref<1x1x1000xf32, #tpu.memory_space<hbm>>
      %dma_wait3A_48 = tpu.memref_squeeze %dma_wait3A_47 : memref<1x1x1000xf32, #tpu.memory_space<hbm>> -> memref<1000xf32, #tpu.memory_space<hbm>>
      %dma_wait3A_49 = arith.constant 8000 : i32
      %dma_wait3A_50 = tpu.memref_slice %arg11[%dma_wait3A_49] : memref<10000xf32, #tpu.memory_space<vmem>> -> memref<1000xf32, #tpu.memory_space<vmem>>
      tpu.wait_dma2 semaphore(%run_scoped3A_32 : memref<!tpu.dma_semaphore, #tpu.memory_space<semaphore_mem>>) src(%dma_wait3A_50 : memref<1000xf32, #tpu.memory_space<vmem>>) dst(%dma_wait3A_48 : memref<1000xf32, #tpu.memory_space<hbm>>)
      tpu.yield
    }) : () -> ()
    %run_scoped3A_30 = arith.constant 9 : i32
    "tpu.region"() ({
      %run_scoped3A_32 = tpu.sem_alloc : memref<!tpu.dma_semaphore, #tpu.memory_space<semaphore_mem>>
      %dma_start3A = arith.constant 9000 : i32
      %dma_start3A_33 = tpu.memref_slice %arg10[%dma_start3A] : memref<10000xf32, #tpu.memory_space<vmem>> -> memref<1000xf32, #tpu.memory_space<vmem>>
      %dma_start3A_34 = arith.constant 0 : i32
      %dma_start3A_35 = tpu.memref_slice %arg5[%run_scoped3A_30, %add3A, %dma_start3A_34] : memref<10x32x1000xf32, #tpu.memory_space<hbm>> -> memref<1x1x1000xf32, #tpu.memory_space<hbm>>
      %dma_start3A_36 = tpu.memref_squeeze %dma_start3A_35 : memref<1x1x1000xf32, #tpu.memory_space<hbm>> -> memref<1000xf32, #tpu.memory_space<hbm>>
      %dma_start3A_37 = arith.constant 0 : i32
      %dma_start3A_38 = tpu.memref_slice %arg5[%run_scoped3A_30, %add3A, %dma_start3A_37] : memref<10x32x1000xf32, #tpu.memory_space<hbm>> -> memref<1x1x1000xf32, #tpu.memory_space<hbm>>
      %dma_start3A_39 = tpu.memref_squeeze %dma_start3A_38 : memref<1x1x1000xf32, #tpu.memory_space<hbm>> -> memref<1000xf32, #tpu.memory_space<hbm>>
      %dma_start3A_40 = arith.constant 9000 : i32
      %dma_start3A_41 = tpu.memref_slice %arg10[%dma_start3A_40] : memref<10000xf32, #tpu.memory_space<vmem>> -> memref<1000xf32, #tpu.memory_space<vmem>>
      tpu.enqueue_dma source(%dma_start3A_41 : memref<1000xf32, #tpu.memory_space<vmem>>) target(%dma_start3A_39 : memref<1000xf32, #tpu.memory_space<hbm>>) target_semaphore(%run_scoped3A_32 : memref<!tpu.dma_semaphore, #tpu.memory_space<semaphore_mem>>)
      %dma_wait3A = arith.constant 9000 : i32
      %dma_wait3A_42 = tpu.memref_slice %arg10[%dma_wait3A] : memref<10000xf32, #tpu.memory_space<vmem>> -> memref<1000xf32, #tpu.memory_space<vmem>>
      %dma_wait3A_43 = arith.constant 0 : i32
      %dma_wait3A_44 = tpu.memref_slice %arg5[%run_scoped3A_30, %add3A, %dma_wait3A_43] : memref<10x32x1000xf32, #tpu.memory_space<hbm>> -> memref<1x1x1000xf32, #tpu.memory_space<hbm>>
      %dma_wait3A_45 = tpu.memref_squeeze %dma_wait3A_44 : memref<1x1x1000xf32, #tpu.memory_space<hbm>> -> memref<1000xf32, #tpu.memory_space<hbm>>
      %dma_wait3A_46 = arith.constant 0 : i32
      %dma_wait3A_47 = tpu.memref_slice %arg5[%run_scoped3A_30, %add3A, %dma_wait3A_46] : memref<10x32x1000xf32, #tpu.memory_space<hbm>> -> memref<1x1x1000xf32, #tpu.memory_space<hbm>>
      %dma_wait3A_48 = tpu.memref_squeeze %dma_wait3A_47 : memref<1x1x1000xf32, #tpu.memory_space<hbm>> -> memref<1000xf32, #tpu.memory_space<hbm>>
      %dma_wait3A_49 = arith.constant 9000 : i32
      %dma_wait3A_50 = tpu.memref_slice %arg10[%dma_wait3A_49] : memref<10000xf32, #tpu.memory_space<vmem>> -> memref<1000xf32, #tpu.memory_space<vmem>>
      tpu.wait_dma2 semaphore(%run_scoped3A_32 : memref<!tpu.dma_semaphore, #tpu.memory_space<semaphore_mem>>) src(%dma_wait3A_50 : memref<1000xf32, #tpu.memory_space<vmem>>) dst(%dma_wait3A_48 : memref<1000xf32, #tpu.memory_space<hbm>>)
      tpu.yield
    }) : () -> ()
    %run_scoped3A_31 = arith.constant 9 : i32
    "tpu.region"() ({
      %run_scoped3A_32 = tpu.sem_alloc : memref<!tpu.dma_semaphore, #tpu.memory_space<semaphore_mem>>
      %dma_start3A = arith.constant 9000 : i32
      %dma_start3A_33 = tpu.memref_slice %arg11[%dma_start3A] : memref<10000xf32, #tpu.memory_space<vmem>> -> memref<1000xf32, #tpu.memory_space<vmem>>
      %dma_start3A_34 = arith.constant 0 : i32
      %dma_start3A_35 = tpu.memref_slice %arg6[%run_scoped3A_31, %add3A, %dma_start3A_34] : memref<10x32x1000xf32, #tpu.memory_space<hbm>> -> memref<1x1x1000xf32, #tpu.memory_space<hbm>>
      %dma_start3A_36 = tpu.memref_squeeze %dma_start3A_35 : memref<1x1x1000xf32, #tpu.memory_space<hbm>> -> memref<1000xf32, #tpu.memory_space<hbm>>
      %dma_start3A_37 = arith.constant 0 : i32
      %dma_start3A_38 = tpu.memref_slice %arg6[%run_scoped3A_31, %add3A, %dma_start3A_37] : memref<10x32x1000xf32, #tpu.memory_space<hbm>> -> memref<1x1x1000xf32, #tpu.memory_space<hbm>>
      %dma_start3A_39 = tpu.memref_squeeze %dma_start3A_38 : memref<1x1x1000xf32, #tpu.memory_space<hbm>> -> memref<1000xf32, #tpu.memory_space<hbm>>
      %dma_start3A_40 = arith.constant 9000 : i32
      %dma_start3A_41 = tpu.memref_slice %arg11[%dma_start3A_40] : memref<10000xf32, #tpu.memory_space<vmem>> -> memref<1000xf32, #tpu.memory_space<vmem>>
      tpu.enqueue_dma source(%dma_start3A_41 : memref<1000xf32, #tpu.memory_space<vmem>>) target(%dma_start3A_39 : memref<1000xf32, #tpu.memory_space<hbm>>) target_semaphore(%run_scoped3A_32 : memref<!tpu.dma_semaphore, #tpu.memory_space<semaphore_mem>>)
      %dma_wait3A = arith.constant 9000 : i32
      %dma_wait3A_42 = tpu.memref_slice %arg11[%dma_wait3A] : memref<10000xf32, #tpu.memory_space<vmem>> -> memref<1000xf32, #tpu.memory_space<vmem>>
      %dma_wait3A_43 = arith.constant 0 : i32
      %dma_wait3A_44 = tpu.memref_slice %arg6[%run_scoped3A_31, %add3A, %dma_wait3A_43] : memref<10x32x1000xf32, #tpu.memory_space<hbm>> -> memref<1x1x1000xf32, #tpu.memory_space<hbm>>
      %dma_wait3A_45 = tpu.memref_squeeze %dma_wait3A_44 : memref<1x1x1000xf32, #tpu.memory_space<hbm>> -> memref<1000xf32, #tpu.memory_space<hbm>>
      %dma_wait3A_46 = arith.constant 0 : i32
      %dma_wait3A_47 = tpu.memref_slice %arg6[%run_scoped3A_31, %add3A, %dma_wait3A_46] : memref<10x32x1000xf32, #tpu.memory_space<hbm>> -> memref<1x1x1000xf32, #tpu.memory_space<hbm>>
      %dma_wait3A_48 = tpu.memref_squeeze %dma_wait3A_47 : memref<1x1x1000xf32, #tpu.memory_space<hbm>> -> memref<1000xf32, #tpu.memory_space<hbm>>
      %dma_wait3A_49 = arith.constant 9000 : i32
      %dma_wait3A_50 = tpu.memref_slice %arg11[%dma_wait3A_49] : memref<10000xf32, #tpu.memory_space<vmem>> -> memref<1000xf32, #tpu.memory_space<vmem>>
      tpu.wait_dma2 semaphore(%run_scoped3A_32 : memref<!tpu.dma_semaphore, #tpu.memory_space<semaphore_mem>>) src(%dma_wait3A_50 : memref<1000xf32, #tpu.memory_space<vmem>>) dst(%dma_wait3A_48 : memref<1000xf32, #tpu.memory_space<hbm>>)
      tpu.yield
    }) : () -> ()
    return
  }
}

module attributes {stable_mosaic.version = 14 : i64} {
  func.func @_norm_body(%arg0: i32, %arg1: memref<1x32x1000xf32, #tpu.memory_space<vmem>>, %arg2: memref<1x32x1000xf32, #tpu.memory_space<vmem>>, %arg3: memref<1000x128xf32, #tpu.memory_space<vmem>>, %arg4: memref<1000x128xbf16, #tpu.memory_space<vmem>>, %arg5: memref<1x1x1000xf32, #tpu.memory_space<vmem>>) attributes {dimension_semantics = [#tpu.dimension_semantics<arbitrary>], iteration_bounds = array<i64: 10>, scalar_prefetch = 0 : i64, scratch_operands = 0 : i64, tpu.core_type = #tpu.core_type<tc>, window_params = [{transform_indices = @transform_0, window_bounds = array<i64: 1, 32, 1000>}, {transform_indices = @transform_1, window_bounds = array<i64: 1, 32, 1000>}, {transform_indices = @transform_2, window_bounds = array<i64: 1000, 128>}, {transform_indices = @transform_3, window_bounds = array<i64: 1000, 128>}, {transform_indices = @transform_4, window_bounds = array<i64: 1, 1, 1000>}]} {
    %get3A = arith.constant 0 : index
    %get3A_0 = arith.constant 0 : index
    %get3A_1 = arith.constant 0 : index
    %get3A_2 = vector.load %arg1[%get3A, %get3A_0, %get3A_1] : memref<1x32x1000xf32, #tpu.memory_space<vmem>>, vector<1x32x1000xf32>
    %get3A_3 = vector.shape_cast %get3A_2 : vector<1x32x1000xf32> to vector<32x1000xf32>
    %reduce_sum3A = arith.constant dense<0.000000e+00> : vector<1000xf32>
    %reduce_sum3A_4 = vector.multi_reduction <add>, %get3A_3, %reduce_sum3A [0] : vector<32x1000xf32> to vector<1000xf32>
    %gt3A = arith.constant 0.000000e+00 : f32
    %gt3A_5 = vector.broadcast %gt3A : f32 to vector<1000xf32>
    %gt3A_6 = arith.cmpf ogt, %reduce_sum3A_4, %gt3A_5 : vector<1000xf32>
    %jit3A = arith.constant 1.000000e+00 : f32
    %broadcast_in_dim3A = vector.broadcast %jit3A : f32 to vector<1000xf32>
    %select_n3A = arith.select %gt3A_6, %reduce_sum3A_4, %broadcast_in_dim3A : vector<1000xi1>, vector<1000xf32>
    %gt3A_7 = arith.constant 0.000000e+00 : f32
    %gt3A_8 = vector.broadcast %gt3A_7 : f32 to vector<1000xf32>
    %gt3A_9 = arith.cmpf ogt, %reduce_sum3A_4, %gt3A_8 : vector<1000xf32>
    %rsqrt3A = math.rsqrt %select_n3A : vector<1000xf32>
    %jit3A_10 = arith.constant 0.000000e+00 : f32
    %broadcast_in_dim3A_11 = vector.broadcast %jit3A_10 : f32 to vector<1000xf32>
    %select_n3A_12 = arith.select %gt3A_9, %rsqrt3A, %broadcast_in_dim3A_11 : vector<1000xi1>, vector<1000xf32>
    %broadcast_in_dim3A_13 = vector.shape_cast %select_n3A_12 : vector<1000xf32> to vector<1x1x1000xf32>
    %swap3A = arith.constant 0 : index
    %swap3A_14 = arith.constant 0 : index
    %swap3A_15 = arith.constant 0 : index
    %swap3A_16 = vector.load %arg5[%swap3A, %swap3A_14, %swap3A_15] : memref<1x1x1000xf32, #tpu.memory_space<vmem>>, vector<1x1x1000xf32>
    tpu.vector_store %arg5[%swap3A, %swap3A_14, %swap3A_15], %broadcast_in_dim3A_13 {strides = array<i32>} : memref<1x1x1000xf32, #tpu.memory_space<vmem>>, vector<1x1x1000xf32>,
    %get3A_17 = arith.constant 0 : index
    %get3A_18 = arith.constant 0 : index
    %get3A_19 = arith.constant 0 : index
    %get3A_20 = vector.load %arg2[%get3A_17, %get3A_18, %get3A_19] : memref<1x32x1000xf32, #tpu.memory_space<vmem>>, vector<1x32x1000xf32>
    %get3A_21 = vector.shape_cast %get3A_20 : vector<1x32x1000xf32> to vector<32x1000xf32>
    %reduce_sum3A_22 = arith.constant dense<0.000000e+00> : vector<1000xf32>
    %reduce_sum3A_23 = vector.multi_reduction <add>, %get3A_21, %reduce_sum3A_22 [0] : vector<32x1000xf32> to vector<1000xf32>
    %gt3A_24 = arith.constant 0.000000e+00 : f32
    %gt3A_25 = vector.broadcast %gt3A_24 : f32 to vector<1000xf32>
    %gt3A_26 = arith.cmpf ogt, %reduce_sum3A_23, %gt3A_25 : vector<1000xf32>
    %jit3A_27 = arith.constant 1.000000e+00 : f32
    %broadcast_in_dim3A_28 = vector.broadcast %jit3A_27 : f32 to vector<1000xf32>
    %select_n3A_29 = arith.select %gt3A_26, %reduce_sum3A_23, %broadcast_in_dim3A_28 : vector<1000xi1>, vector<1000xf32>
    %gt3A_30 = arith.constant 0.000000e+00 : f32
    %gt3A_31 = vector.broadcast %gt3A_30 : f32 to vector<1000xf32>
    %gt3A_32 = arith.cmpf ogt, %reduce_sum3A_23, %gt3A_31 : vector<1000xf32>
    %rsqrt3A_33 = math.rsqrt %select_n3A_29 : vector<1000xf32>
    %jit3A_34 = arith.constant 0.000000e+00 : f32
    %broadcast_in_dim3A_35 = vector.broadcast %jit3A_34 : f32 to vector<1000xf32>
    %select_n3A_36 = arith.select %gt3A_32, %rsqrt3A_33, %broadcast_in_dim3A_35 : vector<1000xi1>, vector<1000xf32>
    %get3A_37 = arith.constant 0 : index
    %get3A_38 = arith.constant 0 : index
    %get3A_39 = vector.load %arg3[%get3A_37, %get3A_38] : memref<1000x128xf32, #tpu.memory_space<vmem>>, vector<1000x128xf32>
    %broadcast_in_dim3A_40 = vector.shape_cast %select_n3A_36 : vector<1000xf32> to vector<1000x1xf32>
    %mul3A = vector.broadcast %broadcast_in_dim3A_40 : vector<1000x1xf32> to vector<1000x128xf32>
    %mul3A_41 = arith.mulf %get3A_39, %mul3A : vector<1000x128xf32>
    %convert_element_type3A = arith.truncf %mul3A_41 : vector<1000x128xf32> to vector<1000x128xbf16>
    %swap3A_42 = arith.constant 0 : index
    %swap3A_43 = arith.constant 0 : index
    %swap3A_44 = vector.load %arg4[%swap3A_42, %swap3A_43] : memref<1000x128xbf16, #tpu.memory_space<vmem>>, vector<1000x128xbf16>
    tpu.vector_store %arg4[%swap3A_42, %swap3A_43], %convert_element_type3A {strides = array<i32>} : memref<1000x128xbf16, #tpu.memory_space<vmem>>, vector<1000x128xbf16>,
    return
  }
  func.func @transform_0(%arg0: i32) -> (i32, i32, i32) {
    %c0_i32 = arith.constant 0 : i32
    %c0_i32_0 = arith.constant 0 : i32
    %c0_i32_1 = arith.constant 0 : i32
    return %arg0, %c0_i32, %c0_i32_0 : i32, i32, i32
  }
  func.func @transform_1(%arg0: i32) -> (i32, i32, i32) {
    %c0_i32 = arith.constant 0 : i32
    %c0_i32_0 = arith.constant 0 : i32
    %c0_i32_1 = arith.constant 0 : i32
    return %arg0, %c0_i32, %c0_i32_0 : i32, i32, i32
  }
  func.func @transform_2(%arg0: i32) -> (i32, i32) {
    %c0_i32 = arith.constant 0 : i32
    %c0_i32_0 = arith.constant 0 : i32
    return %arg0, %c0_i32 : i32, i32
  }
  func.func @transform_3(%arg0: i32) -> (i32, i32) {
    %c0_i32 = arith.constant 0 : i32
    %c0_i32_0 = arith.constant 0 : i32
    return %arg0, %c0_i32 : i32, i32
  }
  func.func @transform_4(%arg0: i32) -> (i32, i32, i32) {
    %c0_i32 = arith.constant 0 : i32
    %c0_i32_0 = arith.constant 0 : i32
    %c0_i32_1 = arith.constant 0 : i32
    return %arg0, %c0_i32, %c0_i32_0 : i32, i32, i32
  }
}

module attributes {stable_mosaic.version = 14 : i64} {
  func.func @_mm_body(%arg0: i32, %arg1: memref<2x1000x128xf32, #tpu.memory_space<vmem>>, %arg2: memref<1x1x1000xf32, #tpu.memory_space<vmem>>, %arg3: memref<128x128xf32, #tpu.memory_space<vmem>>, %arg4: memref<1x128xf32, #tpu.memory_space<vmem>>, %arg5: memref<1000x128xf32, #tpu.memory_space<vmem>>) attributes {dimension_semantics = [#tpu.dimension_semantics<arbitrary>], iteration_bounds = array<i64: 10>, scalar_prefetch = 0 : i64, scratch_operands = 0 : i64, tpu.core_type = #tpu.core_type<tc>, window_params = [{transform_indices = @transform_0, window_bounds = array<i64: 2, 1000, 128>}, {transform_indices = @transform_1, window_bounds = array<i64: 1, 1, 1000>}, {pipeline_mode = #tpu.pipeline_mode<synchronous>, transform_indices = @transform_2, window_bounds = array<i64: 128, 128>}, {pipeline_mode = #tpu.pipeline_mode<synchronous>, transform_indices = @transform_3, window_bounds = array<i64: 1, 128>}, {transform_indices = @transform_4, window_bounds = array<i64: 1000, 128>}]} {
    %get3A = arith.constant 0 : index
    %get3A_0 = arith.constant 0 : index
    %get3A_1 = arith.constant 0 : index
    %get3A_2 = vector.load %arg2[%get3A, %get3A_0, %get3A_1] : memref<1x1x1000xf32, #tpu.memory_space<vmem>>, vector<1x1x1000xf32>
    %get3A_3 = vector.shape_cast %get3A_2 : vector<1x1x1000xf32> to vector<1000xf32>
    %get3A_4 = arith.constant 0 : index
    %get3A_5 = arith.constant 0 : index
    %get3A_6 = arith.constant 0 : index
    %get3A_7 = vector.load %arg1[%get3A_4, %get3A_5, %get3A_6] : memref<2x1000x128xf32, #tpu.memory_space<vmem>>, vector<1x1000x128xf32>
    %get3A_8 = vector.shape_cast %get3A_7 : vector<1x1000x128xf32> to vector<1000x128xf32>
    %get3A_9 = arith.constant 1 : index
    %get3A_10 = arith.constant 0 : index
    %get3A_11 = arith.constant 0 : index
    %get3A_12 = vector.load %arg1[%get3A_9, %get3A_10, %get3A_11] : memref<2x1000x128xf32, #tpu.memory_space<vmem>>, vector<1x1000x128xf32>
    %get3A_13 = vector.shape_cast %get3A_12 : vector<1x1000x128xf32> to vector<1000x128xf32>
    %add3A = arith.addf %get3A_8, %get3A_13 : vector<1000x128xf32>
    %broadcast_in_dim3A = vector.shape_cast %get3A_3 : vector<1000xf32> to vector<1000x1xf32>
    %mul3A = vector.broadcast %broadcast_in_dim3A : vector<1000x1xf32> to vector<1000x128xf32>
    %mul3A_14 = arith.mulf %add3A, %mul3A : vector<1000x128xf32>
    %get3A_15 = arith.constant 0 : index
    %get3A_16 = arith.constant 0 : index
    %get3A_17 = vector.load %arg3[%get3A_15, %get3A_16] : memref<128x128xf32, #tpu.memory_space<vmem>>, vector<128x128xf32>
    %dot_general3A = arith.constant dense<0.000000e+00> : vector<1000x128xf32>
    %dot_general3A_18 = tpu.matmul %mul3A_14, %get3A_17, %dot_general3A {dimension_numbers = #tpu.dot_dimension_numbers<[1], [0], [0], [1], [0, 0, 1, 1], [], []>, transpose_lhs_hint = false} : vector<1000x128xf32>, vector<128x128xf32>, vector<1000x128xf32> -> vector<1000x128xf32>
    %get3A_19 = arith.constant 0 : index
    %get3A_20 = arith.constant 0 : index
    %get3A_21 = vector.load %arg4[%get3A_19, %get3A_20] : memref<1x128xf32, #tpu.memory_space<vmem>>, vector<1x128xf32>
    %add3A_22 = vector.broadcast %get3A_21 : vector<1x128xf32> to vector<1000x128xf32>
    %add3A_23 = arith.addf %dot_general3A_18, %add3A_22 : vector<1000x128xf32>
    %swap3A = arith.constant 0 : index
    %swap3A_24 = arith.constant 0 : index
    %swap3A_25 = vector.load %arg5[%swap3A, %swap3A_24] : memref<1000x128xf32, #tpu.memory_space<vmem>>, vector<1000x128xf32>
    tpu.vector_store %arg5[%swap3A, %swap3A_24], %add3A_23 {strides = array<i32>} : memref<1000x128xf32, #tpu.memory_space<vmem>>, vector<1000x128xf32>,
    return
  }
  func.func @transform_0(%arg0: i32) -> (i32, i32, i32) {
    %c0_i32 = arith.constant 0 : i32
    %c0_i32_0 = arith.constant 0 : i32
    %c0_i32_1 = arith.constant 0 : i32
    return %c0_i32, %arg0, %c0_i32_0 : i32, i32, i32
  }
  func.func @transform_1(%arg0: i32) -> (i32, i32, i32) {
    %c0_i32 = arith.constant 0 : i32
    %c0_i32_0 = arith.constant 0 : i32
    %c0_i32_1 = arith.constant 0 : i32
    return %arg0, %c0_i32, %c0_i32_0 : i32, i32, i32
  }
  func.func @transform_2(%arg0: i32) -> (i32, i32) {
    %c0_i32 = arith.constant 0 : i32
    %c0_i32_0 = arith.constant 0 : i32
    %c0_i32_1 = arith.constant 0 : i32
    return %c0_i32, %c0_i32_0 : i32, i32
  }
  func.func @transform_3(%arg0: i32) -> (i32, i32) {
    %c0_i32 = arith.constant 0 : i32
    %c0_i32_0 = arith.constant 0 : i32
    %c0_i32_1 = arith.constant 0 : i32
    return %c0_i32, %c0_i32_0 : i32, i32
  }
  func.func @transform_4(%arg0: i32) -> (i32, i32) {
    %c0_i32 = arith.constant 0 : i32
    %c0_i32_0 = arith.constant 0 : i32
    return %arg0, %c0_i32 : i32, i32
  }
}

</mosaic_0001>

<sc_bundles>
// kernel: kernel.6.cloned.1.call-start
scs
__scs_entry_jumppad:
0x0: {  	(pc) =	sbr.rel $0x88, $3  }
0x1: {  	(tag) =	ssettag $0x0;
	lr =	simm.s32 $0x1  }
0x2: {  	[smem:$0x3F9C] =	sst lr;
	_ =	strace $0xD0000000  }
0x3: {  	_ = 	snop  }
0x4: {  	_ = 	snop  }
0x5: {  	_ = 	snop  }
0x6: {  	_ = 	snop  }
0x7: {  	_ = 	snop  }
__scs_overlays_trampoline_lowered:
0x8: {  	[smem:$0x3FAB] =	sst s0  }
0x9: {  	[smem:$0x3FAC] =	sst s1  }
0xa: {  	[smem:$0x3FAD] =	sst s2  }
0xb: {  	[smem:$0x3FAE] =	sst s3  }
0xc: {  	[smem:$0x3FAF] =	sst s4  }
0xd: {  	[smem:$0x3FB0] =	sst s5  }
0xe: {  	[smem:$0x3FB1] =	sst s6  }
0xf: {  	[smem:$0x3FB2] =	sst s7  }
0x10: {  	[smem:$0x3FB3] =	sst s8  }
0x11: {  	[smem:$0x3FB4] =	sst s9;
	s0 =	simm.s32 @!p0 $0x0  }
0x12: {  	s1 =	sld [smem:$0x3F9A];
	s0 =	simm.s32 @p0 $0x1  }
0x13: {  	[smem:$0x3FB5] =	sst s0;
	s0 =	simm.s32 @!p1 $0x0  }
0x14: {  	s2 =	sld [smem:$0x3F99];
	s0 =	simm.s32 @p1 $0x1  }
0x15: {  	[smem:$0x3FB6] =	sst s0;
	s0 =	simm.s32 @!p2 $0x0  }
0x16: {  	s3 =	sld [smem:$0x3FDB];
	s0 =	simm.s32 @p2 $0x1  }
0x17: {  	s4 =	simm.s32 $0x1BF5;
	[smem:$0x3FB8] =	sst s0  }
0x18: {  	s0 =	sld [smem:$0x3F9B];
	_ =	swait.ge [sflag:s4], $0x0  }
0x19: {  	s7 =	sld [smem:$0x3F9C]  }
0x1a: {  	s8 =	sadd.s32 $0xFFFFE003, lr  }
0x1b: {  	s9 =	sadd.s32 $0xFFFFFEF7, lr;
	s5 =	simm.s32 $0xFFFFFFFF;
	p2 =	slt.u32 s8, $0xFFFFF086  }
0x1c: {  	p1 =	slt.u32 s9, $0xF7A;
	s5 =	simm.s32 @!p2 $0x0  }
0x1d: {  	s5 =	simm.s32 @p1 $0x1;
	p0 =	seq.s32 s7, s2  }
0x1e: {  	s7 =	smul.u32 @!p0 $0xF7A, s2;
	p2 =	seq.s32 @!p0 s5, $0x0  }
0x1f: {  	s9 =	smul.u32 $0xF7A, s1;
	s8 =	simm.s32 @!p0 $0x1BF5;
	p2 =	por !p2, p0  }
0x20: {  	[sflag:s8] =	ssyncset.s32 @!p0 $0xFFFFF086;
	s6 =	sadd.s32 @!p0 s3, s7;
	s7 =	simm.s32 @!p0 $0x108  }
0x21: {  	s3 =	sadd.s32 s3, s9;
	s6 =	sadd.s32 @!p0 $0x88, s6;
	s7 =	simm.s32 @p2 $0x1082  }
0x22: {  	[simem:s7], [sflag:s8] =	dma.local @!p0 [hbm:s6], $0xF7A  }
0x23: {  	s9 =	sor.u32 $0xD0000000, s2;
	s6 =	simm.s32 $0x108;
	_ =	swait.ge @!p0 [sflag:s8], $0x0  }
0x24: {  	s3 =	sadd.s32 $0x88, s3;
	s6 =	simm.s32 @!p1 $0x1082;
	[sflag:s4] =	ssyncset.s32 $0xFFFFF086  }
0x25: {  	[simem:s6], [sflag:s4] =	dma.local [hbm:s3], $0xF7A  }
0x26: {  	[smem:$0x3F9C] =	sst s1;
	(tag) =	ssettag s2;
	_ =	strace s9  }
0x27: {  	s1 =	sld [smem:$0x3FAC]  }
0x28: {  	s2 =	sld [smem:$0x3FAD]  }
0x29: {  	s4 =	sld [smem:$0x3FAF]  }
0x2a: {  	p0 =	seq.s32 s5, $0x0;
	s5 =	sld [smem:$0x3FB0]  }
0x2b: {  	s6 =	sld [smem:$0x3FB1]  }
0x2c: {  	s7 =	sld [smem:$0x3FB2]  }
0x2d: {  	s3 =	simm.s32 $0x108;
	s8 =	sld [smem:$0x3FB3]  }
0x2e: {  	s3 =	simm.s32 @!p0 $0x1082;
	s9 =	sld [smem:$0x3FB4]  }
0x2f: {  	lr =	sadd.s32 s0, s3;
	s0 =	sld [smem:$0x3FAB]  }
0x30: {  	s3 =	sld [smem:$0x3FAE]  }
0x31: {  	[smem:$0x3FB7] =	sst s10  }
0x32: {  	s10 =	sld [smem:$0x3FB5];
	_ =	sdelay $0x3  }
0x33: {  	p0 =	seq.s32 s10, $0x1;
	s10 =	sld [smem:$0x3FB7];
	_ =	sdelay $0x3  }
0x34: {  	[smem:$0x3FB7] =	sst s10  }
0x35: {  	s10 =	sld [smem:$0x3FB6];
	_ =	sdelay $0x3  }
0x36: {  	p1 =	seq.s32 s10, $0x1;
	s10 =	sld [smem:$0x3FB7];
	_ =	sdelay $0x3  }
0x37: {  	[smem:$0x3FB7] =	sst s10  }
0x38: {  	s10 =	sld [smem:$0x3FB8]  }
0x39: {  	_ = 	snop;
	(pc) =	sbr.ind lr, $3  }
0x3a: {  	_ = 	snop  }
0x3b: {  	_ = 	snop  }
0x3c: {  	p2 =	seq.s32 s10, $0x1;
	s10 =	sld [smem:$0x3FB7]  }
0x3d: {  	_ =	shalt  }
0x3e: {  	_ =	shalt  }
0x3f: {  	_ =	shalt  }
0x40: {  	_ =	shalt  }
0x41: {  	_ =	shalt  }
0x42: {  	_ =	shalt  }
0x43: {  	_ =	shalt  }
0x44: {  	_ =	shalt  }
0x45: {  	_ =	shalt  }
0x46: {  	_ =	shalt  }
0x47: {  	_ =	shalt  }
0x48: {  	_ =	shalt  }
0x49: {  	_ =	shalt  }
0x4a: {  	_ =	shalt  }
0x4b: {  	_ =	shalt  }
0x4c: {  	_ =	shalt  }
0x4d: {  	_ =	shalt  }
0x4e: {  	_ =	shalt  }
0x4f: {  	_ =	shalt  }
0x50: {  	_ =	shalt  }
0x51: {  	_ =	shalt  }
0x52: {  	_ =	shalt  }
0x53: {  	_ =	shalt  }
0x54: {  	_ =	shalt  }
0x55: {  	_ =	shalt  }
0x56: {  	_ =	shalt  }
0x57: {  	_ =	shalt  }
0x58: {  	_ =	shalt  }
0x59: {  	_ =	shalt  }
0x5a: {  	_ =	shalt  }
0x5b: {  	_ =	shalt  }
0x5c: {  	_ =	shalt  }
0x5d: {  	_ =	shalt  }
0x5e: {  	_ =	shalt  }
0x5f: {  	_ =	shalt  }
0x60: {  	_ =	shalt  }
0x61: {  	_ =	shalt  }
0x62: {  	_ =	shalt  }
0x63: {  	_ =	shalt  }
0x64: {  	_ =	shalt  }
0x65: {  	_ =	shalt  }
0x66: {  	_ =	shalt  }
0x67: {  	_ =	shalt  }
0x68: {  	_ =	shalt  }
0x69: {  	_ =	shalt  }
0x6a: {  	_ =	shalt  }
0x6b: {  	_ =	shalt  }
0x6c: {  	_ =	shalt  }
0x6d: {  	_ =	shalt  }
0x6e: {  	_ =	shalt  }
0x6f: {  	_ =	shalt  }
0x70: {  	_ =	shalt  }
0x71: {  	_ =	shalt  }
0x72: {  	_ =	shalt  }
0x73: {  	_ =	shalt  }
0x74: {  	_ =	shalt  }
0x75: {  	_ =	shalt  }
0x76: {  	_ =	shalt  }
0x77: {  	_ =	shalt  }
0x78: {  	_ =	shalt  }
0x79: {  	_ =	shalt  }
0x7a: {  	_ =	shalt  }
0x7b: {  	_ =	shalt  }
0x7c: {  	_ =	shalt  }
0x7d: {  	_ =	shalt  }
0x7e: {  	_ =	shalt  }
0x7f: {  	_ =	shalt  }
0x80: {  	_ =	shalt  }
0x81: {  	_ =	shalt  }
0x82: {  	_ =	shalt  }
0x83: {  	_ =	shalt  }
0x84: {  	_ =	shalt  }
0x85: {  	_ =	shalt  }
0x86: {  	_ =	shalt  }
0x87: {  	_ =	shalt  }
.Lfunc_end0:
.L_simem_size_0:
called_computation_lowered:
.L_overlay_start_0:
0x88: {  	s2 =	sld [smem:$0x3FD9]  }
0x89: {  	s3 =	sld [smem:$0x3FFE];
	_ =	sdelay $0x1  }
0x8a: {  	s1 =	srdreg.scid  }
0x8b: {  	s0 =	sand.u32 $0x1, s1  }
0x8c: {  	s17 =	sshll.u32 s0, $0xA;
	s2 =	sadd.s32 s3, s2  }
0x8d: {  	s2 =	sadd.s32 s2, s17  }
0x8e: {  	[smem:$0x3FC3] =	sst s2  }
0x8f: {  	_ = 	snop  }
0x90: {  	s2 =	sld [smem:$0x3FC7]  }
0x91: {  	s18 =	sld [smem:$0x3FD0];
	(tm) =	ssettm $0x1  }
0x92: {  	s4 =	sld [smem:$0x3FFB];
	_ =	sdelay $0x3  }
0x93: {  	_ =	strace s4  }
0x94: {  	s4 =	sld [smem:$0x3FFC];
	_ =	sdelay $0x3  }
0x95: {  	_ =	strace s4  }
0x96: {  	s4 =	sld [smem:$0x3FFD];
	_ =	sdelay $0x3  }
0x97: {  	_ =	strace s4  }
0x98: {  	_ =	strace $0x8FFFFFFF  }
0x99: {  	s19 =	sld [smem:$0x3FDB];
	_ =	sdelay $0x1  }
0x9a: {  	s5 =	simm.s32 $_scs_section_size  }
0x9b: {  	s6 =	simm.s32 $_size__tile_overlayer_lowered;
	s7 =	simm.s32 $_tile_overlayer_lowered  }
0x9c: {  	s22 =	simm.s32 $0x1BFF;
	s21 =	sshll.u32 s7, $0x1;
	s4 =	sadd.s32 s5, s19  }
0x9d: {  	s8 =	simm.s32 $0x0;
	s20 =	sshll.u32 s6, $0x1;
	s6 =	sadd.s32 s21, s4  }
0x9e: {  	[timem:s8], [sflag:s22] =	dma.local [hbm:s6], s20  }
0x9f: {  	_ =	swait.ge [sflag:s22], s20  }
0xa0: {  	s5 =	ssub.s32 $0x0, s20;
	[sflag:s22] =	ssyncset.done $0x0  }
0xa1: {  	[sflag:s22] =	ssyncadd.s32 s5;
	_ =	sdelay $0x1  }
0xa2: {  	s23 =	simm.s32 $0x1B8B  }
0xa3: {  	_ =	swait.ge [sflag:s23], $0x1  }
0xa4: {  	[sflag:s23] =	ssyncset.done $0x0  }
0xa5: {  	s25 =	simm.s32 $0x1B8E;
	s24 =	sld [smem:$0x3FFE];
	[sflag:s23] =	ssyncadd.s32 $0xFFFFFFFF  }
0xa6: {  	s26 =	simm.s32 $execute0_lowered;
	[smem:$0x3FD2] =	sst s25  }
0xa7: {  	s6 =	sshll.u32 s26, $0x1;
	_ =	strace $0x80000046;
	[dreg:$0x1] =	wrdreg $0xFFFFFFFF  }
0xa8: {  	s28 =	simm.s32 $_size_execute0_lowered;
	s4 =	sadd.s32 s4, s6;
	[dreg:$0x0] =	wrdreg $0x0  }
0xa9: {  	s6 =	sshll.u32 s28, $0x1;
	[dreg:$0x2] =	wrdreg s4  }
0xaa: {  	[dreg:$0x3] =	wrdreg s6  }
0xab: {  	[dreg:$0x4] =	wrdreg $0xC0  }
0xac: {  	_ =	task [dreg:s8], $0x5FFFF  }
0xad: {  	[dreg:$0x1] =	wrdreg $0xFFFFFFFF  }
0xae: {  	[dreg:$0x0] =	wrdreg $0x60  }
0xaf: {  	[dreg:$0x2] =	wrdreg s24  }
0xb0: {  	[dreg:$0x3] =	wrdreg s2  }
0xb1: {  	[dreg:$0x4] =	wrdreg s18  }
0xb2: {  	[dreg:$0x5] =	wrdreg $0x9  }
0xb3: {  	_ =	task.clear_ibuf [dreg:s8], $0x6FFFF;
	_ =	strace $0x90000046  }
0xb4: {  	s29 =	simm.s32 $0x9;
	_ =	strace $0x80000048  }
0xb5: {  	_ =	swait.ge [sflag:s29], $0x1  }
0xb6: {  	[sflag:s29] =	ssyncadd.s32 $0xFFFFFFFF  }
0xb7: {  	_ =	strace $0x90000048  }
0xb8: {  	_ =	sfence  }
0xb9: {  	s30 =	sld [smem:$0x0];
	_ =	sdelay $0x2  }
0xba: {  	s31 =	sshll.u32 s1, $0xD;
	s1 =	sshrl.u32 s1, $0x2  }
0xbb: {  	s3 =	sand.u32 $0x4000, s31;
	s1 =	sadd.s32 s1, s30  }
0xbc: {  	s0 =	sor.u32 s3, s0;
	s1 =	sshll.u32 s1, $0x11  }
0xbd: {  	s0 =	sor.u32 s1, s0  }
0xbe: {  	s0 =	sadd.s32 $0x8F2B, s0  }
0xbf: {  	[sflag:s0] =	ssyncadd.remote.s32 $0x1  }
0xc0: {  	_ =	sfence.sel $0xFFFF  }
0xc1: {  	[dreg:$0x0] =	wrdreg $0xFFFFFFFF;
	(pc) =	sbr.abs _section_cstart, $3  }
0xc2: {  	[dreg:$0x1] =	wrdreg $0xFFFFFFFF  }
0xc3: {  	_ =	task.clear_ibuf [dreg:s8], $0x2FFFF;
	_ =	strace $0x9FFFFFFF  }
0xc4: {  	(tm) =	ssettm $0x7FFFFFFF  }
0xc5: {  	_ =	shalt  }
tec
execute0_lowered:
.L_overlay_start_1:
0x0: {  	(tag) =	ssettag $0x1  }
0x1: {  	s2 =	rddreg [dreg:$0x0]  }
0x2: {  	s0 =	srdreg.scid;
	s4 =	rddreg [dreg:$0x1]  }
0x3: {  	s3 =	stileid.u32;
	s17 =	rddreg [dreg:$0x2];
	s0 =	sand.u32 $0x1, s0  }
0x4: {  	s28 =	simm.s32 $0x1;
	s31 =	simm.s32 $0x7530;
	s1 =	sshll.u32 s0, $0x4  }
0x5: {  	s23 =	sadd.s32 $0x15400, s2;
	s0 =	ssub.s32 $0x2, s0;
	s3 =	sor.u32 s3, s1  }
0x6: {  	s1 =	simm.s32 $0x0;
	s29 =	sshrl.u32 s0, $0x1;
	s5 =	smul.u32 $0x4E2, s3  }
0x7: {  	s3 =	smul.u32 $0x3E8, s3;
	[smem:$0x7FF] =	sst s1;
	s0 =	ssub.s32 s0, s29  }
0x8: {  	s26 =	smax.u32 s0, $0x1;
	s0 =	simm.s32 $0x0;
	s30 =	sadd.s32 s4, s5  }
0x9: {  	s25 =	sadd.s32 s5, s2;
	s22 =	sshrl.u32 s3, $0x3;
	[dreg:$0x4] =	wrdreg s30  }
0xa: {  	s3 =	sadd.s32 s17, s22;
	s4 =	sadd.s32 s23, s22;
	s6 =	sadd.s32 $0xFA0, s22  }
0xb: {  	s8 =	sadd.s32 $0x1F40, s22;
	s10 =	sadd.s32 $0x2EE0, s22;
	s12 =	sadd.s32 $0x3E80, s22  }
0xc: {  	s14 =	sadd.s32 $0x4E20, s22;
	s16 =	sadd.s32 $0x5DC0, s22;
	s19 =	sadd.s32 $0x6D60, s22  }
0xd: {  	s21 =	sadd.s32 $0x7D00, s22;
	s24 =	sadd.s32 $0x8CA0, s22;
	s5 =	sadd.s32 s17, s6  }
0xe: {  	s6 =	sadd.s32 s23, s6;
	s7 =	sadd.s32 s17, s8;
	s8 =	sadd.s32 s23, s8  }
0xf: {  	s9 =	sadd.s32 s17, s10;
	s10 =	sadd.s32 s23, s10;
	s11 =	sadd.s32 s17, s12  }
0x10: {  	s12 =	sadd.s32 s23, s12;
	s13 =	sadd.s32 s17, s14;
	s14 =	sadd.s32 s23, s14  }
0x11: {  	s15 =	sadd.s32 s17, s16;
	s16 =	sadd.s32 s23, s16;
	s18 =	sadd.s32 s17, s19  }
0x12: {  	s19 =	sadd.s32 s23, s19;
	s20 =	sadd.s32 s17, s21;
	s21 =	sadd.s32 s23, s21  }
0x13: {  	s22 =	sadd.s32 s17, s24;
	s23 =	sadd.s32 s23, s24;
	_ =	strace $0x80000047  }
0x14: {  	v0 =	vimm.f32 $0.0e+00;
	s24 =	sadd.s32 $0xB600, s25;
	s25 =	sadd.s32 $0x1800, s25;
	s17 =	simm.s32 $0x9C40  }
.LBB2_1:
0x15: {  	[tilespmem:s1], [sflag:$0x1] =	stream.linear.gather [hbm4b:s24+s1], $0x2710, $0x38;
	[tilespmem:$0xC350] =	vst v63  }
0x16: {  	_ =	swait.ge [sflag:s28], $0x2710  }
0x17: {  	[sflag:s28] =	ssyncset.done $0x0  }
0x18: {  	s2 =	simm.s32 $0x2710;
	[sflag:s28] =	ssyncadd.s32 $0xFFFFD8F0  }
0x19: {  	[tilespmem:s2], [sflag:$0x1] =	stream.linear.gather [hbm4b:s25+s1], $0x2710, $0x38;
	[tilespmem:$0xC350] =	vst v63  }
0x1a: {  	_ =	swait.ge [sflag:s28], $0x2710  }
0x1b: {  	[sflag:s28] =	ssyncset.done $0x0  }
0x1c: {  	s29 =	simm.s32 $0x4E20;
	s30 =	rddreg [dreg:$0x4];
	[sflag:s28] =	ssyncadd.s32 $0xFFFFD8F0  }
0x1d: {  	[tilespmem:s29], [sflag:$0x1] =	stream.linear.gather [hbm4b:s30+s1], $0x2710, $0x38;
	[tilespmem:$0xC350] =	vst v63  }
0x1e: {  	_ =	swait.ge [sflag:s28], $0x2710  }
0x1f: {  	[sflag:s28] =	ssyncset.done $0x0  }
0x20: {  	s29 =	simm.s32 $0x0;
	[sflag:s28] =	ssyncadd.s32 $0xFFFFD8F0  }
.LBB2_2:
0x21: {  	p0 =	sne.s32 s29, $0x9C00  }
.Ltmp0:
0x22: {  	_ = 	snop;
	(pc) =	sbr.rel @p0 .LBB2_2-.Ltmp0, $4  }
0x23: {  	_ = 	snop  }
0x24: {  	s30 =	sshra.s32 s29, $0x2  }
0x25: {  	[tilespmem:s30+$0x7530] =	vst v0  }
0x26: {  	s29 =	sadd.s32 $0x40, s29;
	[tilespmem:s30+$0x9C40] =	vst v0  }
0x27: {  	s2 =	simm.s32 $0x0  }
0x28: {  	v2 =	vld [tilespmem:s2+$0x0];
	_ =	sdelay $0x2  }
0x29: {  	v1 =	vld [tilespmem:s2+$0x4E20];
	_ =	sdelay $0x4  }
0x2a: {  	[tilespmem:v2+s31+$0x0] =	vst.idx.add.f32.msk $0xffff, v1  }
0x2b: {  	s29 =	simm.s32 $0x40;
	s30 =	simm.s32 $0x80;
	v2 =	vld [tilespmem:s2+$0x2710]  }
.LBB2_4:
0x2c: {  	_ =	sdelay $0x5  }
0x2d: {  	p0 =	sne.s32 s30, $0x9C00  }
0x2e: {  	s2 =	sshra.s32 s29, $0x2;
	s29 =	smov.u32 s30;
	s30 =	sadd.s32 $0x40, s30;
	[tilespmem:v2+s17+$0x0] =	vst.idx.add.f32.msk $0xffff, v1  }
0x2f: {  	v2 =	vld [tilespmem:s2+$0x0];
	_ =	sdelay $0x2  }
0x30: {  	v1 =	vld [tilespmem:s2+$0x4E20];
	_ =	sdelay $0x1  }
.Ltmp1:
0x31: {  	(pc) =	sbr.rel @p0 .LBB2_4-.Ltmp1, $3  }
0x32: {  	_ =	sdelay $0x1  }
0x33: {  	[tilespmem:v2+s31+$0x0] =	vst.idx.add.f32.msk $0xffff, v1  }
0x34: {  	v2 =	vld [tilespmem:s2+$0x2710]  }
0x35: {  	_ =	sdelay $0x7  }
0x36: {  	s2 =	sshra.s32 s29, $0x2;
	[tilespmem:v2+s17+$0x0] =	vst.idx.add.f32.msk $0xffff, v1  }
0x37: {  	v1 =	vld [tilespmem:s2+$0x0];
	_ =	sdelay $0x2  }
0x38: {  	v2 =	vld [tilespmem:s2+$0x4E20];
	_ =	sdelay $0x4  }
0x39: {  	[tilespmem:v1+s31+$0x0] =	vst.idx.add.f32.msk $0xffff, v2  }
0x3a: {  	v1 =	vld [tilespmem:s2+$0x2710];
	_ =	sdelay $0x7  }
0x3b: {  	[tilespmem:v1+s17+$0x0] =	vst.idx.add.f32.msk $0xffff, v2  }
0x3c: {  	[hbm4b:s3+s1] =	stream.linear.scatter [tilespmem:s31], [sflag:$0x1], $0x3E8, $0x38;
	[tilespmem:$0xC350] =	vst v63  }
0x3d: {  	_ =	swait.ge [sflag:s28], $0x3E8  }
0x3e: {  	[sflag:s28] =	ssyncset.done $0x0  }
0x3f: {  	[sflag:s28] =	ssyncadd.s32 $0xFFFFFC18  }
0x40: {  	[hbm4b:s4+s1] =	stream.linear.scatter [tilespmem:s17], [sflag:$0x1], $0x3E8, $0x38;
	[tilespmem:$0xC350] =	vst v63  }
0x41: {  	_ =	swait.ge [sflag:s28], $0x3E8  }
0x42: {  	[sflag:s28] =	ssyncset.done $0x0  }
0x43: {  	s29 =	simm.s32 $0x7918;
	[sflag:s28] =	ssyncadd.s32 $0xFFFFFC18  }
0x44: {  	[hbm4b:s5+s1] =	stream.linear.scatter [tilespmem:s29], [sflag:$0x1], $0x3E8, $0x38;
	[tilespmem:$0xC350] =	vst v63  }
0x45: {  	_ =	swait.ge [sflag:s28], $0x3E8  }
0x46: {  	[sflag:s28] =	ssyncset.done $0x0  }
0x47: {  	s30 =	simm.s32 $0xA028;
	[sflag:s28] =	ssyncadd.s32 $0xFFFFFC18  }
0x48: {  	[hbm4b:s6+s1] =	stream.linear.scatter [tilespmem:s30], [sflag:$0x1], $0x3E8, $0x38;
	[tilespmem:$0xC350] =	vst v63  }
0x49: {  	_ =	swait.ge [sflag:s28], $0x3E8  }
0x4a: {  	[sflag:s28] =	ssyncset.done $0x0  }
0x4b: {  	s29 =	simm.s32 $0x7D00;
	[sflag:s28] =	ssyncadd.s32 $0xFFFFFC18  }
0x4c: {  	[hbm4b:s7+s1] =	stream.linear.scatter [tilespmem:s29], [sflag:$0x1], $0x3E8, $0x38;
	[tilespmem:$0xC350] =	vst v63  }
0x4d: {  	_ =	swait.ge [sflag:s28], $0x3E8  }
0x4e: {  	[sflag:s28] =	ssyncset.done $0x0  }
0x4f: {  	s30 =	simm.s32 $0xA410;
	[sflag:s28] =	ssyncadd.s32 $0xFFFFFC18  }
0x50: {  	[hbm4b:s8+s1] =	stream.linear.scatter [tilespmem:s30], [sflag:$0x1], $0x3E8, $0x38;
	[tilespmem:$0xC350] =	vst v63  }
0x51: {  	_ =	swait.ge [sflag:s28], $0x3E8  }
0x52: {  	[sflag:s28] =	ssyncset.done $0x0  }
0x53: {  	s29 =	simm.s32 $0x80E8;
	[sflag:s28] =	ssyncadd.s32 $0xFFFFFC18  }
0x54: {  	[hbm4b:s9+s1] =	stream.linear.scatter [tilespmem:s29], [sflag:$0x1], $0x3E8, $0x38;
	[tilespmem:$0xC350] =	vst v63  }
0x55: {  	_ =	swait.ge [sflag:s28], $0x3E8  }
0x56: {  	[sflag:s28] =	ssyncset.done $0x0  }
0x57: {  	s30 =	simm.s32 $0xA7F8;
	[sflag:s28] =	ssyncadd.s32 $0xFFFFFC18  }
0x58: {  	[hbm4b:s10+s1] =	stream.linear.scatter [tilespmem:s30], [sflag:$0x1], $0x3E8, $0x38;
	[tilespmem:$0xC350] =	vst v63  }
0x59: {  	_ =	swait.ge [sflag:s28], $0x3E8  }
0x5a: {  	[sflag:s28] =	ssyncset.done $0x0  }
0x5b: {  	s29 =	simm.s32 $0x84D0;
	[sflag:s28] =	ssyncadd.s32 $0xFFFFFC18  }
0x5c: {  	[hbm4b:s11+s1] =	stream.linear.scatter [tilespmem:s29], [sflag:$0x1], $0x3E8, $0x38;
	[tilespmem:$0xC350] =	vst v63  }
0x5d: {  	_ =	swait.ge [sflag:s28], $0x3E8  }
0x5e: {  	[sflag:s28] =	ssyncset.done $0x0  }
0x5f: {  	s30 =	simm.s32 $0xABE0;
	[sflag:s28] =	ssyncadd.s32 $0xFFFFFC18  }
0x60: {  	[hbm4b:s12+s1] =	stream.linear.scatter [tilespmem:s30], [sflag:$0x1], $0x3E8, $0x38;
	[tilespmem:$0xC350] =	vst v63  }
0x61: {  	_ =	swait.ge [sflag:s28], $0x3E8  }
0x62: {  	[sflag:s28] =	ssyncset.done $0x0  }
0x63: {  	s29 =	simm.s32 $0x88B8;
	[sflag:s28] =	ssyncadd.s32 $0xFFFFFC18  }
0x64: {  	[hbm4b:s13+s1] =	stream.linear.scatter [tilespmem:s29], [sflag:$0x1], $0x3E8, $0x38;
	[tilespmem:$0xC350] =	vst v63  }
0x65: {  	_ =	swait.ge [sflag:s28], $0x3E8  }
0x66: {  	[sflag:s28] =	ssyncset.done $0x0  }
0x67: {  	s30 =	simm.s32 $0xAFC8;
	[sflag:s28] =	ssyncadd.s32 $0xFFFFFC18  }
0x68: {  	[hbm4b:s14+s1] =	stream.linear.scatter [tilespmem:s30], [sflag:$0x1], $0x3E8, $0x38;
	[tilespmem:$0xC350] =	vst v63  }
0x69: {  	_ =	swait.ge [sflag:s28], $0x3E8  }
0x6a: {  	[sflag:s28] =	ssyncset.done $0x0  }
0x6b: {  	s29 =	simm.s32 $0x8CA0;
	[sflag:s28] =	ssyncadd.s32 $0xFFFFFC18  }
0x6c: {  	[hbm4b:s15+s1] =	stream.linear.scatter [tilespmem:s29], [sflag:$0x1], $0x3E8, $0x38;
	[tilespmem:$0xC350] =	vst v63  }
0x6d: {  	_ =	swait.ge [sflag:s28], $0x3E8  }
0x6e: {  	[sflag:s28] =	ssyncset.done $0x0  }
0x6f: {  	s30 =	simm.s32 $0xB3B0;
	[sflag:s28] =	ssyncadd.s32 $0xFFFFFC18  }
0x70: {  	[hbm4b:s16+s1] =	stream.linear.scatter [tilespmem:s30], [sflag:$0x1], $0x3E8, $0x38;
	[tilespmem:$0xC350] =	vst v63  }
0x71: {  	_ =	swait.ge [sflag:s28], $0x3E8  }
0x72: {  	[sflag:s28] =	ssyncset.done $0x0  }
0x73: {  	s29 =	simm.s32 $0x9088;
	[sflag:s28] =	ssyncadd.s32 $0xFFFFFC18  }
0x74: {  	[hbm4b:s18+s1] =	stream.linear.scatter [tilespmem:s29], [sflag:$0x1], $0x3E8, $0x38;
	[tilespmem:$0xC350] =	vst v63  }
0x75: {  	_ =	swait.ge [sflag:s28], $0x3E8  }
0x76: {  	[sflag:s28] =	ssyncset.done $0x0  }
0x77: {  	s30 =	simm.s32 $0xB798;
	[sflag:s28] =	ssyncadd.s32 $0xFFFFFC18  }
0x78: {  	[hbm4b:s19+s1] =	stream.linear.scatter [tilespmem:s30], [sflag:$0x1], $0x3E8, $0x38;
	[tilespmem:$0xC350] =	vst v63  }
0x79: {  	_ =	swait.ge [sflag:s28], $0x3E8  }
0x7a: {  	[sflag:s28] =	ssyncset.done $0x0  }
0x7b: {  	s29 =	simm.s32 $0x9470;
	[sflag:s28] =	ssyncadd.s32 $0xFFFFFC18  }
0x7c: {  	[hbm4b:s20+s1] =	stream.linear.scatter [tilespmem:s29], [sflag:$0x1], $0x3E8, $0x38;
	[tilespmem:$0xC350] =	vst v63  }
0x7d: {  	_ =	swait.ge [sflag:s28], $0x3E8  }
0x7e: {  	[sflag:s28] =	ssyncset.done $0x0  }
0x7f: {  	s30 =	simm.s32 $0xBB80;
	[sflag:s28] =	ssyncadd.s32 $0xFFFFFC18  }
0x80: {  	[hbm4b:s21+s1] =	stream.linear.scatter [tilespmem:s30], [sflag:$0x1], $0x3E8, $0x38;
	[tilespmem:$0xC350] =	vst v63  }
0x81: {  	_ =	swait.ge [sflag:s28], $0x3E8  }
0x82: {  	[sflag:s28] =	ssyncset.done $0x0  }
0x83: {  	s29 =	simm.s32 $0x9858;
	[sflag:s28] =	ssyncadd.s32 $0xFFFFFC18  }
0x84: {  	[hbm4b:s22+s1] =	stream.linear.scatter [tilespmem:s29], [sflag:$0x1], $0x3E8, $0x38;
	[tilespmem:$0xC350] =	vst v63  }
0x85: {  	s0 =	sadd.s32 $0x1, s0;
	_ =	swait.ge [sflag:s28], $0x3E8  }
0x86: {  	p0 =	sne.s32 s0, s26;
	[sflag:s28] =	ssyncset.done $0x0  }
.Ltmp2:
0x87: {  	s30 =	simm.s32 $0xBF68;
	[sflag:s28] =	ssyncadd.s32 $0xFFFFFC18;
	(pc) =	sbr.rel @p0 .LBB2_1-.Ltmp2, $4  }
0x88: {  	[hbm4b:s23+s1] =	stream.linear.scatter [tilespmem:s30], [sflag:$0x1], $0x3E8, $0x38;
	[tilespmem:$0xC350] =	vst v63  }
0x89: {  	_ =	swait.ge [sflag:s28], $0x3E8  }
0x8a: {  	[sflag:s28] =	ssyncset.done $0x0  }
0x8b: {  	[sflag:s28] =	ssyncadd.s32 $0xFFFFFC18  }
0x8c: {  	_ =	sfence.sel $0x180000  }
0x8d: {  	[bflag:$0x0] =	sbarrier.arrive $0xFFFF  }
0x8e: {  	_ =	strace $0x90000047  }
0x8f: {  	s0 =	stileid.u32;
	[bflag:$0x2] =	sbarrier.arrive $0xFFFF  }
0x90: {  	p0 =	sne.s32 s0, $0x0;
	s0 =	rddreg [dreg:$0x3]  }
0x91: {  	s0 =	sadd.s32 @!p0 $0x100000, s0  }
0x92: {  	[sflag:s0] =	ssyncadd.tile.s32 @!p0 $0x1;
	_ =	shalt  }
.Lfunc_end2:
_tile_overlayer_lowered:
.L_overlay_start_2:
0x93: {  	(tag) =	ssettag $0x2  }
0x94: {  	s0 =	rddreg [dreg:$0x0];
	s2 =	stileid.u32  }
0x95: {  	s1 =	rddreg [dreg:$0x1];
	p0 =	sne.s32 s2, $0x0  }
0x96: {  	s3 =	rddreg [dreg:$0x2];
	[bflag:$0x3] =	sbarrier.arrive $0xFFFF;
	s2 =	simm.s32 @!p0 $0x1C01  }
0x97: {  	[timem:s3], [sflag:s2] =	dma.local @!p0 [hbm:s0], s1  }
0x98: {  	s0 =	simm.s32 @!p0 $0x1  }
0x99: {  	_ =	swait.ge @!p0 [sflag:s0], s1  }
0x9a: {  	s1 =	ssub.s32 @!p0 $0x0, s1;
	[sflag:s0] =	ssyncset.done @!p0 $0x0  }
0x9b: {  	[sflag:s0] =	ssyncadd.s32 @!p0 s1  }
0x9c: {  	[bflag:$0x3] =	sbarrier.arrive $0xFFFF  }
0x9d: {  	_ =	shalt  }

// kernel: kernel.9.cloned.1.call-start
scs
__scs_entry_jumppad:
0x0: {  	(pc) =	sbr.rel $0x88, $3  }
0x1: {  	(tag) =	ssettag $0x0;
	lr =	simm.s32 $0x1  }
0x2: {  	[smem:$0x3F9C] =	sst lr;
	_ =	strace $0xD0000000  }
0x3: {  	_ = 	snop  }
0x4: {  	_ = 	snop  }
0x5: {  	_ = 	snop  }
0x6: {  	_ = 	snop  }
0x7: {  	_ = 	snop  }
__scs_overlays_trampoline_lowered:
0x8: {  	[smem:$0x3FAB] =	sst s0  }
0x9: {  	[smem:$0x3FAC] =	sst s1  }
0xa: {  	[smem:$0x3FAD] =	sst s2  }
0xb: {  	[smem:$0x3FAE] =	sst s3  }
0xc: {  	[smem:$0x3FAF] =	sst s4  }
0xd: {  	[smem:$0x3FB0] =	sst s5  }
0xe: {  	[smem:$0x3FB1] =	sst s6  }
0xf: {  	[smem:$0x3FB2] =	sst s7  }
0x10: {  	[smem:$0x3FB3] =	sst s8  }
0x11: {  	[smem:$0x3FB4] =	sst s9;
	s0 =	simm.s32 @!p0 $0x0  }
0x12: {  	s1 =	sld [smem:$0x3F9A];
	s0 =	simm.s32 @p0 $0x1  }
0x13: {  	[smem:$0x3FB5] =	sst s0;
	s0 =	simm.s32 @!p1 $0x0  }
0x14: {  	s2 =	sld [smem:$0x3F99];
	s0 =	simm.s32 @p1 $0x1  }
0x15: {  	[smem:$0x3FB6] =	sst s0;
	s0 =	simm.s32 @!p2 $0x0  }
0x16: {  	s3 =	sld [smem:$0x3FDB];
	s0 =	simm.s32 @p2 $0x1  }
0x17: {  	s4 =	simm.s32 $0x1BF5;
	[smem:$0x3FB8] =	sst s0  }
0x18: {  	s0 =	sld [smem:$0x3F9B];
	_ =	swait.ge [sflag:s4], $0x0  }
0x19: {  	s7 =	sld [smem:$0x3F9C]  }
0x1a: {  	s8 =	sadd.s32 $0xFFFFE003, lr  }
0x1b: {  	s9 =	sadd.s32 $0xFFFFFEF7, lr;
	s5 =	simm.s32 $0xFFFFFFFF;
	p2 =	slt.u32 s8, $0xFFFFF086  }
0x1c: {  	p1 =	slt.u32 s9, $0xF7A;
	s5 =	simm.s32 @!p2 $0x0  }
0x1d: {  	s5 =	simm.s32 @p1 $0x1;
	p0 =	seq.s32 s7, s2  }
0x1e: {  	s7 =	smul.u32 @!p0 $0xF7A, s2;
	p2 =	seq.s32 @!p0 s5, $0x0  }
0x1f: {  	s9 =	smul.u32 $0xF7A, s1;
	s8 =	simm.s32 @!p0 $0x1BF5;
	p2 =	por !p2, p0  }
0x20: {  	[sflag:s8] =	ssyncset.s32 @!p0 $0xFFFFF086;
	s6 =	sadd.s32 @!p0 s3, s7;
	s7 =	simm.s32 @!p0 $0x108  }
0x21: {  	s3 =	sadd.s32 s3, s9;
	s6 =	sadd.s32 @!p0 $0x88, s6;
	s7 =	simm.s32 @p2 $0x1082  }
0x22: {  	[simem:s7], [sflag:s8] =	dma.local @!p0 [hbm:s6], $0xF7A  }
0x23: {  	s9 =	sor.u32 $0xD0000000, s2;
	s6 =	simm.s32 $0x108;
	_ =	swait.ge @!p0 [sflag:s8], $0x0  }
0x24: {  	s3 =	sadd.s32 $0x88, s3;
	s6 =	simm.s32 @!p1 $0x1082;
	[sflag:s4] =	ssyncset.s32 $0xFFFFF086  }
0x25: {  	[simem:s6], [sflag:s4] =	dma.local [hbm:s3], $0xF7A  }
0x26: {  	[smem:$0x3F9C] =	sst s1;
	(tag) =	ssettag s2;
	_ =	strace s9  }
0x27: {  	s1 =	sld [smem:$0x3FAC]  }
0x28: {  	s2 =	sld [smem:$0x3FAD]  }
0x29: {  	s4 =	sld [smem:$0x3FAF]  }
0x2a: {  	p0 =	seq.s32 s5, $0x0;
	s5 =	sld [smem:$0x3FB0]  }
0x2b: {  	s6 =	sld [smem:$0x3FB1]  }
0x2c: {  	s7 =	sld [smem:$0x3FB2]  }
0x2d: {  	s3 =	simm.s32 $0x108;
	s8 =	sld [smem:$0x3FB3]  }
0x2e: {  	s3 =	simm.s32 @!p0 $0x1082;
	s9 =	sld [smem:$0x3FB4]  }
0x2f: {  	lr =	sadd.s32 s0, s3;
	s0 =	sld [smem:$0x3FAB]  }
0x30: {  	s3 =	sld [smem:$0x3FAE]  }
0x31: {  	[smem:$0x3FB7] =	sst s10  }
0x32: {  	s10 =	sld [smem:$0x3FB5];
	_ =	sdelay $0x3  }
0x33: {  	p0 =	seq.s32 s10, $0x1;
	s10 =	sld [smem:$0x3FB7];
	_ =	sdelay $0x3  }
0x34: {  	[smem:$0x3FB7] =	sst s10  }
0x35: {  	s10 =	sld [smem:$0x3FB6];
	_ =	sdelay $0x3  }
0x36: {  	p1 =	seq.s32 s10, $0x1;
	s10 =	sld [smem:$0x3FB7];
	_ =	sdelay $0x3  }
0x37: {  	[smem:$0x3FB7] =	sst s10  }
0x38: {  	s10 =	sld [smem:$0x3FB8]  }
0x39: {  	_ = 	snop;
	(pc) =	sbr.ind lr, $3  }
0x3a: {  	_ = 	snop  }
0x3b: {  	_ = 	snop  }
0x3c: {  	p2 =	seq.s32 s10, $0x1;
	s10 =	sld [smem:$0x3FB7]  }
0x3d: {  	_ =	shalt  }
0x3e: {  	_ =	shalt  }
0x3f: {  	_ =	shalt  }
0x40: {  	_ =	shalt  }
0x41: {  	_ =	shalt  }
0x42: {  	_ =	shalt  }
0x43: {  	_ =	shalt  }
0x44: {  	_ =	shalt  }
0x45: {  	_ =	shalt  }
0x46: {  	_ =	shalt  }
0x47: {  	_ =	shalt  }
0x48: {  	_ =	shalt  }
0x49: {  	_ =	shalt  }
0x4a: {  	_ =	shalt  }
0x4b: {  	_ =	shalt  }
0x4c: {  	_ =	shalt  }
0x4d: {  	_ =	shalt  }
0x4e: {  	_ =	shalt  }
0x4f: {  	_ =	shalt  }
0x50: {  	_ =	shalt  }
0x51: {  	_ =	shalt  }
0x52: {  	_ =	shalt  }
0x53: {  	_ =	shalt  }
0x54: {  	_ =	shalt  }
0x55: {  	_ =	shalt  }
0x56: {  	_ =	shalt  }
0x57: {  	_ =	shalt  }
0x58: {  	_ =	shalt  }
0x59: {  	_ =	shalt  }
0x5a: {  	_ =	shalt  }
0x5b: {  	_ =	shalt  }
0x5c: {  	_ =	shalt  }
0x5d: {  	_ =	shalt  }
0x5e: {  	_ =	shalt  }
0x5f: {  	_ =	shalt  }
0x60: {  	_ =	shalt  }
0x61: {  	_ =	shalt  }
0x62: {  	_ =	shalt  }
0x63: {  	_ =	shalt  }
0x64: {  	_ =	shalt  }
0x65: {  	_ =	shalt  }
0x66: {  	_ =	shalt  }
0x67: {  	_ =	shalt  }
0x68: {  	_ =	shalt  }
0x69: {  	_ =	shalt  }
0x6a: {  	_ =	shalt  }
0x6b: {  	_ =	shalt  }
0x6c: {  	_ =	shalt  }
0x6d: {  	_ =	shalt  }
0x6e: {  	_ =	shalt  }
0x6f: {  	_ =	shalt  }
0x70: {  	_ =	shalt  }
0x71: {  	_ =	shalt  }
0x72: {  	_ =	shalt  }
0x73: {  	_ =	shalt  }
0x74: {  	_ =	shalt  }
0x75: {  	_ =	shalt  }
0x76: {  	_ =	shalt  }
0x77: {  	_ =	shalt  }
0x78: {  	_ =	shalt  }
0x79: {  	_ =	shalt  }
0x7a: {  	_ =	shalt  }
0x7b: {  	_ =	shalt  }
0x7c: {  	_ =	shalt  }
0x7d: {  	_ =	shalt  }
0x7e: {  	_ =	shalt  }
0x7f: {  	_ =	shalt  }
0x80: {  	_ =	shalt  }
0x81: {  	_ =	shalt  }
0x82: {  	_ =	shalt  }
0x83: {  	_ =	shalt  }
0x84: {  	_ =	shalt  }
0x85: {  	_ =	shalt  }
0x86: {  	_ =	shalt  }
0x87: {  	_ =	shalt  }
.Lfunc_end0:
.L_simem_size_0:
called_computation.1_lowered:
.L_overlay_start_0:
0x88: {  	s2 =	sld [smem:$0x3FD9]  }
0x89: {  	s3 =	sld [smem:$0x3FFE];
	_ =	sdelay $0x1  }
0x8a: {  	s1 =	srdreg.scid  }
0x8b: {  	s0 =	sand.u32 $0x1, s1  }
0x8c: {  	s17 =	sshll.u32 s0, $0xA;
	s2 =	sadd.s32 s3, s2  }
0x8d: {  	s2 =	sadd.s32 s2, s17  }
0x8e: {  	[smem:$0x3FC3] =	sst s2  }
0x8f: {  	_ = 	snop  }
0x90: {  	s2 =	sld [smem:$0x3FC7]  }
0x91: {  	s18 =	sld [smem:$0x3FD0];
	(tm) =	ssettm $0x1  }
0x92: {  	s4 =	sld [smem:$0x3FFB];
	_ =	sdelay $0x3  }
0x93: {  	_ =	strace s4  }
0x94: {  	s4 =	sld [smem:$0x3FFC];
	_ =	sdelay $0x3  }
0x95: {  	_ =	strace s4  }
0x96: {  	s4 =	sld [smem:$0x3FFD];
	_ =	sdelay $0x3  }
0x97: {  	_ =	strace s4  }
0x98: {  	_ =	strace $0x8FFFFFFF  }
0x99: {  	s19 =	sld [smem:$0x3FDB];
	_ =	sdelay $0x1  }
0x9a: {  	s5 =	simm.s32 $_scs_section_size  }
0x9b: {  	s6 =	simm.s32 $_size__tile_overlayer_lowered;
	s7 =	simm.s32 $_tile_overlayer_lowered  }
0x9c: {  	s22 =	simm.s32 $0x1BFF;
	s21 =	sshll.u32 s7, $0x1;
	s4 =	sadd.s32 s5, s19  }
0x9d: {  	s8 =	simm.s32 $0x0;
	s20 =	sshll.u32 s6, $0x1;
	s6 =	sadd.s32 s21, s4  }
0x9e: {  	[timem:s8], [sflag:s22] =	dma.local [hbm:s6], s20  }
0x9f: {  	_ =	swait.ge [sflag:s22], s20  }
0xa0: {  	s5 =	ssub.s32 $0x0, s20;
	[sflag:s22] =	ssyncset.done $0x0  }
0xa1: {  	[sflag:s22] =	ssyncadd.s32 s5;
	_ =	sdelay $0x1  }
0xa2: {  	s23 =	simm.s32 $0x1B8B  }
0xa3: {  	_ =	swait.ge [sflag:s23], $0x1  }
0xa4: {  	[sflag:s23] =	ssyncset.done $0x0  }
0xa5: {  	s25 =	simm.s32 $0x1B8E;
	s24 =	sld [smem:$0x3FFE];
	[sflag:s23] =	ssyncadd.s32 $0xFFFFFFFF  }
0xa6: {  	s26 =	simm.s32 $execute0_lowered;
	[smem:$0x3FD2] =	sst s25  }
0xa7: {  	s6 =	sshll.u32 s26, $0x1;
	_ =	strace $0x80000049;
	[dreg:$0x1] =	wrdreg $0xFFFFFFFF  }
0xa8: {  	s28 =	simm.s32 $_size_execute0_lowered;
	s4 =	sadd.s32 s4, s6;
	[dreg:$0x0] =	wrdreg $0x0  }
0xa9: {  	s6 =	sshll.u32 s28, $0x1;
	[dreg:$0x2] =	wrdreg s4  }
0xaa: {  	[dreg:$0x3] =	wrdreg s6  }
0xab: {  	[dreg:$0x4] =	wrdreg $0xC0  }
0xac: {  	_ =	task [dreg:s8], $0x5FFFF  }
0xad: {  	[dreg:$0x1] =	wrdreg $0xFFFFFFFF  }
0xae: {  	[dreg:$0x0] =	wrdreg $0x60  }
0xaf: {  	[dreg:$0x2] =	wrdreg s18  }
0xb0: {  	[dreg:$0x3] =	wrdreg s24  }
0xb1: {  	[dreg:$0x4] =	wrdreg s2  }
0xb2: {  	[dreg:$0x5] =	wrdreg $0xB7C00  }
0xb3: {  	[dreg:$0x6] =	wrdreg $0x9  }
0xb4: {  	_ =	task.clear_ibuf [dreg:s8], $0x7FFFF;
	_ =	strace $0x90000049  }
0xb5: {  	s29 =	simm.s32 $0x9;
	_ =	strace $0x8000004B  }
0xb6: {  	_ =	swait.ge [sflag:s29], $0x1  }
0xb7: {  	[sflag:s29] =	ssyncadd.s32 $0xFFFFFFFF  }
0xb8: {  	_ =	strace $0x9000004B  }
0xb9: {  	_ =	sfence  }
0xba: {  	s30 =	sld [smem:$0x0];
	_ =	sdelay $0x2  }
0xbb: {  	s31 =	sshll.u32 s1, $0xD;
	s1 =	sshrl.u32 s1, $0x2  }
0xbc: {  	s3 =	sand.u32 $0x4000, s31;
	s1 =	sadd.s32 s1, s30  }
0xbd: {  	s0 =	sor.u32 s3, s0;
	s1 =	sshll.u32 s1, $0x11  }
0xbe: {  	s0 =	sor.u32 s1, s0  }
0xbf: {  	s0 =	sadd.s32 $0x8F2B, s0  }
0xc0: {  	[sflag:s0] =	ssyncadd.remote.s32 $0x1  }
0xc1: {  	_ =	sfence.sel $0xFFFF  }
0xc2: {  	[dreg:$0x0] =	wrdreg $0xFFFFFFFF;
	(pc) =	sbr.abs _section_cstart, $3  }
0xc3: {  	[dreg:$0x1] =	wrdreg $0xFFFFFFFF  }
0xc4: {  	_ =	task.clear_ibuf [dreg:s8], $0x2FFFF;
	_ =	strace $0x9FFFFFFF  }
0xc5: {  	(tm) =	ssettm $0x7FFFFFFF  }
tec
execute0_lowered:
.L_overlay_start_1:
0x0: {  	(tag) =	ssettag $0x1  }
0x1: {  	s1 =	srdreg.scid  }
0x2: {  	s1 =	sand.u32 $0x1, s1  }
0x3: {  	s11 =	stileid.u32;
	s2 =	sshll.u32 s1, $0x4  }
0x4: {  	s0 =	rddreg [dreg:$0x1];
	s2 =	sor.u32 s11, s2  }
0x5: {  	s9 =	rddreg [dreg:$0x2];
	s2 =	smul.u32 $0x2710, s2  }
0x6: {  	s10 =	rddreg [dreg:$0x3];
	s12 =	simm.s32 $0x0;
	s28 =	simm.s32 $0x7A80  }
0x7: {  	[smem:$0x7FF] =	sst s12;
	s6 =	sadd.s32 $0x1800, s0;
	s17 =	sadd.s32 $0x140, s2  }
0x8: {  	_ =	strace $0x8000004A;
	s18 =	sadd.s32 $0x190, s2;
	[dreg:$0x13] =	wrdreg s17  }
0x9: {  	s5 =	sshrl.u32 s2, $0x3;
	s2 =	sadd.s32 $0x1E0, s2;
	[dreg:$0x14] =	wrdreg s18  }
0xa: {  	s7 =	sadd.s32 $0xB600, s0;
	s19 =	sadd.s32 s6, s5;
	[dreg:$0x15] =	wrdreg s2  }
0xb: {  	s3 =	ssub.s32 $0x2, s1;
	s20 =	sadd.s32 s7, s5;
	[dreg:$0x6] =	wrdreg s19  }
0xc: {  	s21 =	sadd.s32 s9, s5;
	s22 =	sadd.s32 $0xA, s5;
	[dreg:$0x7] =	wrdreg s20  }
0xd: {  	s4 =	sshrl.u32 s3, $0x1;
	[dreg:$0x8] =	wrdreg s21;
	s8 =	sadd.s32 s6, s22  }
0xe: {  	s3 =	ssub.s32 s3, s4;
	s23 =	sadd.s32 s7, s22;
	[dreg:$0x9] =	wrdreg s8  }
0xf: {  	s24 =	sadd.s32 $0x14, s5;
	s4 =	sadd.s32 s9, s22;
	[dreg:$0xa] =	wrdreg s23  }
0x10: {  	s0 =	sadd.s32 $0x15400, s0;
	s13 =	sadd.s32 s6, s24;
	[dreg:$0xb] =	wrdreg s4  }
0x11: {  	s5 =	sadd.s32 $0x1E, s5;
	s26 =	sadd.s32 s7, s24;
	[dreg:$0xc] =	wrdreg s13  }
0x12: {  	s25 =	smul.u32 $0x13800, s11;
	s29 =	sadd.s32 s6, s5;
	[dreg:$0xd] =	wrdreg s26  }
0x13: {  	s1 =	smul.u32 $0x138800, s1;
	s14 =	sadd.s32 s7, s5;
	[dreg:$0xf] =	wrdreg s29  }
0x14: {  	s15 =	smul.u32 $0x4E000, s11;
	s16 =	sadd.s32 s9, s5;
	[dreg:$0x10] =	wrdreg s14  }
0x15: {  	s30 =	sadd.s32 s25, s1;
	s20 =	smax.u32 s3, $0x1;
	[dreg:$0x12] =	wrdreg s16  }
0x16: {  	s1 =	sshrl.u32 s1, $0x3;
	s3 =	sadd.s32 $0x138000, s10;
	[dreg:$0x17] =	wrdreg s20  }
0x17: {  	s19 =	sadd.s32 s25, s10;
	s4 =	sadd.s32 s9, s24;
	[dreg:$0x1a] =	wrdreg s3  }
0x18: {  	s22 =	sshrl.u32 s19, $0x3;
	[dreg:$0xe] =	wrdreg s4;
	s4 =	sshrl.u32 s30, $0x3  }
0x19: {  	[dreg:$0x19] =	wrdreg s22;
	s4 =	sadd.s32 s0, s4;
	s0 =	sadd.s32 s0, s1  }
0x1a: {  	s1 =	sshrl.u32 s15, $0x2;
	[dreg:$0x11] =	wrdreg s4;
	s0 =	sadd.s32 $0x27000, s0  }
0x1b: {  	s31 =	simm.s32 $0x6;
	s21 =	sadd.s32 s1, s10;
	[dreg:$0x16] =	wrdreg s0  }
0x1c: {  	p0 =	sne.s32 s11, $0x0;
	s23 =	sadd.s32 $0x2700, s21;
	[dreg:$0x18] =	wrdreg s21  }
0x1d: {  	s13 =	simm.s32 $0x50;
	s24 =	sadd.s32 $0x4E00, s21;
	[dreg:$0x1b] =	wrdreg s23  }
0x1e: {  	s14 =	simm.s32 $0xF0;
	s25 =	sadd.s32 $0x7500, s21;
	[dreg:$0x1c] =	wrdreg s24  }
0x1f: {  	s19 =	simm.s32 $0x3E30;
	s26 =	sadd.s32 $0x9C00, s21;
	[dreg:$0x1d] =	wrdreg s25  }
0x20: {  	s20 =	simm.s32 $0x5;
	s29 =	sadd.s32 $0xC300, s21;
	[dreg:$0x1e] =	wrdreg s26  }
0x21: {  	s9 =	simm.s32 $0x3;
	s30 =	sadd.s32 $0xEA00, s21;
	[dreg:$0x1f] =	wrdreg s29  }
0x22: {  	v1 =	vimm.s32 $0x0;
	vm0 =	vcmask $0x300;
	s15 =	simm.s32 $0x2;
	s0 =	sadd.s32 $0x11100, s21;
	[smem:$0x7FC] =	sst s30  }
0x23: {  	v0 =	vimm.f32 $0.0e+00;
	v1 =	vsel vm0, $0x3, v1;
	s4 =	simm.s32 $0xA;
	[smem:$0x7FD] =	sst s0;
	s25 =	simm.s32 $0x7B70  }
.LBB2_1:
0x24: {  	[dreg:$0x5] =	wrdreg s12;
	s0 =	simm.s32 $0x0;
	s1 =	simm.s32 $0x200  }
.LBB2_2:
0x25: {  	p1 =	sne.s32 s1, $0x9A00;
	[tilespmem:s0+$0x15B0] =	vst v0  }
0x26: {  	[tilespmem:s0+$0x1540] =	vst v0  }
0x27: {  	[tilespmem:s0+$0x1550] =	vst v0  }
.Ltmp0:
0x28: {  	[tilespmem:s0+$0x1560] =	vst v0;
	(pc) =	sbr.rel @p1 .LBB2_2-.Ltmp0, $4  }
0x29: {  	[tilespmem:s0+$0x1570] =	vst v0  }
0x2a: {  	[tilespmem:s0+$0x1580] =	vst v0  }
0x2b: {  	[tilespmem:s0+$0x1590] =	vst v0  }
0x2c: {  	[tilespmem:s0+$0x15A0] =	vst v0;
	s0 =	sshra.s32 s1, $0x2;
	s1 =	sadd.s32 $0x200, s1  }
0x2d: {  	[tilespmem:s0+$0x15B0] =	vst v0  }
0x2e: {  	[tilespmem:s0+$0x1540] =	vst v0  }
0x2f: {  	[tilespmem:s0+$0x1550] =	vst v0  }
0x30: {  	[tilespmem:s0+$0x1560] =	vst v0  }
0x31: {  	[tilespmem:s0+$0x1570] =	vst v0  }
0x32: {  	[tilespmem:s0+$0x1580] =	vst v0  }
0x33: {  	[tilespmem:s0+$0x1590] =	vst v0  }
0x34: {  	[tilespmem:s0+$0x15A0] =	vst v0;
	s21 =	rddreg [dreg:$0x18];
	s1 =	simm.s32 $0x1540  }
0x35: {  	[spmem:s21] =	stream.linear.scatter [tilespmem:s1], [sflag:$0xA], $0x2700, $0x38;
	[tilespmem:$0x1F040] =	vst v63  }
0x36: {  	_ =	swait.ge [sflag:s4], $0x2700  }
0x37: {  	[sflag:s4] =	ssyncset.done $0x0  }
0x38: {  	s22 =	rddreg [dreg:$0x1b];
	[sflag:s4] =	ssyncadd.s32 $0xFFFFD900  }
0x39: {  	[spmem:s22] =	stream.linear.scatter [tilespmem:s1], [sflag:$0xA], $0x2700, $0x38;
	[tilespmem:$0x1F040] =	vst v63  }
0x3a: {  	_ =	swait.ge [sflag:s4], $0x2700  }
0x3b: {  	[sflag:s4] =	ssyncset.done $0x0  }
0x3c: {  	s23 =	rddreg [dreg:$0x1c];
	[sflag:s4] =	ssyncadd.s32 $0xFFFFD900  }
0x3d: {  	[spmem:s23] =	stream.linear.scatter [tilespmem:s1], [sflag:$0xA], $0x2700, $0x38;
	[tilespmem:$0x1F040] =	vst v63  }
0x3e: {  	_ =	swait.ge [sflag:s4], $0x2700  }
0x3f: {  	[sflag:s4] =	ssyncset.done $0x0  }
0x40: {  	s24 =	rddreg [dreg:$0x1d];
	[sflag:s4] =	ssyncadd.s32 $0xFFFFD900  }
0x41: {  	[spmem:s24] =	stream.linear.scatter [tilespmem:s1], [sflag:$0xA], $0x2700, $0x38;
	[tilespmem:$0x1F040] =	vst v63  }
0x42: {  	_ =	swait.ge [sflag:s4], $0x2700  }
0x43: {  	[sflag:s4] =	ssyncset.done $0x0  }
0x44: {  	s26 =	rddreg [dreg:$0x1e];
	[sflag:s4] =	ssyncadd.s32 $0xFFFFD900  }
0x45: {  	[spmem:s26] =	stream.linear.scatter [tilespmem:s1], [sflag:$0xA], $0x2700, $0x38;
	[tilespmem:$0x1F040] =	vst v63  }
0x46: {  	_ =	swait.ge [sflag:s4], $0x2700  }
0x47: {  	[sflag:s4] =	ssyncset.done $0x0  }
0x48: {  	s29 =	rddreg [dreg:$0x1f];
	[sflag:s4] =	ssyncadd.s32 $0xFFFFD900  }
0x49: {  	[spmem:s29] =	stream.linear.scatter [tilespmem:s1], [sflag:$0xA], $0x2700, $0x38;
	[tilespmem:$0x1F040] =	vst v63  }
0x4a: {  	_ =	swait.ge [sflag:s4], $0x2700  }
0x4b: {  	s30 =	sld [smem:$0x7FC]  }
0x4c: {  	[sflag:s4] =	ssyncset.done $0x0  }
0x4d: {  	[sflag:s4] =	ssyncadd.s32 $0xFFFFD900  }
0x4e: {  	[spmem:s30] =	stream.linear.scatter [tilespmem:s1], [sflag:$0xA], $0x2700, $0x38;
	[tilespmem:$0x1F040] =	vst v63  }
0x4f: {  	_ =	swait.ge [sflag:s4], $0x2700  }
0x50: {  	s2 =	sld [smem:$0x7FD]  }
0x51: {  	[sflag:s4] =	ssyncset.done $0x0  }
0x52: {  	[sflag:s4] =	ssyncadd.s32 $0xFFFFD900  }
0x53: {  	[spmem:s2] =	stream.linear.scatter [tilespmem:s1], [sflag:$0xA], $0x2700, $0x38;
	[tilespmem:$0x1F040] =	vst v63  }
0x54: {  	_ =	swait.ge [sflag:s4], $0x2700  }
0x55: {  	[sflag:s4] =	ssyncset.done $0x0  }
0x56: {  	s0 =	simm.s32 @!p0 $0x1540;
	[sflag:s4] =	ssyncadd.s32 $0xFFFFD900  }
0x57: {  	[spmem:s3] =	stream.linear.scatter @!p0 [tilespmem:s0], [sflag:$0xA], $0x800, $0x38;
	[tilespmem:$0x1F040] =	vst v63  }
0x58: {  	s0 =	simm.s32 @!p0 $0xA  }
0x59: {  	_ =	swait.ge @!p0 [sflag:s0], $0x800  }
0x5a: {  	[sflag:s0] =	ssyncset.done @!p0 $0x0  }
0x5b: {  	[sflag:s0] =	ssyncadd.s32 @!p0 $0xFFFFF800  }
0x5c: {  	[bflag:$0x0] =	sbarrier.arrive $0xFFFF  }
0x5d: {  	s5 =	simm.s32 $0x0;
	s4 =	rddreg [dreg:$0x6]  }
0x5e: {  	[tilespmem:s5], [sflag:$0x2] =	stream.linear.gather [hbm4b:s4+s5], $0x50, $0x38;
	[tilespmem:$0x1F040] =	vst v63  }
0x5f: {  	s8 =	rddreg [dreg:$0x7]  }
0x60: {  	[tilespmem:s13], [sflag:$0x2] =	stream.linear.gather [hbm4b:s8+s5], $0x50, $0x38;
	[tilespmem:$0x1F040] =	vst v63  }
0x61: {  	s10 =	rddreg [dreg:$0x8]  }
0x62: {  	[tilespmem:s14], [sflag:$0x2] =	stream.linear.gather [hbm4b:s10+s5], $0x50, $0x38;
	[tilespmem:$0x1F040] =	vst v63  }
0x63: {  	_ =	swait.ge [sflag:s15], $0x50  }
0x64: {  	[sflag:s15] =	ssyncset.done $0x0  }
0x65: {  	[sflag:s15] =	ssyncadd.s32 $0xFFFFFFB0  }
0x66: {  	_ =	swait.ge [sflag:s15], $0x50  }
0x67: {  	[sflag:s15] =	ssyncset.done $0x0  }
0x68: {  	[sflag:s15] =	ssyncadd.s32 $0xFFFFFFB0  }
0x69: {  	_ =	swait.ge [sflag:s15], $0x50  }
0x6a: {  	[sflag:s15] =	ssyncset.done $0x0  }
0x6b: {  	[sflag:s15] =	ssyncadd.s32 $0xFFFFFFB0  }
0x6c: {  	s12 =	simm.s32 $0x140;
	s11 =	rddreg [dreg:$0x0]  }
0x6d: {  	[tilespmem:s12], [sflag:$0x1] =	stream.indirect.gather [hbm4b:s11+s13], $0x40, s5, s13, $0xb8;
	[tilespmem:$0x1F040] =	vst v63  }
0x6e: {  	s2 =	simm.s32 $0x3D40;
	s16 =	rddreg [dreg:$0x9]  }
0x6f: {  	[tilespmem:s2], [sflag:$0x5] =	stream.linear.gather [hbm4b:s16+s5], $0x50, $0x38;
	[tilespmem:$0x1F040] =	vst v63  }
0x70: {  	s18 =	simm.s32 $0x3D90;
	s17 =	rddreg [dreg:$0xa]  }
0x71: {  	[tilespmem:s18], [sflag:$0x5] =	stream.linear.gather [hbm4b:s17+s5], $0x50, $0x38;
	[tilespmem:$0x1F040] =	vst v63  }
0x72: {  	s21 =	rddreg [dreg:$0xb]  }
0x73: {  	[tilespmem:s19], [sflag:$0x5] =	stream.linear.gather [hbm4b:s21+s5], $0x50, $0x38;
	[tilespmem:$0x1F040] =	vst v63  }
0x74: {  	_ =	swait.ge [sflag:s20], $0x50  }
0x75: {  	[sflag:s20] =	ssyncset.done $0x0  }
0x76: {  	[sflag:s20] =	ssyncadd.s32 $0xFFFFFFB0  }
0x77: {  	_ =	swait.ge [sflag:s20], $0x50  }
0x78: {  	[sflag:s20] =	ssyncset.done $0x0  }
0x79: {  	[sflag:s20] =	ssyncadd.s32 $0xFFFFFFB0  }
0x7a: {  	_ =	swait.ge [sflag:s20], $0x50  }
0x7b: {  	[sflag:s20] =	ssyncset.done $0x0  }
0x7c: {  	s22 =	simm.s32 $0x3E80;
	[sflag:s20] =	ssyncadd.s32 $0xFFFFFFB0  }
0x7d: {  	[tilespmem:s22], [sflag:$0x4] =	stream.indirect.gather [hbm4b:s11+s13], $0x40, s2, s13, $0xb8;
	[tilespmem:$0x1F040] =	vst v63  }
0x7e: {  	s23 =	rddreg [dreg:$0xc]  }
0x7f: {  	[tilespmem:s28], [sflag:$0x8] =	stream.linear.gather [hbm4b:s23+s5], $0x50, $0x38;
	[tilespmem:$0x1F040] =	vst v63  }
0x80: {  	s26 =	simm.s32 $0x7AD0;
	s24 =	rddreg [dreg:$0xd]  }
0x81: {  	[tilespmem:s26], [sflag:$0x8] =	stream.linear.gather [hbm4b:s24+s5], $0x50, $0x38;
	[tilespmem:$0x1F040] =	vst v63  }
0x82: {  	s30 =	simm.s32 $0x1;
	s29 =	rddreg [dreg:$0xe]  }
0x83: {  	[tilespmem:s25], [sflag:$0x8] =	stream.linear.gather [hbm4b:s29+s5], $0x50, $0x38;
	[tilespmem:$0x1F040] =	vst v63  }
0x84: {  	_ =	swait.ge [sflag:s30], $0x1400  }
0x85: {  	[sflag:s30] =	ssyncset.done $0x0  }
0x86: {  	[sflag:s30] =	ssyncadd.s32 $0xFFFFEC00  }
.LBB2_4:
0x87: {  	v2 =	vmov s5  }
0x88: {  	v2 =	vshrl.u32 v2, $0x3  }
0x89: {  	s0 =	sor.u32 $0x1, s5;
	v2 =	vshll.u32 v2, v1  }
0x8a: {  	v3 =	vmov s0;
	v2 =	vbroadcast v2, $0x0  }
0x8b: {  	s8 =	sor.u32 $0x2, s5;
	v3 =	vshrl.u32 v3, $0x3  }
0x8c: {  	v4 =	vmov s8;
	v3 =	vshll.u32 v3, v1  }
0x8d: {  	s4 =	sshll.u32 s5, $0x7;
	v4 =	vshrl.u32 v4, $0x3;
	v3 =	vadd.s32 $0x1, v3  }
0x8e: {  	s3 =	sshrl.u32 s4, $0x1;
	v4 =	vshll.u32 v4, v1;
	v3 =	vbroadcast v3, $0x0  }
0x8f: {  	v56 =	vld [tilespmem:s3+$0x140];
	v4 =	vadd.s32 $0x2, v4  }
0x90: {  	v7 =	vld.idx.msk [tilespmem:v2+s14+$0x0], $0xffff;
	v2 =	vbroadcast v4, $0x0  }
0x91: {  	s2 =	sshll.u32 s0, $0x7  }
0x92: {  	s1 =	sshrl.u32 s2, $0x1  }
0x93: {  	s12 =	sshll.u32 s8, $0x7;
	v5 =	vld [tilespmem:s1+$0x140]  }
0x94: {  	s22 =	sshrl.u32 s12, $0x1;
	v6 =	vld.idx.msk [tilespmem:v3+s14+$0x0], $0xffff  }
0x95: {  	s23 =	sor.u32 $0x3, s5;
	v4 =	vunpack.i.l.bf16.f32 v56;
	v3 =	vld [tilespmem:s22+$0x140]  }
0x96: {  	v10 =	vmov s23;
	v8 =	vunpack.i.u.bf16.f32 v56;
	v4 =	vmul.f32 v4, v7;
	v2 =	vld.idx.msk [tilespmem:v2+s14+$0x0], $0xffff  }
0x97: {  	v10 =	vshrl.u32 v10, $0x3;
	v8 =	vmul.f32 v8, v7  }
0x98: {  	v59 =	vshll.u32 v10, v1;
	v9 =	vunpack.i.l.bf16.f32 v5;
	v5 =	vunpack.i.u.bf16.f32 v5;
	[tilespmem:s4+$0x1540] =	vst v4  }
0x99: {  	v9 =	vmul.f32 v9, v6;
	v57 =	vmul.f32 v5, v6;
	[tilespmem:s4+$0x1550] =	vst v8;
	v8 =	vadd.s32 $0x3, v59  }
0x9a: {  	v58 =	vunpack.i.u.bf16.f32 v3;
	v3 =	vunpack.i.l.bf16.f32 v3;
	v11 =	vld [tilespmem:s3+$0x150];
	v63 =	vbroadcast v8, $0x0  }
0x9b: {  	[tilespmem:s2+$0x1540] =	vst v9;
	v3 =	vmul.f32 v3, v2  }
0x9c: {  	s10 =	sor.u32 $0x4, s5;
	s18 =	sshll.u32 s23, $0x7;
	[tilespmem:s2+$0x1550] =	vst v57;
	v62 =	vmul.f32 v58, v2  }
0x9d: {  	v60 =	vmov s10;
	s11 =	sshrl.u32 s18, $0x1;
	v17 =	vld [tilespmem:s1+$0x150];
	[tilespmem:s12+$0x1540] =	vst v3  }
0x9e: {  	v61 =	vshrl.u32 v60, $0x3;
	v12 =	vld [tilespmem:s11+$0x140];
	[tilespmem:s12+$0x1550] =	vst v62  }
0x9f: {  	v16 =	vshll.u32 v61, v1;
	v19 =	vunpack.i.l.bf16.f32 v11;
	v18 =	vld [tilespmem:s22+$0x150]  }
0xa0: {  	v3 =	vadd.s32 $0x4, v16;
	v20 =	vunpack.i.u.bf16.f32 v11;
	v21 =	vmul.f32 v19, v7;
	v4 =	vld.idx.msk [tilespmem:v63+s14+$0x0], $0xffff  }
0xa1: {  	v3 =	vbroadcast v3, $0x0;
	v10 =	vmul.f32 v20, v7  }
0xa2: {  	v13 =	vunpack.i.l.bf16.f32 v17;
	[tilespmem:s4+$0x1560] =	vst v21  }
0xa3: {  	s24 =	sor.u32 $0x5, s5;
	s16 =	sshll.u32 s10, $0x7;
	v22 =	vunpack.i.u.bf16.f32 v17;
	v23 =	vmul.f32 v13, v6;
	[tilespmem:s4+$0x1570] =	vst v10  }
0xa4: {  	v31 =	vmov s24;
	s24 =	sshll.u32 s24, $0x7;
	s26 =	sshrl.u32 s16, $0x1;
	v30 =	vunpack.i.u.bf16.f32 v12;
	v5 =	vmul.f32 v22, v6;
	v27 =	vld [tilespmem:s3+$0x160]  }
0xa5: {  	s21 =	sshrl.u32 s24, $0x1;
	v24 =	vld [tilespmem:s26+$0x140];
	[tilespmem:s2+$0x1560] =	vst v23;
	v25 =	vunpack.i.l.bf16.f32 v18;
	v33 =	vmul.f32 v30, v4  }
0xa6: {  	v51 =	vld [tilespmem:s21+$0x140];
	[tilespmem:s2+$0x1570] =	vst v5;
	v8 =	vunpack.i.u.bf16.f32 v18;
	v26 =	vmul.f32 v25, v2  }
0xa7: {  	v29 =	vunpack.i.l.bf16.f32 v12;
	v12 =	vshrl.u32 v31, $0x3;
	v3 =	vld.idx.msk [tilespmem:v3+s14+$0x0], $0xffff;
	v28 =	vmul.f32 v8, v2;
	[tilespmem:s18+$0x1550] =	vst v33  }
0xa8: {  	v36 =	vshll.u32 v12, v1;
	v32 =	vld [tilespmem:s1+$0x160];
	v8 =	vmul.f32 v29, v4;
	[tilespmem:s12+$0x1560] =	vst v26  }
0xa9: {  	v39 =	vadd.s32 $0x5, v36;
	[tilespmem:s12+$0x1570] =	vst v28;
	v40 =	vunpack.i.l.bf16.f32 v27  }
0xaa: {  	[tilespmem:s18+$0x1540] =	vst v8;
	v8 =	vbroadcast v39, $0x0;
	v41 =	vunpack.i.u.bf16.f32 v27;
	v37 =	vld [tilespmem:s22+$0x160];
	v42 =	vmul.f32 v40, v7  }
0xab: {  	s29 =	sor.u32 $0x6, s5;
	v34 =	vunpack.i.l.bf16.f32 v24;
	v14 =	vld [tilespmem:s11+$0x150];
	v43 =	vmul.f32 v41, v7  }
0xac: {  	v52 =	vmov s29;
	v35 =	vunpack.i.u.bf16.f32 v24;
	v9 =	vmul.f32 v34, v3;
	[tilespmem:s4+$0x1580] =	vst v42  }
0xad: {  	s30 =	sor.u32 $0x7, s5;
	v59 =	vunpack.i.l.bf16.f32 v51;
	v46 =	vunpack.i.u.bf16.f32 v32;
	v38 =	vmul.f32 v35, v3;
	[tilespmem:s4+$0x1590] =	vst v43  }
0xae: {  	v57 =	vmov s30;
	v44 =	vunpack.i.l.bf16.f32 v32;
	v47 =	vmul.f32 v46, v6;
	v15 =	vld [tilespmem:s3+$0x170];
	[tilespmem:s16+$0x1540] =	vst v9  }
0xaf: {  	v13 =	vunpack.i.u.bf16.f32 v51;
	[tilespmem:s16+$0x1550] =	vst v38;
	v9 =	vmul.f32 v44, v6;
	v12 =	vunpack.i.l.bf16.f32 v37  }
0xb0: {  	[tilespmem:s2+$0x1590] =	vst v47;
	v48 =	vunpack.i.u.bf16.f32 v37;
	v50 =	vunpack.i.l.bf16.f32 v14;
	v5 =	vld.idx.msk [tilespmem:v8+s14+$0x0], $0xffff;
	v49 =	vmul.f32 v12, v2  }
0xb1: {  	v14 =	vunpack.i.u.bf16.f32 v14;
	v8 =	vshrl.u32 v52, $0x3;
	[tilespmem:s2+$0x1580] =	vst v9;
	v10 =	vmul.f32 v48, v2  }
0xb2: {  	v45 =	vld [tilespmem:s26+$0x150];
	v12 =	vmul.f32 v50, v4;
	v53 =	vmul.f32 v14, v4;
	v8 =	vshll.u32 v8, v1;
	[tilespmem:s12+$0x1580] =	vst v49  }
0xb3: {  	s8 =	sshll.u32 s30, $0x7;
	s30 =	sor.u32 $0xA, s5;
	v8 =	vadd.s32 $0x6, v8;
	[tilespmem:s12+$0x1590] =	vst v10;
	v61 =	vunpack.i.l.bf16.f32 v15;
	v15 =	vunpack.i.u.bf16.f32 v15  }
0xb4: {  	v43 =	vmov s30;
	v58 =	vld [tilespmem:s1+$0x170];
	s1 =	sor.u32 $0x8, s5;
	[tilespmem:s18+$0x1560] =	vst v12;
	v8 =	vbroadcast v8, $0x0;
	v21 =	vmul.f32 v15, v7  }
0xb5: {  	[tilespmem:s18+$0x1570] =	vst v53;
	v12 =	vshrl.u32 v57, $0x3;
	v63 =	vmov s1;
	v9 =	vmul.f32 v59, v5  }
0xb6: {  	v12 =	vshll.u32 v12, v1;
	v11 =	vld [tilespmem:s22+$0x170];
	v20 =	vshrl.u32 v63, $0x3;
	v60 =	vmul.f32 v13, v5;
	[tilespmem:s4+$0x15B0] =	vst v21  }
0xb7: {  	v16 =	vld [tilespmem:s11+$0x160];
	v54 =	vunpack.i.l.bf16.f32 v45;
	v55 =	vunpack.i.u.bf16.f32 v45;
	v13 =	vmul.f32 v61, v7;
	[tilespmem:s24+$0x1540] =	vst v9  }
0xb8: {  	v12 =	vadd.s32 $0x7, v12;
	v45 =	vshrl.u32 v43, $0x3;
	v10 =	vmul.f32 v55, v3;
	[tilespmem:s24+$0x1550] =	vst v60  }
0xb9: {  	v56 =	vmul.f32 v54, v3;
	v62 =	vbroadcast v12, $0x0;
	v22 =	vunpack.i.l.bf16.f32 v58;
	[tilespmem:s4+$0x15A0] =	vst v13  }
0xba: {  	s29 =	sshll.u32 s29, $0x7;
	v24 =	vunpack.i.u.bf16.f32 v58;
	[tilespmem:s16+$0x1570] =	vst v10;
	v23 =	vld [tilespmem:s21+$0x150];
	v10 =	vshll.u32 v20, v1;
	v25 =	vmul.f32 v22, v6  }
0xbb: {  	s3 =	sshrl.u32 s29, $0x1;
	[tilespmem:s16+$0x1560] =	vst v56;
	v6 =	vmul.f32 v24, v6;
	v26 =	vbroadcast v10, $0x0;
	v27 =	vunpack.i.l.bf16.f32 v11  }
0xbc: {  	v28 =	vld [tilespmem:s3+$0x140];
	v47 =	vshll.u32 v45, v1;
	v29 =	vunpack.i.l.bf16.f32 v16;
	[tilespmem:s2+$0x15A0] =	vst v25;
	v10 =	vmul.f32 v27, v2  }
0xbd: {  	s23 =	sshrl.u32 s8, $0x1;
	v50 =	vadd.s32 $0x2, v47;
	v7 =	vld.idx.msk [tilespmem:v8+s14+$0x0], $0xffff;
	v31 =	vunpack.i.u.bf16.f32 v16;
	[tilespmem:s2+$0x15B0] =	vst v6;
	v13 =	vmul.f32 v29, v4  }
0xbe: {  	v30 =	vld [tilespmem:s23+$0x140];
	s4 =	sshll.u32 s1, $0x7;
	v53 =	vbroadcast v50, $0x0;
	v11 =	vunpack.i.u.bf16.f32 v11;
	v6 =	vmul.f32 v31, v4;
	[tilespmem:s12+$0x15A0] =	vst v10  }
0xbf: {  	s10 =	sshrl.u32 s4, $0x1;
	v2 =	vmul.f32 v11, v2;
	v9 =	vld.idx.msk [tilespmem:v62+s14+$0x0], $0xffff;
	[tilespmem:s18+$0x1580] =	vst v13;
	v32 =	vunpack.i.l.bf16.f32 v23  }
0xc0: {  	s22 =	sor.u32 $0x9, s5;
	v33 =	vld [tilespmem:s10+$0x140];
	[tilespmem:s18+$0x1590] =	vst v6;
	v15 =	vunpack.i.u.bf16.f32 v23;
	v10 =	vmul.f32 v32, v5  }
0xc1: {  	v38 =	vmov s22;
	s17 =	sshll.u32 s22, $0x7;
	s22 =	sshll.u32 s30, $0x7;
	v12 =	vunpack.i.l.bf16.f32 v28;
	[tilespmem:s12+$0x15B0] =	vst v2;
	v15 =	vmul.f32 v15, v5;
	v6 =	vld.idx.msk [tilespmem:v26+s14+$0x0], $0xffff  }
0xc2: {  	v18 =	vunpack.i.u.bf16.f32 v28;
	s1 =	sshrl.u32 s22, $0x1;
	v17 =	vld [tilespmem:s26+$0x160];
	v35 =	vmul.f32 v12, v7;
	[tilespmem:s24+$0x1560] =	vst v10  }
0xc3: {  	v37 =	vunpack.i.l.bf16.f32 v30;
	v63 =	vld [tilespmem:s1+$0x140];
	v36 =	vmul.f32 v18, v7;
	[tilespmem:s24+$0x1570] =	vst v15  }
0xc4: {  	v14 =	vunpack.i.u.bf16.f32 v30;
	v8 =	vld.idx.msk [tilespmem:v53+s14+$0x0], $0xffff;
	[tilespmem:s29+$0x1540] =	vst v35;
	v15 =	vshrl.u32 v38, $0x3;
	v12 =	vmul.f32 v37, v9  }
0xc5: {  	v42 =	vunpack.i.l.bf16.f32 v33;
	[tilespmem:s29+$0x1550] =	vst v36;
	v39 =	vld [tilespmem:s21+$0x160];
	v40 =	vmul.f32 v14, v9;
	v15 =	vshll.u32 v15, v1  }
0xc6: {  	v41 =	vunpack.i.u.bf16.f32 v33;
	v19 =	vld [tilespmem:s3+$0x150];
	v44 =	vadd.s32 $0x1, v15;
	[tilespmem:s8+$0x1540] =	vst v12;
	v10 =	vmul.f32 v42, v6  }
0xc7: {  	v34 =	vunpack.i.l.bf16.f32 v17;
	[tilespmem:s8+$0x1550] =	vst v40;
	v12 =	vbroadcast v44, $0x0;
	v46 =	vmul.f32 v41, v6  }
0xc8: {  	v48 =	vunpack.i.u.bf16.f32 v17;
	v13 =	vmul.f32 v34, v3;
	v49 =	vld [tilespmem:s23+$0x150];
	[tilespmem:s4+$0x1540] =	vst v10  }
0xc9: {  	v31 =	vunpack.i.u.bf16.f32 v63;
	v51 =	vmul.f32 v48, v3;
	[tilespmem:s4+$0x1550] =	vst v46  }
0xca: {  	[tilespmem:s16+$0x1580] =	vst v13;
	v34 =	vmul.f32 v31, v8;
	v54 =	vunpack.i.u.bf16.f32 v39;
	v56 =	vld [tilespmem:s10+$0x150]  }
0xcb: {  	s0 =	sshrl.u32 s17, $0x1;
	[tilespmem:s16+$0x1590] =	vst v51;
	v57 =	vunpack.i.l.bf16.f32 v19;
	v10 =	vmul.f32 v54, v5  }
0xcc: {  	v59 =	vld [tilespmem:s0+$0x140];
	[tilespmem:s22+$0x1550] =	vst v34;
	v58 =	vunpack.i.u.bf16.f32 v19;
	v14 =	vmul.f32 v57, v7  }
0xcd: {  	v13 =	vmul.f32 v58, v7;
	[tilespmem:s24+$0x1590] =	vst v10;
	v60 =	vunpack.i.l.bf16.f32 v49;
	v10 =	vld.idx.msk [tilespmem:v12+s14+$0x0], $0xffff  }
0xce: {  	v32 =	vld [tilespmem:s11+$0x170];
	[tilespmem:s29+$0x1560] =	vst v14;
	v61 =	vunpack.i.u.bf16.f32 v49;
	v62 =	vmul.f32 v60, v9  }
0xcf: {  	[tilespmem:s29+$0x1570] =	vst v13;
	v12 =	vmul.f32 v61, v9;
	v21 =	vunpack.i.l.bf16.f32 v56  }
0xd0: {  	[tilespmem:s8+$0x1560] =	vst v62;
	v23 =	vunpack.i.u.bf16.f32 v56;
	v13 =	vmul.f32 v21, v6  }
0xd1: {  	v25 =	vunpack.i.l.bf16.f32 v59;
	v22 =	vld [tilespmem:s3+$0x160];
	[tilespmem:s8+$0x1570] =	vst v12;
	v24 =	vmul.f32 v23, v6  }
0xd2: {  	v27 =	vunpack.i.u.bf16.f32 v59;
	v14 =	vmul.f32 v25, v10;
	[tilespmem:s4+$0x1560] =	vst v13  }
0xd3: {  	v16 =	vunpack.i.l.bf16.f32 v32;
	v26 =	vld [tilespmem:s23+$0x160];
	v28 =	vmul.f32 v27, v10;
	[tilespmem:s4+$0x1570] =	vst v24  }
0xd4: {  	v29 =	vunpack.i.l.bf16.f32 v63;
	v43 =	vld [tilespmem:s26+$0x170];
	v16 =	vmul.f32 v16, v4;
	[tilespmem:s17+$0x1540] =	vst v14  }
0xd5: {  	v52 =	vunpack.i.l.bf16.f32 v39;
	v13 =	vmul.f32 v29, v8;
	v30 =	vld [tilespmem:s10+$0x160];
	[tilespmem:s17+$0x1550] =	vst v28  }
0xd6: {  	[tilespmem:s18+$0x15A0] =	vst v16;
	v55 =	vmul.f32 v52, v5;
	v33 =	vunpack.i.l.bf16.f32 v22;
	v37 =	vld [tilespmem:s0+$0x150]  }
0xd7: {  	v35 =	vunpack.i.u.bf16.f32 v22;
	v36 =	vmul.f32 v33, v7;
	[tilespmem:s22+$0x1540] =	vst v13  }
0xd8: {  	[tilespmem:s24+$0x1580] =	vst v55;
	v38 =	vmul.f32 v35, v7;
	v39 =	vunpack.i.l.bf16.f32 v26;
	v41 =	vld [tilespmem:s1+$0x150]  }
0xd9: {  	v46 =	vunpack.i.u.bf16.f32 v32;
	[tilespmem:s29+$0x1580] =	vst v36;
	v40 =	vunpack.i.u.bf16.f32 v26;
	v14 =	vmul.f32 v39, v9  }
0xda: {  	v4 =	vmul.f32 v46, v4;
	[tilespmem:s29+$0x1590] =	vst v38;
	v12 =	vmul.f32 v40, v9;
	v42 =	vunpack.i.l.bf16.f32 v30  }
0xdb: {  	v54 =	vunpack.i.u.bf16.f32 v43;
	v45 =	vld [tilespmem:s21+$0x170];
	[tilespmem:s8+$0x1580] =	vst v14;
	v13 =	vmul.f32 v42, v6;
	v47 =	vunpack.i.l.bf16.f32 v37  }
0xdc: {  	v55 =	vunpack.i.l.bf16.f32 v43;
	[tilespmem:s8+$0x1590] =	vst v12;
	v48 =	vunpack.i.u.bf16.f32 v37;
	v12 =	vmul.f32 v47, v10  }
0xdd: {  	v17 =	vmul.f32 v55, v3;
	s21 =	sor.u32 $0xB, s5;
	v49 =	vmul.f32 v48, v10;
	v50 =	vunpack.i.l.bf16.f32 v41;
	[tilespmem:s4+$0x1580] =	vst v13  }
0xde: {  	v23 =	vmov s21;
	v20 =	vld [tilespmem:s3+$0x170];
	v52 =	vunpack.i.u.bf16.f32 v41;
	v13 =	vmul.f32 v50, v8;
	[tilespmem:s17+$0x1560] =	vst v12  }
0xdf: {  	v3 =	vmul.f32 v54, v3;
	v16 =	vshrl.u32 v23, $0x3;
	[tilespmem:s17+$0x1570] =	vst v49;
	v12 =	vmul.f32 v52, v8  }
0xe0: {  	s26 =	sor.u32 $0xD, s5;
	v56 =	vunpack.i.l.bf16.f32 v45;
	v25 =	vshll.u32 v16, v1;
	v44 =	vunpack.i.u.bf16.f32 v30;
	[tilespmem:s22+$0x1560] =	vst v13;
	v57 =	vld [tilespmem:s0+$0x160]  }
0xe1: {  	v14 =	vunpack.i.u.bf16.f32 v45;
	v30 =	vmov s26;
	v11 =	vmul.f32 v44, v6;
	v51 =	vld [tilespmem:s23+$0x170];
	[tilespmem:s22+$0x1570] =	vst v12  }
0xe2: {  	[tilespmem:s18+$0x15B0] =	vst v4;
	v27 =	vadd.s32 $0x3, v25;
	v2 =	vmul.f32 v14, v5;
	s23 =	sor.u32 $0xC, s5;
	v32 =	vshrl.u32 v30, $0x3;
	v60 =	vld [tilespmem:s1+$0x160]  }
0xe3: {  	v26 =	vmov s23;
	[tilespmem:s4+$0x1590] =	vst v11;
	v11 =	vmul.f32 v56, v5;
	v59 =	vunpack.i.u.bf16.f32 v20  }
0xe4: {  	[tilespmem:s16+$0x15A0] =	vst v17;
	v58 =	vunpack.i.l.bf16.f32 v20;
	v28 =	vshrl.u32 v26, $0x3;
	v5 =	vmul.f32 v59, v7  }
0xe5: {  	v53 =	vld [tilespmem:s10+$0x170];
	[tilespmem:s24+$0x15A0] =	vst v11;
	v11 =	vbroadcast v27, $0x0;
	v12 =	vmul.f32 v58, v7;
	v13 =	vunpack.i.l.bf16.f32 v57  }
0xe6: {  	[tilespmem:s16+$0x15B0] =	vst v3;
	v61 =	vunpack.i.u.bf16.f32 v51;
	v21 =	vunpack.i.u.bf16.f32 v57;
	v3 =	vmul.f32 v13, v10  }
0xe7: {  	[tilespmem:s24+$0x15B0] =	vst v2;
	v62 =	vunpack.i.l.bf16.f32 v51;
	v22 =	vmul.f32 v21, v10;
	v14 =	vunpack.i.l.bf16.f32 v60  }
0xe8: {  	v63 =	vmul.f32 v62, v9;
	v24 =	vunpack.i.u.bf16.f32 v60;
	v2 =	vmul.f32 v14, v8;
	[tilespmem:s17+$0x1580] =	vst v3  }
0xe9: {  	v29 =	vshll.u32 v28, v1;
	v7 =	vmul.f32 v61, v9;
	v3 =	vmul.f32 v24, v8;
	[tilespmem:s17+$0x1590] =	vst v22  }
0xea: {  	v20 =	vunpack.i.u.bf16.f32 v53;
	v15 =	vunpack.i.l.bf16.f32 v53;
	v31 =	vld [tilespmem:s0+$0x170];
	s0 =	sor.u32 $0xE, s5;
	[tilespmem:s22+$0x1580] =	vst v2;
	v2 =	vadd.s32 $0x4, v29  }
0xeb: {  	[tilespmem:s22+$0x1590] =	vst v3;
	v33 =	vmov s0;
	v3 =	vbroadcast v2, $0x0;
	v2 =	vshll.u32 v32, v1  }
0xec: {  	s2 =	sshll.u32 s21, $0x7;
	[tilespmem:s29+$0x15B0] =	vst v5;
	v34 =	vmul.f32 v15, v6;
	v35 =	vld [tilespmem:s1+$0x170];
	v13 =	vshrl.u32 v33, $0x3;
	s1 =	sor.u32 $0xF, s5;
	v2 =	vadd.s32 $0x5, v2  }
0xed: {  	s10 =	sshrl.u32 s2, $0x1;
	[tilespmem:s29+$0x15A0] =	vst v12;
	v37 =	vmov s1;
	v36 =	vbroadcast v2, $0x0;
	v2 =	vshll.u32 v13, v1  }
0xee: {  	s11 =	sshll.u32 s23, $0x7;
	v39 =	vld [tilespmem:s10+$0x140];
	[tilespmem:s8+$0x15A0] =	vst v63;
	v38 =	vmul.f32 v20, v6;
	v13 =	vshrl.u32 v37, $0x3;
	v40 =	vadd.s32 $0x6, v2  }
0xef: {  	s30 =	sshrl.u32 s11, $0x1;
	[tilespmem:s8+$0x15B0] =	vst v7;
	v41 =	vunpack.i.l.bf16.f32 v31;
	v2 =	vld.idx.msk [tilespmem:v11+s14+$0x0], $0xffff;
	v42 =	vshll.u32 v13, v1;
	v9 =	vbroadcast v40, $0x0  }
0xf0: {  	s3 =	sshll.u32 s26, $0x7;
	v44 =	vld [tilespmem:s30+$0x140];
	[tilespmem:s4+$0x15A0] =	vst v34;
	v43 =	vunpack.i.u.bf16.f32 v31;
	v7 =	vmul.f32 v41, v10;
	v11 =	vadd.s32 $0x7, v42  }
0xf1: {  	s21 =	sshrl.u32 s3, $0x1;
	[tilespmem:s4+$0x15B0] =	vst v38;
	v45 =	vmul.f32 v43, v10;
	v46 =	vunpack.i.l.bf16.f32 v35;
	v11 =	vbroadcast v11, $0x0;
	v3 =	vld.idx.msk [tilespmem:v3+s14+$0x0], $0xffff  }
0xf2: {  	v48 =	vld [tilespmem:s21+$0x140];
	s23 =	sshll.u32 s0, $0x7;
	v47 =	vunpack.i.u.bf16.f32 v35;
	[tilespmem:s17+$0x15A0] =	vst v7;
	v10 =	vmul.f32 v46, v8  }
0xf3: {  	v49 =	vunpack.i.l.bf16.f32 v39;
	s24 =	sshrl.u32 s23, $0x1;
	[tilespmem:s17+$0x15B0] =	vst v45;
	v7 =	vmul.f32 v47, v8;
	v4 =	vld.idx.msk [tilespmem:v36+s14+$0x0], $0xffff  }
0xf4: {  	v50 =	vunpack.i.u.bf16.f32 v39;
	v52 =	vld [tilespmem:s24+$0x140];
	s26 =	sshll.u32 s1, $0x7;
	[tilespmem:s22+$0x15A0] =	vst v10;
	v51 =	vmul.f32 v49, v2  }
0xf5: {  	v53 =	vunpack.i.l.bf16.f32 v44;
	s29 =	sshrl.u32 s26, $0x1;
	[tilespmem:s22+$0x15B0] =	vst v7;
	v5 =	vmul.f32 v50, v2;
	v9 =	vld.idx.msk [tilespmem:v9+s14+$0x0], $0xffff  }
0xf6: {  	v54 =	vunpack.i.u.bf16.f32 v44;
	v55 =	vld [tilespmem:s29+$0x140];
	[tilespmem:s2+$0x1540] =	vst v51;
	v7 =	vmul.f32 v53, v3  }
0xf7: {  	v57 =	vunpack.i.l.bf16.f32 v48;
	[tilespmem:s2+$0x1550] =	vst v5;
	v56 =	vmul.f32 v54, v3;
	v11 =	vld.idx.msk [tilespmem:v11+s14+$0x0], $0xffff  }
0xf8: {  	v59 =	vunpack.i.u.bf16.f32 v48;
	v58 =	vld [tilespmem:s10+$0x150];
	[tilespmem:s11+$0x1540] =	vst v7;
	v6 =	vmul.f32 v57, v4  }
0xf9: {  	v61 =	vunpack.i.l.bf16.f32 v52;
	[tilespmem:s11+$0x1550] =	vst v56;
	v60 =	vmul.f32 v59, v4  }
0xfa: {  	v63 =	vunpack.i.u.bf16.f32 v52;
	v62 =	vld [tilespmem:s30+$0x150];
	[tilespmem:s3+$0x1540] =	vst v6;
	v7 =	vmul.f32 v61, v9  }
0xfb: {  	v15 =	vunpack.i.l.bf16.f32 v55;
	[tilespmem:s3+$0x1550] =	vst v60;
	v14 =	vmul.f32 v63, v9  }
0xfc: {  	v17 =	vunpack.i.u.bf16.f32 v55;
	v16 =	vld [tilespmem:s21+$0x150];
	v6 =	vmul.f32 v15, v11;
	[tilespmem:s23+$0x1540] =	vst v7  }
0xfd: {  	v18 =	vunpack.i.l.bf16.f32 v58;
	v19 =	vmul.f32 v17, v11;
	[tilespmem:s23+$0x1550] =	vst v14  }
0xfe: {  	v20 =	vunpack.i.u.bf16.f32 v58;
	v10 =	vmul.f32 v18, v2;
	v21 =	vld [tilespmem:s24+$0x150];
	[tilespmem:s26+$0x1540] =	vst v6  }
0xff: {  	v22 =	vmul.f32 v20, v2;
	[tilespmem:s26+$0x1550] =	vst v19;
	v23 =	vunpack.i.l.bf16.f32 v62  }
0x100: {  	[tilespmem:s2+$0x1560] =	vst v10;
	v24 =	vunpack.i.u.bf16.f32 v62;
	v25 =	vld [tilespmem:s29+$0x150];
	v7 =	vmul.f32 v23, v3  }
0x101: {  	[tilespmem:s2+$0x1570] =	vst v22;
	v5 =	vmul.f32 v24, v3;
	v26 =	vunpack.i.l.bf16.f32 v16  }
0x102: {  	v27 =	vld [tilespmem:s10+$0x160];
	v28 =	vunpack.i.u.bf16.f32 v16;
	[tilespmem:s11+$0x1560] =	vst v7;
	v6 =	vmul.f32 v26, v4  }
0x103: {  	[tilespmem:s11+$0x1570] =	vst v5;
	v29 =	vmul.f32 v28, v4;
	v30 =	vunpack.i.l.bf16.f32 v21  }
0x104: {  	v31 =	vld [tilespmem:s30+$0x160];
	v32 =	vunpack.i.u.bf16.f32 v21;
	[tilespmem:s3+$0x1560] =	vst v6;
	v7 =	vmul.f32 v30, v9  }
0x105: {  	[tilespmem:s3+$0x1570] =	vst v29;
	v33 =	vmul.f32 v32, v9;
	v34 =	vunpack.i.l.bf16.f32 v25  }
0x106: {  	v36 =	vunpack.i.u.bf16.f32 v25;
	v35 =	vld [tilespmem:s21+$0x160];
	v6 =	vmul.f32 v34, v11;
	[tilespmem:s23+$0x1560] =	vst v7  }
0x107: {  	v37 =	vunpack.i.l.bf16.f32 v27;
	v38 =	vmul.f32 v36, v11;
	[tilespmem:s23+$0x1570] =	vst v33  }
0x108: {  	v39 =	vunpack.i.u.bf16.f32 v27;
	v10 =	vmul.f32 v37, v2;
	v40 =	vld [tilespmem:s24+$0x160];
	[tilespmem:s26+$0x1560] =	vst v6  }
0x109: {  	v41 =	vmul.f32 v39, v2;
	[tilespmem:s26+$0x1570] =	vst v38;
	v42 =	vunpack.i.l.bf16.f32 v31  }
0x10a: {  	[tilespmem:s2+$0x1580] =	vst v10;
	v43 =	vunpack.i.u.bf16.f32 v31;
	v44 =	vld [tilespmem:s29+$0x160];
	v7 =	vmul.f32 v42, v3  }
0x10b: {  	[tilespmem:s2+$0x1590] =	vst v41;
	v5 =	vmul.f32 v43, v3;
	v45 =	vunpack.i.l.bf16.f32 v35  }
0x10c: {  	v10 =	vld [tilespmem:s10+$0x170];
	v46 =	vunpack.i.u.bf16.f32 v35;
	[tilespmem:s11+$0x1580] =	vst v7;
	v6 =	vmul.f32 v45, v4  }
0x10d: {  	[tilespmem:s11+$0x1590] =	vst v5;
	v47 =	vmul.f32 v46, v4;
	v48 =	vunpack.i.l.bf16.f32 v40  }
0x10e: {  	v49 =	vld [tilespmem:s30+$0x170];
	v50 =	vunpack.i.u.bf16.f32 v40;
	[tilespmem:s3+$0x1580] =	vst v6;
	v7 =	vmul.f32 v48, v9  }
0x10f: {  	[tilespmem:s3+$0x1590] =	vst v47;
	v51 =	vmul.f32 v50, v9;
	v52 =	vunpack.i.l.bf16.f32 v44  }
0x110: {  	v54 =	vunpack.i.u.bf16.f32 v44;
	v53 =	vld [tilespmem:s21+$0x170];
	v6 =	vmul.f32 v52, v11;
	[tilespmem:s23+$0x1580] =	vst v7  }
0x111: {  	v55 =	vunpack.i.l.bf16.f32 v10;
	v56 =	vmul.f32 v54, v11;
	[tilespmem:s23+$0x1590] =	vst v51  }
0x112: {  	v58 =	vunpack.i.u.bf16.f32 v10;
	v8 =	vmul.f32 v55, v2;
	v57 =	vld [tilespmem:s24+$0x170];
	[tilespmem:s26+$0x1580] =	vst v6  }
0x113: {  	v2 =	vmul.f32 v58, v2;
	[tilespmem:s26+$0x1590] =	vst v56;
	v59 =	vunpack.i.l.bf16.f32 v49  }
0x114: {  	v5 =	vld [tilespmem:s29+$0x170];
	[tilespmem:s2+$0x15A0] =	vst v8;
	v60 =	vunpack.i.u.bf16.f32 v49;
	v6 =	vmul.f32 v59, v3  }
0x115: {  	[tilespmem:s2+$0x15B0] =	vst v2;
	v2 =	vmul.f32 v60, v3;
	v3 =	vunpack.i.l.bf16.f32 v53  }
0x116: {  	v61 =	vunpack.i.u.bf16.f32 v53;
	[tilespmem:s11+$0x15A0] =	vst v6;
	v3 =	vmul.f32 v3, v4  }
0x117: {  	[tilespmem:s11+$0x15B0] =	vst v2;
	v2 =	vmul.f32 v61, v4;
	v62 =	vunpack.i.l.bf16.f32 v57  }
0x118: {  	p1 =	slt.u32 s5, $0x40;
	[tilespmem:s3+$0x15A0] =	vst v3;
	v3 =	vunpack.i.u.bf16.f32 v57;
	v4 =	vmul.f32 v62, v9  }
.Ltmp1:
0x119: {  	[tilespmem:s3+$0x15B0] =	vst v2;
	v2 =	vmul.f32 v3, v9;
	v3 =	vunpack.i.l.bf16.f32 v5;
	(pc) =	sbr.rel @p1 .LBB2_4-.Ltmp1, $4  }
0x11a: {  	v63 =	vunpack.i.u.bf16.f32 v5;
	[tilespmem:s23+$0x15A0] =	vst v4;
	v3 =	vmul.f32 v3, v11  }
0x11b: {  	[tilespmem:s23+$0x15B0] =	vst v2;
	v2 =	vmul.f32 v63, v11  }
0x11c: {  	s30 =	sadd.s32 $0x10, s5;
	[tilespmem:s26+$0x15A0] =	vst v3  }
0x11d: {  	s5 =	smov.u32 s30;
	[tilespmem:s26+$0x15B0] =	vst v2  }
0x11e: {  	v2 =	vld [tilespmem:$0x50]  }
0x11f: {  	v3 =	vld [tilespmem:$0x60]  }
0x120: {  	v4 =	vld [tilespmem:$0x70]  }
0x121: {  	v5 =	vld [tilespmem:$0x80]  }
0x122: {  	v6 =	vld [tilespmem:$0x90]  }
0x123: {  	[tilespmem:$0xA0] =	vst v2  }
0x124: {  	[tilespmem:$0xB0] =	vst v3  }
0x125: {  	[tilespmem:$0xC0] =	vst v4  }
0x126: {  	s0 =	rddreg [dreg:$0x3];
	[tilespmem:$0xD0] =	vst v5  }
0x127: {  	s1 =	simm.s32 $0x1540;
	s2 =	simm.s32 $0xA0;
	s23 =	simm.s32 $0x8;
	[tilespmem:$0xE0] =	vst v6  }
0x128: {  	[spmem:s0] =	stream.indirect.scatter.add.f32 [tilespmem:s1], [sflag:$0x3], $0x80, s2, s13, $0xb8;
	[tilespmem:$0x1F040] =	vst v63  }
0x129: {  	_ =	swait.ge [sflag:s23], $0x50  }
0x12a: {  	[sflag:s23] =	ssyncset.done $0x0  }
0x12b: {  	[sflag:s23] =	ssyncadd.s32 $0xFFFFFFB0  }
0x12c: {  	_ =	swait.ge [sflag:s23], $0x50  }
0x12d: {  	[sflag:s23] =	ssyncset.done $0x0  }
0x12e: {  	[sflag:s23] =	ssyncadd.s32 $0xFFFFFFB0  }
0x12f: {  	_ =	swait.ge [sflag:s23], $0x50  }
0x130: {  	[sflag:s23] =	ssyncset.done $0x0  }
0x131: {  	[sflag:s23] =	ssyncadd.s32 $0xFFFFFFB0  }
0x132: {  	s24 =	simm.s32 $0x7BC0;
	s0 =	rddreg [dreg:$0x0]  }
0x133: {  	[tilespmem:s24], [sflag:$0x7] =	stream.indirect.gather [hbm4b:s0+s13], $0x40, s28, s13, $0xb8;
	[tilespmem:$0x1F040] =	vst v63  }
0x134: {  	s5 =	simm.s32 $0x0;
	s26 =	rddreg [dreg:$0xf]  }
0x135: {  	[tilespmem:s5], [sflag:$0x2] =	stream.linear.gather [hbm4b:s26+s5], $0x50, $0x38;
	[tilespmem:$0x1F040] =	vst v63  }
0x136: {  	s28 =	rddreg [dreg:$0x10]  }
0x137: {  	[tilespmem:s13], [sflag:$0x2] =	stream.linear.gather [hbm4b:s28+s5], $0x50, $0x38;
	[tilespmem:$0x1F040] =	vst v63  }
0x138: {  	s30 =	simm.s32 $0x4;
	s29 =	rddreg [dreg:$0x12]  }
0x139: {  	[tilespmem:s14], [sflag:$0x2] =	stream.linear.gather [hbm4b:s29+s5], $0x50, $0x38;
	[tilespmem:$0x1F040] =	vst v63  }
0x13a: {  	_ =	swait.ge [sflag:s30], $0x1400  }
0x13b: {  	[sflag:s30] =	ssyncset.done $0x0  }
0x13c: {  	[sflag:s30] =	ssyncadd.s32 $0xFFFFEC00  }
.LBB2_6:
0x13d: {  	v2 =	vmov s5  }
0x13e: {  	v2 =	vshrl.u32 v2, $0x3  }
0x13f: {  	s0 =	sor.u32 $0x1, s5;
	v2 =	vshll.u32 v2, v1  }
0x140: {  	v3 =	vmov s0;
	v2 =	vbroadcast v2, $0x0  }
0x141: {  	s8 =	sor.u32 $0x2, s5;
	v3 =	vshrl.u32 v3, $0x3  }
0x142: {  	v4 =	vmov s8;
	v3 =	vshll.u32 v3, v1  }
0x143: {  	s4 =	sshll.u32 s5, $0x7;
	v4 =	vshrl.u32 v4, $0x3;
	v3 =	vadd.s32 $0x1, v3  }
0x144: {  	s3 =	sshrl.u32 s4, $0x1;
	v4 =	vshll.u32 v4, v1;
	v3 =	vbroadcast v3, $0x0  }
0x145: {  	v56 =	vld [tilespmem:s3+$0x3E80];
	v4 =	vadd.s32 $0x2, v4  }
0x146: {  	v7 =	vld.idx.msk [tilespmem:v2+s19+$0x0], $0xffff;
	v2 =	vbroadcast v4, $0x0  }
0x147: {  	s2 =	sshll.u32 s0, $0x7  }
0x148: {  	s1 =	sshrl.u32 s2, $0x1  }
0x149: {  	s12 =	sshll.u32 s8, $0x7;
	v5 =	vld [tilespmem:s1+$0x3E80]  }
0x14a: {  	s23 =	sshrl.u32 s12, $0x1;
	v6 =	vld.idx.msk [tilespmem:v3+s19+$0x0], $0xffff  }
0x14b: {  	s26 =	sor.u32 $0x3, s5;
	v4 =	vunpack.i.l.bf16.f32 v56;
	v3 =	vld [tilespmem:s23+$0x3E80]  }
0x14c: {  	v10 =	vmov s26;
	v8 =	vunpack.i.u.bf16.f32 v56;
	v4 =	vmul.f32 v4, v7;
	v2 =	vld.idx.msk [tilespmem:v2+s19+$0x0], $0xffff  }
0x14d: {  	v10 =	vshrl.u32 v10, $0x3;
	v8 =	vmul.f32 v8, v7  }
0x14e: {  	v59 =	vshll.u32 v10, v1;
	v9 =	vunpack.i.l.bf16.f32 v5;
	v5 =	vunpack.i.u.bf16.f32 v5;
	[tilespmem:s4+$0x5280] =	vst v4  }
0x14f: {  	v9 =	vmul.f32 v9, v6;
	v57 =	vmul.f32 v5, v6;
	[tilespmem:s4+$0x5290] =	vst v8;
	v8 =	vadd.s32 $0x3, v59  }
0x150: {  	v58 =	vunpack.i.u.bf16.f32 v3;
	v3 =	vunpack.i.l.bf16.f32 v3;
	v11 =	vld [tilespmem:s3+$0x3E90];
	v63 =	vbroadcast v8, $0x0  }
0x151: {  	[tilespmem:s2+$0x5280] =	vst v9;
	v3 =	vmul.f32 v3, v2  }
0x152: {  	s10 =	sor.u32 $0x4, s5;
	s18 =	sshll.u32 s26, $0x7;
	[tilespmem:s2+$0x5290] =	vst v57;
	v62 =	vmul.f32 v58, v2  }
0x153: {  	v60 =	vmov s10;
	s11 =	sshrl.u32 s18, $0x1;
	v17 =	vld [tilespmem:s1+$0x3E90];
	[tilespmem:s12+$0x5280] =	vst v3  }
0x154: {  	v61 =	vshrl.u32 v60, $0x3;
	v12 =	vld [tilespmem:s11+$0x3E80];
	[tilespmem:s12+$0x5290] =	vst v62  }
0x155: {  	v16 =	vshll.u32 v61, v1;
	v19 =	vunpack.i.l.bf16.f32 v11;
	v18 =	vld [tilespmem:s23+$0x3E90]  }
0x156: {  	v3 =	vadd.s32 $0x4, v16;
	v20 =	vunpack.i.u.bf16.f32 v11;
	v21 =	vmul.f32 v19, v7;
	v4 =	vld.idx.msk [tilespmem:v63+s19+$0x0], $0xffff  }
0x157: {  	v3 =	vbroadcast v3, $0x0;
	v10 =	vmul.f32 v20, v7  }
0x158: {  	v13 =	vunpack.i.l.bf16.f32 v17;
	[tilespmem:s4+$0x52A0] =	vst v21  }
0x159: {  	s28 =	sor.u32 $0x5, s5;
	s16 =	sshll.u32 s10, $0x7;
	v22 =	vunpack.i.u.bf16.f32 v17;
	v23 =	vmul.f32 v13, v6;
	[tilespmem:s4+$0x52B0] =	vst v10  }
0x15a: {  	s24 =	sshll.u32 s28, $0x7;
	s26 =	sshrl.u32 s16, $0x1;
	v30 =	vunpack.i.u.bf16.f32 v12;
	v5 =	vmul.f32 v22, v6;
	v27 =	vld [tilespmem:s3+$0x3EA0]  }
0x15b: {  	s21 =	sshrl.u32 s24, $0x1;
	v24 =	vld [tilespmem:s26+$0x3E80];
	[tilespmem:s2+$0x52A0] =	vst v23;
	v25 =	vunpack.i.l.bf16.f32 v18;
	v33 =	vmul.f32 v30, v4  }
0x15c: {  	v31 =	vmov s28;
	v51 =	vld [tilespmem:s21+$0x3E80];
	[tilespmem:s2+$0x52B0] =	vst v5;
	v8 =	vunpack.i.u.bf16.f32 v18;
	v26 =	vmul.f32 v25, v2  }
0x15d: {  	v29 =	vunpack.i.l.bf16.f32 v12;
	v12 =	vshrl.u32 v31, $0x3;
	v3 =	vld.idx.msk [tilespmem:v3+s19+$0x0], $0xffff;
	v28 =	vmul.f32 v8, v2;
	[tilespmem:s18+$0x5290] =	vst v33  }
0x15e: {  	v36 =	vshll.u32 v12, v1;
	v32 =	vld [tilespmem:s1+$0x3EA0];
	v8 =	vmul.f32 v29, v4;
	[tilespmem:s12+$0x52A0] =	vst v26  }
0x15f: {  	v39 =	vadd.s32 $0x5, v36;
	[tilespmem:s12+$0x52B0] =	vst v28;
	v40 =	vunpack.i.l.bf16.f32 v27  }
0x160: {  	[tilespmem:s18+$0x5280] =	vst v8;
	v8 =	vbroadcast v39, $0x0;
	v41 =	vunpack.i.u.bf16.f32 v27;
	v37 =	vld [tilespmem:s23+$0x3EA0];
	v42 =	vmul.f32 v40, v7  }
0x161: {  	s29 =	sor.u32 $0x6, s5;
	v34 =	vunpack.i.l.bf16.f32 v24;
	v14 =	vld [tilespmem:s11+$0x3E90];
	v43 =	vmul.f32 v41, v7  }
0x162: {  	v52 =	vmov s29;
	v35 =	vunpack.i.u.bf16.f32 v24;
	v9 =	vmul.f32 v34, v3;
	[tilespmem:s4+$0x52C0] =	vst v42  }
0x163: {  	s30 =	sor.u32 $0x7, s5;
	v59 =	vunpack.i.l.bf16.f32 v51;
	v46 =	vunpack.i.u.bf16.f32 v32;
	v38 =	vmul.f32 v35, v3;
	[tilespmem:s4+$0x52D0] =	vst v43  }
0x164: {  	v57 =	vmov s30;
	v44 =	vunpack.i.l.bf16.f32 v32;
	v47 =	vmul.f32 v46, v6;
	v15 =	vld [tilespmem:s3+$0x3EB0];
	[tilespmem:s16+$0x5280] =	vst v9  }
0x165: {  	v13 =	vunpack.i.u.bf16.f32 v51;
	[tilespmem:s16+$0x5290] =	vst v38;
	v9 =	vmul.f32 v44, v6;
	v12 =	vunpack.i.l.bf16.f32 v37  }
0x166: {  	[tilespmem:s2+$0x52D0] =	vst v47;
	v48 =	vunpack.i.u.bf16.f32 v37;
	v50 =	vunpack.i.l.bf16.f32 v14;
	v5 =	vld.idx.msk [tilespmem:v8+s19+$0x0], $0xffff;
	v49 =	vmul.f32 v12, v2  }
0x167: {  	v14 =	vunpack.i.u.bf16.f32 v14;
	v8 =	vshrl.u32 v52, $0x3;
	[tilespmem:s2+$0x52C0] =	vst v9;
	v10 =	vmul.f32 v48, v2  }
0x168: {  	v45 =	vld [tilespmem:s26+$0x3E90];
	v12 =	vmul.f32 v50, v4;
	v53 =	vmul.f32 v14, v4;
	v8 =	vshll.u32 v8, v1;
	[tilespmem:s12+$0x52C0] =	vst v49  }
0x169: {  	s8 =	sshll.u32 s30, $0x7;
	s30 =	sor.u32 $0xA, s5;
	v8 =	vadd.s32 $0x6, v8;
	[tilespmem:s12+$0x52D0] =	vst v10;
	v61 =	vunpack.i.l.bf16.f32 v15;
	v15 =	vunpack.i.u.bf16.f32 v15  }
0x16a: {  	v43 =	vmov s30;
	v58 =	vld [tilespmem:s1+$0x3EB0];
	s1 =	sor.u32 $0x8, s5;
	[tilespmem:s18+$0x52A0] =	vst v12;
	v8 =	vbroadcast v8, $0x0;
	v21 =	vmul.f32 v15, v7  }
0x16b: {  	[tilespmem:s18+$0x52B0] =	vst v53;
	v12 =	vshrl.u32 v57, $0x3;
	v63 =	vmov s1;
	v9 =	vmul.f32 v59, v5  }
0x16c: {  	v12 =	vshll.u32 v12, v1;
	v11 =	vld [tilespmem:s23+$0x3EB0];
	v20 =	vshrl.u32 v63, $0x3;
	v60 =	vmul.f32 v13, v5;
	[tilespmem:s4+$0x52F0] =	vst v21  }
0x16d: {  	v16 =	vld [tilespmem:s11+$0x3EA0];
	v54 =	vunpack.i.l.bf16.f32 v45;
	v55 =	vunpack.i.u.bf16.f32 v45;
	v13 =	vmul.f32 v61, v7;
	[tilespmem:s24+$0x5280] =	vst v9  }
0x16e: {  	v12 =	vadd.s32 $0x7, v12;
	v45 =	vshrl.u32 v43, $0x3;
	v10 =	vmul.f32 v55, v3;
	[tilespmem:s24+$0x5290] =	vst v60  }
0x16f: {  	v56 =	vmul.f32 v54, v3;
	v62 =	vbroadcast v12, $0x0;
	v22 =	vunpack.i.l.bf16.f32 v58;
	[tilespmem:s4+$0x52E0] =	vst v13  }
0x170: {  	s29 =	sshll.u32 s29, $0x7;
	v24 =	vunpack.i.u.bf16.f32 v58;
	[tilespmem:s16+$0x52B0] =	vst v10;
	v23 =	vld [tilespmem:s21+$0x3E90];
	v10 =	vshll.u32 v20, v1;
	v25 =	vmul.f32 v22, v6  }
0x171: {  	s3 =	sshrl.u32 s29, $0x1;
	[tilespmem:s16+$0x52A0] =	vst v56;
	v6 =	vmul.f32 v24, v6;
	v26 =	vbroadcast v10, $0x0;
	v27 =	vunpack.i.l.bf16.f32 v11  }
0x172: {  	v28 =	vld [tilespmem:s3+$0x3E80];
	v47 =	vshll.u32 v45, v1;
	v29 =	vunpack.i.l.bf16.f32 v16;
	[tilespmem:s2+$0x52E0] =	vst v25;
	v10 =	vmul.f32 v27, v2  }
0x173: {  	s23 =	sshrl.u32 s8, $0x1;
	v50 =	vadd.s32 $0x2, v47;
	v7 =	vld.idx.msk [tilespmem:v8+s19+$0x0], $0xffff;
	v31 =	vunpack.i.u.bf16.f32 v16;
	[tilespmem:s2+$0x52F0] =	vst v6;
	v13 =	vmul.f32 v29, v4  }
0x174: {  	v30 =	vld [tilespmem:s23+$0x3E80];
	s4 =	sshll.u32 s1, $0x7;
	v53 =	vbroadcast v50, $0x0;
	v11 =	vunpack.i.u.bf16.f32 v11;
	v6 =	vmul.f32 v31, v4;
	[tilespmem:s12+$0x52E0] =	vst v10  }
0x175: {  	s10 =	sshrl.u32 s4, $0x1;
	v2 =	vmul.f32 v11, v2;
	v9 =	vld.idx.msk [tilespmem:v62+s19+$0x0], $0xffff;
	[tilespmem:s18+$0x52C0] =	vst v13;
	v32 =	vunpack.i.l.bf16.f32 v23  }
0x176: {  	v33 =	vld [tilespmem:s10+$0x3E80];
	[tilespmem:s18+$0x52D0] =	vst v6;
	v15 =	vunpack.i.u.bf16.f32 v23;
	v10 =	vmul.f32 v32, v5  }
0x177: {  	s22 =	sshll.u32 s30, $0x7;
	v12 =	vunpack.i.l.bf16.f32 v28;
	[tilespmem:s12+$0x52F0] =	vst v2;
	v15 =	vmul.f32 v15, v5;
	v6 =	vld.idx.msk [tilespmem:v26+s19+$0x0], $0xffff  }
0x178: {  	s28 =	sor.u32 $0x9, s5;
	v18 =	vunpack.i.u.bf16.f32 v28;
	s1 =	sshrl.u32 s22, $0x1;
	v17 =	vld [tilespmem:s26+$0x3EA0];
	v35 =	vmul.f32 v12, v7;
	[tilespmem:s24+$0x52A0] =	vst v10  }
0x179: {  	v38 =	vmov s28;
	v63 =	vld [tilespmem:s1+$0x3E80];
	v37 =	vunpack.i.l.bf16.f32 v30;
	v36 =	vmul.f32 v18, v7;
	[tilespmem:s24+$0x52B0] =	vst v15  }
0x17a: {  	v14 =	vunpack.i.u.bf16.f32 v30;
	v8 =	vld.idx.msk [tilespmem:v53+s19+$0x0], $0xffff;
	[tilespmem:s29+$0x5280] =	vst v35;
	v15 =	vshrl.u32 v38, $0x3;
	v12 =	vmul.f32 v37, v9  }
0x17b: {  	v42 =	vunpack.i.l.bf16.f32 v33;
	[tilespmem:s29+$0x5290] =	vst v36;
	v39 =	vld [tilespmem:s21+$0x3EA0];
	v40 =	vmul.f32 v14, v9;
	v15 =	vshll.u32 v15, v1  }
0x17c: {  	v41 =	vunpack.i.u.bf16.f32 v33;
	v19 =	vld [tilespmem:s3+$0x3E90];
	v44 =	vadd.s32 $0x1, v15;
	[tilespmem:s8+$0x5280] =	vst v12;
	v10 =	vmul.f32 v42, v6  }
0x17d: {  	v34 =	vunpack.i.l.bf16.f32 v17;
	[tilespmem:s8+$0x5290] =	vst v40;
	v12 =	vbroadcast v44, $0x0;
	v46 =	vmul.f32 v41, v6  }
0x17e: {  	v48 =	vunpack.i.u.bf16.f32 v17;
	v13 =	vmul.f32 v34, v3;
	v49 =	vld [tilespmem:s23+$0x3E90];
	[tilespmem:s4+$0x5280] =	vst v10  }
0x17f: {  	v31 =	vunpack.i.u.bf16.f32 v63;
	v51 =	vmul.f32 v48, v3;
	[tilespmem:s4+$0x5290] =	vst v46  }
0x180: {  	s17 =	sshll.u32 s28, $0x7;
	[tilespmem:s16+$0x52C0] =	vst v13;
	v34 =	vmul.f32 v31, v8;
	v54 =	vunpack.i.u.bf16.f32 v39;
	v56 =	vld [tilespmem:s10+$0x3E90]  }
0x181: {  	s0 =	sshrl.u32 s17, $0x1;
	[tilespmem:s16+$0x52D0] =	vst v51;
	v57 =	vunpack.i.l.bf16.f32 v19;
	v10 =	vmul.f32 v54, v5  }
0x182: {  	v59 =	vld [tilespmem:s0+$0x3E80];
	[tilespmem:s22+$0x5290] =	vst v34;
	v58 =	vunpack.i.u.bf16.f32 v19;
	v14 =	vmul.f32 v57, v7  }
0x183: {  	v13 =	vmul.f32 v58, v7;
	[tilespmem:s24+$0x52D0] =	vst v10;
	v60 =	vunpack.i.l.bf16.f32 v49;
	v10 =	vld.idx.msk [tilespmem:v12+s19+$0x0], $0xffff  }
0x184: {  	v32 =	vld [tilespmem:s11+$0x3EB0];
	[tilespmem:s29+$0x52A0] =	vst v14;
	v61 =	vunpack.i.u.bf16.f32 v49;
	v62 =	vmul.f32 v60, v9  }
0x185: {  	[tilespmem:s29+$0x52B0] =	vst v13;
	v12 =	vmul.f32 v61, v9;
	v21 =	vunpack.i.l.bf16.f32 v56  }
0x186: {  	[tilespmem:s8+$0x52A0] =	vst v62;
	v23 =	vunpack.i.u.bf16.f32 v56;
	v13 =	vmul.f32 v21, v6  }
0x187: {  	v25 =	vunpack.i.l.bf16.f32 v59;
	v22 =	vld [tilespmem:s3+$0x3EA0];
	[tilespmem:s8+$0x52B0] =	vst v12;
	v24 =	vmul.f32 v23, v6  }
0x188: {  	v27 =	vunpack.i.u.bf16.f32 v59;
	v14 =	vmul.f32 v25, v10;
	[tilespmem:s4+$0x52A0] =	vst v13  }
0x189: {  	v16 =	vunpack.i.l.bf16.f32 v32;
	v26 =	vld [tilespmem:s23+$0x3EA0];
	v28 =	vmul.f32 v27, v10;
	[tilespmem:s4+$0x52B0] =	vst v24  }
0x18a: {  	v29 =	vunpack.i.l.bf16.f32 v63;
	v43 =	vld [tilespmem:s26+$0x3EB0];
	v16 =	vmul.f32 v16, v4;
	[tilespmem:s17+$0x5280] =	vst v14  }
0x18b: {  	v52 =	vunpack.i.l.bf16.f32 v39;
	v13 =	vmul.f32 v29, v8;
	v30 =	vld [tilespmem:s10+$0x3EA0];
	[tilespmem:s17+$0x5290] =	vst v28  }
0x18c: {  	[tilespmem:s18+$0x52E0] =	vst v16;
	v55 =	vmul.f32 v52, v5;
	v33 =	vunpack.i.l.bf16.f32 v22;
	v37 =	vld [tilespmem:s0+$0x3E90]  }
0x18d: {  	v35 =	vunpack.i.u.bf16.f32 v22;
	v36 =	vmul.f32 v33, v7;
	[tilespmem:s22+$0x5280] =	vst v13  }
0x18e: {  	[tilespmem:s24+$0x52C0] =	vst v55;
	v38 =	vmul.f32 v35, v7;
	v39 =	vunpack.i.l.bf16.f32 v26;
	v41 =	vld [tilespmem:s1+$0x3E90]  }
0x18f: {  	v46 =	vunpack.i.u.bf16.f32 v32;
	[tilespmem:s29+$0x52C0] =	vst v36;
	v40 =	vunpack.i.u.bf16.f32 v26;
	v14 =	vmul.f32 v39, v9  }
0x190: {  	v4 =	vmul.f32 v46, v4;
	[tilespmem:s29+$0x52D0] =	vst v38;
	v12 =	vmul.f32 v40, v9;
	v42 =	vunpack.i.l.bf16.f32 v30  }
0x191: {  	v54 =	vunpack.i.u.bf16.f32 v43;
	v45 =	vld [tilespmem:s21+$0x3EB0];
	[tilespmem:s8+$0x52C0] =	vst v14;
	v13 =	vmul.f32 v42, v6;
	v47 =	vunpack.i.l.bf16.f32 v37  }
0x192: {  	v55 =	vunpack.i.l.bf16.f32 v43;
	[tilespmem:s8+$0x52D0] =	vst v12;
	v48 =	vunpack.i.u.bf16.f32 v37;
	v12 =	vmul.f32 v47, v10  }
0x193: {  	v17 =	vmul.f32 v55, v3;
	s21 =	sor.u32 $0xB, s5;
	v49 =	vmul.f32 v48, v10;
	v50 =	vunpack.i.l.bf16.f32 v41;
	[tilespmem:s4+$0x52C0] =	vst v13  }
0x194: {  	v23 =	vmov s21;
	v52 =	vunpack.i.u.bf16.f32 v41;
	v13 =	vmul.f32 v50, v8;
	[tilespmem:s17+$0x52A0] =	vst v12  }
0x195: {  	v3 =	vmul.f32 v54, v3;
	v16 =	vshrl.u32 v23, $0x3;
	v20 =	vld [tilespmem:s3+$0x3EB0];
	[tilespmem:s17+$0x52B0] =	vst v49;
	v12 =	vmul.f32 v52, v8  }
0x196: {  	v56 =	vunpack.i.l.bf16.f32 v45;
	v25 =	vshll.u32 v16, v1;
	v44 =	vunpack.i.u.bf16.f32 v30;
	[tilespmem:s22+$0x52A0] =	vst v13;
	v57 =	vld [tilespmem:s0+$0x3EA0]  }
0x197: {  	s28 =	sor.u32 $0xE, s5;
	s26 =	sor.u32 $0xD, s5;
	v27 =	vadd.s32 $0x3, v25;
	v14 =	vunpack.i.u.bf16.f32 v45;
	v11 =	vmul.f32 v44, v6;
	v51 =	vld [tilespmem:s23+$0x3EB0];
	[tilespmem:s22+$0x52B0] =	vst v12  }
0x198: {  	[tilespmem:s18+$0x52F0] =	vst v4;
	v33 =	vmov s28;
	v30 =	vmov s26;
	v2 =	vmul.f32 v14, v5;
	s23 =	sor.u32 $0xC, s5;
	v60 =	vld [tilespmem:s1+$0x3EA0]  }
0x199: {  	v32 =	vshrl.u32 v30, $0x3;
	v26 =	vmov s23;
	[tilespmem:s4+$0x52D0] =	vst v11;
	v11 =	vmul.f32 v56, v5  }
0x19a: {  	[tilespmem:s16+$0x52E0] =	vst v17;
	v58 =	vunpack.i.l.bf16.f32 v20;
	v59 =	vunpack.i.u.bf16.f32 v20;
	v28 =	vshrl.u32 v26, $0x3  }
0x19b: {  	[tilespmem:s16+$0x52F0] =	vst v3;
	v53 =	vld [tilespmem:s10+$0x3EB0];
	v5 =	vmul.f32 v59, v7;
	v29 =	vshll.u32 v28, v1;
	v13 =	vunpack.i.l.bf16.f32 v57  }
0x19c: {  	[tilespmem:s24+$0x52E0] =	vst v11;
	v11 =	vbroadcast v27, $0x0;
	v21 =	vunpack.i.u.bf16.f32 v57;
	v3 =	vmul.f32 v13, v10  }
0x19d: {  	[tilespmem:s24+$0x52F0] =	vst v2;
	v12 =	vmul.f32 v58, v7;
	v22 =	vmul.f32 v21, v10;
	v14 =	vunpack.i.l.bf16.f32 v60  }
0x19e: {  	v62 =	vunpack.i.l.bf16.f32 v51;
	v24 =	vunpack.i.u.bf16.f32 v60;
	v2 =	vmul.f32 v14, v8;
	[tilespmem:s17+$0x52C0] =	vst v3  }
0x19f: {  	v61 =	vunpack.i.u.bf16.f32 v51;
	v63 =	vmul.f32 v62, v9;
	v3 =	vmul.f32 v24, v8;
	[tilespmem:s17+$0x52D0] =	vst v22  }
0x1a0: {  	v7 =	vmul.f32 v61, v9;
	v20 =	vunpack.i.u.bf16.f32 v53;
	v31 =	vld [tilespmem:s0+$0x3EB0];
	[tilespmem:s22+$0x52C0] =	vst v2;
	v2 =	vadd.s32 $0x4, v29  }
0x1a1: {  	v15 =	vunpack.i.l.bf16.f32 v53;
	[tilespmem:s22+$0x52D0] =	vst v3;
	v3 =	vbroadcast v2, $0x0;
	v2 =	vshll.u32 v32, v1  }
0x1a2: {  	s30 =	sshll.u32 s21, $0x7;
	[tilespmem:s29+$0x52F0] =	vst v5;
	v34 =	vmul.f32 v15, v6;
	v13 =	vshrl.u32 v33, $0x3;
	s0 =	sor.u32 $0xF, s5;
	v35 =	vld [tilespmem:s1+$0x3EB0];
	v2 =	vadd.s32 $0x5, v2  }
0x1a3: {  	[tilespmem:s29+$0x52E0] =	vst v12;
	v37 =	vmov s0;
	s1 =	sshrl.u32 s30, $0x1;
	v36 =	vbroadcast v2, $0x0;
	v2 =	vshll.u32 v13, v1  }
0x1a4: {  	s3 =	sshll.u32 s23, $0x7;
	[tilespmem:s8+$0x52E0] =	vst v63;
	v38 =	vmul.f32 v20, v6;
	v39 =	vld [tilespmem:s1+$0x3E80];
	v13 =	vshrl.u32 v37, $0x3;
	v40 =	vadd.s32 $0x6, v2  }
0x1a5: {  	s10 =	sshrl.u32 s3, $0x1;
	[tilespmem:s8+$0x52F0] =	vst v7;
	v41 =	vunpack.i.l.bf16.f32 v31;
	v2 =	vld.idx.msk [tilespmem:v11+s19+$0x0], $0xffff;
	v42 =	vshll.u32 v13, v1;
	v9 =	vbroadcast v40, $0x0  }
0x1a6: {  	s21 =	sshll.u32 s26, $0x7;
	v44 =	vld [tilespmem:s10+$0x3E80];
	[tilespmem:s4+$0x52E0] =	vst v34;
	v43 =	vunpack.i.u.bf16.f32 v31;
	v7 =	vmul.f32 v41, v10;
	v11 =	vadd.s32 $0x7, v42  }
0x1a7: {  	s23 =	sshrl.u32 s21, $0x1;
	[tilespmem:s4+$0x52F0] =	vst v38;
	v45 =	vmul.f32 v43, v10;
	v46 =	vunpack.i.l.bf16.f32 v35;
	v11 =	vbroadcast v11, $0x0;
	v3 =	vld.idx.msk [tilespmem:v3+s19+$0x0], $0xffff  }
0x1a8: {  	v48 =	vld [tilespmem:s23+$0x3E80];
	s24 =	sshll.u32 s28, $0x7;
	v47 =	vunpack.i.u.bf16.f32 v35;
	[tilespmem:s17+$0x52E0] =	vst v7;
	v10 =	vmul.f32 v46, v8  }
0x1a9: {  	s26 =	sshrl.u32 s24, $0x1;
	[tilespmem:s17+$0x52F0] =	vst v45;
	v7 =	vmul.f32 v47, v8;
	v49 =	vunpack.i.l.bf16.f32 v39;
	v4 =	vld.idx.msk [tilespmem:v36+s19+$0x0], $0xffff  }
0x1aa: {  	v52 =	vld [tilespmem:s26+$0x3E80];
	s28 =	sshll.u32 s0, $0x7;
	v50 =	vunpack.i.u.bf16.f32 v39;
	[tilespmem:s22+$0x52E0] =	vst v10;
	v51 =	vmul.f32 v49, v2  }
0x1ab: {  	v53 =	vunpack.i.l.bf16.f32 v44;
	s29 =	sshrl.u32 s28, $0x1;
	[tilespmem:s22+$0x52F0] =	vst v7;
	v5 =	vmul.f32 v50, v2;
	v9 =	vld.idx.msk [tilespmem:v9+s19+$0x0], $0xffff  }
0x1ac: {  	v54 =	vunpack.i.u.bf16.f32 v44;
	v55 =	vld [tilespmem:s29+$0x3E80];
	[tilespmem:s30+$0x5280] =	vst v51;
	v7 =	vmul.f32 v53, v3  }
0x1ad: {  	v57 =	vunpack.i.l.bf16.f32 v48;
	[tilespmem:s30+$0x5290] =	vst v5;
	v56 =	vmul.f32 v54, v3;
	v11 =	vld.idx.msk [tilespmem:v11+s19+$0x0], $0xffff  }
0x1ae: {  	v59 =	vunpack.i.u.bf16.f32 v48;
	v58 =	vld [tilespmem:s1+$0x3E90];
	[tilespmem:s3+$0x5280] =	vst v7;
	v6 =	vmul.f32 v57, v4  }
0x1af: {  	v61 =	vunpack.i.l.bf16.f32 v52;
	[tilespmem:s3+$0x5290] =	vst v56;
	v60 =	vmul.f32 v59, v4  }
0x1b0: {  	v63 =	vunpack.i.u.bf16.f32 v52;
	v62 =	vld [tilespmem:s10+$0x3E90];
	[tilespmem:s21+$0x5280] =	vst v6;
	v7 =	vmul.f32 v61, v9  }
0x1b1: {  	v15 =	vunpack.i.l.bf16.f32 v55;
	[tilespmem:s21+$0x5290] =	vst v60;
	v14 =	vmul.f32 v63, v9  }
0x1b2: {  	v17 =	vunpack.i.u.bf16.f32 v55;
	v16 =	vld [tilespmem:s23+$0x3E90];
	v6 =	vmul.f32 v15, v11;
	[tilespmem:s24+$0x5280] =	vst v7  }
0x1b3: {  	v18 =	vunpack.i.l.bf16.f32 v58;
	v19 =	vmul.f32 v17, v11;
	[tilespmem:s24+$0x5290] =	vst v14  }
0x1b4: {  	v20 =	vunpack.i.u.bf16.f32 v58;
	v10 =	vmul.f32 v18, v2;
	v21 =	vld [tilespmem:s26+$0x3E90];
	[tilespmem:s28+$0x5280] =	vst v6  }
0x1b5: {  	v22 =	vmul.f32 v20, v2;
	[tilespmem:s28+$0x5290] =	vst v19;
	v23 =	vunpack.i.l.bf16.f32 v62  }
0x1b6: {  	[tilespmem:s30+$0x52A0] =	vst v10;
	v24 =	vunpack.i.u.bf16.f32 v62;
	v25 =	vld [tilespmem:s29+$0x3E90];
	v7 =	vmul.f32 v23, v3  }
0x1b7: {  	[tilespmem:s30+$0x52B0] =	vst v22;
	v5 =	vmul.f32 v24, v3;
	v26 =	vunpack.i.l.bf16.f32 v16  }
0x1b8: {  	v27 =	vld [tilespmem:s1+$0x3EA0];
	v28 =	vunpack.i.u.bf16.f32 v16;
	[tilespmem:s3+$0x52A0] =	vst v7;
	v6 =	vmul.f32 v26, v4  }
0x1b9: {  	[tilespmem:s3+$0x52B0] =	vst v5;
	v29 =	vmul.f32 v28, v4;
	v30 =	vunpack.i.l.bf16.f32 v21  }
0x1ba: {  	v31 =	vld [tilespmem:s10+$0x3EA0];
	v32 =	vunpack.i.u.bf16.f32 v21;
	[tilespmem:s21+$0x52A0] =	vst v6;
	v7 =	vmul.f32 v30, v9  }
0x1bb: {  	[tilespmem:s21+$0x52B0] =	vst v29;
	v33 =	vmul.f32 v32, v9;
	v34 =	vunpack.i.l.bf16.f32 v25  }
0x1bc: {  	v36 =	vunpack.i.u.bf16.f32 v25;
	v35 =	vld [tilespmem:s23+$0x3EA0];
	v6 =	vmul.f32 v34, v11;
	[tilespmem:s24+$0x52A0] =	vst v7  }
0x1bd: {  	v37 =	vunpack.i.l.bf16.f32 v27;
	v38 =	vmul.f32 v36, v11;
	[tilespmem:s24+$0x52B0] =	vst v33  }
0x1be: {  	v39 =	vunpack.i.u.bf16.f32 v27;
	v10 =	vmul.f32 v37, v2;
	v40 =	vld [tilespmem:s26+$0x3EA0];
	[tilespmem:s28+$0x52A0] =	vst v6  }
0x1bf: {  	v41 =	vmul.f32 v39, v2;
	[tilespmem:s28+$0x52B0] =	vst v38;
	v42 =	vunpack.i.l.bf16.f32 v31  }
0x1c0: {  	[tilespmem:s30+$0x52C0] =	vst v10;
	v43 =	vunpack.i.u.bf16.f32 v31;
	v44 =	vld [tilespmem:s29+$0x3EA0];
	v7 =	vmul.f32 v42, v3  }
0x1c1: {  	[tilespmem:s30+$0x52D0] =	vst v41;
	v5 =	vmul.f32 v43, v3;
	v45 =	vunpack.i.l.bf16.f32 v35  }
0x1c2: {  	v10 =	vld [tilespmem:s1+$0x3EB0];
	v46 =	vunpack.i.u.bf16.f32 v35;
	[tilespmem:s3+$0x52C0] =	vst v7;
	v6 =	vmul.f32 v45, v4  }
0x1c3: {  	[tilespmem:s3+$0x52D0] =	vst v5;
	v47 =	vmul.f32 v46, v4;
	v48 =	vunpack.i.l.bf16.f32 v40  }
0x1c4: {  	v49 =	vld [tilespmem:s10+$0x3EB0];
	v50 =	vunpack.i.u.bf16.f32 v40;
	[tilespmem:s21+$0x52C0] =	vst v6;
	v7 =	vmul.f32 v48, v9  }
0x1c5: {  	[tilespmem:s21+$0x52D0] =	vst v47;
	v51 =	vmul.f32 v50, v9;
	v52 =	vunpack.i.l.bf16.f32 v44  }
0x1c6: {  	v54 =	vunpack.i.u.bf16.f32 v44;
	v53 =	vld [tilespmem:s23+$0x3EB0];
	v6 =	vmul.f32 v52, v11;
	[tilespmem:s24+$0x52C0] =	vst v7  }
0x1c7: {  	v55 =	vunpack.i.l.bf16.f32 v10;
	v56 =	vmul.f32 v54, v11;
	[tilespmem:s24+$0x52D0] =	vst v51  }
0x1c8: {  	v58 =	vunpack.i.u.bf16.f32 v10;
	v8 =	vmul.f32 v55, v2;
	v57 =	vld [tilespmem:s26+$0x3EB0];
	[tilespmem:s28+$0x52C0] =	vst v6  }
0x1c9: {  	v2 =	vmul.f32 v58, v2;
	[tilespmem:s28+$0x52D0] =	vst v56;
	v59 =	vunpack.i.l.bf16.f32 v49  }
0x1ca: {  	v5 =	vld [tilespmem:s29+$0x3EB0];
	[tilespmem:s30+$0x52E0] =	vst v8;
	v60 =	vunpack.i.u.bf16.f32 v49;
	v6 =	vmul.f32 v59, v3  }
0x1cb: {  	[tilespmem:s30+$0x52F0] =	vst v2;
	v2 =	vmul.f32 v60, v3;
	v3 =	vunpack.i.l.bf16.f32 v53  }
0x1cc: {  	v61 =	vunpack.i.u.bf16.f32 v53;
	[tilespmem:s3+$0x52E0] =	vst v6;
	v3 =	vmul.f32 v3, v4  }
0x1cd: {  	[tilespmem:s3+$0x52F0] =	vst v2;
	v2 =	vmul.f32 v61, v4;
	v62 =	vunpack.i.l.bf16.f32 v57  }
0x1ce: {  	p1 =	slt.u32 s5, $0x40;
	[tilespmem:s21+$0x52E0] =	vst v3;
	v3 =	vunpack.i.u.bf16.f32 v57;
	v4 =	vmul.f32 v62, v9  }
.Ltmp2:
0x1cf: {  	[tilespmem:s21+$0x52F0] =	vst v2;
	v2 =	vmul.f32 v3, v9;
	v3 =	vunpack.i.l.bf16.f32 v5;
	(pc) =	sbr.rel @p1 .LBB2_6-.Ltmp2, $4  }
0x1d0: {  	v63 =	vunpack.i.u.bf16.f32 v5;
	[tilespmem:s24+$0x52E0] =	vst v4;
	v3 =	vmul.f32 v3, v11  }
0x1d1: {  	[tilespmem:s24+$0x52F0] =	vst v2;
	v2 =	vmul.f32 v63, v11  }
0x1d2: {  	s30 =	sadd.s32 $0x10, s5;
	[tilespmem:s28+$0x52E0] =	vst v3  }
0x1d3: {  	s5 =	smov.u32 s30;
	[tilespmem:s28+$0x52F0] =	vst v2  }
0x1d4: {  	v2 =	vld [tilespmem:$0x3D90]  }
0x1d5: {  	v3 =	vld [tilespmem:$0x3DA0]  }
0x1d6: {  	v4 =	vld [tilespmem:$0x3DB0]  }
0x1d7: {  	v5 =	vld [tilespmem:$0x3DC0]  }
0x1d8: {  	v6 =	vld [tilespmem:$0x3DD0]  }
0x1d9: {  	[tilespmem:$0x3DE0] =	vst v2  }
0x1da: {  	[tilespmem:$0x3DF0] =	vst v3  }
0x1db: {  	[tilespmem:$0x3E00] =	vst v4  }
0x1dc: {  	s0 =	rddreg [dreg:$0x3];
	s1 =	simm.s32 $0x3DE0;
	[tilespmem:$0x3E10] =	vst v5  }
0x1dd: {  	s2 =	simm.s32 $0x5280;
	s5 =	simm.s32 $0x0;
	s12 =	simm.s32 $0x0;
	[tilespmem:$0x3E20] =	vst v6  }
0x1de: {  	[spmem:s0] =	stream.indirect.scatter.add.f32 [tilespmem:s2], [sflag:$0x6], $0x80, s1, s13, $0xb8;
	[tilespmem:$0x1F040] =	vst v63  }
.LBB2_8:
0x1df: {  	_ =	swait.ge [sflag:s15], $0x50  }
0x1e0: {  	[sflag:s15] =	ssyncset.done $0x0  }
0x1e1: {  	[sflag:s15] =	ssyncadd.s32 $0xFFFFFFB0  }
0x1e2: {  	_ =	swait.ge [sflag:s15], $0x50  }
0x1e3: {  	[sflag:s15] =	ssyncset.done $0x0  }
0x1e4: {  	[sflag:s15] =	ssyncadd.s32 $0xFFFFFFB0  }
0x1e5: {  	_ =	swait.ge [sflag:s15], $0x50  }
0x1e6: {  	[sflag:s15] =	ssyncset.done $0x0  }
0x1e7: {  	[sflag:s15] =	ssyncadd.s32 $0xFFFFFFB0  }
0x1e8: {  	_ =	swait.ge [sflag:s9], $0x2800  }
0x1e9: {  	[sflag:s9] =	ssyncset.done $0x0  }
0x1ea: {  	s21 =	rddreg [dreg:$0x13];
	[sflag:s9] =	ssyncadd.s32 $0xFFFFD800  }
0x1eb: {  	s26 =	smul.u32 $0xF0, s12;
	s1 =	simm.s32 $0x140;
	s0 =	rddreg [dreg:$0x0]  }
0x1ec: {  	[tilespmem:s1], [sflag:$0x1] =	stream.indirect.gather [hbm4b:s0+s13], $0x40, s5, s13, $0xb8;
	[tilespmem:$0x1F040] =	vst v63  }
0x1ed: {  	s0 =	sadd.s32 s26, s21  }
0x1ee: {  	s0 =	sshrl.u32 s0, $0x3  }
0x1ef: {  	s2 =	simm.s32 $0x3D40;
	s22 =	sadd.s32 s6, s0  }
0x1f0: {  	[tilespmem:s2], [sflag:$0x5] =	stream.linear.gather [hbm4b:s22+s5], $0x50, $0x38;
	[tilespmem:$0x1F040] =	vst v63  }
0x1f1: {  	s24 =	simm.s32 $0x3D90;
	s28 =	rddreg [dreg:$0x2];
	s23 =	sadd.s32 s7, s0  }
0x1f2: {  	[tilespmem:s24], [sflag:$0x5] =	stream.linear.gather [hbm4b:s23+s5], $0x50, $0x38;
	[tilespmem:$0x1F040] =	vst v63  }
0x1f3: {  	s30 =	simm.s32 $0x7;
	s0 =	sadd.s32 s28, s0  }
0x1f4: {  	[tilespmem:s19], [sflag:$0x5] =	stream.linear.gather [hbm4b:s0+s5], $0x50, $0x38;
	[tilespmem:$0x1F040] =	vst v63  }
0x1f5: {  	_ =	swait.ge [sflag:s30], $0x1400  }
0x1f6: {  	[sflag:s30] =	ssyncset.done $0x0  }
0x1f7: {  	s29 =	simm.s32 $0x0;
	[sflag:s30] =	ssyncadd.s32 $0xFFFFEC00  }
.LBB2_9:
0x1f8: {  	v2 =	vmov s29  }
0x1f9: {  	v2 =	vshrl.u32 v2, $0x3  }
0x1fa: {  	s0 =	sor.u32 $0x1, s29;
	v2 =	vshll.u32 v2, v1  }
0x1fb: {  	v3 =	vmov s0;
	v2 =	vbroadcast v2, $0x0  }
0x1fc: {  	s4 =	sor.u32 $0x2, s29;
	v3 =	vshrl.u32 v3, $0x3  }
0x1fd: {  	v4 =	vmov s4;
	v3 =	vshll.u32 v3, v1  }
0x1fe: {  	s8 =	sshll.u32 s29, $0x7;
	v4 =	vshrl.u32 v4, $0x3;
	v3 =	vadd.s32 $0x1, v3  }
0x1ff: {  	s3 =	sshrl.u32 s8, $0x1;
	v4 =	vshll.u32 v4, v1;
	v3 =	vbroadcast v3, $0x0  }
0x200: {  	v56 =	vld [tilespmem:s3+$0x7BC0];
	v4 =	vadd.s32 $0x2, v4  }
0x201: {  	v7 =	vld.idx.msk [tilespmem:v2+s25+$0x0], $0xffff;
	v2 =	vbroadcast v4, $0x0  }
0x202: {  	s2 =	sshll.u32 s0, $0x7  }
0x203: {  	s1 =	sshrl.u32 s2, $0x1  }
0x204: {  	s16 =	sshll.u32 s4, $0x7;
	v5 =	vld [tilespmem:s1+$0x7BC0]  }
0x205: {  	s0 =	sshrl.u32 s16, $0x1;
	v6 =	vld.idx.msk [tilespmem:v3+s25+$0x0], $0xffff  }
0x206: {  	s11 =	sor.u32 $0x3, s29;
	v4 =	vunpack.i.l.bf16.f32 v56;
	v3 =	vld [tilespmem:s0+$0x7BC0]  }
0x207: {  	v10 =	vmov s11;
	v8 =	vunpack.i.u.bf16.f32 v56;
	v4 =	vmul.f32 v4, v7;
	v2 =	vld.idx.msk [tilespmem:v2+s25+$0x0], $0xffff  }
0x208: {  	v10 =	vshrl.u32 v10, $0x3;
	v8 =	vmul.f32 v8, v7  }
0x209: {  	v59 =	vshll.u32 v10, v1;
	v9 =	vunpack.i.l.bf16.f32 v5;
	v5 =	vunpack.i.u.bf16.f32 v5;
	[tilespmem:s8+$0x8FC0] =	vst v4  }
0x20a: {  	v9 =	vmul.f32 v9, v6;
	v57 =	vmul.f32 v5, v6;
	[tilespmem:s8+$0x8FD0] =	vst v8;
	v8 =	vadd.s32 $0x3, v59  }
0x20b: {  	v58 =	vunpack.i.u.bf16.f32 v3;
	v3 =	vunpack.i.l.bf16.f32 v3;
	v11 =	vld [tilespmem:s3+$0x7BD0];
	v63 =	vbroadcast v8, $0x0  }
0x20c: {  	[tilespmem:s2+$0x8FC0] =	vst v9;
	v3 =	vmul.f32 v3, v2  }
0x20d: {  	s10 =	sor.u32 $0x4, s29;
	s24 =	sshll.u32 s11, $0x7;
	[tilespmem:s2+$0x8FD0] =	vst v57;
	v62 =	vmul.f32 v58, v2  }
0x20e: {  	v60 =	vmov s10;
	s21 =	sshrl.u32 s24, $0x1;
	v17 =	vld [tilespmem:s1+$0x7BD0];
	[tilespmem:s16+$0x8FC0] =	vst v3  }
0x20f: {  	v61 =	vshrl.u32 v60, $0x3;
	v12 =	vld [tilespmem:s21+$0x7BC0];
	[tilespmem:s16+$0x8FD0] =	vst v62  }
0x210: {  	v16 =	vshll.u32 v61, v1;
	v19 =	vunpack.i.l.bf16.f32 v11;
	v18 =	vld [tilespmem:s0+$0x7BD0]  }
0x211: {  	v3 =	vadd.s32 $0x4, v16;
	v20 =	vunpack.i.u.bf16.f32 v11;
	v21 =	vmul.f32 v19, v7;
	v4 =	vld.idx.msk [tilespmem:v63+s25+$0x0], $0xffff  }
0x212: {  	v3 =	vbroadcast v3, $0x0;
	v10 =	vmul.f32 v20, v7  }
0x213: {  	v13 =	vunpack.i.l.bf16.f32 v17;
	[tilespmem:s8+$0x8FE0] =	vst v21  }
0x214: {  	s17 =	sor.u32 $0x5, s29;
	s18 =	sshll.u32 s10, $0x7;
	v22 =	vunpack.i.u.bf16.f32 v17;
	v23 =	vmul.f32 v13, v6;
	[tilespmem:s8+$0x8FF0] =	vst v10  }
0x215: {  	s30 =	sshll.u32 s17, $0x7;
	s4 =	sshrl.u32 s18, $0x1;
	v30 =	vunpack.i.u.bf16.f32 v12;
	v5 =	vmul.f32 v22, v6;
	v27 =	vld [tilespmem:s3+$0x7BE0]  }
0x216: {  	s23 =	sshrl.u32 s30, $0x1;
	v24 =	vld [tilespmem:s4+$0x7BC0];
	[tilespmem:s2+$0x8FE0] =	vst v23;
	v25 =	vunpack.i.l.bf16.f32 v18;
	v33 =	vmul.f32 v30, v4  }
0x217: {  	v31 =	vmov s17;
	v51 =	vld [tilespmem:s23+$0x7BC0];
	[tilespmem:s2+$0x8FF0] =	vst v5;
	v8 =	vunpack.i.u.bf16.f32 v18;
	v26 =	vmul.f32 v25, v2  }
0x218: {  	v29 =	vunpack.i.l.bf16.f32 v12;
	v12 =	vshrl.u32 v31, $0x3;
	v3 =	vld.idx.msk [tilespmem:v3+s25+$0x0], $0xffff;
	v28 =	vmul.f32 v8, v2;
	[tilespmem:s24+$0x8FD0] =	vst v33  }
0x219: {  	v36 =	vshll.u32 v12, v1;
	v32 =	vld [tilespmem:s1+$0x7BE0];
	v8 =	vmul.f32 v29, v4;
	[tilespmem:s16+$0x8FE0] =	vst v26  }
0x21a: {  	v39 =	vadd.s32 $0x5, v36;
	[tilespmem:s16+$0x8FF0] =	vst v28;
	v40 =	vunpack.i.l.bf16.f32 v27  }
0x21b: {  	[tilespmem:s24+$0x8FC0] =	vst v8;
	v8 =	vbroadcast v39, $0x0;
	v41 =	vunpack.i.u.bf16.f32 v27;
	v37 =	vld [tilespmem:s0+$0x7BE0];
	v42 =	vmul.f32 v40, v7  }
0x21c: {  	s22 =	sor.u32 $0x6, s29;
	v34 =	vunpack.i.l.bf16.f32 v24;
	v14 =	vld [tilespmem:s21+$0x7BD0];
	v43 =	vmul.f32 v41, v7  }
0x21d: {  	v52 =	vmov s22;
	v35 =	vunpack.i.u.bf16.f32 v24;
	v9 =	vmul.f32 v34, v3;
	[tilespmem:s8+$0x9000] =	vst v42  }
0x21e: {  	s28 =	sor.u32 $0x7, s29;
	v59 =	vunpack.i.l.bf16.f32 v51;
	v46 =	vunpack.i.u.bf16.f32 v32;
	v38 =	vmul.f32 v35, v3;
	[tilespmem:s8+$0x9010] =	vst v43  }
0x21f: {  	v57 =	vmov s28;
	v44 =	vunpack.i.l.bf16.f32 v32;
	v47 =	vmul.f32 v46, v6;
	v15 =	vld [tilespmem:s3+$0x7BF0];
	[tilespmem:s18+$0x8FC0] =	vst v9  }
0x220: {  	v13 =	vunpack.i.u.bf16.f32 v51;
	[tilespmem:s18+$0x8FD0] =	vst v38;
	v9 =	vmul.f32 v44, v6;
	v12 =	vunpack.i.l.bf16.f32 v37  }
0x221: {  	[tilespmem:s2+$0x9010] =	vst v47;
	v48 =	vunpack.i.u.bf16.f32 v37;
	v50 =	vunpack.i.l.bf16.f32 v14;
	v5 =	vld.idx.msk [tilespmem:v8+s25+$0x0], $0xffff;
	v49 =	vmul.f32 v12, v2  }
0x222: {  	v14 =	vunpack.i.u.bf16.f32 v14;
	v8 =	vshrl.u32 v52, $0x3;
	[tilespmem:s2+$0x9000] =	vst v9;
	v10 =	vmul.f32 v48, v2  }
0x223: {  	v45 =	vld [tilespmem:s4+$0x7BD0];
	v12 =	vmul.f32 v50, v4;
	v53 =	vmul.f32 v14, v4;
	v8 =	vshll.u32 v8, v1;
	[tilespmem:s16+$0x9000] =	vst v49  }
0x224: {  	s17 =	sor.u32 $0xA, s29;
	v8 =	vadd.s32 $0x6, v8;
	[tilespmem:s16+$0x9010] =	vst v10;
	v61 =	vunpack.i.l.bf16.f32 v15;
	v15 =	vunpack.i.u.bf16.f32 v15  }
0x225: {  	v43 =	vmov s17;
	v58 =	vld [tilespmem:s1+$0x7BF0];
	s1 =	sor.u32 $0x8, s29;
	[tilespmem:s24+$0x8FE0] =	vst v12;
	v8 =	vbroadcast v8, $0x0;
	v21 =	vmul.f32 v15, v7  }
0x226: {  	[tilespmem:s24+$0x8FF0] =	vst v53;
	v12 =	vshrl.u32 v57, $0x3;
	v63 =	vmov s1;
	v9 =	vmul.f32 v59, v5  }
0x227: {  	v12 =	vshll.u32 v12, v1;
	v11 =	vld [tilespmem:s0+$0x7BF0];
	v20 =	vshrl.u32 v63, $0x3;
	v60 =	vmul.f32 v13, v5;
	[tilespmem:s8+$0x9030] =	vst v21  }
0x228: {  	v16 =	vld [tilespmem:s21+$0x7BE0];
	v54 =	vunpack.i.l.bf16.f32 v45;
	v55 =	vunpack.i.u.bf16.f32 v45;
	v13 =	vmul.f32 v61, v7;
	[tilespmem:s30+$0x8FC0] =	vst v9  }
0x229: {  	v12 =	vadd.s32 $0x7, v12;
	v45 =	vshrl.u32 v43, $0x3;
	v10 =	vmul.f32 v55, v3;
	[tilespmem:s30+$0x8FD0] =	vst v60  }
0x22a: {  	v56 =	vmul.f32 v54, v3;
	v62 =	vbroadcast v12, $0x0;
	v22 =	vunpack.i.l.bf16.f32 v58;
	[tilespmem:s8+$0x9020] =	vst v13  }
0x22b: {  	s22 =	sshll.u32 s22, $0x7;
	v24 =	vunpack.i.u.bf16.f32 v58;
	[tilespmem:s18+$0x8FF0] =	vst v10;
	v23 =	vld [tilespmem:s23+$0x7BD0];
	v10 =	vshll.u32 v20, v1;
	v25 =	vmul.f32 v22, v6  }
0x22c: {  	s10 =	sshrl.u32 s22, $0x1;
	[tilespmem:s18+$0x8FE0] =	vst v56;
	v6 =	vmul.f32 v24, v6;
	v26 =	vbroadcast v10, $0x0;
	v27 =	vunpack.i.l.bf16.f32 v11  }
0x22d: {  	s11 =	sshll.u32 s28, $0x7;
	v28 =	vld [tilespmem:s10+$0x7BC0];
	v47 =	vshll.u32 v45, v1;
	v29 =	vunpack.i.l.bf16.f32 v16;
	[tilespmem:s2+$0x9020] =	vst v25;
	v10 =	vmul.f32 v27, v2  }
0x22e: {  	s3 =	sshrl.u32 s11, $0x1;
	v50 =	vadd.s32 $0x2, v47;
	v7 =	vld.idx.msk [tilespmem:v8+s25+$0x0], $0xffff;
	v31 =	vunpack.i.u.bf16.f32 v16;
	[tilespmem:s2+$0x9030] =	vst v6;
	v13 =	vmul.f32 v29, v4  }
0x22f: {  	v30 =	vld [tilespmem:s3+$0x7BC0];
	s8 =	sshll.u32 s1, $0x7;
	v53 =	vbroadcast v50, $0x0;
	v11 =	vunpack.i.u.bf16.f32 v11;
	v6 =	vmul.f32 v31, v4;
	[tilespmem:s16+$0x9020] =	vst v10  }
0x230: {  	s0 =	sshrl.u32 s8, $0x1;
	v2 =	vmul.f32 v11, v2;
	v9 =	vld.idx.msk [tilespmem:v62+s25+$0x0], $0xffff;
	[tilespmem:s24+$0x9000] =	vst v13;
	v32 =	vunpack.i.l.bf16.f32 v23  }
0x231: {  	v33 =	vld [tilespmem:s0+$0x7BC0];
	[tilespmem:s24+$0x9010] =	vst v6;
	v15 =	vunpack.i.u.bf16.f32 v23;
	v10 =	vmul.f32 v32, v5  }
0x232: {  	s17 =	sshll.u32 s17, $0x7;
	v12 =	vunpack.i.l.bf16.f32 v28;
	[tilespmem:s16+$0x9030] =	vst v2;
	v15 =	vmul.f32 v15, v5;
	v6 =	vld.idx.msk [tilespmem:v26+s25+$0x0], $0xffff  }
0x233: {  	v18 =	vunpack.i.u.bf16.f32 v28;
	s1 =	sshrl.u32 s17, $0x1;
	v17 =	vld [tilespmem:s4+$0x7BE0];
	s2 =	sor.u32 $0x9, s29;
	v35 =	vmul.f32 v12, v7;
	[tilespmem:s30+$0x8FE0] =	vst v10  }
0x234: {  	v37 =	vunpack.i.l.bf16.f32 v30;
	v63 =	vld [tilespmem:s1+$0x7BC0];
	v38 =	vmov s2;
	v36 =	vmul.f32 v18, v7;
	[tilespmem:s30+$0x8FF0] =	vst v15  }
0x235: {  	v14 =	vunpack.i.u.bf16.f32 v30;
	v8 =	vld.idx.msk [tilespmem:v53+s25+$0x0], $0xffff;
	[tilespmem:s22+$0x8FC0] =	vst v35;
	v15 =	vshrl.u32 v38, $0x3;
	v12 =	vmul.f32 v37, v9  }
0x236: {  	v42 =	vunpack.i.l.bf16.f32 v33;
	[tilespmem:s22+$0x8FD0] =	vst v36;
	v39 =	vld [tilespmem:s23+$0x7BE0];
	v40 =	vmul.f32 v14, v9;
	v15 =	vshll.u32 v15, v1  }
0x237: {  	v41 =	vunpack.i.u.bf16.f32 v33;
	v19 =	vld [tilespmem:s10+$0x7BD0];
	v44 =	vadd.s32 $0x1, v15;
	[tilespmem:s11+$0x8FC0] =	vst v12;
	v10 =	vmul.f32 v42, v6  }
0x238: {  	v34 =	vunpack.i.l.bf16.f32 v17;
	[tilespmem:s11+$0x8FD0] =	vst v40;
	v12 =	vbroadcast v44, $0x0;
	v46 =	vmul.f32 v41, v6  }
0x239: {  	v48 =	vunpack.i.u.bf16.f32 v17;
	v13 =	vmul.f32 v34, v3;
	v49 =	vld [tilespmem:s3+$0x7BD0];
	[tilespmem:s8+$0x8FC0] =	vst v10  }
0x23a: {  	v31 =	vunpack.i.u.bf16.f32 v63;
	v51 =	vmul.f32 v48, v3;
	[tilespmem:s8+$0x8FD0] =	vst v46  }
0x23b: {  	s2 =	sshll.u32 s2, $0x7;
	[tilespmem:s18+$0x9000] =	vst v13;
	v34 =	vmul.f32 v31, v8;
	v54 =	vunpack.i.u.bf16.f32 v39;
	v56 =	vld [tilespmem:s0+$0x7BD0]  }
0x23c: {  	s28 =	sshrl.u32 s2, $0x1;
	[tilespmem:s18+$0x9010] =	vst v51;
	v57 =	vunpack.i.l.bf16.f32 v19;
	v10 =	vmul.f32 v54, v5  }
0x23d: {  	v59 =	vld [tilespmem:s28+$0x7BC0];
	[tilespmem:s17+$0x8FD0] =	vst v34;
	v58 =	vunpack.i.u.bf16.f32 v19;
	v14 =	vmul.f32 v57, v7  }
0x23e: {  	v13 =	vmul.f32 v58, v7;
	[tilespmem:s30+$0x9010] =	vst v10;
	v60 =	vunpack.i.l.bf16.f32 v49;
	v10 =	vld.idx.msk [tilespmem:v12+s25+$0x0], $0xffff  }
0x23f: {  	v32 =	vld [tilespmem:s21+$0x7BF0];
	[tilespmem:s22+$0x8FE0] =	vst v14;
	v61 =	vunpack.i.u.bf16.f32 v49;
	v62 =	vmul.f32 v60, v9  }
0x240: {  	[tilespmem:s22+$0x8FF0] =	vst v13;
	v12 =	vmul.f32 v61, v9;
	v21 =	vunpack.i.l.bf16.f32 v56  }
0x241: {  	[tilespmem:s11+$0x8FE0] =	vst v62;
	v23 =	vunpack.i.u.bf16.f32 v56;
	v13 =	vmul.f32 v21, v6  }
0x242: {  	v25 =	vunpack.i.l.bf16.f32 v59;
	[tilespmem:s11+$0x8FF0] =	vst v12;
	v24 =	vmul.f32 v23, v6  }
0x243: {  	v27 =	vunpack.i.u.bf16.f32 v59;
	v22 =	vld [tilespmem:s10+$0x7BE0];
	v14 =	vmul.f32 v25, v10;
	[tilespmem:s8+$0x8FE0] =	vst v13  }
0x244: {  	v43 =	vld [tilespmem:s4+$0x7BF0];
	v16 =	vunpack.i.l.bf16.f32 v32;
	v28 =	vmul.f32 v27, v10;
	[tilespmem:s8+$0x8FF0] =	vst v24  }
0x245: {  	v29 =	vunpack.i.l.bf16.f32 v63;
	v16 =	vmul.f32 v16, v4;
	v26 =	vld [tilespmem:s3+$0x7BE0];
	[tilespmem:s2+$0x8FC0] =	vst v14  }
0x246: {  	v52 =	vunpack.i.l.bf16.f32 v39;
	v13 =	vmul.f32 v29, v8;
	v30 =	vld [tilespmem:s0+$0x7BE0];
	[tilespmem:s2+$0x8FD0] =	vst v28  }
0x247: {  	v46 =	vunpack.i.u.bf16.f32 v32;
	[tilespmem:s24+$0x9020] =	vst v16;
	v55 =	vmul.f32 v52, v5;
	v37 =	vld [tilespmem:s28+$0x7BD0]  }
0x248: {  	v4 =	vmul.f32 v46, v4;
	v33 =	vunpack.i.l.bf16.f32 v22;
	[tilespmem:s17+$0x8FC0] =	vst v13  }
0x249: {  	[tilespmem:s30+$0x9000] =	vst v55;
	v35 =	vunpack.i.u.bf16.f32 v22;
	v36 =	vmul.f32 v33, v7;
	v41 =	vld [tilespmem:s1+$0x7BD0]  }
0x24a: {  	v54 =	vunpack.i.u.bf16.f32 v43;
	[tilespmem:s24+$0x9030] =	vst v4;
	v38 =	vmul.f32 v35, v7;
	v40 =	vunpack.i.u.bf16.f32 v26  }
0x24b: {  	v55 =	vunpack.i.l.bf16.f32 v43;
	v45 =	vld [tilespmem:s23+$0x7BF0];
	[tilespmem:s22+$0x9000] =	vst v36;
	v12 =	vmul.f32 v40, v9;
	v42 =	vunpack.i.l.bf16.f32 v30  }
0x24c: {  	v17 =	vmul.f32 v55, v3;
	[tilespmem:s22+$0x9010] =	vst v38;
	v13 =	vmul.f32 v42, v6;
	v47 =	vunpack.i.l.bf16.f32 v37  }
0x24d: {  	v3 =	vmul.f32 v54, v3;
	s23 =	sor.u32 $0xB, s29;
	[tilespmem:s11+$0x9010] =	vst v12;
	v48 =	vunpack.i.u.bf16.f32 v37;
	v12 =	vmul.f32 v47, v10  }
0x24e: {  	v23 =	vmov s23;
	v49 =	vmul.f32 v48, v10;
	v50 =	vunpack.i.l.bf16.f32 v41;
	[tilespmem:s8+$0x9000] =	vst v13  }
0x24f: {  	v16 =	vshrl.u32 v23, $0x3;
	v52 =	vunpack.i.u.bf16.f32 v41;
	v13 =	vmul.f32 v50, v8;
	[tilespmem:s2+$0x8FE0] =	vst v12  }
0x250: {  	s24 =	sor.u32 $0xC, s29;
	v56 =	vunpack.i.l.bf16.f32 v45;
	v39 =	vunpack.i.l.bf16.f32 v26;
	v20 =	vld [tilespmem:s10+$0x7BF0];
	[tilespmem:s2+$0x8FF0] =	vst v49;
	v12 =	vmul.f32 v52, v8  }
0x251: {  	v25 =	vshll.u32 v16, v1;
	v26 =	vmov s24;
	v14 =	vmul.f32 v39, v9;
	[tilespmem:s17+$0x8FE0] =	vst v13;
	v57 =	vld [tilespmem:s28+$0x7BE0]  }
0x252: {  	v27 =	vadd.s32 $0x3, v25;
	v28 =	vshrl.u32 v26, $0x3;
	v44 =	vunpack.i.u.bf16.f32 v30;
	[tilespmem:s17+$0x8FF0] =	vst v12  }
0x253: {  	s4 =	sor.u32 $0xD, s29;
	s10 =	sor.u32 $0xE, s29;
	v29 =	vshll.u32 v28, v1;
	[tilespmem:s11+$0x9000] =	vst v14;
	v14 =	vunpack.i.u.bf16.f32 v45;
	v11 =	vmul.f32 v44, v6;
	v60 =	vld [tilespmem:s1+$0x7BE0]  }
0x254: {  	[tilespmem:s18+$0x9020] =	vst v17;
	v33 =	vmov s10;
	v30 =	vmov s4;
	v51 =	vld [tilespmem:s3+$0x7BF0];
	v2 =	vmul.f32 v14, v5  }
0x255: {  	v32 =	vshrl.u32 v30, $0x3;
	[tilespmem:s8+$0x9010] =	vst v11;
	v11 =	vmul.f32 v56, v5;
	v59 =	vunpack.i.u.bf16.f32 v20  }
0x256: {  	[tilespmem:s18+$0x9030] =	vst v3;
	v58 =	vunpack.i.l.bf16.f32 v20;
	v53 =	vld [tilespmem:s0+$0x7BF0];
	v5 =	vmul.f32 v59, v7;
	v13 =	vunpack.i.l.bf16.f32 v57  }
0x257: {  	[tilespmem:s30+$0x9020] =	vst v11;
	v11 =	vbroadcast v27, $0x0;
	v21 =	vunpack.i.u.bf16.f32 v57;
	v3 =	vmul.f32 v13, v10  }
0x258: {  	[tilespmem:s30+$0x9030] =	vst v2;
	v12 =	vmul.f32 v58, v7;
	v22 =	vmul.f32 v21, v10;
	v14 =	vunpack.i.l.bf16.f32 v60  }
0x259: {  	v62 =	vunpack.i.l.bf16.f32 v51;
	v24 =	vunpack.i.u.bf16.f32 v60;
	v2 =	vmul.f32 v14, v8;
	[tilespmem:s2+$0x9000] =	vst v3  }
0x25a: {  	v61 =	vunpack.i.u.bf16.f32 v51;
	v63 =	vmul.f32 v62, v9;
	v3 =	vmul.f32 v24, v8;
	[tilespmem:s2+$0x9010] =	vst v22  }
0x25b: {  	v7 =	vmul.f32 v61, v9;
	v20 =	vunpack.i.u.bf16.f32 v53;
	v31 =	vld [tilespmem:s28+$0x7BF0];
	[tilespmem:s17+$0x9000] =	vst v2;
	v2 =	vadd.s32 $0x4, v29  }
0x25c: {  	v15 =	vunpack.i.l.bf16.f32 v53;
	[tilespmem:s17+$0x9010] =	vst v3;
	v3 =	vbroadcast v2, $0x0;
	v2 =	vshll.u32 v32, v1  }
0x25d: {  	s16 =	sshll.u32 s23, $0x7;
	[tilespmem:s22+$0x9030] =	vst v5;
	v34 =	vmul.f32 v15, v6;
	v13 =	vshrl.u32 v33, $0x3;
	s28 =	sor.u32 $0xF, s29;
	v35 =	vld [tilespmem:s1+$0x7BF0];
	v2 =	vadd.s32 $0x5, v2  }
0x25e: {  	s30 =	sshrl.u32 s16, $0x1;
	[tilespmem:s22+$0x9020] =	vst v12;
	v37 =	vmov s28;
	v36 =	vbroadcast v2, $0x0;
	v2 =	vshll.u32 v13, v1  }
0x25f: {  	s3 =	sshll.u32 s24, $0x7;
	v39 =	vld [tilespmem:s30+$0x7BC0];
	[tilespmem:s11+$0x9020] =	vst v63;
	v38 =	vmul.f32 v20, v6;
	v13 =	vshrl.u32 v37, $0x3;
	v40 =	vadd.s32 $0x6, v2  }
0x260: {  	[tilespmem:s11+$0x9030] =	vst v7;
	s11 =	sshrl.u32 s3, $0x1;
	v41 =	vunpack.i.l.bf16.f32 v31;
	v2 =	vld.idx.msk [tilespmem:v11+s25+$0x0], $0xffff;
	v42 =	vshll.u32 v13, v1;
	v9 =	vbroadcast v40, $0x0  }
0x261: {  	s18 =	sshll.u32 s4, $0x7;
	v44 =	vld [tilespmem:s11+$0x7BC0];
	[tilespmem:s8+$0x9020] =	vst v34;
	v43 =	vunpack.i.u.bf16.f32 v31;
	v7 =	vmul.f32 v41, v10;
	v11 =	vadd.s32 $0x7, v42  }
0x262: {  	s22 =	sshrl.u32 s18, $0x1;
	[tilespmem:s8+$0x9030] =	vst v38;
	v45 =	vmul.f32 v43, v10;
	v46 =	vunpack.i.l.bf16.f32 v35;
	v11 =	vbroadcast v11, $0x0;
	v3 =	vld.idx.msk [tilespmem:v3+s25+$0x0], $0xffff  }
0x263: {  	s23 =	sshll.u32 s10, $0x7;
	v48 =	vld [tilespmem:s22+$0x7BC0];
	v47 =	vunpack.i.u.bf16.f32 v35;
	[tilespmem:s2+$0x9020] =	vst v7;
	v10 =	vmul.f32 v46, v8  }
0x264: {  	s24 =	sshrl.u32 s23, $0x1;
	v49 =	vunpack.i.l.bf16.f32 v39;
	[tilespmem:s2+$0x9030] =	vst v45;
	v7 =	vmul.f32 v47, v8;
	v4 =	vld.idx.msk [tilespmem:v36+s25+$0x0], $0xffff  }
0x265: {  	v52 =	vld [tilespmem:s24+$0x7BC0];
	v50 =	vunpack.i.u.bf16.f32 v39;
	s0 =	sshll.u32 s28, $0x7;
	[tilespmem:s17+$0x9020] =	vst v10;
	v51 =	vmul.f32 v49, v2  }
0x266: {  	v53 =	vunpack.i.l.bf16.f32 v44;
	s28 =	sshrl.u32 s0, $0x1;
	[tilespmem:s17+$0x9030] =	vst v7;
	v5 =	vmul.f32 v50, v2;
	v9 =	vld.idx.msk [tilespmem:v9+s25+$0x0], $0xffff  }
0x267: {  	v54 =	vunpack.i.u.bf16.f32 v44;
	v55 =	vld [tilespmem:s28+$0x7BC0];
	[tilespmem:s16+$0x8FC0] =	vst v51;
	v7 =	vmul.f32 v53, v3  }
0x268: {  	v57 =	vunpack.i.l.bf16.f32 v48;
	[tilespmem:s16+$0x8FD0] =	vst v5;
	v56 =	vmul.f32 v54, v3;
	v11 =	vld.idx.msk [tilespmem:v11+s25+$0x0], $0xffff  }
0x269: {  	v59 =	vunpack.i.u.bf16.f32 v48;
	v58 =	vld [tilespmem:s30+$0x7BD0];
	[tilespmem:s3+$0x8FC0] =	vst v7;
	v6 =	vmul.f32 v57, v4  }
0x26a: {  	v61 =	vunpack.i.l.bf16.f32 v52;
	[tilespmem:s3+$0x8FD0] =	vst v56;
	v60 =	vmul.f32 v59, v4  }
0x26b: {  	v63 =	vunpack.i.u.bf16.f32 v52;
	v62 =	vld [tilespmem:s11+$0x7BD0];
	[tilespmem:s18+$0x8FC0] =	vst v6;
	v7 =	vmul.f32 v61, v9  }
0x26c: {  	v15 =	vunpack.i.l.bf16.f32 v55;
	[tilespmem:s18+$0x8FD0] =	vst v60;
	v14 =	vmul.f32 v63, v9  }
0x26d: {  	v17 =	vunpack.i.u.bf16.f32 v55;
	v16 =	vld [tilespmem:s22+$0x7BD0];
	v6 =	vmul.f32 v15, v11;
	[tilespmem:s23+$0x8FC0] =	vst v7  }
0x26e: {  	v18 =	vunpack.i.l.bf16.f32 v58;
	v19 =	vmul.f32 v17, v11;
	[tilespmem:s23+$0x8FD0] =	vst v14  }
0x26f: {  	v20 =	vunpack.i.u.bf16.f32 v58;
	v10 =	vmul.f32 v18, v2;
	v21 =	vld [tilespmem:s24+$0x7BD0];
	[tilespmem:s0+$0x8FC0] =	vst v6  }
0x270: {  	v22 =	vmul.f32 v20, v2;
	[tilespmem:s0+$0x8FD0] =	vst v19;
	v23 =	vunpack.i.l.bf16.f32 v62  }
0x271: {  	[tilespmem:s16+$0x8FE0] =	vst v10;
	v24 =	vunpack.i.u.bf16.f32 v62;
	v25 =	vld [tilespmem:s28+$0x7BD0];
	v7 =	vmul.f32 v23, v3  }
0x272: {  	[tilespmem:s16+$0x8FF0] =	vst v22;
	v5 =	vmul.f32 v24, v3;
	v26 =	vunpack.i.l.bf16.f32 v16  }
0x273: {  	v27 =	vld [tilespmem:s30+$0x7BE0];
	v28 =	vunpack.i.u.bf16.f32 v16;
	[tilespmem:s3+$0x8FE0] =	vst v7;
	v6 =	vmul.f32 v26, v4  }
0x274: {  	[tilespmem:s3+$0x8FF0] =	vst v5;
	v29 =	vmul.f32 v28, v4;
	v30 =	vunpack.i.l.bf16.f32 v21  }
0x275: {  	v31 =	vld [tilespmem:s11+$0x7BE0];
	v32 =	vunpack.i.u.bf16.f32 v21;
	[tilespmem:s18+$0x8FE0] =	vst v6;
	v7 =	vmul.f32 v30, v9  }
0x276: {  	[tilespmem:s18+$0x8FF0] =	vst v29;
	v33 =	vmul.f32 v32, v9;
	v34 =	vunpack.i.l.bf16.f32 v25  }
0x277: {  	v36 =	vunpack.i.u.bf16.f32 v25;
	v35 =	vld [tilespmem:s22+$0x7BE0];
	v6 =	vmul.f32 v34, v11;
	[tilespmem:s23+$0x8FE0] =	vst v7  }
0x278: {  	v37 =	vunpack.i.l.bf16.f32 v27;
	v38 =	vmul.f32 v36, v11;
	[tilespmem:s23+$0x8FF0] =	vst v33  }
0x279: {  	v39 =	vunpack.i.u.bf16.f32 v27;
	v10 =	vmul.f32 v37, v2;
	v40 =	vld [tilespmem:s24+$0x7BE0];
	[tilespmem:s0+$0x8FE0] =	vst v6  }
0x27a: {  	v41 =	vmul.f32 v39, v2;
	[tilespmem:s0+$0x8FF0] =	vst v38;
	v42 =	vunpack.i.l.bf16.f32 v31  }
0x27b: {  	[tilespmem:s16+$0x9000] =	vst v10;
	v43 =	vunpack.i.u.bf16.f32 v31;
	v44 =	vld [tilespmem:s28+$0x7BE0];
	v7 =	vmul.f32 v42, v3  }
0x27c: {  	[tilespmem:s16+$0x9010] =	vst v41;
	v5 =	vmul.f32 v43, v3;
	v45 =	vunpack.i.l.bf16.f32 v35  }
0x27d: {  	v10 =	vld [tilespmem:s30+$0x7BF0];
	v46 =	vunpack.i.u.bf16.f32 v35;
	[tilespmem:s3+$0x9000] =	vst v7;
	v6 =	vmul.f32 v45, v4  }
0x27e: {  	[tilespmem:s3+$0x9010] =	vst v5;
	v47 =	vmul.f32 v46, v4;
	v48 =	vunpack.i.l.bf16.f32 v40  }
0x27f: {  	v49 =	vld [tilespmem:s11+$0x7BF0];
	v50 =	vunpack.i.u.bf16.f32 v40;
	[tilespmem:s18+$0x9000] =	vst v6;
	v7 =	vmul.f32 v48, v9  }
0x280: {  	[tilespmem:s18+$0x9010] =	vst v47;
	v51 =	vmul.f32 v50, v9;
	v52 =	vunpack.i.l.bf16.f32 v44  }
0x281: {  	v54 =	vunpack.i.u.bf16.f32 v44;
	v53 =	vld [tilespmem:s22+$0x7BF0];
	v6 =	vmul.f32 v52, v11;
	[tilespmem:s23+$0x9000] =	vst v7  }
0x282: {  	v55 =	vunpack.i.l.bf16.f32 v10;
	v56 =	vmul.f32 v54, v11;
	[tilespmem:s23+$0x9010] =	vst v51  }
0x283: {  	v58 =	vunpack.i.u.bf16.f32 v10;
	v8 =	vmul.f32 v55, v2;
	v57 =	vld [tilespmem:s24+$0x7BF0];
	[tilespmem:s0+$0x9000] =	vst v6  }
0x284: {  	v2 =	vmul.f32 v58, v2;
	[tilespmem:s0+$0x9010] =	vst v56;
	v59 =	vunpack.i.l.bf16.f32 v49  }
0x285: {  	v5 =	vld [tilespmem:s28+$0x7BF0];
	[tilespmem:s16+$0x9020] =	vst v8;
	v60 =	vunpack.i.u.bf16.f32 v49;
	v6 =	vmul.f32 v59, v3  }
0x286: {  	[tilespmem:s16+$0x9030] =	vst v2;
	v2 =	vmul.f32 v60, v3;
	v3 =	vunpack.i.l.bf16.f32 v53  }
0x287: {  	v61 =	vunpack.i.u.bf16.f32 v53;
	[tilespmem:s3+$0x9020] =	vst v6;
	v3 =	vmul.f32 v3, v4  }
0x288: {  	[tilespmem:s3+$0x9030] =	vst v2;
	v2 =	vmul.f32 v61, v4;
	v62 =	vunpack.i.l.bf16.f32 v57  }
0x289: {  	p1 =	slt.u32 s29, $0x40;
	[tilespmem:s18+$0x9020] =	vst v3;
	v3 =	vunpack.i.u.bf16.f32 v57;
	v4 =	vmul.f32 v62, v9  }
.Ltmp3:
0x28a: {  	[tilespmem:s18+$0x9030] =	vst v2;
	v2 =	vmul.f32 v3, v9;
	v3 =	vunpack.i.l.bf16.f32 v5;
	(pc) =	sbr.rel @p1 .LBB2_9-.Ltmp3, $4  }
0x28b: {  	v63 =	vunpack.i.u.bf16.f32 v5;
	[tilespmem:s23+$0x9020] =	vst v4;
	v3 =	vmul.f32 v3, v11  }
0x28c: {  	[tilespmem:s23+$0x9030] =	vst v2;
	v2 =	vmul.f32 v63, v11  }
0x28d: {  	s30 =	sadd.s32 $0x10, s29;
	[tilespmem:s0+$0x9020] =	vst v3  }
0x28e: {  	s29 =	smov.u32 s30;
	[tilespmem:s0+$0x9030] =	vst v2  }
0x28f: {  	v2 =	vld [tilespmem:$0x7AD0]  }
0x290: {  	v3 =	vld [tilespmem:$0x7AE0]  }
0x291: {  	v4 =	vld [tilespmem:$0x7AF0]  }
0x292: {  	v5 =	vld [tilespmem:$0x7B00]  }
0x293: {  	v6 =	vld [tilespmem:$0x7B10]  }
0x294: {  	[tilespmem:$0x7B20] =	vst v2  }
0x295: {  	[tilespmem:$0x7B30] =	vst v3  }
0x296: {  	[tilespmem:$0x7B40] =	vst v4  }
0x297: {  	[tilespmem:$0x7B50] =	vst v5  }
0x298: {  	s0 =	rddreg [dreg:$0x3];
	s1 =	simm.s32 $0x7B20;
	s2 =	simm.s32 $0x8FC0;
	[tilespmem:$0x7B60] =	vst v6  }
0x299: {  	[spmem:s0] =	stream.indirect.scatter.add.f32 [tilespmem:s2], [sflag:$0x9], $0x80, s1, s13, $0xb8;
	[tilespmem:$0x1F040] =	vst v63  }
0x29a: {  	_ =	swait.ge [sflag:s20], $0x50  }
0x29b: {  	[sflag:s20] =	ssyncset.done $0x0  }
0x29c: {  	[sflag:s20] =	ssyncadd.s32 $0xFFFFFFB0  }
0x29d: {  	_ =	swait.ge [sflag:s20], $0x50  }
0x29e: {  	[sflag:s20] =	ssyncset.done $0x0  }
0x29f: {  	[sflag:s20] =	ssyncadd.s32 $0xFFFFFFB0  }
0x2a0: {  	_ =	swait.ge [sflag:s20], $0x50  }
0x2a1: {  	[sflag:s20] =	ssyncset.done $0x0  }
0x2a2: {  	[sflag:s20] =	ssyncadd.s32 $0xFFFFFFB0  }
0x2a3: {  	_ =	swait.ge [sflag:s31], $0x2800  }
0x2a4: {  	p1 =	seq.s32 s12, $0x28;
	[sflag:s31] =	ssyncset.done $0x0;
	s0 =	rddreg [dreg:$0x14]  }
0x2a5: {  	s24 =	simm.s32 $0x3D40;
	[sflag:s31] =	ssyncadd.s32 $0xFFFFD800;
	s0 =	sadd.s32 @!p1 s26, s0  }
0x2a6: {  	s28 =	simm.s32 $0x3E80;
	s23 =	rddreg [dreg:$0x0];
	s0 =	sshrl.u32 @!p1 s0, $0x3  }
0x2a7: {  	[tilespmem:s28], [sflag:$0x4] =	stream.indirect.gather [hbm4b:s23+s13], $0x40, s24, s13, $0xb8;
	[tilespmem:$0x1F040] =	vst v63  }
0x2a8: {  	s3 =	simm.s32 @!p1 $0x7A80;
	s2 =	simm.s32 @!p1 $0x0;
	s1 =	sadd.s32 @!p1 s6, s0  }
0x2a9: {  	[tilespmem:s3], [sflag:$0x8] =	stream.linear.gather @!p1 [hbm4b:s1+s2], $0x50, $0x38;
	[tilespmem:$0x1F040] =	vst v63  }
0x2aa: {  	s1 =	sadd.s32 @!p1 s7, s0;
	s3 =	simm.s32 @!p1 $0x7AD0  }
0x2ab: {  	[tilespmem:s3], [sflag:$0x8] =	stream.linear.gather @!p1 [hbm4b:s1+s2], $0x50, $0x38;
	[tilespmem:$0x1F040] =	vst v63  }
0x2ac: {  	s1 =	rddreg [dreg:$0x2]  }
0x2ad: {  	s30 =	simm.s32 $0x1;
	s0 =	sadd.s32 @!p1 s1, s0;
	s1 =	simm.s32 @!p1 $0x7B70  }
0x2ae: {  	[tilespmem:s1], [sflag:$0x8] =	stream.linear.gather @!p1 [hbm4b:s0+s2], $0x50, $0x38;
	[tilespmem:$0x1F040] =	vst v63  }
0x2af: {  	_ =	swait.ge [sflag:s30], $0x1400  }
0x2b0: {  	[sflag:s30] =	ssyncset.done $0x0  }
0x2b1: {  	s29 =	simm.s32 $0x0;
	[sflag:s30] =	ssyncadd.s32 $0xFFFFEC00  }
.LBB2_11:
0x2b2: {  	v2 =	vmov s29  }
0x2b3: {  	v2 =	vshrl.u32 v2, $0x3  }
0x2b4: {  	s0 =	sor.u32 $0x1, s29;
	v2 =	vshll.u32 v2, v1  }
0x2b5: {  	v3 =	vmov s0;
	v2 =	vbroadcast v2, $0x0  }
0x2b6: {  	s4 =	sor.u32 $0x2, s29;
	v3 =	vshrl.u32 v3, $0x3  }
0x2b7: {  	v4 =	vmov s4;
	v3 =	vshll.u32 v3, v1  }
0x2b8: {  	s8 =	sshll.u32 s29, $0x7;
	v4 =	vshrl.u32 v4, $0x3;
	v3 =	vadd.s32 $0x1, v3  }
0x2b9: {  	s3 =	sshrl.u32 s8, $0x1;
	v4 =	vshll.u32 v4, v1;
	v3 =	vbroadcast v3, $0x0  }
0x2ba: {  	v56 =	vld [tilespmem:s3+$0x140];
	v4 =	vadd.s32 $0x2, v4  }
0x2bb: {  	v7 =	vld.idx.msk [tilespmem:v2+s14+$0x0], $0xffff;
	v2 =	vbroadcast v4, $0x0  }
0x2bc: {  	s2 =	sshll.u32 s0, $0x7  }
0x2bd: {  	s1 =	sshrl.u32 s2, $0x1  }
0x2be: {  	s16 =	sshll.u32 s4, $0x7;
	v5 =	vld [tilespmem:s1+$0x140]  }
0x2bf: {  	s0 =	sshrl.u32 s16, $0x1;
	v6 =	vld.idx.msk [tilespmem:v3+s14+$0x0], $0xffff  }
0x2c0: {  	s11 =	sor.u32 $0x3, s29;
	v4 =	vunpack.i.l.bf16.f32 v56;
	v3 =	vld [tilespmem:s0+$0x140]  }
0x2c1: {  	v10 =	vmov s11;
	v8 =	vunpack.i.u.bf16.f32 v56;
	v4 =	vmul.f32 v4, v7;
	v2 =	vld.idx.msk [tilespmem:v2+s14+$0x0], $0xffff  }
0x2c2: {  	v10 =	vshrl.u32 v10, $0x3;
	v8 =	vmul.f32 v8, v7  }
0x2c3: {  	v59 =	vshll.u32 v10, v1;
	v9 =	vunpack.i.l.bf16.f32 v5;
	v5 =	vunpack.i.u.bf16.f32 v5;
	[tilespmem:s8+$0x1540] =	vst v4  }
0x2c4: {  	v9 =	vmul.f32 v9, v6;
	v57 =	vmul.f32 v5, v6;
	[tilespmem:s8+$0x1550] =	vst v8;
	v8 =	vadd.s32 $0x3, v59  }
0x2c5: {  	v58 =	vunpack.i.u.bf16.f32 v3;
	v3 =	vunpack.i.l.bf16.f32 v3;
	v11 =	vld [tilespmem:s3+$0x150];
	v63 =	vbroadcast v8, $0x0  }
0x2c6: {  	[tilespmem:s2+$0x1540] =	vst v9;
	v3 =	vmul.f32 v3, v2  }
0x2c7: {  	s10 =	sor.u32 $0x4, s29;
	s24 =	sshll.u32 s11, $0x7;
	[tilespmem:s2+$0x1550] =	vst v57;
	v62 =	vmul.f32 v58, v2  }
0x2c8: {  	v60 =	vmov s10;
	s21 =	sshrl.u32 s24, $0x1;
	v17 =	vld [tilespmem:s1+$0x150];
	[tilespmem:s16+$0x1540] =	vst v3  }
0x2c9: {  	v61 =	vshrl.u32 v60, $0x3;
	v12 =	vld [tilespmem:s21+$0x140];
	[tilespmem:s16+$0x1550] =	vst v62  }
0x2ca: {  	v16 =	vshll.u32 v61, v1;
	v19 =	vunpack.i.l.bf16.f32 v11;
	v18 =	vld [tilespmem:s0+$0x150]  }
0x2cb: {  	v3 =	vadd.s32 $0x4, v16;
	v20 =	vunpack.i.u.bf16.f32 v11;
	v21 =	vmul.f32 v19, v7;
	v4 =	vld.idx.msk [tilespmem:v63+s14+$0x0], $0xffff  }
0x2cc: {  	v3 =	vbroadcast v3, $0x0;
	v10 =	vmul.f32 v20, v7  }
0x2cd: {  	v13 =	vunpack.i.l.bf16.f32 v17;
	[tilespmem:s8+$0x1560] =	vst v21  }
0x2ce: {  	s17 =	sor.u32 $0x5, s29;
	s18 =	sshll.u32 s10, $0x7;
	v22 =	vunpack.i.u.bf16.f32 v17;
	v23 =	vmul.f32 v13, v6;
	[tilespmem:s8+$0x1570] =	vst v10  }
0x2cf: {  	s30 =	sshll.u32 s17, $0x7;
	s4 =	sshrl.u32 s18, $0x1;
	v30 =	vunpack.i.u.bf16.f32 v12;
	v5 =	vmul.f32 v22, v6;
	v27 =	vld [tilespmem:s3+$0x160]  }
0x2d0: {  	s23 =	sshrl.u32 s30, $0x1;
	v24 =	vld [tilespmem:s4+$0x140];
	[tilespmem:s2+$0x1560] =	vst v23;
	v25 =	vunpack.i.l.bf16.f32 v18;
	v33 =	vmul.f32 v30, v4  }
0x2d1: {  	v31 =	vmov s17;
	v51 =	vld [tilespmem:s23+$0x140];
	[tilespmem:s2+$0x1570] =	vst v5;
	v8 =	vunpack.i.u.bf16.f32 v18;
	v26 =	vmul.f32 v25, v2  }
0x2d2: {  	v29 =	vunpack.i.l.bf16.f32 v12;
	v12 =	vshrl.u32 v31, $0x3;
	v3 =	vld.idx.msk [tilespmem:v3+s14+$0x0], $0xffff;
	v28 =	vmul.f32 v8, v2;
	[tilespmem:s24+$0x1550] =	vst v33  }
0x2d3: {  	v36 =	vshll.u32 v12, v1;
	v32 =	vld [tilespmem:s1+$0x160];
	v8 =	vmul.f32 v29, v4;
	[tilespmem:s16+$0x1560] =	vst v26  }
0x2d4: {  	v39 =	vadd.s32 $0x5, v36;
	[tilespmem:s16+$0x1570] =	vst v28;
	v40 =	vunpack.i.l.bf16.f32 v27  }
0x2d5: {  	[tilespmem:s24+$0x1540] =	vst v8;
	v8 =	vbroadcast v39, $0x0;
	v41 =	vunpack.i.u.bf16.f32 v27;
	v37 =	vld [tilespmem:s0+$0x160];
	v42 =	vmul.f32 v40, v7  }
0x2d6: {  	s22 =	sor.u32 $0x6, s29;
	v34 =	vunpack.i.l.bf16.f32 v24;
	v14 =	vld [tilespmem:s21+$0x150];
	v43 =	vmul.f32 v41, v7  }
0x2d7: {  	v52 =	vmov s22;
	v35 =	vunpack.i.u.bf16.f32 v24;
	v9 =	vmul.f32 v34, v3;
	[tilespmem:s8+$0x1580] =	vst v42  }
0x2d8: {  	s28 =	sor.u32 $0x7, s29;
	v59 =	vunpack.i.l.bf16.f32 v51;
	v46 =	vunpack.i.u.bf16.f32 v32;
	v38 =	vmul.f32 v35, v3;
	[tilespmem:s8+$0x1590] =	vst v43  }
0x2d9: {  	v57 =	vmov s28;
	v44 =	vunpack.i.l.bf16.f32 v32;
	v47 =	vmul.f32 v46, v6;
	v15 =	vld [tilespmem:s3+$0x170];
	[tilespmem:s18+$0x1540] =	vst v9  }
0x2da: {  	v13 =	vunpack.i.u.bf16.f32 v51;
	[tilespmem:s18+$0x1550] =	vst v38;
	v9 =	vmul.f32 v44, v6;
	v12 =	vunpack.i.l.bf16.f32 v37  }
0x2db: {  	[tilespmem:s2+$0x1590] =	vst v47;
	v48 =	vunpack.i.u.bf16.f32 v37;
	v50 =	vunpack.i.l.bf16.f32 v14;
	v5 =	vld.idx.msk [tilespmem:v8+s14+$0x0], $0xffff;
	v49 =	vmul.f32 v12, v2  }
0x2dc: {  	v14 =	vunpack.i.u.bf16.f32 v14;
	v8 =	vshrl.u32 v52, $0x3;
	[tilespmem:s2+$0x1580] =	vst v9;
	v10 =	vmul.f32 v48, v2  }
0x2dd: {  	v45 =	vld [tilespmem:s4+$0x150];
	v12 =	vmul.f32 v50, v4;
	v53 =	vmul.f32 v14, v4;
	v8 =	vshll.u32 v8, v1;
	[tilespmem:s16+$0x1580] =	vst v49  }
0x2de: {  	s17 =	sor.u32 $0xA, s29;
	v8 =	vadd.s32 $0x6, v8;
	[tilespmem:s16+$0x1590] =	vst v10;
	v61 =	vunpack.i.l.bf16.f32 v15;
	v15 =	vunpack.i.u.bf16.f32 v15  }
0x2df: {  	v43 =	vmov s17;
	v58 =	vld [tilespmem:s1+$0x170];
	s1 =	sor.u32 $0x8, s29;
	[tilespmem:s24+$0x1560] =	vst v12;
	v8 =	vbroadcast v8, $0x0;
	v21 =	vmul.f32 v15, v7  }
0x2e0: {  	[tilespmem:s24+$0x1570] =	vst v53;
	v12 =	vshrl.u32 v57, $0x3;
	v63 =	vmov s1;
	v9 =	vmul.f32 v59, v5  }
0x2e1: {  	v12 =	vshll.u32 v12, v1;
	v11 =	vld [tilespmem:s0+$0x170];
	v20 =	vshrl.u32 v63, $0x3;
	v60 =	vmul.f32 v13, v5;
	[tilespmem:s8+$0x15B0] =	vst v21  }
0x2e2: {  	v16 =	vld [tilespmem:s21+$0x160];
	v54 =	vunpack.i.l.bf16.f32 v45;
	v55 =	vunpack.i.u.bf16.f32 v45;
	v13 =	vmul.f32 v61, v7;
	[tilespmem:s30+$0x1540] =	vst v9  }
0x2e3: {  	v12 =	vadd.s32 $0x7, v12;
	v45 =	vshrl.u32 v43, $0x3;
	v10 =	vmul.f32 v55, v3;
	[tilespmem:s30+$0x1550] =	vst v60  }
0x2e4: {  	v56 =	vmul.f32 v54, v3;
	v62 =	vbroadcast v12, $0x0;
	v22 =	vunpack.i.l.bf16.f32 v58;
	[tilespmem:s8+$0x15A0] =	vst v13  }
0x2e5: {  	s22 =	sshll.u32 s22, $0x7;
	v24 =	vunpack.i.u.bf16.f32 v58;
	[tilespmem:s18+$0x1570] =	vst v10;
	v23 =	vld [tilespmem:s23+$0x150];
	v10 =	vshll.u32 v20, v1;
	v25 =	vmul.f32 v22, v6  }
0x2e6: {  	s10 =	sshrl.u32 s22, $0x1;
	[tilespmem:s18+$0x1560] =	vst v56;
	v6 =	vmul.f32 v24, v6;
	v26 =	vbroadcast v10, $0x0;
	v27 =	vunpack.i.l.bf16.f32 v11  }
0x2e7: {  	s11 =	sshll.u32 s28, $0x7;
	v28 =	vld [tilespmem:s10+$0x140];
	v47 =	vshll.u32 v45, v1;
	v29 =	vunpack.i.l.bf16.f32 v16;
	[tilespmem:s2+$0x15A0] =	vst v25;
	v10 =	vmul.f32 v27, v2  }
0x2e8: {  	s3 =	sshrl.u32 s11, $0x1;
	v50 =	vadd.s32 $0x2, v47;
	v7 =	vld.idx.msk [tilespmem:v8+s14+$0x0], $0xffff;
	v31 =	vunpack.i.u.bf16.f32 v16;
	[tilespmem:s2+$0x15B0] =	vst v6;
	v13 =	vmul.f32 v29, v4  }
0x2e9: {  	v30 =	vld [tilespmem:s3+$0x140];
	s8 =	sshll.u32 s1, $0x7;
	v53 =	vbroadcast v50, $0x0;
	v11 =	vunpack.i.u.bf16.f32 v11;
	v6 =	vmul.f32 v31, v4;
	[tilespmem:s16+$0x15A0] =	vst v10  }
0x2ea: {  	s0 =	sshrl.u32 s8, $0x1;
	v2 =	vmul.f32 v11, v2;
	v9 =	vld.idx.msk [tilespmem:v62+s14+$0x0], $0xffff;
	[tilespmem:s24+$0x1580] =	vst v13;
	v32 =	vunpack.i.l.bf16.f32 v23  }
0x2eb: {  	v33 =	vld [tilespmem:s0+$0x140];
	[tilespmem:s24+$0x1590] =	vst v6;
	v15 =	vunpack.i.u.bf16.f32 v23;
	v10 =	vmul.f32 v32, v5  }
0x2ec: {  	s17 =	sshll.u32 s17, $0x7;
	v12 =	vunpack.i.l.bf16.f32 v28;
	[tilespmem:s16+$0x15B0] =	vst v2;
	v15 =	vmul.f32 v15, v5;
	v6 =	vld.idx.msk [tilespmem:v26+s14+$0x0], $0xffff  }
0x2ed: {  	s28 =	sshrl.u32 s17, $0x1;
	v18 =	vunpack.i.u.bf16.f32 v28;
	v17 =	vld [tilespmem:s4+$0x160];
	s2 =	sor.u32 $0x9, s29;
	v35 =	vmul.f32 v12, v7;
	[tilespmem:s30+$0x1560] =	vst v10  }
0x2ee: {  	v37 =	vunpack.i.l.bf16.f32 v30;
	v63 =	vld [tilespmem:s28+$0x140];
	v38 =	vmov s2;
	v36 =	vmul.f32 v18, v7;
	[tilespmem:s30+$0x1570] =	vst v15  }
0x2ef: {  	v14 =	vunpack.i.u.bf16.f32 v30;
	v8 =	vld.idx.msk [tilespmem:v53+s14+$0x0], $0xffff;
	[tilespmem:s22+$0x1540] =	vst v35;
	v15 =	vshrl.u32 v38, $0x3;
	v12 =	vmul.f32 v37, v9  }
0x2f0: {  	v42 =	vunpack.i.l.bf16.f32 v33;
	[tilespmem:s22+$0x1550] =	vst v36;
	v39 =	vld [tilespmem:s23+$0x160];
	v40 =	vmul.f32 v14, v9;
	v15 =	vshll.u32 v15, v1  }
0x2f1: {  	v41 =	vunpack.i.u.bf16.f32 v33;
	v19 =	vld [tilespmem:s10+$0x150];
	v44 =	vadd.s32 $0x1, v15;
	[tilespmem:s11+$0x1540] =	vst v12;
	v10 =	vmul.f32 v42, v6  }
0x2f2: {  	v34 =	vunpack.i.l.bf16.f32 v17;
	[tilespmem:s11+$0x1550] =	vst v40;
	v12 =	vbroadcast v44, $0x0;
	v46 =	vmul.f32 v41, v6  }
0x2f3: {  	v48 =	vunpack.i.u.bf16.f32 v17;
	v13 =	vmul.f32 v34, v3;
	v49 =	vld [tilespmem:s3+$0x150];
	[tilespmem:s8+$0x1540] =	vst v10  }
0x2f4: {  	v31 =	vunpack.i.u.bf16.f32 v63;
	v51 =	vmul.f32 v48, v3;
	[tilespmem:s8+$0x1550] =	vst v46  }
0x2f5: {  	s2 =	sshll.u32 s2, $0x7;
	[tilespmem:s18+$0x1580] =	vst v13;
	v34 =	vmul.f32 v31, v8;
	v54 =	vunpack.i.u.bf16.f32 v39;
	v56 =	vld [tilespmem:s0+$0x150]  }
0x2f6: {  	s1 =	sshrl.u32 s2, $0x1;
	[tilespmem:s18+$0x1590] =	vst v51;
	v57 =	vunpack.i.l.bf16.f32 v19;
	v10 =	vmul.f32 v54, v5  }
0x2f7: {  	v59 =	vld [tilespmem:s1+$0x140];
	[tilespmem:s17+$0x1550] =	vst v34;
	v58 =	vunpack.i.u.bf16.f32 v19;
	v14 =	vmul.f32 v57, v7  }
0x2f8: {  	v13 =	vmul.f32 v58, v7;
	[tilespmem:s30+$0x1590] =	vst v10;
	v60 =	vunpack.i.l.bf16.f32 v49;
	v10 =	vld.idx.msk [tilespmem:v12+s14+$0x0], $0xffff  }
0x2f9: {  	v32 =	vld [tilespmem:s21+$0x170];
	[tilespmem:s22+$0x1560] =	vst v14;
	v61 =	vunpack.i.u.bf16.f32 v49;
	v62 =	vmul.f32 v60, v9  }
0x2fa: {  	[tilespmem:s22+$0x1570] =	vst v13;
	v12 =	vmul.f32 v61, v9;
	v21 =	vunpack.i.l.bf16.f32 v56  }
0x2fb: {  	[tilespmem:s11+$0x1560] =	vst v62;
	v23 =	vunpack.i.u.bf16.f32 v56;
	v13 =	vmul.f32 v21, v6  }
0x2fc: {  	v25 =	vunpack.i.l.bf16.f32 v59;
	[tilespmem:s11+$0x1570] =	vst v12;
	v24 =	vmul.f32 v23, v6  }
0x2fd: {  	v27 =	vunpack.i.u.bf16.f32 v59;
	v22 =	vld [tilespmem:s10+$0x160];
	v14 =	vmul.f32 v25, v10;
	[tilespmem:s8+$0x1560] =	vst v13  }
0x2fe: {  	v43 =	vld [tilespmem:s4+$0x170];
	v16 =	vunpack.i.l.bf16.f32 v32;
	v28 =	vmul.f32 v27, v10;
	[tilespmem:s8+$0x1570] =	vst v24  }
0x2ff: {  	v29 =	vunpack.i.l.bf16.f32 v63;
	v16 =	vmul.f32 v16, v4;
	v26 =	vld [tilespmem:s3+$0x160];
	[tilespmem:s2+$0x1540] =	vst v14  }
0x300: {  	v52 =	vunpack.i.l.bf16.f32 v39;
	v13 =	vmul.f32 v29, v8;
	v30 =	vld [tilespmem:s0+$0x160];
	[tilespmem:s2+$0x1550] =	vst v28  }
0x301: {  	v46 =	vunpack.i.u.bf16.f32 v32;
	[tilespmem:s24+$0x15A0] =	vst v16;
	v55 =	vmul.f32 v52, v5;
	v37 =	vld [tilespmem:s1+$0x150]  }
0x302: {  	v4 =	vmul.f32 v46, v4;
	v33 =	vunpack.i.l.bf16.f32 v22;
	[tilespmem:s17+$0x1540] =	vst v13  }
0x303: {  	[tilespmem:s30+$0x1580] =	vst v55;
	v35 =	vunpack.i.u.bf16.f32 v22;
	v36 =	vmul.f32 v33, v7;
	v41 =	vld [tilespmem:s28+$0x150]  }
0x304: {  	v54 =	vunpack.i.u.bf16.f32 v43;
	[tilespmem:s24+$0x15B0] =	vst v4;
	v38 =	vmul.f32 v35, v7;
	v40 =	vunpack.i.u.bf16.f32 v26  }
0x305: {  	v55 =	vunpack.i.l.bf16.f32 v43;
	v45 =	vld [tilespmem:s23+$0x170];
	[tilespmem:s22+$0x1580] =	vst v36;
	v12 =	vmul.f32 v40, v9;
	v42 =	vunpack.i.l.bf16.f32 v30  }
0x306: {  	v17 =	vmul.f32 v55, v3;
	[tilespmem:s22+$0x1590] =	vst v38;
	v13 =	vmul.f32 v42, v6;
	v47 =	vunpack.i.l.bf16.f32 v37  }
0x307: {  	v3 =	vmul.f32 v54, v3;
	s23 =	sor.u32 $0xB, s29;
	[tilespmem:s11+$0x1590] =	vst v12;
	v48 =	vunpack.i.u.bf16.f32 v37;
	v12 =	vmul.f32 v47, v10  }
0x308: {  	v23 =	vmov s23;
	v49 =	vmul.f32 v48, v10;
	v50 =	vunpack.i.l.bf16.f32 v41;
	[tilespmem:s8+$0x1580] =	vst v13  }
0x309: {  	v16 =	vshrl.u32 v23, $0x3;
	v52 =	vunpack.i.u.bf16.f32 v41;
	v13 =	vmul.f32 v50, v8;
	[tilespmem:s2+$0x1560] =	vst v12  }
0x30a: {  	s24 =	sor.u32 $0xC, s29;
	v56 =	vunpack.i.l.bf16.f32 v45;
	v39 =	vunpack.i.l.bf16.f32 v26;
	v20 =	vld [tilespmem:s10+$0x170];
	[tilespmem:s2+$0x1570] =	vst v49;
	v12 =	vmul.f32 v52, v8  }
0x30b: {  	v25 =	vshll.u32 v16, v1;
	v26 =	vmov s24;
	v14 =	vmul.f32 v39, v9;
	[tilespmem:s17+$0x1560] =	vst v13;
	v57 =	vld [tilespmem:s1+$0x160]  }
0x30c: {  	v27 =	vadd.s32 $0x3, v25;
	v28 =	vshrl.u32 v26, $0x3;
	v44 =	vunpack.i.u.bf16.f32 v30;
	[tilespmem:s17+$0x1570] =	vst v12  }
0x30d: {  	s4 =	sor.u32 $0xD, s29;
	s10 =	sor.u32 $0xE, s29;
	v29 =	vshll.u32 v28, v1;
	[tilespmem:s11+$0x1580] =	vst v14;
	v14 =	vunpack.i.u.bf16.f32 v45;
	v11 =	vmul.f32 v44, v6;
	v60 =	vld [tilespmem:s28+$0x160]  }
0x30e: {  	[tilespmem:s18+$0x15A0] =	vst v17;
	v33 =	vmov s10;
	v30 =	vmov s4;
	v51 =	vld [tilespmem:s3+$0x170];
	v2 =	vmul.f32 v14, v5  }
0x30f: {  	v32 =	vshrl.u32 v30, $0x3;
	[tilespmem:s8+$0x1590] =	vst v11;
	v11 =	vmul.f32 v56, v5;
	v59 =	vunpack.i.u.bf16.f32 v20  }
0x310: {  	[tilespmem:s18+$0x15B0] =	vst v3;
	v58 =	vunpack.i.l.bf16.f32 v20;
	v53 =	vld [tilespmem:s0+$0x170];
	v5 =	vmul.f32 v59, v7;
	v13 =	vunpack.i.l.bf16.f32 v57  }
0x311: {  	[tilespmem:s30+$0x15A0] =	vst v11;
	v11 =	vbroadcast v27, $0x0;
	v21 =	vunpack.i.u.bf16.f32 v57;
	v3 =	vmul.f32 v13, v10  }
0x312: {  	[tilespmem:s30+$0x15B0] =	vst v2;
	v12 =	vmul.f32 v58, v7;
	v22 =	vmul.f32 v21, v10;
	v14 =	vunpack.i.l.bf16.f32 v60  }
0x313: {  	v62 =	vunpack.i.l.bf16.f32 v51;
	v24 =	vunpack.i.u.bf16.f32 v60;
	v2 =	vmul.f32 v14, v8;
	[tilespmem:s2+$0x1580] =	vst v3  }
0x314: {  	v61 =	vunpack.i.u.bf16.f32 v51;
	v63 =	vmul.f32 v62, v9;
	v3 =	vmul.f32 v24, v8;
	[tilespmem:s2+$0x1590] =	vst v22  }
0x315: {  	v7 =	vmul.f32 v61, v9;
	v20 =	vunpack.i.u.bf16.f32 v53;
	v31 =	vld [tilespmem:s1+$0x170];
	[tilespmem:s17+$0x1580] =	vst v2;
	v2 =	vadd.s32 $0x4, v29  }
0x316: {  	v15 =	vunpack.i.l.bf16.f32 v53;
	[tilespmem:s17+$0x1590] =	vst v3;
	v3 =	vbroadcast v2, $0x0;
	v2 =	vshll.u32 v32, v1  }
0x317: {  	s16 =	sshll.u32 s23, $0x7;
	[tilespmem:s22+$0x15B0] =	vst v5;
	v34 =	vmul.f32 v15, v6;
	v13 =	vshrl.u32 v33, $0x3;
	v35 =	vld [tilespmem:s28+$0x170];
	s28 =	sor.u32 $0xF, s29;
	v2 =	vadd.s32 $0x5, v2  }
0x318: {  	s30 =	sshrl.u32 s16, $0x1;
	[tilespmem:s22+$0x15A0] =	vst v12;
	v37 =	vmov s28;
	v36 =	vbroadcast v2, $0x0;
	v2 =	vshll.u32 v13, v1  }
0x319: {  	s3 =	sshll.u32 s24, $0x7;
	v39 =	vld [tilespmem:s30+$0x140];
	[tilespmem:s11+$0x15A0] =	vst v63;
	v38 =	vmul.f32 v20, v6;
	v13 =	vshrl.u32 v37, $0x3;
	v40 =	vadd.s32 $0x6, v2  }
0x31a: {  	[tilespmem:s11+$0x15B0] =	vst v7;
	s11 =	sshrl.u32 s3, $0x1;
	v41 =	vunpack.i.l.bf16.f32 v31;
	v2 =	vld.idx.msk [tilespmem:v11+s14+$0x0], $0xffff;
	v42 =	vshll.u32 v13, v1;
	v9 =	vbroadcast v40, $0x0  }
0x31b: {  	s18 =	sshll.u32 s4, $0x7;
	v44 =	vld [tilespmem:s11+$0x140];
	[tilespmem:s8+$0x15A0] =	vst v34;
	v43 =	vunpack.i.u.bf16.f32 v31;
	v7 =	vmul.f32 v41, v10;
	v11 =	vadd.s32 $0x7, v42  }
0x31c: {  	s22 =	sshrl.u32 s18, $0x1;
	[tilespmem:s8+$0x15B0] =	vst v38;
	v45 =	vmul.f32 v43, v10;
	v46 =	vunpack.i.l.bf16.f32 v35;
	v11 =	vbroadcast v11, $0x0;
	v3 =	vld.idx.msk [tilespmem:v3+s14+$0x0], $0xffff  }
0x31d: {  	s23 =	sshll.u32 s10, $0x7;
	v48 =	vld [tilespmem:s22+$0x140];
	v47 =	vunpack.i.u.bf16.f32 v35;
	[tilespmem:s2+$0x15A0] =	vst v7;
	v10 =	vmul.f32 v46, v8  }
0x31e: {  	s24 =	sshrl.u32 s23, $0x1;
	v49 =	vunpack.i.l.bf16.f32 v39;
	[tilespmem:s2+$0x15B0] =	vst v45;
	v7 =	vmul.f32 v47, v8;
	v4 =	vld.idx.msk [tilespmem:v36+s14+$0x0], $0xffff  }
0x31f: {  	v52 =	vld [tilespmem:s24+$0x140];
	v50 =	vunpack.i.u.bf16.f32 v39;
	s0 =	sshll.u32 s28, $0x7;
	[tilespmem:s17+$0x15A0] =	vst v10;
	v51 =	vmul.f32 v49, v2  }
0x320: {  	v53 =	vunpack.i.l.bf16.f32 v44;
	s28 =	sshrl.u32 s0, $0x1;
	[tilespmem:s17+$0x15B0] =	vst v7;
	v5 =	vmul.f32 v50, v2;
	v9 =	vld.idx.msk [tilespmem:v9+s14+$0x0], $0xffff  }
0x321: {  	v54 =	vunpack.i.u.bf16.f32 v44;
	v55 =	vld [tilespmem:s28+$0x140];
	[tilespmem:s16+$0x1540] =	vst v51;
	v7 =	vmul.f32 v53, v3  }
0x322: {  	v57 =	vunpack.i.l.bf16.f32 v48;
	[tilespmem:s16+$0x1550] =	vst v5;
	v56 =	vmul.f32 v54, v3;
	v11 =	vld.idx.msk [tilespmem:v11+s14+$0x0], $0xffff  }
0x323: {  	v59 =	vunpack.i.u.bf16.f32 v48;
	v58 =	vld [tilespmem:s30+$0x150];
	[tilespmem:s3+$0x1540] =	vst v7;
	v6 =	vmul.f32 v57, v4  }
0x324: {  	v61 =	vunpack.i.l.bf16.f32 v52;
	[tilespmem:s3+$0x1550] =	vst v56;
	v60 =	vmul.f32 v59, v4  }
0x325: {  	v63 =	vunpack.i.u.bf16.f32 v52;
	v62 =	vld [tilespmem:s11+$0x150];
	[tilespmem:s18+$0x1540] =	vst v6;
	v7 =	vmul.f32 v61, v9  }
0x326: {  	v15 =	vunpack.i.l.bf16.f32 v55;
	[tilespmem:s18+$0x1550] =	vst v60;
	v14 =	vmul.f32 v63, v9  }
0x327: {  	v17 =	vunpack.i.u.bf16.f32 v55;
	v16 =	vld [tilespmem:s22+$0x150];
	v6 =	vmul.f32 v15, v11;
	[tilespmem:s23+$0x1540] =	vst v7  }
0x328: {  	v18 =	vunpack.i.l.bf16.f32 v58;
	v19 =	vmul.f32 v17, v11;
	[tilespmem:s23+$0x1550] =	vst v14  }
0x329: {  	v20 =	vunpack.i.u.bf16.f32 v58;
	v10 =	vmul.f32 v18, v2;
	v21 =	vld [tilespmem:s24+$0x150];
	[tilespmem:s0+$0x1540] =	vst v6  }
0x32a: {  	v22 =	vmul.f32 v20, v2;
	[tilespmem:s0+$0x1550] =	vst v19;
	v23 =	vunpack.i.l.bf16.f32 v62  }
0x32b: {  	[tilespmem:s16+$0x1560] =	vst v10;
	v24 =	vunpack.i.u.bf16.f32 v62;
	v25 =	vld [tilespmem:s28+$0x150];
	v7 =	vmul.f32 v23, v3  }
0x32c: {  	[tilespmem:s16+$0x1570] =	vst v22;
	v5 =	vmul.f32 v24, v3;
	v26 =	vunpack.i.l.bf16.f32 v16  }
0x32d: {  	v27 =	vld [tilespmem:s30+$0x160];
	v28 =	vunpack.i.u.bf16.f32 v16;
	[tilespmem:s3+$0x1560] =	vst v7;
	v6 =	vmul.f32 v26, v4  }
0x32e: {  	[tilespmem:s3+$0x1570] =	vst v5;
	v29 =	vmul.f32 v28, v4;
	v30 =	vunpack.i.l.bf16.f32 v21  }
0x32f: {  	v31 =	vld [tilespmem:s11+$0x160];
	v32 =	vunpack.i.u.bf16.f32 v21;
	[tilespmem:s18+$0x1560] =	vst v6;
	v7 =	vmul.f32 v30, v9  }
0x330: {  	[tilespmem:s18+$0x1570] =	vst v29;
	v33 =	vmul.f32 v32, v9;
	v34 =	vunpack.i.l.bf16.f32 v25  }
0x331: {  	v36 =	vunpack.i.u.bf16.f32 v25;
	v35 =	vld [tilespmem:s22+$0x160];
	v6 =	vmul.f32 v34, v11;
	[tilespmem:s23+$0x1560] =	vst v7  }
0x332: {  	v37 =	vunpack.i.l.bf16.f32 v27;
	v38 =	vmul.f32 v36, v11;
	[tilespmem:s23+$0x1570] =	vst v33  }
0x333: {  	v39 =	vunpack.i.u.bf16.f32 v27;
	v10 =	vmul.f32 v37, v2;
	v40 =	vld [tilespmem:s24+$0x160];
	[tilespmem:s0+$0x1560] =	vst v6  }
0x334: {  	v41 =	vmul.f32 v39, v2;
	[tilespmem:s0+$0x1570] =	vst v38;
	v42 =	vunpack.i.l.bf16.f32 v31  }
0x335: {  	[tilespmem:s16+$0x1580] =	vst v10;
	v43 =	vunpack.i.u.bf16.f32 v31;
	v44 =	vld [tilespmem:s28+$0x160];
	v7 =	vmul.f32 v42, v3  }
0x336: {  	[tilespmem:s16+$0x1590] =	vst v41;
	v5 =	vmul.f32 v43, v3;
	v45 =	vunpack.i.l.bf16.f32 v35  }
0x337: {  	v10 =	vld [tilespmem:s30+$0x170];
	v46 =	vunpack.i.u.bf16.f32 v35;
	[tilespmem:s3+$0x1580] =	vst v7;
	v6 =	vmul.f32 v45, v4  }
0x338: {  	[tilespmem:s3+$0x1590] =	vst v5;
	v47 =	vmul.f32 v46, v4;
	v48 =	vunpack.i.l.bf16.f32 v40  }
0x339: {  	v49 =	vld [tilespmem:s11+$0x170];
	v50 =	vunpack.i.u.bf16.f32 v40;
	[tilespmem:s18+$0x1580] =	vst v6;
	v7 =	vmul.f32 v48, v9  }
0x33a: {  	[tilespmem:s18+$0x1590] =	vst v47;
	v51 =	vmul.f32 v50, v9;
	v52 =	vunpack.i.l.bf16.f32 v44  }
0x33b: {  	v54 =	vunpack.i.u.bf16.f32 v44;
	v53 =	vld [tilespmem:s22+$0x170];
	v6 =	vmul.f32 v52, v11;
	[tilespmem:s23+$0x1580] =	vst v7  }
0x33c: {  	v55 =	vunpack.i.l.bf16.f32 v10;
	v56 =	vmul.f32 v54, v11;
	[tilespmem:s23+$0x1590] =	vst v51  }
0x33d: {  	v58 =	vunpack.i.u.bf16.f32 v10;
	v8 =	vmul.f32 v55, v2;
	v57 =	vld [tilespmem:s24+$0x170];
	[tilespmem:s0+$0x1580] =	vst v6  }
0x33e: {  	v2 =	vmul.f32 v58, v2;
	[tilespmem:s0+$0x1590] =	vst v56;
	v59 =	vunpack.i.l.bf16.f32 v49  }
0x33f: {  	v5 =	vld [tilespmem:s28+$0x170];
	[tilespmem:s16+$0x15A0] =	vst v8;
	v60 =	vunpack.i.u.bf16.f32 v49;
	v6 =	vmul.f32 v59, v3  }
0x340: {  	[tilespmem:s16+$0x15B0] =	vst v2;
	v2 =	vmul.f32 v60, v3;
	v3 =	vunpack.i.l.bf16.f32 v53  }
0x341: {  	v61 =	vunpack.i.u.bf16.f32 v53;
	[tilespmem:s3+$0x15A0] =	vst v6;
	v3 =	vmul.f32 v3, v4  }
0x342: {  	[tilespmem:s3+$0x15B0] =	vst v2;
	v2 =	vmul.f32 v61, v4;
	v62 =	vunpack.i.l.bf16.f32 v57  }
0x343: {  	p1 =	slt.u32 s29, $0x40;
	[tilespmem:s18+$0x15A0] =	vst v3;
	v3 =	vunpack.i.u.bf16.f32 v57;
	v4 =	vmul.f32 v62, v9  }
.Ltmp4:
0x344: {  	[tilespmem:s18+$0x15B0] =	vst v2;
	v2 =	vmul.f32 v3, v9;
	v3 =	vunpack.i.l.bf16.f32 v5;
	(pc) =	sbr.rel @p1 .LBB2_11-.Ltmp4, $4  }
0x345: {  	v63 =	vunpack.i.u.bf16.f32 v5;
	[tilespmem:s23+$0x15A0] =	vst v4;
	v3 =	vmul.f32 v3, v11  }
0x346: {  	[tilespmem:s23+$0x15B0] =	vst v2;
	v2 =	vmul.f32 v63, v11  }
0x347: {  	s30 =	sadd.s32 $0x10, s29;
	[tilespmem:s0+$0x15A0] =	vst v3  }
0x348: {  	s29 =	smov.u32 s30;
	[tilespmem:s0+$0x15B0] =	vst v2  }
0x349: {  	v2 =	vld [tilespmem:$0x50]  }
0x34a: {  	v3 =	vld [tilespmem:$0x60]  }
0x34b: {  	v4 =	vld [tilespmem:$0x70]  }
0x34c: {  	v5 =	vld [tilespmem:$0x80]  }
0x34d: {  	v6 =	vld [tilespmem:$0x90]  }
0x34e: {  	[tilespmem:$0xA0] =	vst v2  }
0x34f: {  	[tilespmem:$0xB0] =	vst v3  }
0x350: {  	[tilespmem:$0xC0] =	vst v4  }
0x351: {  	p1 =	sne.s32 s12, $0x28;
	[tilespmem:$0xD0] =	vst v5  }
0x352: {  	s0 =	rddreg [dreg:$0x3];
	s1 =	simm.s32 $0x1540;
	s2 =	simm.s32 $0xA0;
	[tilespmem:$0xE0] =	vst v6  }
0x353: {  	[spmem:s0] =	stream.indirect.scatter.add.f32 [tilespmem:s1], [sflag:$0x3], $0x80, s2, s13, $0xb8;
	[tilespmem:$0x1F040] =	vst v63  }
0x354: {  	s0 =	simm.s32 @p1 $0x8  }
0x355: {  	_ =	swait.ge @p1 [sflag:s0], $0x50  }
0x356: {  	[sflag:s0] =	ssyncset.done @p1 $0x0  }
0x357: {  	[sflag:s0] =	ssyncadd.s32 @p1 $0xFFFFFFB0  }
0x358: {  	_ =	swait.ge @p1 [sflag:s0], $0x50  }
0x359: {  	[sflag:s0] =	ssyncset.done @p1 $0x0  }
0x35a: {  	[sflag:s0] =	ssyncadd.s32 @p1 $0xFFFFFFB0  }
0x35b: {  	_ =	swait.ge @p1 [sflag:s0], $0x50  }
0x35c: {  	[sflag:s0] =	ssyncset.done @p1 $0x0  }
0x35d: {  	[sflag:s0] =	ssyncadd.s32 @p1 $0xFFFFFFB0;
	s0 =	simm.s32 @p1 $0x9  }
0x35e: {  	_ =	swait.ge @p1 [sflag:s0], $0x2800  }
0x35f: {  	[sflag:s0] =	ssyncset.done @p1 $0x0  }
0x360: {  	s1 =	simm.s32 @p1 $0x7A80;
	[sflag:s0] =	ssyncadd.s32 @p1 $0xFFFFD800  }
0x361: {  	s2 =	simm.s32 @p1 $0x7BC0;
	s0 =	simm.s32 @p1 $0x50;
	s3 =	rddreg [dreg:$0x0]  }
0x362: {  	[tilespmem:s2], [sflag:$0x7] =	stream.indirect.gather @p1 [hbm4b:s3+s0], $0x40, s1, s0, $0xb8;
	[tilespmem:$0x1F040] =	vst v63  }
0x363: {  	s1 =	rddreg [dreg:$0x15]  }
0x364: {  	s1 =	sadd.s32 @p1 s26, s1  }
0x365: {  	s1 =	sshrl.u32 @p1 s1, $0x3  }
0x366: {  	s3 =	simm.s32 @p1 $0x0;
	s2 =	sadd.s32 @p1 s6, s1  }
0x367: {  	[tilespmem:s3], [sflag:$0x2] =	stream.linear.gather @p1 [hbm4b:s2+s3], $0x50, $0x38;
	[tilespmem:$0x1F040] =	vst v63  }
0x368: {  	s2 =	sadd.s32 @p1 s7, s1  }
0x369: {  	[tilespmem:s0], [sflag:$0x2] =	stream.linear.gather @p1 [hbm4b:s2+s3], $0x50, $0x38;
	[tilespmem:$0x1F040] =	vst v63  }
0x36a: {  	s0 =	rddreg [dreg:$0x2]  }
0x36b: {  	s0 =	sadd.s32 @p1 s0, s1;
	s1 =	simm.s32 @p1 $0xF0  }
0x36c: {  	[tilespmem:s1], [sflag:$0x2] =	stream.linear.gather @p1 [hbm4b:s0+s3], $0x50, $0x38;
	[tilespmem:$0x1F040] =	vst v63  }
0x36d: {  	s0 =	simm.s32 @!p1 $0x9  }
0x36e: {  	_ =	swait.ge @!p1 [sflag:s0], $0x2800  }
0x36f: {  	[sflag:s0] =	ssyncset.done @!p1 $0x0  }
0x370: {  	s30 =	simm.s32 $0x4;
	[sflag:s0] =	ssyncadd.s32 @!p1 $0xFFFFD800  }
0x371: {  	_ =	swait.ge [sflag:s30], $0x1400  }
0x372: {  	[sflag:s30] =	ssyncset.done $0x0  }
0x373: {  	s26 =	simm.s32 $0x0;
	[sflag:s30] =	ssyncadd.s32 $0xFFFFEC00  }
.LBB2_13:
0x374: {  	v2 =	vmov s26  }
0x375: {  	v2 =	vshrl.u32 v2, $0x3  }
0x376: {  	s0 =	sor.u32 $0x1, s26;
	v2 =	vshll.u32 v2, v1  }
0x377: {  	v3 =	vmov s0;
	v2 =	vbroadcast v2, $0x0  }
0x378: {  	s4 =	sor.u32 $0x2, s26;
	v3 =	vshrl.u32 v3, $0x3  }
0x379: {  	v4 =	vmov s4;
	v3 =	vshll.u32 v3, v1  }
0x37a: {  	s8 =	sshll.u32 s26, $0x7;
	v4 =	vshrl.u32 v4, $0x3;
	v3 =	vadd.s32 $0x1, v3  }
0x37b: {  	s3 =	sshrl.u32 s8, $0x1;
	v4 =	vshll.u32 v4, v1;
	v3 =	vbroadcast v3, $0x0  }
0x37c: {  	v56 =	vld [tilespmem:s3+$0x3E80];
	v4 =	vadd.s32 $0x2, v4  }
0x37d: {  	v7 =	vld.idx.msk [tilespmem:v2+s19+$0x0], $0xffff;
	v2 =	vbroadcast v4, $0x0  }
0x37e: {  	s2 =	sshll.u32 s0, $0x7  }
0x37f: {  	s1 =	sshrl.u32 s2, $0x1  }
0x380: {  	s16 =	sshll.u32 s4, $0x7;
	v5 =	vld [tilespmem:s1+$0x3E80]  }
0x381: {  	s17 =	sshrl.u32 s16, $0x1;
	v6 =	vld.idx.msk [tilespmem:v3+s19+$0x0], $0xffff  }
0x382: {  	s22 =	sor.u32 $0x3, s26;
	v4 =	vunpack.i.l.bf16.f32 v56;
	v3 =	vld [tilespmem:s17+$0x3E80]  }
0x383: {  	v10 =	vmov s22;
	v8 =	vunpack.i.u.bf16.f32 v56;
	v4 =	vmul.f32 v4, v7;
	v2 =	vld.idx.msk [tilespmem:v2+s19+$0x0], $0xffff  }
0x384: {  	v10 =	vshrl.u32 v10, $0x3;
	v8 =	vmul.f32 v8, v7  }
0x385: {  	v59 =	vshll.u32 v10, v1;
	v9 =	vunpack.i.l.bf16.f32 v5;
	v5 =	vunpack.i.u.bf16.f32 v5;
	[tilespmem:s8+$0x5280] =	vst v4  }
0x386: {  	v9 =	vmul.f32 v9, v6;
	v57 =	vmul.f32 v5, v6;
	[tilespmem:s8+$0x5290] =	vst v8;
	v8 =	vadd.s32 $0x3, v59  }
0x387: {  	v58 =	vunpack.i.u.bf16.f32 v3;
	v3 =	vunpack.i.l.bf16.f32 v3;
	v11 =	vld [tilespmem:s3+$0x3E90];
	v63 =	vbroadcast v8, $0x0  }
0x388: {  	[tilespmem:s2+$0x5280] =	vst v9;
	v3 =	vmul.f32 v3, v2  }
0x389: {  	s10 =	sor.u32 $0x4, s26;
	s24 =	sshll.u32 s22, $0x7;
	[tilespmem:s2+$0x5290] =	vst v57;
	v62 =	vmul.f32 v58, v2  }
0x38a: {  	v60 =	vmov s10;
	s21 =	sshrl.u32 s24, $0x1;
	v17 =	vld [tilespmem:s1+$0x3E90];
	[tilespmem:s16+$0x5280] =	vst v3  }
0x38b: {  	v61 =	vshrl.u32 v60, $0x3;
	v12 =	vld [tilespmem:s21+$0x3E80];
	[tilespmem:s16+$0x5290] =	vst v62  }
0x38c: {  	v16 =	vshll.u32 v61, v1;
	v19 =	vunpack.i.l.bf16.f32 v11;
	v18 =	vld [tilespmem:s17+$0x3E90]  }
0x38d: {  	v3 =	vadd.s32 $0x4, v16;
	v20 =	vunpack.i.u.bf16.f32 v11;
	v21 =	vmul.f32 v19, v7;
	v4 =	vld.idx.msk [tilespmem:v63+s19+$0x0], $0xffff  }
0x38e: {  	v3 =	vbroadcast v3, $0x0;
	v10 =	vmul.f32 v20, v7  }
0x38f: {  	v13 =	vunpack.i.l.bf16.f32 v17;
	[tilespmem:s8+$0x52A0] =	vst v21  }
0x390: {  	s23 =	sor.u32 $0x5, s26;
	s18 =	sshll.u32 s10, $0x7;
	v22 =	vunpack.i.u.bf16.f32 v17;
	v23 =	vmul.f32 v13, v6;
	[tilespmem:s8+$0x52B0] =	vst v10  }
0x391: {  	s29 =	sshll.u32 s23, $0x7;
	s4 =	sshrl.u32 s18, $0x1;
	v30 =	vunpack.i.u.bf16.f32 v12;
	v5 =	vmul.f32 v22, v6;
	v27 =	vld [tilespmem:s3+$0x3EA0]  }
0x392: {  	v31 =	vmov s23;
	s23 =	sshrl.u32 s29, $0x1;
	v24 =	vld [tilespmem:s4+$0x3E80];
	[tilespmem:s2+$0x52A0] =	vst v23;
	v25 =	vunpack.i.l.bf16.f32 v18;
	v33 =	vmul.f32 v30, v4  }
0x393: {  	v51 =	vld [tilespmem:s23+$0x3E80];
	[tilespmem:s2+$0x52B0] =	vst v5;
	v8 =	vunpack.i.u.bf16.f32 v18;
	v26 =	vmul.f32 v25, v2  }
0x394: {  	v29 =	vunpack.i.l.bf16.f32 v12;
	v12 =	vshrl.u32 v31, $0x3;
	v3 =	vld.idx.msk [tilespmem:v3+s19+$0x0], $0xffff;
	v28 =	vmul.f32 v8, v2;
	[tilespmem:s24+$0x5290] =	vst v33  }
0x395: {  	v36 =	vshll.u32 v12, v1;
	v32 =	vld [tilespmem:s1+$0x3EA0];
	v8 =	vmul.f32 v29, v4;
	[tilespmem:s16+$0x52A0] =	vst v26  }
0x396: {  	v39 =	vadd.s32 $0x5, v36;
	[tilespmem:s16+$0x52B0] =	vst v28;
	v40 =	vunpack.i.l.bf16.f32 v27  }
0x397: {  	[tilespmem:s24+$0x5280] =	vst v8;
	v8 =	vbroadcast v39, $0x0;
	v41 =	vunpack.i.u.bf16.f32 v27;
	v37 =	vld [tilespmem:s17+$0x3EA0];
	v42 =	vmul.f32 v40, v7  }
0x398: {  	s28 =	sor.u32 $0x6, s26;
	v34 =	vunpack.i.l.bf16.f32 v24;
	v14 =	vld [tilespmem:s21+$0x3E90];
	v43 =	vmul.f32 v41, v7  }
0x399: {  	v52 =	vmov s28;
	v35 =	vunpack.i.u.bf16.f32 v24;
	v9 =	vmul.f32 v34, v3;
	[tilespmem:s8+$0x52C0] =	vst v42  }
0x39a: {  	s30 =	sor.u32 $0x7, s26;
	v59 =	vunpack.i.l.bf16.f32 v51;
	v46 =	vunpack.i.u.bf16.f32 v32;
	v38 =	vmul.f32 v35, v3;
	[tilespmem:s8+$0x52D0] =	vst v43  }
0x39b: {  	v57 =	vmov s30;
	v44 =	vunpack.i.l.bf16.f32 v32;
	v47 =	vmul.f32 v46, v6;
	v15 =	vld [tilespmem:s3+$0x3EB0];
	[tilespmem:s18+$0x5280] =	vst v9  }
0x39c: {  	v13 =	vunpack.i.u.bf16.f32 v51;
	[tilespmem:s18+$0x5290] =	vst v38;
	v9 =	vmul.f32 v44, v6;
	v12 =	vunpack.i.l.bf16.f32 v37  }
0x39d: {  	[tilespmem:s2+$0x52D0] =	vst v47;
	v48 =	vunpack.i.u.bf16.f32 v37;
	v50 =	vunpack.i.l.bf16.f32 v14;
	v5 =	vld.idx.msk [tilespmem:v8+s19+$0x0], $0xffff;
	v49 =	vmul.f32 v12, v2  }
0x39e: {  	v45 =	vld [tilespmem:s4+$0x3E90];
	v14 =	vunpack.i.u.bf16.f32 v14;
	v8 =	vshrl.u32 v52, $0x3;
	[tilespmem:s2+$0x52C0] =	vst v9;
	v10 =	vmul.f32 v48, v2  }
0x39f: {  	v12 =	vmul.f32 v50, v4;
	v53 =	vmul.f32 v14, v4;
	v8 =	vshll.u32 v8, v1;
	[tilespmem:s16+$0x52C0] =	vst v49  }
0x3a0: {  	v8 =	vadd.s32 $0x6, v8;
	[tilespmem:s16+$0x52D0] =	vst v10;
	v61 =	vunpack.i.l.bf16.f32 v15;
	v15 =	vunpack.i.u.bf16.f32 v15  }
0x3a1: {  	v58 =	vld [tilespmem:s1+$0x3EB0];
	s1 =	sor.u32 $0x8, s26;
	[tilespmem:s24+$0x52A0] =	vst v12;
	v8 =	vbroadcast v8, $0x0;
	v12 =	vshrl.u32 v57, $0x3;
	v21 =	vmul.f32 v15, v7  }
0x3a2: {  	[tilespmem:s24+$0x52B0] =	vst v53;
	v63 =	vmov s1;
	v12 =	vshll.u32 v12, v1;
	v9 =	vmul.f32 v59, v5  }
0x3a3: {  	v11 =	vld [tilespmem:s17+$0x3EB0];
	v20 =	vshrl.u32 v63, $0x3;
	v54 =	vunpack.i.l.bf16.f32 v45;
	v60 =	vmul.f32 v13, v5;
	[tilespmem:s8+$0x52F0] =	vst v21  }
0x3a4: {  	v16 =	vld [tilespmem:s21+$0x3EA0];
	s17 =	sor.u32 $0xA, s26;
	v55 =	vunpack.i.u.bf16.f32 v45;
	v12 =	vadd.s32 $0x7, v12;
	v13 =	vmul.f32 v61, v7;
	[tilespmem:s29+$0x5280] =	vst v9  }
0x3a5: {  	v43 =	vmov s17;
	v56 =	vmul.f32 v54, v3;
	v10 =	vmul.f32 v55, v3;
	[tilespmem:s29+$0x5290] =	vst v60  }
0x3a6: {  	v62 =	vbroadcast v12, $0x0;
	v45 =	vshrl.u32 v43, $0x3;
	v22 =	vunpack.i.l.bf16.f32 v58;
	[tilespmem:s8+$0x52E0] =	vst v13  }
0x3a7: {  	s22 =	sshll.u32 s28, $0x7;
	v24 =	vunpack.i.u.bf16.f32 v58;
	[tilespmem:s18+$0x52B0] =	vst v10;
	v23 =	vld [tilespmem:s23+$0x3E90];
	v10 =	vshll.u32 v20, v1;
	v25 =	vmul.f32 v22, v6  }
0x3a8: {  	s10 =	sshrl.u32 s22, $0x1;
	[tilespmem:s18+$0x52A0] =	vst v56;
	v6 =	vmul.f32 v24, v6;
	v26 =	vbroadcast v10, $0x0;
	v27 =	vunpack.i.l.bf16.f32 v11  }
0x3a9: {  	s11 =	sshll.u32 s30, $0x7;
	v28 =	vld [tilespmem:s10+$0x3E80];
	v47 =	vshll.u32 v45, v1;
	v29 =	vunpack.i.l.bf16.f32 v16;
	[tilespmem:s2+$0x52E0] =	vst v25;
	v10 =	vmul.f32 v27, v2  }
0x3aa: {  	s3 =	sshrl.u32 s11, $0x1;
	v50 =	vadd.s32 $0x2, v47;
	v7 =	vld.idx.msk [tilespmem:v8+s19+$0x0], $0xffff;
	v31 =	vunpack.i.u.bf16.f32 v16;
	[tilespmem:s2+$0x52F0] =	vst v6;
	v13 =	vmul.f32 v29, v4  }
0x3ab: {  	v30 =	vld [tilespmem:s3+$0x3E80];
	s8 =	sshll.u32 s1, $0x7;
	v53 =	vbroadcast v50, $0x0;
	v11 =	vunpack.i.u.bf16.f32 v11;
	v6 =	vmul.f32 v31, v4;
	[tilespmem:s16+$0x52E0] =	vst v10  }
0x3ac: {  	s0 =	sshrl.u32 s8, $0x1;
	v2 =	vmul.f32 v11, v2;
	v9 =	vld.idx.msk [tilespmem:v62+s19+$0x0], $0xffff;
	[tilespmem:s24+$0x52C0] =	vst v13;
	v32 =	vunpack.i.l.bf16.f32 v23  }
0x3ad: {  	v33 =	vld [tilespmem:s0+$0x3E80];
	[tilespmem:s24+$0x52D0] =	vst v6;
	v15 =	vunpack.i.u.bf16.f32 v23;
	v10 =	vmul.f32 v32, v5  }
0x3ae: {  	s17 =	sshll.u32 s17, $0x7;
	v12 =	vunpack.i.l.bf16.f32 v28;
	[tilespmem:s16+$0x52F0] =	vst v2;
	v15 =	vmul.f32 v15, v5;
	v6 =	vld.idx.msk [tilespmem:v26+s19+$0x0], $0xffff  }
0x3af: {  	v18 =	vunpack.i.u.bf16.f32 v28;
	s28 =	sshrl.u32 s17, $0x1;
	v17 =	vld [tilespmem:s4+$0x3EA0];
	s2 =	sor.u32 $0x9, s26;
	v35 =	vmul.f32 v12, v7;
	[tilespmem:s29+$0x52A0] =	vst v10  }
0x3b0: {  	v37 =	vunpack.i.l.bf16.f32 v30;
	v63 =	vld [tilespmem:s28+$0x3E80];
	v38 =	vmov s2;
	v36 =	vmul.f32 v18, v7;
	[tilespmem:s29+$0x52B0] =	vst v15  }
0x3b1: {  	v14 =	vunpack.i.u.bf16.f32 v30;
	v8 =	vld.idx.msk [tilespmem:v53+s19+$0x0], $0xffff;
	[tilespmem:s22+$0x5280] =	vst v35;
	v15 =	vshrl.u32 v38, $0x3;
	v12 =	vmul.f32 v37, v9  }
0x3b2: {  	v42 =	vunpack.i.l.bf16.f32 v33;
	[tilespmem:s22+$0x5290] =	vst v36;
	v39 =	vld [tilespmem:s23+$0x3EA0];
	v40 =	vmul.f32 v14, v9;
	v15 =	vshll.u32 v15, v1  }
0x3b3: {  	v41 =	vunpack.i.u.bf16.f32 v33;
	v19 =	vld [tilespmem:s10+$0x3E90];
	v44 =	vadd.s32 $0x1, v15;
	[tilespmem:s11+$0x5280] =	vst v12;
	v10 =	vmul.f32 v42, v6  }
0x3b4: {  	v34 =	vunpack.i.l.bf16.f32 v17;
	[tilespmem:s11+$0x5290] =	vst v40;
	v12 =	vbroadcast v44, $0x0;
	v46 =	vmul.f32 v41, v6  }
0x3b5: {  	v48 =	vunpack.i.u.bf16.f32 v17;
	v13 =	vmul.f32 v34, v3;
	v49 =	vld [tilespmem:s3+$0x3E90];
	[tilespmem:s8+$0x5280] =	vst v10  }
0x3b6: {  	v31 =	vunpack.i.u.bf16.f32 v63;
	v51 =	vmul.f32 v48, v3;
	[tilespmem:s8+$0x5290] =	vst v46  }
0x3b7: {  	s2 =	sshll.u32 s2, $0x7;
	[tilespmem:s18+$0x52C0] =	vst v13;
	v34 =	vmul.f32 v31, v8;
	v54 =	vunpack.i.u.bf16.f32 v39;
	v56 =	vld [tilespmem:s0+$0x3E90]  }
0x3b8: {  	s1 =	sshrl.u32 s2, $0x1;
	[tilespmem:s18+$0x52D0] =	vst v51;
	v57 =	vunpack.i.l.bf16.f32 v19;
	v10 =	vmul.f32 v54, v5  }
0x3b9: {  	v59 =	vld [tilespmem:s1+$0x3E80];
	v58 =	vunpack.i.u.bf16.f32 v19;
	[tilespmem:s17+$0x5290] =	vst v34;
	v14 =	vmul.f32 v57, v7  }
0x3ba: {  	v13 =	vmul.f32 v58, v7;
	[tilespmem:s29+$0x52D0] =	vst v10;
	v60 =	vunpack.i.l.bf16.f32 v49;
	v10 =	vld.idx.msk [tilespmem:v12+s19+$0x0], $0xffff  }
0x3bb: {  	v32 =	vld [tilespmem:s21+$0x3EB0];
	[tilespmem:s22+$0x52A0] =	vst v14;
	v61 =	vunpack.i.u.bf16.f32 v49;
	v62 =	vmul.f32 v60, v9  }
0x3bc: {  	[tilespmem:s22+$0x52B0] =	vst v13;
	v12 =	vmul.f32 v61, v9;
	v21 =	vunpack.i.l.bf16.f32 v56  }
0x3bd: {  	[tilespmem:s11+$0x52A0] =	vst v62;
	v23 =	vunpack.i.u.bf16.f32 v56;
	v13 =	vmul.f32 v21, v6  }
0x3be: {  	v25 =	vunpack.i.l.bf16.f32 v59;
	[tilespmem:s11+$0x52B0] =	vst v12;
	v24 =	vmul.f32 v23, v6  }
0x3bf: {  	v27 =	vunpack.i.u.bf16.f32 v59;
	v22 =	vld [tilespmem:s10+$0x3EA0];
	v14 =	vmul.f32 v25, v10;
	[tilespmem:s8+$0x52A0] =	vst v13  }
0x3c0: {  	v43 =	vld [tilespmem:s4+$0x3EB0];
	v16 =	vunpack.i.l.bf16.f32 v32;
	v28 =	vmul.f32 v27, v10;
	[tilespmem:s8+$0x52B0] =	vst v24  }
0x3c1: {  	v29 =	vunpack.i.l.bf16.f32 v63;
	v16 =	vmul.f32 v16, v4;
	v26 =	vld [tilespmem:s3+$0x3EA0];
	[tilespmem:s2+$0x5280] =	vst v14  }
0x3c2: {  	v52 =	vunpack.i.l.bf16.f32 v39;
	v13 =	vmul.f32 v29, v8;
	v30 =	vld [tilespmem:s0+$0x3EA0];
	[tilespmem:s2+$0x5290] =	vst v28  }
0x3c3: {  	v46 =	vunpack.i.u.bf16.f32 v32;
	[tilespmem:s24+$0x52E0] =	vst v16;
	v55 =	vmul.f32 v52, v5;
	v37 =	vld [tilespmem:s1+$0x3E90]  }
0x3c4: {  	v4 =	vmul.f32 v46, v4;
	v33 =	vunpack.i.l.bf16.f32 v22;
	[tilespmem:s17+$0x5280] =	vst v13  }
0x3c5: {  	[tilespmem:s29+$0x52C0] =	vst v55;
	v35 =	vunpack.i.u.bf16.f32 v22;
	v36 =	vmul.f32 v33, v7;
	v41 =	vld [tilespmem:s28+$0x3E90]  }
0x3c6: {  	v54 =	vunpack.i.u.bf16.f32 v43;
	[tilespmem:s24+$0x52F0] =	vst v4;
	v38 =	vmul.f32 v35, v7;
	v40 =	vunpack.i.u.bf16.f32 v26  }
0x3c7: {  	v55 =	vunpack.i.l.bf16.f32 v43;
	v45 =	vld [tilespmem:s23+$0x3EB0];
	[tilespmem:s22+$0x52C0] =	vst v36;
	v12 =	vmul.f32 v40, v9;
	v42 =	vunpack.i.l.bf16.f32 v30  }
0x3c8: {  	v17 =	vmul.f32 v55, v3;
	[tilespmem:s22+$0x52D0] =	vst v38;
	v13 =	vmul.f32 v42, v6;
	v47 =	vunpack.i.l.bf16.f32 v37  }
0x3c9: {  	v3 =	vmul.f32 v54, v3;
	s23 =	sor.u32 $0xB, s26;
	[tilespmem:s11+$0x52D0] =	vst v12;
	v48 =	vunpack.i.u.bf16.f32 v37;
	v12 =	vmul.f32 v47, v10  }
0x3ca: {  	v23 =	vmov s23;
	v49 =	vmul.f32 v48, v10;
	v50 =	vunpack.i.l.bf16.f32 v41;
	[tilespmem:s8+$0x52C0] =	vst v13  }
0x3cb: {  	v16 =	vshrl.u32 v23, $0x3;
	v52 =	vunpack.i.u.bf16.f32 v41;
	v13 =	vmul.f32 v50, v8;
	[tilespmem:s2+$0x52A0] =	vst v12  }
0x3cc: {  	s24 =	sor.u32 $0xC, s26;
	v56 =	vunpack.i.l.bf16.f32 v45;
	v39 =	vunpack.i.l.bf16.f32 v26;
	v20 =	vld [tilespmem:s10+$0x3EB0];
	[tilespmem:s2+$0x52B0] =	vst v49;
	v12 =	vmul.f32 v52, v8  }
0x3cd: {  	v25 =	vshll.u32 v16, v1;
	v26 =	vmov s24;
	v14 =	vmul.f32 v39, v9;
	[tilespmem:s17+$0x52A0] =	vst v13;
	v57 =	vld [tilespmem:s1+$0x3EA0]  }
0x3ce: {  	v27 =	vadd.s32 $0x3, v25;
	v28 =	vshrl.u32 v26, $0x3;
	v44 =	vunpack.i.u.bf16.f32 v30;
	[tilespmem:s17+$0x52B0] =	vst v12  }
0x3cf: {  	s4 =	sor.u32 $0xD, s26;
	s10 =	sor.u32 $0xE, s26;
	v29 =	vshll.u32 v28, v1;
	[tilespmem:s11+$0x52C0] =	vst v14;
	v14 =	vunpack.i.u.bf16.f32 v45;
	v11 =	vmul.f32 v44, v6;
	v60 =	vld [tilespmem:s28+$0x3EA0]  }
0x3d0: {  	[tilespmem:s18+$0x52E0] =	vst v17;
	v33 =	vmov s10;
	v30 =	vmov s4;
	v51 =	vld [tilespmem:s3+$0x3EB0];
	v2 =	vmul.f32 v14, v5  }
0x3d1: {  	v32 =	vshrl.u32 v30, $0x3;
	[tilespmem:s8+$0x52D0] =	vst v11;
	v11 =	vmul.f32 v56, v5;
	v59 =	vunpack.i.u.bf16.f32 v20  }
0x3d2: {  	[tilespmem:s18+$0x52F0] =	vst v3;
	v58 =	vunpack.i.l.bf16.f32 v20;
	v5 =	vmul.f32 v59, v7;
	v13 =	vunpack.i.l.bf16.f32 v57  }
0x3d3: {  	v53 =	vld [tilespmem:s0+$0x3EB0];
	[tilespmem:s29+$0x52E0] =	vst v11;
	v11 =	vbroadcast v27, $0x0;
	v21 =	vunpack.i.u.bf16.f32 v57;
	v3 =	vmul.f32 v13, v10  }
0x3d4: {  	[tilespmem:s29+$0x52F0] =	vst v2;
	v12 =	vmul.f32 v58, v7;
	v22 =	vmul.f32 v21, v10;
	v14 =	vunpack.i.l.bf16.f32 v60  }
0x3d5: {  	s29 =	sor.u32 $0xF, s26;
	v61 =	vunpack.i.u.bf16.f32 v51;
	v24 =	vunpack.i.u.bf16.f32 v60;
	v2 =	vmul.f32 v14, v8;
	[tilespmem:s2+$0x52C0] =	vst v3  }
0x3d6: {  	v62 =	vunpack.i.l.bf16.f32 v51;
	v37 =	vmov s29;
	v3 =	vmul.f32 v24, v8;
	[tilespmem:s2+$0x52D0] =	vst v22  }
0x3d7: {  	v63 =	vmul.f32 v62, v9;
	v7 =	vmul.f32 v61, v9;
	v31 =	vld [tilespmem:s1+$0x3EB0];
	[tilespmem:s17+$0x52C0] =	vst v2;
	v2 =	vadd.s32 $0x4, v29  }
0x3d8: {  	v20 =	vunpack.i.u.bf16.f32 v53;
	[tilespmem:s17+$0x52D0] =	vst v3;
	v3 =	vbroadcast v2, $0x0;
	v2 =	vshll.u32 v32, v1  }
0x3d9: {  	s16 =	sshll.u32 s23, $0x7;
	[tilespmem:s22+$0x52F0] =	vst v5;
	v15 =	vunpack.i.l.bf16.f32 v53;
	v13 =	vshrl.u32 v33, $0x3;
	v35 =	vld [tilespmem:s28+$0x3EB0];
	v2 =	vadd.s32 $0x5, v2  }
0x3da: {  	s30 =	sshrl.u32 s16, $0x1;
	[tilespmem:s22+$0x52E0] =	vst v12;
	v34 =	vmul.f32 v15, v6;
	v36 =	vbroadcast v2, $0x0;
	v2 =	vshll.u32 v13, v1  }
0x3db: {  	v39 =	vld [tilespmem:s30+$0x3E80];
	s3 =	sshll.u32 s24, $0x7;
	[tilespmem:s11+$0x52E0] =	vst v63;
	v38 =	vmul.f32 v20, v6;
	v13 =	vshrl.u32 v37, $0x3;
	v40 =	vadd.s32 $0x6, v2  }
0x3dc: {  	[tilespmem:s11+$0x52F0] =	vst v7;
	s11 =	sshrl.u32 s3, $0x1;
	v41 =	vunpack.i.l.bf16.f32 v31;
	v2 =	vld.idx.msk [tilespmem:v11+s19+$0x0], $0xffff;
	v42 =	vshll.u32 v13, v1;
	v9 =	vbroadcast v40, $0x0  }
0x3dd: {  	s22 =	sshll.u32 s4, $0x7;
	v44 =	vld [tilespmem:s11+$0x3E80];
	[tilespmem:s8+$0x52E0] =	vst v34;
	v43 =	vunpack.i.u.bf16.f32 v31;
	v7 =	vmul.f32 v41, v10;
	v11 =	vadd.s32 $0x7, v42  }
0x3de: {  	s23 =	sshrl.u32 s22, $0x1;
	[tilespmem:s8+$0x52F0] =	vst v38;
	v45 =	vmul.f32 v43, v10;
	v46 =	vunpack.i.l.bf16.f32 v35;
	v11 =	vbroadcast v11, $0x0;
	v3 =	vld.idx.msk [tilespmem:v3+s19+$0x0], $0xffff  }
0x3df: {  	s24 =	sshll.u32 s10, $0x7;
	v48 =	vld [tilespmem:s23+$0x3E80];
	v47 =	vunpack.i.u.bf16.f32 v35;
	[tilespmem:s2+$0x52E0] =	vst v7;
	v10 =	vmul.f32 v46, v8  }
0x3e0: {  	v49 =	vunpack.i.l.bf16.f32 v39;
	s28 =	sshrl.u32 s24, $0x1;
	[tilespmem:s2+$0x52F0] =	vst v45;
	v7 =	vmul.f32 v47, v8;
	v4 =	vld.idx.msk [tilespmem:v36+s19+$0x0], $0xffff  }
0x3e1: {  	v50 =	vunpack.i.u.bf16.f32 v39;
	s0 =	sshll.u32 s29, $0x7;
	v52 =	vld [tilespmem:s28+$0x3E80];
	[tilespmem:s17+$0x52E0] =	vst v10;
	v51 =	vmul.f32 v49, v2  }
0x3e2: {  	s29 =	sshrl.u32 s0, $0x1;
	v53 =	vunpack.i.l.bf16.f32 v44;
	[tilespmem:s17+$0x52F0] =	vst v7;
	v5 =	vmul.f32 v50, v2;
	v9 =	vld.idx.msk [tilespmem:v9+s19+$0x0], $0xffff  }
0x3e3: {  	v55 =	vld [tilespmem:s29+$0x3E80];
	v54 =	vunpack.i.u.bf16.f32 v44;
	[tilespmem:s16+$0x5280] =	vst v51;
	v7 =	vmul.f32 v53, v3  }
0x3e4: {  	v57 =	vunpack.i.l.bf16.f32 v48;
	[tilespmem:s16+$0x5290] =	vst v5;
	v56 =	vmul.f32 v54, v3;
	v11 =	vld.idx.msk [tilespmem:v11+s19+$0x0], $0xffff  }
0x3e5: {  	v59 =	vunpack.i.u.bf16.f32 v48;
	v58 =	vld [tilespmem:s30+$0x3E90];
	[tilespmem:s3+$0x5280] =	vst v7;
	v6 =	vmul.f32 v57, v4  }
0x3e6: {  	v61 =	vunpack.i.l.bf16.f32 v52;
	[tilespmem:s3+$0x5290] =	vst v56;
	v60 =	vmul.f32 v59, v4  }
0x3e7: {  	v63 =	vunpack.i.u.bf16.f32 v52;
	v62 =	vld [tilespmem:s11+$0x3E90];
	[tilespmem:s22+$0x5280] =	vst v6;
	v7 =	vmul.f32 v61, v9  }
0x3e8: {  	v15 =	vunpack.i.l.bf16.f32 v55;
	[tilespmem:s22+$0x5290] =	vst v60;
	v14 =	vmul.f32 v63, v9  }
0x3e9: {  	v17 =	vunpack.i.u.bf16.f32 v55;
	v16 =	vld [tilespmem:s23+$0x3E90];
	v6 =	vmul.f32 v15, v11;
	[tilespmem:s24+$0x5280] =	vst v7  }
0x3ea: {  	v18 =	vunpack.i.l.bf16.f32 v58;
	v19 =	vmul.f32 v17, v11;
	[tilespmem:s24+$0x5290] =	vst v14  }
0x3eb: {  	v20 =	vunpack.i.u.bf16.f32 v58;
	v10 =	vmul.f32 v18, v2;
	v21 =	vld [tilespmem:s28+$0x3E90];
	[tilespmem:s0+$0x5280] =	vst v6  }
0x3ec: {  	v22 =	vmul.f32 v20, v2;
	[tilespmem:s0+$0x5290] =	vst v19;
	v23 =	vunpack.i.l.bf16.f32 v62  }
0x3ed: {  	[tilespmem:s16+$0x52A0] =	vst v10;
	v24 =	vunpack.i.u.bf16.f32 v62;
	v25 =	vld [tilespmem:s29+$0x3E90];
	v7 =	vmul.f32 v23, v3  }
0x3ee: {  	[tilespmem:s16+$0x52B0] =	vst v22;
	v5 =	vmul.f32 v24, v3;
	v26 =	vunpack.i.l.bf16.f32 v16  }
0x3ef: {  	v27 =	vld [tilespmem:s30+$0x3EA0];
	v28 =	vunpack.i.u.bf16.f32 v16;
	[tilespmem:s3+$0x52A0] =	vst v7;
	v6 =	vmul.f32 v26, v4  }
0x3f0: {  	[tilespmem:s3+$0x52B0] =	vst v5;
	v29 =	vmul.f32 v28, v4;
	v30 =	vunpack.i.l.bf16.f32 v21  }
0x3f1: {  	v31 =	vld [tilespmem:s11+$0x3EA0];
	v32 =	vunpack.i.u.bf16.f32 v21;
	[tilespmem:s22+$0x52A0] =	vst v6;
	v7 =	vmul.f32 v30, v9  }
0x3f2: {  	[tilespmem:s22+$0x52B0] =	vst v29;
	v33 =	vmul.f32 v32, v9;
	v34 =	vunpack.i.l.bf16.f32 v25  }
0x3f3: {  	v36 =	vunpack.i.u.bf16.f32 v25;
	v35 =	vld [tilespmem:s23+$0x3EA0];
	v6 =	vmul.f32 v34, v11;
	[tilespmem:s24+$0x52A0] =	vst v7  }
0x3f4: {  	v37 =	vunpack.i.l.bf16.f32 v27;
	v38 =	vmul.f32 v36, v11;
	[tilespmem:s24+$0x52B0] =	vst v33  }
0x3f5: {  	v39 =	vunpack.i.u.bf16.f32 v27;
	v10 =	vmul.f32 v37, v2;
	v40 =	vld [tilespmem:s28+$0x3EA0];
	[tilespmem:s0+$0x52A0] =	vst v6  }
0x3f6: {  	v41 =	vmul.f32 v39, v2;
	[tilespmem:s0+$0x52B0] =	vst v38;
	v42 =	vunpack.i.l.bf16.f32 v31  }
0x3f7: {  	[tilespmem:s16+$0x52C0] =	vst v10;
	v43 =	vunpack.i.u.bf16.f32 v31;
	v44 =	vld [tilespmem:s29+$0x3EA0];
	v7 =	vmul.f32 v42, v3  }
0x3f8: {  	[tilespmem:s16+$0x52D0] =	vst v41;
	v5 =	vmul.f32 v43, v3;
	v45 =	vunpack.i.l.bf16.f32 v35  }
0x3f9: {  	v10 =	vld [tilespmem:s30+$0x3EB0];
	v46 =	vunpack.i.u.bf16.f32 v35;
	[tilespmem:s3+$0x52C0] =	vst v7;
	v6 =	vmul.f32 v45, v4  }
0x3fa: {  	[tilespmem:s3+$0x52D0] =	vst v5;
	v47 =	vmul.f32 v46, v4;
	v48 =	vunpack.i.l.bf16.f32 v40  }
0x3fb: {  	v49 =	vld [tilespmem:s11+$0x3EB0];
	v50 =	vunpack.i.u.bf16.f32 v40;
	[tilespmem:s22+$0x52C0] =	vst v6;
	v7 =	vmul.f32 v48, v9  }
0x3fc: {  	[tilespmem:s22+$0x52D0] =	vst v47;
	v51 =	vmul.f32 v50, v9;
	v52 =	vunpack.i.l.bf16.f32 v44  }
0x3fd: {  	v54 =	vunpack.i.u.bf16.f32 v44;
	v53 =	vld [tilespmem:s23+$0x3EB0];
	v6 =	vmul.f32 v52, v11;
	[tilespmem:s24+$0x52C0] =	vst v7  }
0x3fe: {  	v55 =	vunpack.i.l.bf16.f32 v10;
	v56 =	vmul.f32 v54, v11;
	[tilespmem:s24+$0x52D0] =	vst v51  }
0x3ff: {  	v58 =	vunpack.i.u.bf16.f32 v10;
	v8 =	vmul.f32 v55, v2;
	v57 =	vld [tilespmem:s28+$0x3EB0];
	[tilespmem:s0+$0x52C0] =	vst v6  }
0x400: {  	v2 =	vmul.f32 v58, v2;
	[tilespmem:s0+$0x52D0] =	vst v56;
	v59 =	vunpack.i.l.bf16.f32 v49  }
0x401: {  	v5 =	vld [tilespmem:s29+$0x3EB0];
	[tilespmem:s16+$0x52E0] =	vst v8;
	v60 =	vunpack.i.u.bf16.f32 v49;
	v6 =	vmul.f32 v59, v3  }
0x402: {  	[tilespmem:s16+$0x52F0] =	vst v2;
	v2 =	vmul.f32 v60, v3;
	v3 =	vunpack.i.l.bf16.f32 v53  }
0x403: {  	v61 =	vunpack.i.u.bf16.f32 v53;
	[tilespmem:s3+$0x52E0] =	vst v6;
	v3 =	vmul.f32 v3, v4  }
0x404: {  	[tilespmem:s3+$0x52F0] =	vst v2;
	v2 =	vmul.f32 v61, v4;
	v62 =	vunpack.i.l.bf16.f32 v57  }
0x405: {  	p1 =	slt.u32 s26, $0x40;
	[tilespmem:s22+$0x52E0] =	vst v3;
	v3 =	vunpack.i.u.bf16.f32 v57;
	v4 =	vmul.f32 v62, v9  }
.Ltmp5:
0x406: {  	[tilespmem:s22+$0x52F0] =	vst v2;
	v2 =	vmul.f32 v3, v9;
	v3 =	vunpack.i.l.bf16.f32 v5;
	(pc) =	sbr.rel @p1 .LBB2_13-.Ltmp5, $4  }
0x407: {  	v63 =	vunpack.i.u.bf16.f32 v5;
	[tilespmem:s24+$0x52E0] =	vst v4;
	v3 =	vmul.f32 v3, v11  }
0x408: {  	[tilespmem:s24+$0x52F0] =	vst v2;
	v2 =	vmul.f32 v63, v11  }
0x409: {  	s30 =	sadd.s32 $0x10, s26;
	[tilespmem:s0+$0x52E0] =	vst v3  }
0x40a: {  	s26 =	smov.u32 s30;
	[tilespmem:s0+$0x52F0] =	vst v2  }
0x40b: {  	v2 =	vld [tilespmem:$0x3D90]  }
0x40c: {  	v3 =	vld [tilespmem:$0x3DA0]  }
0x40d: {  	v4 =	vld [tilespmem:$0x3DB0]  }
0x40e: {  	v5 =	vld [tilespmem:$0x3DC0]  }
0x40f: {  	v6 =	vld [tilespmem:$0x3DD0];
	s12 =	sadd.s32 $0x1, s12  }
0x410: {  	p1 =	sne.s32 s12, $0x29;
	[tilespmem:$0x3DE0] =	vst v2  }
.Ltmp6:
0x411: {  	[tilespmem:$0x3DF0] =	vst v3;
	(pc) =	sbr.rel @p1 .LBB2_8-.Ltmp6, $4  }
0x412: {  	[tilespmem:$0x3E00] =	vst v4  }
0x413: {  	[tilespmem:$0x3E10] =	vst v5  }
0x414: {  	s0 =	rddreg [dreg:$0x3];
	s1 =	simm.s32 $0x3DE0;
	s2 =	simm.s32 $0x5280;
	[tilespmem:$0x3E20] =	vst v6  }
0x415: {  	[spmem:s0] =	stream.indirect.scatter.add.f32 [tilespmem:s2], [sflag:$0x6], $0x80, s1, s13, $0xb8;
	[tilespmem:$0x1F040] =	vst v63  }
0x416: {  	_ =	swait.ge [sflag:s9], $0x2800  }
0x417: {  	[sflag:s9] =	ssyncset.done $0x0  }
0x418: {  	[sflag:s9] =	ssyncadd.s32 $0xFFFFD800  }
0x419: {  	_ =	swait.ge [sflag:s31], $0x2800  }
0x41a: {  	[sflag:s31] =	ssyncset.done $0x0  }
0x41b: {  	[sflag:s31] =	ssyncadd.s32 $0xFFFFD800  }
0x41c: {  	s0 =	stileid.u32;
	[bflag:$0x0] =	sbarrier.arrive $0xFFFF  }
0x41d: {  	s0 =	sshll.u32 s0, $0x6;
	s1 =	rddreg [dreg:$0x11]  }
0x41e: {  	s4 =	simm.s32 $0xA;
	s0 =	sor.u32 $0x1C0A, s0;
	s2 =	rddreg [dreg:$0x19]  }
0x41f: {  	[hbm:s1], [sflag:s0] =	dma.local [spmem:s2], $0x2700  }
0x420: {  	_ =	swait.ge [sflag:s4], $0x2700  }
0x421: {  	[sflag:s4] =	ssyncset.done $0x0;
	s3 =	rddreg [dreg:$0x1a]  }
0x422: {  	s2 =	rddreg [dreg:$0x16];
	[sflag:s4] =	ssyncadd.s32 $0xFFFFD900;
	s1 =	sshrl.u32 @!p0 s3, $0x3  }
0x423: {  	[hbm:s2], [sflag:s0] =	dma.local @!p0 [spmem:s1], $0x100  }
0x424: {  	s0 =	simm.s32 @!p0 $0xA  }
0x425: {  	_ =	swait.ge @!p0 [sflag:s0], $0x100  }
0x426: {  	s12 =	rddreg [dreg:$0x5]  }
0x427: {  	s30 =	rddreg [dreg:$0x17];
	s12 =	sadd.s32 $0x1, s12  }
0x428: {  	p1 =	sne.s32 s12, s30  }
.Ltmp7:
0x429: {  	_ = 	snop;
	(pc) =	sbr.rel @p1 .LBB2_1-.Ltmp7, $3  }
0x42a: {  	_ =	sdelay $0x1  }
0x42b: {  	[sflag:s0] =	ssyncset.done @!p0 $0x0  }
0x42c: {  	s28 =	simm.s32 $0x7A80;
	[sflag:s0] =	ssyncadd.s32 @!p0 $0xFFFFFF00  }
0x42d: {  	_ =	sfence.sel $0x180000  }
0x42e: {  	[bflag:$0x0] =	sbarrier.arrive $0xFFFF  }
0x42f: {  	_ =	strace $0x9000004A  }
0x430: {  	[bflag:$0x2] =	sbarrier.arrive $0xFFFF  }
0x431: {  	s0 =	rddreg [dreg:$0x4]  }
0x432: {  	s0 =	sadd.s32 @!p0 $0x100000, s0  }
0x433: {  	[sflag:s0] =	ssyncadd.tile.s32 @!p0 $0x1;
	_ =	shalt  }
.Lfunc_end2:
_tile_overlayer_lowered:
.L_overlay_start_2:
0x434: {  	(tag) =	ssettag $0x2  }
0x435: {  	s0 =	rddreg [dreg:$0x0];
	s2 =	stileid.u32  }
0x436: {  	s1 =	rddreg [dreg:$0x1];
	p0 =	sne.s32 s2, $0x0  }
0x437: {  	s3 =	rddreg [dreg:$0x2];
	[bflag:$0x3] =	sbarrier.arrive $0xFFFF;
	s2 =	simm.s32 @!p0 $0x1C0A  }
0x438: {  	[timem:s3], [sflag:s2] =	dma.local @!p0 [hbm:s0], s1  }
0x439: {  	s0 =	simm.s32 @!p0 $0xA  }
0x43a: {  	_ =	swait.ge @!p0 [sflag:s0], s1  }
0x43b: {  	s1 =	ssub.s32 @!p0 $0x0, s1;
	[sflag:s0] =	ssyncset.done @!p0 $0x0  }
0x43c: {  	[sflag:s0] =	ssyncadd.s32 @!p0 s1  }
0x43d: {  	[bflag:$0x3] =	sbarrier.arrive $0xFFFF  }
0x43e: {  	_ =	shalt  }

</sc_bundles>
